<compile_context>
chip_gen: v7x
topology: tpu7x:2x2x1
jax: 0.10.2.dev20260603
libtpu: 0.0.44.dev20260713+nightly
codegen_flags: <defaults>
</compile_context>

<pallas_src>
import functools

import jax
import jax.numpy as jnp
from jax import lax
from jax.experimental import pallas as pl
from jax.experimental.pallas import tpu as pltpu
from jax.experimental.pallas import tpu_sc as plsc

MAX_LEN = 200
EMBED = 64
NC, NS = 2, 16
NW = NC * NS
CHUNK = 128
LANES = 16


@functools.lru_cache(maxsize=None)
def _make_kernel(n_rows: int):
    rows_per_w = n_rows // NW
    n_chunks = rows_per_w // CHUNK
    assert rows_per_w % CHUNK == 0 and n_chunks % 2 == 0
    mesh = plsc.VectorSubcoreMesh(core_axis_name="c", subcore_axis_name="s")

    buf2 = lambda *shape: pltpu.VMEM(shape, jnp.int32)

    @functools.partial(
        pl.kernel,
        mesh=mesh,
        compiler_params=pltpu.CompilerParams(use_tc_tiling_on_sc=False),
        out_type=jax.ShapeDtypeStruct((n_rows, EMBED), jnp.float32),
        scratch_types=[
            [buf2(CHUNK), buf2(CHUNK)],
            [buf2(CHUNK), buf2(CHUNK)],
            pltpu.VMEM((CHUNK,), jnp.int32),
            pltpu.VMEM((CHUNK,), jnp.int32),
            [pltpu.VMEM((CHUNK, EMBED), jnp.float32),
             pltpu.VMEM((CHUNK, EMBED), jnp.float32)],
            pltpu.VMEM_SHARED((4 * MAX_LEN, EMBED), jnp.float32),
            [pltpu.SemaphoreType.DMA, pltpu.SemaphoreType.DMA],
            [pltpu.SemaphoreType.DMA, pltpu.SemaphoreType.DMA],
        ],
    )
    def k(seq_hbm, seg_hbm, tok_hbm, com2_hbm, out_hbm,
          idx_v, segi_v, cidx_v, ident_v, outbuf, com2_sh, gsem, osem):
        cid = lax.axis_index("c")
        sid = lax.axis_index("s")
        wid = sid * NC + cid
        w_base = wid * rows_per_w
        iota = lax.broadcasted_iota(jnp.int32, (LANES,), 0)
        for g in range(CHUNK // LANES):
            ident_v[pl.ds(g * LANES, LANES)] = iota + (g * LANES)

        @pl.when(sid == 0)
        def _():
            pltpu.sync_copy(com2_hbm, com2_sh)
        plsc.subcore_barrier()

        def prefetch(c, p):
            base = w_base + c * CHUNK
            pltpu.sync_copy(seq_hbm.at[pl.ds(base, CHUNK)], idx_v[p])
            pltpu.sync_copy(seg_hbm.at[pl.ds(base, CHUNK)], segi_v[p])

        def issue_gather(p):
            return pltpu.async_copy(tok_hbm.at[idx_v[p]], outbuf[p], gsem[p])

        def halfstep(c, p, q):
            base = w_base + c * CHUNK
            l0 = lax.rem(base, MAX_LEN)

            @pl.when(c > 0)
            def _():
                pltpu.make_async_copy(outbuf[q], out_hbm.at[pl.ds(0, CHUNK)],
                                      osem[q]).wait()

            @pl.when(c + 1 < n_chunks)
            def _():
                issue_gather(q)

            pltpu.make_async_copy(tok_hbm.at[idx_v[p]], outbuf[p],
                                  gsem[p]).wait()
            for g in range(CHUNK // LANES):
                sl = pl.ds(g * LANES, LANES)
                cidx_v[sl] = segi_v[p][sl] * (2 * MAX_LEN) + ident_v[sl] + l0
            pltpu.sync_copy(com2_sh.at[cidx_v], outbuf[p], add=True)
            pltpu.async_copy(outbuf[p], out_hbm.at[pl.ds(base, CHUNK)],
                             osem[p])

            @pl.when(c + 2 < n_chunks)
            def _():
                prefetch(c + 2, p)

        prefetch(0, 0)
        prefetch(1, 1)
        issue_gather(0)

        def body(t, carry):
            halfstep(2 * t, 0, 1)
            halfstep(2 * t + 1, 1, 0)
            return carry

        lax.fori_loop(0, n_chunks // 2, body, 0)
        pltpu.make_async_copy(outbuf[1], out_hbm.at[pl.ds(0, CHUNK)],
                              osem[1]).wait()

    return k


N_SLICES = 4


def kernel(seq, seg, token_emb, seg_emb, pos_emb):
    b, l = seq.shape
    seq_flat = seq.reshape(-1).astype(jnp.int32)
    seg_flat = seg.reshape(-1).astype(jnp.int32)
    pos2 = jnp.tile(pos_emb, (2, 1))
    com2 = jnp.concatenate([pos2 + seg_emb[0], pos2 + seg_emb[1]], axis=0)
    bs = b // N_SLICES
    rows = bs * l
    k = _make_kernel(rows)
    outs = [
        k(lax.dynamic_slice_in_dim(seq_flat, i * rows, rows),
          lax.dynamic_slice_in_dim(seg_flat, i * rows, rows),
          token_emb, com2).reshape(bs, l, EMBED)
        for i in range(N_SLICES)
    ]
    return jnp.concatenate(outs, axis=0)

# --- scband reference (transcript-rebuilt; emitter-appended) ---
"""Pipeline reference for scband-bertembedding-59012850647063 (READ-ONLY COPY).

The authoritative reference and input builder live on the scoring server;
editing this copy changes nothing except your own understanding.
"""

import jax, jax.numpy as jnp
import numpy as np

VOCAB = 100000
N_SEG = 2
MAX_LEN = 200
EMBED = 64
BATCH = 4096

def setup_inputs(seed: int = 0) -> dict:
    key = jax.random.key(seed)
    k1, k2, k3, k4, k5 = jax.random.split(key, 5)
    seq = jax.random.randint(k1, (BATCH, MAX_LEN), 0, VOCAB, dtype=jnp.int64) if jax.config.jax_enable_x64 else jax.random.randint(k1, (BATCH, MAX_LEN), 0, VOCAB, dtype=jnp.int32)
    seg = jax.random.randint(k2, (BATCH, MAX_LEN), 0, N_SEG, dtype=seq.dtype)
    token_emb = jax.random.normal(k3, (VOCAB, EMBED), dtype=jnp.float32) * 0.02
    seg_emb = jax.random.normal(k4, (N_SEG, EMBED), dtype=jnp.float32) * 0.02
    pos_emb = jax.random.normal(k5, (MAX_LEN, EMBED), dtype=jnp.float32) * 0.02
    return {"seq": seq, "seg": seg, "token_emb": token_emb, "seg_emb": seg_emb, "pos_emb": pos_emb}

def reference(seq, seg, token_emb, seg_emb, pos_emb):
    # token embedding lookup: [B, L, D]
    tok = jnp.take(token_emb, seq, axis=0)
    # segment embedding lookup: [B, L, D]
    sg = jnp.take(seg_emb, seg, axis=0)
    # position embedding over full max_len (module uses self.pos_inp = arange(max_len))
    pos_ids = jnp.arange(MAX_LEN)
    pos = jnp.take(pos_emb, pos_ids, axis=0)  # [L, D], broadcasts over batch
    embeddings = tok + sg + pos
    # dropout is identity in eval / deterministic reference
    return embeddings

if __name__ == "__main__":
    import jax
    _d = setup_inputs()
    print(jax.jit(kernel)(*tuple(_d.values())))

</pallas_src>

<mosaic_0001>
#map = affine_map<(d0, d1) -> (0)>
#map1 = affine_map<(d0, d1) -> (0, 0)>
module attributes {stable_mosaic.version = 14 : i64} {
  func.func @k(%arg0: i32, %arg1: i32, %arg2: memref<204800xi32, #tpu.memory_space<hbm>>, %arg3: memref<204800xi32, #tpu.memory_space<hbm>>, %arg4: memref<100000x64xf32, #tpu.memory_space<hbm>>, %arg5: memref<800x64xf32, #tpu.memory_space<hbm>>, %arg6: memref<204800x64xf32, #tpu.memory_space<hbm>>, %arg7: memref<128xi32, #tpu.memory_space<vmem>>, %arg8: memref<128xi32, #tpu.memory_space<vmem>>, %arg9: memref<128xi32, #tpu.memory_space<vmem>>, %arg10: memref<128xi32, #tpu.memory_space<vmem>>, %arg11: memref<128xi32, #tpu.memory_space<vmem>>, %arg12: memref<128xi32, #tpu.memory_space<vmem>>, %arg13: memref<128x64xf32, #tpu.memory_space<vmem>>, %arg14: memref<128x64xf32, #tpu.memory_space<vmem>>, %arg15: memref<800x64xf32, #tpu.memory_space<vmem_shared>>, %arg16: memref<!tpu.dma_semaphore, #tpu.memory_space<semaphore_mem>>, %arg17: memref<!tpu.dma_semaphore, #tpu.memory_space<semaphore_mem>>, %arg18: memref<!tpu.dma_semaphore, #tpu.memory_space<semaphore_mem>>, %arg19: memref<!tpu.dma_semaphore, #tpu.memory_space<semaphore_mem>>) attributes {dimension_semantics = [#tpu.dimension_semantics<core_parallel>, #tpu.dimension_semantics<subcore_parallel>], iteration_bounds = array<i64: 2, 16>, scalar_prefetch = 0 : i64, scratch_operands = 13 : i64, tpu.core_type = #tpu.core_type<sc_vector_subcore>, window_params = [{transform_indices = #map}, {transform_indices = #map}, {transform_indices = #map1}, {transform_indices = #map1}, {transform_indices = #map1}]} {
    %mul3A = arith.constant 2 : i32
    %mul3A_0 = arith.muli %arg1, %mul3A : i32
    %add3A = arith.addi %mul3A_0, %arg0 : i32
    %mul3A_1 = arith.constant 6400 : i32
    %mul3A_2 = arith.muli %add3A, %mul3A_1 : i32
    %iota3A = tpu.iota {dimensions = array<i32: 0>} : vector<16xi32>
    %add3A_3 = arith.constant 0 : i32
    %add3A_4 = vector.broadcast %add3A_3 : i32 to vector<16xi32>
    %add3A_5 = arith.addi %iota3A, %add3A_4 : vector<16xi32>
    %swap3A = arith.constant 0 : index
    %swap3A_6 = tpu.vector_load %arg12[%swap3A] {strides = array<i32>} : memref<128xi32, #tpu.memory_space<vmem>>, vector<16xi32>,
    %swap3A_7 = vector.shape_cast %swap3A_6 : vector<16xi32> to vector<16xi32>
    %swap3A_8 = vector.shape_cast %add3A_5 : vector<16xi32> to vector<16xi32>
    tpu.vector_store %arg12[%swap3A], %swap3A_8 {strides = array<i32>} : memref<128xi32, #tpu.memory_space<vmem>>, vector<16xi32>,
    %add3A_9 = arith.constant 16 : i32
    %add3A_10 = vector.broadcast %add3A_9 : i32 to vector<16xi32>
    %add3A_11 = arith.addi %iota3A, %add3A_10 : vector<16xi32>
    %swap3A_12 = arith.constant 16 : index
    %swap3A_13 = tpu.vector_load %arg12[%swap3A_12] {strides = array<i32>} : memref<128xi32, #tpu.memory_space<vmem>>, vector<16xi32>,
    %swap3A_14 = vector.shape_cast %swap3A_13 : vector<16xi32> to vector<16xi32>
    %swap3A_15 = vector.shape_cast %add3A_11 : vector<16xi32> to vector<16xi32>
    tpu.vector_store %arg12[%swap3A_12], %swap3A_15 {strides = array<i32>} : memref<128xi32, #tpu.memory_space<vmem>>, vector<16xi32>,
    %add3A_16 = arith.constant 32 : i32
    %add3A_17 = vector.broadcast %add3A_16 : i32 to vector<16xi32>
    %add3A_18 = arith.addi %iota3A, %add3A_17 : vector<16xi32>
    %swap3A_19 = arith.constant 32 : index
    %swap3A_20 = tpu.vector_load %arg12[%swap3A_19] {strides = array<i32>} : memref<128xi32, #tpu.memory_space<vmem>>, vector<16xi32>,
    %swap3A_21 = vector.shape_cast %swap3A_20 : vector<16xi32> to vector<16xi32>
    %swap3A_22 = vector.shape_cast %add3A_18 : vector<16xi32> to vector<16xi32>
    tpu.vector_store %arg12[%swap3A_19], %swap3A_22 {strides = array<i32>} : memref<128xi32, #tpu.memory_space<vmem>>, vector<16xi32>,
    %add3A_23 = arith.constant 48 : i32
    %add3A_24 = vector.broadcast %add3A_23 : i32 to vector<16xi32>
    %add3A_25 = arith.addi %iota3A, %add3A_24 : vector<16xi32>
    %swap3A_26 = arith.constant 48 : index
    %swap3A_27 = tpu.vector_load %arg12[%swap3A_26] {strides = array<i32>} : memref<128xi32, #tpu.memory_space<vmem>>, vector<16xi32>,
    %swap3A_28 = vector.shape_cast %swap3A_27 : vector<16xi32> to vector<16xi32>
    %swap3A_29 = vector.shape_cast %add3A_25 : vector<16xi32> to vector<16xi32>
    tpu.vector_store %arg12[%swap3A_26], %swap3A_29 {strides = array<i32>} : memref<128xi32, #tpu.memory_space<vmem>>, vector<16xi32>,
    %add3A_30 = arith.constant 64 : i32
    %add3A_31 = vector.broadcast %add3A_30 : i32 to vector<16xi32>
    %add3A_32 = arith.addi %iota3A, %add3A_31 : vector<16xi32>
    %swap3A_33 = arith.constant 64 : index
    %swap3A_34 = tpu.vector_load %arg12[%swap3A_33] {strides = array<i32>} : memref<128xi32, #tpu.memory_space<vmem>>, vector<16xi32>,
    %swap3A_35 = vector.shape_cast %swap3A_34 : vector<16xi32> to vector<16xi32>
    %swap3A_36 = vector.shape_cast %add3A_32 : vector<16xi32> to vector<16xi32>
    tpu.vector_store %arg12[%swap3A_33], %swap3A_36 {strides = array<i32>} : memref<128xi32, #tpu.memory_space<vmem>>, vector<16xi32>,
    %add3A_37 = arith.constant 80 : i32
    %add3A_38 = vector.broadcast %add3A_37 : i32 to vector<16xi32>
    %add3A_39 = arith.addi %iota3A, %add3A_38 : vector<16xi32>
    %swap3A_40 = arith.constant 80 : index
    %swap3A_41 = tpu.vector_load %arg12[%swap3A_40] {strides = array<i32>} : memref<128xi32, #tpu.memory_space<vmem>>, vector<16xi32>,
    %swap3A_42 = vector.shape_cast %swap3A_41 : vector<16xi32> to vector<16xi32>
    %swap3A_43 = vector.shape_cast %add3A_39 : vector<16xi32> to vector<16xi32>
    tpu.vector_store %arg12[%swap3A_40], %swap3A_43 {strides = array<i32>} : memref<128xi32, #tpu.memory_space<vmem>>, vector<16xi32>,
    %add3A_44 = arith.constant 96 : i32
    %add3A_45 = vector.broadcast %add3A_44 : i32 to vector<16xi32>
    %add3A_46 = arith.addi %iota3A, %add3A_45 : vector<16xi32>
    %swap3A_47 = arith.constant 96 : index
    %swap3A_48 = tpu.vector_load %arg12[%swap3A_47] {strides = array<i32>} : memref<128xi32, #tpu.memory_space<vmem>>, vector<16xi32>,
    %swap3A_49 = vector.shape_cast %swap3A_48 : vector<16xi32> to vector<16xi32>
    %swap3A_50 = vector.shape_cast %add3A_46 : vector<16xi32> to vector<16xi32>
    tpu.vector_store %arg12[%swap3A_47], %swap3A_50 {strides = array<i32>} : memref<128xi32, #tpu.memory_space<vmem>>, vector<16xi32>,
    %add3A_51 = arith.constant 112 : i32
    %add3A_52 = vector.broadcast %add3A_51 : i32 to vector<16xi32>
    %add3A_53 = arith.addi %iota3A, %add3A_52 : vector<16xi32>
    %swap3A_54 = arith.constant 112 : index
    %swap3A_55 = tpu.vector_load %arg12[%swap3A_54] {strides = array<i32>} : memref<128xi32, #tpu.memory_space<vmem>>, vector<16xi32>,
    %swap3A_56 = vector.shape_cast %swap3A_55 : vector<16xi32> to vector<16xi32>
    %swap3A_57 = vector.shape_cast %add3A_53 : vector<16xi32> to vector<16xi32>
    tpu.vector_store %arg12[%swap3A_54], %swap3A_57 {strides = array<i32>} : memref<128xi32, #tpu.memory_space<vmem>>, vector<16xi32>,
    %eq3A = arith.constant 0 : i32
    %eq3A_58 = arith.cmpi eq, %arg1, %eq3A : i32
    %convert_element_type3A = arith.extui %eq3A_58 : i1 to i32
    %cond3A = arith.constant 0 : i32
    %cond3A_59 = arith.cmpi ne, %convert_element_type3A, %cond3A : i32
    scf.if %cond3A_59 {
      "tpu.region"() ({
        %run_scoped3A = tpu.sem_alloc : memref<!tpu.dma_semaphore, #tpu.memory_space<semaphore_mem>>
        tpu.enqueue_dma source(%arg5 : memref<800x64xf32, #tpu.memory_space<hbm>>) target(%arg15 : memref<800x64xf32, #tpu.memory_space<vmem_shared>>) target_semaphore(%run_scoped3A : memref<!tpu.dma_semaphore, #tpu.memory_space<semaphore_mem>>)
        tpu.wait_dma2 semaphore(%run_scoped3A : memref<!tpu.dma_semaphore, #tpu.memory_space<semaphore_mem>>) src(%arg5 : memref<800x64xf32, #tpu.memory_space<hbm>>) dst(%arg15 : memref<800x64xf32, #tpu.memory_space<vmem_shared>>)
        tpu.yield
      }) : () -> ()
    } else {
    }
    %barrier3A = arith.constant 0 : index
    tpu.barrier barrier_id(%barrier3A)
    %add3A_60 = arith.constant 0 : i32
    %add3A_61 = arith.addi %mul3A_2, %add3A_60 : i32
    "tpu.region"() ({
      %run_scoped3A = tpu.sem_alloc : memref<!tpu.dma_semaphore, #tpu.memory_space<semaphore_mem>>
      %dma_start3A_76 = tpu.memref_slice %arg2[%add3A_61] : memref<204800xi32, #tpu.memory_space<hbm>> -> memref<128xi32, #tpu.memory_space<hbm>>
      %dma_start3A_77 = tpu.memref_slice %arg2[%add3A_61] : memref<204800xi32, #tpu.memory_space<hbm>> -> memref<128xi32, #tpu.memory_space<hbm>>
      tpu.enqueue_dma source(%dma_start3A_77 : memref<128xi32, #tpu.memory_space<hbm>>) target(%arg7 : memref<128xi32, #tpu.memory_space<vmem>>) target_semaphore(%run_scoped3A : memref<!tpu.dma_semaphore, #tpu.memory_space<semaphore_mem>>)
      %dma_wait3A_78 = tpu.memref_slice %arg2[%add3A_61] : memref<204800xi32, #tpu.memory_space<hbm>> -> memref<128xi32, #tpu.memory_space<hbm>>
      %dma_wait3A_79 = tpu.memref_slice %arg2[%add3A_61] : memref<204800xi32, #tpu.memory_space<hbm>> -> memref<128xi32, #tpu.memory_space<hbm>>
      tpu.wait_dma2 semaphore(%run_scoped3A : memref<!tpu.dma_semaphore, #tpu.memory_space<semaphore_mem>>) src(%dma_wait3A_79 : memref<128xi32, #tpu.memory_space<hbm>>) dst(%arg7 : memref<128xi32, #tpu.memory_space<vmem>>)
      tpu.yield
    }) : () -> ()
    "tpu.region"() ({
      %run_scoped3A = tpu.sem_alloc : memref<!tpu.dma_semaphore, #tpu.memory_space<semaphore_mem>>
      %dma_start3A_76 = tpu.memref_slice %arg3[%add3A_61] : memref<204800xi32, #tpu.memory_space<hbm>> -> memref<128xi32, #tpu.memory_space<hbm>>
      %dma_start3A_77 = tpu.memref_slice %arg3[%add3A_61] : memref<204800xi32, #tpu.memory_space<hbm>> -> memref<128xi32, #tpu.memory_space<hbm>>
      tpu.enqueue_dma source(%dma_start3A_77 : memref<128xi32, #tpu.memory_space<hbm>>) target(%arg9 : memref<128xi32, #tpu.memory_space<vmem>>) target_semaphore(%run_scoped3A : memref<!tpu.dma_semaphore, #tpu.memory_space<semaphore_mem>>)
      %dma_wait3A_78 = tpu.memref_slice %arg3[%add3A_61] : memref<204800xi32, #tpu.memory_space<hbm>> -> memref<128xi32, #tpu.memory_space<hbm>>
      %dma_wait3A_79 = tpu.memref_slice %arg3[%add3A_61] : memref<204800xi32, #tpu.memory_space<hbm>> -> memref<128xi32, #tpu.memory_space<hbm>>
      tpu.wait_dma2 semaphore(%run_scoped3A : memref<!tpu.dma_semaphore, #tpu.memory_space<semaphore_mem>>) src(%dma_wait3A_79 : memref<128xi32, #tpu.memory_space<hbm>>) dst(%arg9 : memref<128xi32, #tpu.memory_space<vmem>>)
      tpu.yield
    }) : () -> ()
    %add3A_62 = arith.constant 128 : i32
    %add3A_63 = arith.addi %mul3A_2, %add3A_62 : i32
    "tpu.region"() ({
      %run_scoped3A = tpu.sem_alloc : memref<!tpu.dma_semaphore, #tpu.memory_space<semaphore_mem>>
      %dma_start3A_76 = tpu.memref_slice %arg2[%add3A_63] : memref<204800xi32, #tpu.memory_space<hbm>> -> memref<128xi32, #tpu.memory_space<hbm>>
      %dma_start3A_77 = tpu.memref_slice %arg2[%add3A_63] : memref<204800xi32, #tpu.memory_space<hbm>> -> memref<128xi32, #tpu.memory_space<hbm>>
      tpu.enqueue_dma source(%dma_start3A_77 : memref<128xi32, #tpu.memory_space<hbm>>) target(%arg8 : memref<128xi32, #tpu.memory_space<vmem>>) target_semaphore(%run_scoped3A : memref<!tpu.dma_semaphore, #tpu.memory_space<semaphore_mem>>)
      %dma_wait3A_78 = tpu.memref_slice %arg2[%add3A_63] : memref<204800xi32, #tpu.memory_space<hbm>> -> memref<128xi32, #tpu.memory_space<hbm>>
      %dma_wait3A_79 = tpu.memref_slice %arg2[%add3A_63] : memref<204800xi32, #tpu.memory_space<hbm>> -> memref<128xi32, #tpu.memory_space<hbm>>
      tpu.wait_dma2 semaphore(%run_scoped3A : memref<!tpu.dma_semaphore, #tpu.memory_space<semaphore_mem>>) src(%dma_wait3A_79 : memref<128xi32, #tpu.memory_space<hbm>>) dst(%arg8 : memref<128xi32, #tpu.memory_space<vmem>>)
      tpu.yield
    }) : () -> ()
    "tpu.region"() ({
      %run_scoped3A = tpu.sem_alloc : memref<!tpu.dma_semaphore, #tpu.memory_space<semaphore_mem>>
      %dma_start3A_76 = tpu.memref_slice %arg3[%add3A_63] : memref<204800xi32, #tpu.memory_space<hbm>> -> memref<128xi32, #tpu.memory_space<hbm>>
      %dma_start3A_77 = tpu.memref_slice %arg3[%add3A_63] : memref<204800xi32, #tpu.memory_space<hbm>> -> memref<128xi32, #tpu.memory_space<hbm>>
      tpu.enqueue_dma source(%dma_start3A_77 : memref<128xi32, #tpu.memory_space<hbm>>) target(%arg10 : memref<128xi32, #tpu.memory_space<vmem>>) target_semaphore(%run_scoped3A : memref<!tpu.dma_semaphore, #tpu.memory_space<semaphore_mem>>)
      %dma_wait3A_78 = tpu.memref_slice %arg3[%add3A_63] : memref<204800xi32, #tpu.memory_space<hbm>> -> memref<128xi32, #tpu.memory_space<hbm>>
      %dma_wait3A_79 = tpu.memref_slice %arg3[%add3A_63] : memref<204800xi32, #tpu.memory_space<hbm>> -> memref<128xi32, #tpu.memory_space<hbm>>
      tpu.wait_dma2 semaphore(%run_scoped3A : memref<!tpu.dma_semaphore, #tpu.memory_space<semaphore_mem>>) src(%dma_wait3A_79 : memref<128xi32, #tpu.memory_space<hbm>>) dst(%arg10 : memref<128xi32, #tpu.memory_space<vmem>>)
      tpu.yield
    }) : () -> ()
    %dma_start3A = arith.constant 0 : i32
    %dma_start3A_64 = arith.constant 0 : i32
    %dma_start3A_65 = tpu.memref_slice %arg4[%dma_start3A, %dma_start3A_64] : memref<100000x64xf32, #tpu.memory_space<hbm>> -> memref<100000x64xf32, #tpu.memory_space<hbm>>
    tpu.enqueue_indirect_dma source(%dma_start3A_65 : memref<100000x64xf32, #tpu.memory_space<hbm>>) target(%arg13 : memref<128x64xf32, #tpu.memory_space<vmem>>) offsets(%arg7 : memref<128xi32, #tpu.memory_space<vmem>>) semaphore(%arg16 : memref<!tpu.dma_semaphore, #tpu.memory_space<semaphore_mem>>)
    %scan3A = arith.constant 0 : i32
    %scan3A_66 = arith.constant 0 : i32
    %scan3A_67 = arith.constant 25 : i32
    %scan3A_68 = arith.addi %scan3A_66, %scan3A_67 : i32
    %scan3A_69 = arith.constant 1 : i32
    scf.for %scan3A_76 = %scan3A_66 to %scan3A_68 step %scan3A_69  : i32 {
      %mul3A_77 = arith.constant 2 : i32
      %mul3A_78 = arith.muli %mul3A_77, %scan3A_76 : i32
      %mul3A_79 = arith.constant 128 : i32
      %mul3A_80 = arith.muli %mul3A_78, %mul3A_79 : i32
      %add3A_81 = arith.addi %mul3A_2, %mul3A_80 : i32
      %rem3A = arith.constant 200 : i32
      %rem3A_82 = arith.remsi %add3A_81, %rem3A : i32
      %gt3A = arith.constant 0 : i32
      %gt3A_83 = arith.cmpi sgt, %mul3A_78, %gt3A : i32
      %convert_element_type3A_84 = arith.extui %gt3A_83 : i1 to i32
      %cond3A_85 = arith.constant 0 : i32
      %cond3A_86 = arith.cmpi ne, %convert_element_type3A_84, %cond3A_85 : i32
      scf.if %cond3A_86 {
        %dma_wait3A_397 = arith.constant 0 : i32
        %dma_wait3A_398 = arith.constant 0 : i32
        %dma_wait3A_399 = tpu.memref_slice %arg6[%dma_wait3A_397, %dma_wait3A_398] : memref<204800x64xf32, #tpu.memory_space<hbm>> -> memref<128x64xf32, #tpu.memory_space<hbm>>
        %dma_wait3A_400 = arith.constant 0 : i32
        %dma_wait3A_401 = arith.constant 0 : i32
        %dma_wait3A_402 = tpu.memref_slice %arg6[%dma_wait3A_400, %dma_wait3A_401] : memref<204800x64xf32, #tpu.memory_space<hbm>> -> memref<128x64xf32, #tpu.memory_space<hbm>>
        tpu.wait_dma2 semaphore(%arg19 : memref<!tpu.dma_semaphore, #tpu.memory_space<semaphore_mem>>) src(%arg14 : memref<128x64xf32, #tpu.memory_space<vmem>>) dst(%dma_wait3A_402 : memref<128x64xf32, #tpu.memory_space<hbm>>)
      } else {
      }
      %add3A_87 = arith.constant 1 : i32
      %add3A_88 = arith.addi %mul3A_78, %add3A_87 : i32
      %lt3A = arith.constant 50 : i32
      %lt3A_89 = arith.cmpi slt, %add3A_88, %lt3A : i32
      %convert_element_type3A_90 = arith.extui %lt3A_89 : i1 to i32
      %cond3A_91 = arith.constant 0 : i32
      %cond3A_92 = arith.cmpi ne, %convert_element_type3A_90, %cond3A_91 : i32
      scf.if %cond3A_92 {
        %dma_start3A_397 = arith.constant 0 : i32
        %dma_start3A_398 = arith.constant 0 : i32
        %dma_start3A_399 = tpu.memref_slice %arg4[%dma_start3A_397, %dma_start3A_398] : memref<100000x64xf32, #tpu.memory_space<hbm>> -> memref<100000x64xf32, #tpu.memory_space<hbm>>
        tpu.enqueue_indirect_dma source(%dma_start3A_399 : memref<100000x64xf32, #tpu.memory_space<hbm>>) target(%arg14 : memref<128x64xf32, #tpu.memory_space<vmem>>) offsets(%arg8 : memref<128xi32, #tpu.memory_space<vmem>>) semaphore(%arg17 : memref<!tpu.dma_semaphore, #tpu.memory_space<semaphore_mem>>)
      } else {
      }
      %dma_wait3A_93 = arith.constant 0 : i32
      %dma_wait3A_94 = arith.constant 0 : i32
      %dma_wait3A_95 = tpu.memref_slice %arg4[%dma_wait3A_93, %dma_wait3A_94] : memref<100000x64xf32, #tpu.memory_space<hbm>> -> memref<100000x64xf32, #tpu.memory_space<hbm>>
      tpu.wait_indirect_dma semaphore(%arg16 : memref<!tpu.dma_semaphore, #tpu.memory_space<semaphore_mem>>) src(%dma_wait3A_95 : memref<100000x64xf32, #tpu.memory_space<hbm>>) dst(%arg13 : memref<128x64xf32, #tpu.memory_space<vmem>>)
      %get3A = arith.constant 0 : index
      %get3A_96 = tpu.vector_load %arg9[%get3A] {strides = array<i32>} : memref<128xi32, #tpu.memory_space<vmem>>, vector<16xi32>,
      %get3A_97 = vector.shape_cast %get3A_96 : vector<16xi32> to vector<16xi32>
      %mul3A_98 = arith.constant 400 : i32
      %mul3A_99 = vector.broadcast %mul3A_98 : i32 to vector<16xi32>
      %mul3A_100 = arith.muli %get3A_97, %mul3A_99 : vector<16xi32>
      %get3A_101 = arith.constant 0 : index
      %get3A_102 = tpu.vector_load %arg12[%get3A_101] {strides = array<i32>} : memref<128xi32, #tpu.memory_space<vmem>>, vector<16xi32>,
      %get3A_103 = vector.shape_cast %get3A_102 : vector<16xi32> to vector<16xi32>
      %add3A_104 = arith.addi %mul3A_100, %get3A_103 : vector<16xi32>
      %add3A_105 = vector.broadcast %rem3A_82 : i32 to vector<16xi32>
      %add3A_106 = arith.addi %add3A_104, %add3A_105 : vector<16xi32>
      %swap3A_107 = arith.constant 0 : index
      %swap3A_108 = tpu.vector_load %arg11[%swap3A_107] {strides = array<i32>} : memref<128xi32, #tpu.memory_space<vmem>>, vector<16xi32>,
      %swap3A_109 = vector.shape_cast %swap3A_108 : vector<16xi32> to vector<16xi32>
      %swap3A_110 = vector.shape_cast %add3A_106 : vector<16xi32> to vector<16xi32>
      tpu.vector_store %arg11[%swap3A_107], %swap3A_110 {strides = array<i32>} : memref<128xi32, #tpu.memory_space<vmem>>, vector<16xi32>,
      %get3A_111 = arith.constant 16 : index
      %get3A_112 = tpu.vector_load %arg9[%get3A_111] {strides = array<i32>} : memref<128xi32, #tpu.memory_space<vmem>>, vector<16xi32>,
      %get3A_113 = vector.shape_cast %get3A_112 : vector<16xi32> to vector<16xi32>
      %mul3A_114 = arith.constant 400 : i32
      %mul3A_115 = vector.broadcast %mul3A_114 : i32 to vector<16xi32>
      %mul3A_116 = arith.muli %get3A_113, %mul3A_115 : vector<16xi32>
      %get3A_117 = arith.constant 16 : index
      %get3A_118 = tpu.vector_load %arg12[%get3A_117] {strides = array<i32>} : memref<128xi32, #tpu.memory_space<vmem>>, vector<16xi32>,
      %get3A_119 = vector.shape_cast %get3A_118 : vector<16xi32> to vector<16xi32>
      %add3A_120 = arith.addi %mul3A_116, %get3A_119 : vector<16xi32>
      %add3A_121 = vector.broadcast %rem3A_82 : i32 to vector<16xi32>
      %add3A_122 = arith.addi %add3A_120, %add3A_121 : vector<16xi32>
      %swap3A_123 = arith.constant 16 : index
      %swap3A_124 = tpu.vector_load %arg11[%swap3A_123] {strides = array<i32>} : memref<128xi32, #tpu.memory_space<vmem>>, vector<16xi32>,
      %swap3A_125 = vector.shape_cast %swap3A_124 : vector<16xi32> to vector<16xi32>
      %swap3A_126 = vector.shape_cast %add3A_122 : vector<16xi32> to vector<16xi32>
      tpu.vector_store %arg11[%swap3A_123], %swap3A_126 {strides = array<i32>} : memref<128xi32, #tpu.memory_space<vmem>>, vector<16xi32>,
      %get3A_127 = arith.constant 32 : index
      %get3A_128 = tpu.vector_load %arg9[%get3A_127] {strides = array<i32>} : memref<128xi32, #tpu.memory_space<vmem>>, vector<16xi32>,
      %get3A_129 = vector.shape_cast %get3A_128 : vector<16xi32> to vector<16xi32>
      %mul3A_130 = arith.constant 400 : i32
      %mul3A_131 = vector.broadcast %mul3A_130 : i32 to vector<16xi32>
      %mul3A_132 = arith.muli %get3A_129, %mul3A_131 : vector<16xi32>
      %get3A_133 = arith.constant 32 : index
      %get3A_134 = tpu.vector_load %arg12[%get3A_133] {strides = array<i32>} : memref<128xi32, #tpu.memory_space<vmem>>, vector<16xi32>,
      %get3A_135 = vector.shape_cast %get3A_134 : vector<16xi32> to vector<16xi32>
      %add3A_136 = arith.addi %mul3A_132, %get3A_135 : vector<16xi32>
      %add3A_137 = vector.broadcast %rem3A_82 : i32 to vector<16xi32>
      %add3A_138 = arith.addi %add3A_136, %add3A_137 : vector<16xi32>
      %swap3A_139 = arith.constant 32 : index
      %swap3A_140 = tpu.vector_load %arg11[%swap3A_139] {strides = array<i32>} : memref<128xi32, #tpu.memory_space<vmem>>, vector<16xi32>,
      %swap3A_141 = vector.shape_cast %swap3A_140 : vector<16xi32> to vector<16xi32>
      %swap3A_142 = vector.shape_cast %add3A_138 : vector<16xi32> to vector<16xi32>
      tpu.vector_store %arg11[%swap3A_139], %swap3A_142 {strides = array<i32>} : memref<128xi32, #tpu.memory_space<vmem>>, vector<16xi32>,
      %get3A_143 = arith.constant 48 : index
      %get3A_144 = tpu.vector_load %arg9[%get3A_143] {strides = array<i32>} : memref<128xi32, #tpu.memory_space<vmem>>, vector<16xi32>,
      %get3A_145 = vector.shape_cast %get3A_144 : vector<16xi32> to vector<16xi32>
      %mul3A_146 = arith.constant 400 : i32
      %mul3A_147 = vector.broadcast %mul3A_146 : i32 to vector<16xi32>
      %mul3A_148 = arith.muli %get3A_145, %mul3A_147 : vector<16xi32>
      %get3A_149 = arith.constant 48 : index
      %get3A_150 = tpu.vector_load %arg12[%get3A_149] {strides = array<i32>} : memref<128xi32, #tpu.memory_space<vmem>>, vector<16xi32>,
      %get3A_151 = vector.shape_cast %get3A_150 : vector<16xi32> to vector<16xi32>
      %add3A_152 = arith.addi %mul3A_148, %get3A_151 : vector<16xi32>
      %add3A_153 = vector.broadcast %rem3A_82 : i32 to vector<16xi32>
      %add3A_154 = arith.addi %add3A_152, %add3A_153 : vector<16xi32>
      %swap3A_155 = arith.constant 48 : index
      %swap3A_156 = tpu.vector_load %arg11[%swap3A_155] {strides = array<i32>} : memref<128xi32, #tpu.memory_space<vmem>>, vector<16xi32>,
      %swap3A_157 = vector.shape_cast %swap3A_156 : vector<16xi32> to vector<16xi32>
      %swap3A_158 = vector.shape_cast %add3A_154 : vector<16xi32> to vector<16xi32>
      tpu.vector_store %arg11[%swap3A_155], %swap3A_158 {strides = array<i32>} : memref<128xi32, #tpu.memory_space<vmem>>, vector<16xi32>,
      %get3A_159 = arith.constant 64 : index
      %get3A_160 = tpu.vector_load %arg9[%get3A_159] {strides = array<i32>} : memref<128xi32, #tpu.memory_space<vmem>>, vector<16xi32>,
      %get3A_161 = vector.shape_cast %get3A_160 : vector<16xi32> to vector<16xi32>
      %mul3A_162 = arith.constant 400 : i32
      %mul3A_163 = vector.broadcast %mul3A_162 : i32 to vector<16xi32>
      %mul3A_164 = arith.muli %get3A_161, %mul3A_163 : vector<16xi32>
      %get3A_165 = arith.constant 64 : index
      %get3A_166 = tpu.vector_load %arg12[%get3A_165] {strides = array<i32>} : memref<128xi32, #tpu.memory_space<vmem>>, vector<16xi32>,
      %get3A_167 = vector.shape_cast %get3A_166 : vector<16xi32> to vector<16xi32>
      %add3A_168 = arith.addi %mul3A_164, %get3A_167 : vector<16xi32>
      %add3A_169 = vector.broadcast %rem3A_82 : i32 to vector<16xi32>
      %add3A_170 = arith.addi %add3A_168, %add3A_169 : vector<16xi32>
      %swap3A_171 = arith.constant 64 : index
      %swap3A_172 = tpu.vector_load %arg11[%swap3A_171] {strides = array<i32>} : memref<128xi32, #tpu.memory_space<vmem>>, vector<16xi32>,
      %swap3A_173 = vector.shape_cast %swap3A_172 : vector<16xi32> to vector<16xi32>
      %swap3A_174 = vector.shape_cast %add3A_170 : vector<16xi32> to vector<16xi32>
      tpu.vector_store %arg11[%swap3A_171], %swap3A_174 {strides = array<i32>} : memref<128xi32, #tpu.memory_space<vmem>>, vector<16xi32>,
      %get3A_175 = arith.constant 80 : index
      %get3A_176 = tpu.vector_load %arg9[%get3A_175] {strides = array<i32>} : memref<128xi32, #tpu.memory_space<vmem>>, vector<16xi32>,
      %get3A_177 = vector.shape_cast %get3A_176 : vector<16xi32> to vector<16xi32>
      %mul3A_178 = arith.constant 400 : i32
      %mul3A_179 = vector.broadcast %mul3A_178 : i32 to vector<16xi32>
      %mul3A_180 = arith.muli %get3A_177, %mul3A_179 : vector<16xi32>
      %get3A_181 = arith.constant 80 : index
      %get3A_182 = tpu.vector_load %arg12[%get3A_181] {strides = array<i32>} : memref<128xi32, #tpu.memory_space<vmem>>, vector<16xi32>,
      %get3A_183 = vector.shape_cast %get3A_182 : vector<16xi32> to vector<16xi32>
      %add3A_184 = arith.addi %mul3A_180, %get3A_183 : vector<16xi32>
      %add3A_185 = vector.broadcast %rem3A_82 : i32 to vector<16xi32>
      %add3A_186 = arith.addi %add3A_184, %add3A_185 : vector<16xi32>
      %swap3A_187 = arith.constant 80 : index
      %swap3A_188 = tpu.vector_load %arg11[%swap3A_187] {strides = array<i32>} : memref<128xi32, #tpu.memory_space<vmem>>, vector<16xi32>,
      %swap3A_189 = vector.shape_cast %swap3A_188 : vector<16xi32> to vector<16xi32>
      %swap3A_190 = vector.shape_cast %add3A_186 : vector<16xi32> to vector<16xi32>
      tpu.vector_store %arg11[%swap3A_187], %swap3A_190 {strides = array<i32>} : memref<128xi32, #tpu.memory_space<vmem>>, vector<16xi32>,
      %get3A_191 = arith.constant 96 : index
      %get3A_192 = tpu.vector_load %arg9[%get3A_191] {strides = array<i32>} : memref<128xi32, #tpu.memory_space<vmem>>, vector<16xi32>,
      %get3A_193 = vector.shape_cast %get3A_192 : vector<16xi32> to vector<16xi32>
      %mul3A_194 = arith.constant 400 : i32
      %mul3A_195 = vector.broadcast %mul3A_194 : i32 to vector<16xi32>
      %mul3A_196 = arith.muli %get3A_193, %mul3A_195 : vector<16xi32>
      %get3A_197 = arith.constant 96 : index
      %get3A_198 = tpu.vector_load %arg12[%get3A_197] {strides = array<i32>} : memref<128xi32, #tpu.memory_space<vmem>>, vector<16xi32>,
      %get3A_199 = vector.shape_cast %get3A_198 : vector<16xi32> to vector<16xi32>
      %add3A_200 = arith.addi %mul3A_196, %get3A_199 : vector<16xi32>
      %add3A_201 = vector.broadcast %rem3A_82 : i32 to vector<16xi32>
      %add3A_202 = arith.addi %add3A_200, %add3A_201 : vector<16xi32>
      %swap3A_203 = arith.constant 96 : index
      %swap3A_204 = tpu.vector_load %arg11[%swap3A_203] {strides = array<i32>} : memref<128xi32, #tpu.memory_space<vmem>>, vector<16xi32>,
      %swap3A_205 = vector.shape_cast %swap3A_204 : vector<16xi32> to vector<16xi32>
      %swap3A_206 = vector.shape_cast %add3A_202 : vector<16xi32> to vector<16xi32>
      tpu.vector_store %arg11[%swap3A_203], %swap3A_206 {strides = array<i32>} : memref<128xi32, #tpu.memory_space<vmem>>, vector<16xi32>,
      %get3A_207 = arith.constant 112 : index
      %get3A_208 = tpu.vector_load %arg9[%get3A_207] {strides = array<i32>} : memref<128xi32, #tpu.memory_space<vmem>>, vector<16xi32>,
      %get3A_209 = vector.shape_cast %get3A_208 : vector<16xi32> to vector<16xi32>
      %mul3A_210 = arith.constant 400 : i32
      %mul3A_211 = vector.broadcast %mul3A_210 : i32 to vector<16xi32>
      %mul3A_212 = arith.muli %get3A_209, %mul3A_211 : vector<16xi32>
      %get3A_213 = arith.constant 112 : index
      %get3A_214 = tpu.vector_load %arg12[%get3A_213] {strides = array<i32>} : memref<128xi32, #tpu.memory_space<vmem>>, vector<16xi32>,
      %get3A_215 = vector.shape_cast %get3A_214 : vector<16xi32> to vector<16xi32>
      %add3A_216 = arith.addi %mul3A_212, %get3A_215 : vector<16xi32>
      %add3A_217 = vector.broadcast %rem3A_82 : i32 to vector<16xi32>
      %add3A_218 = arith.addi %add3A_216, %add3A_217 : vector<16xi32>
      %swap3A_219 = arith.constant 112 : index
      %swap3A_220 = tpu.vector_load %arg11[%swap3A_219] {strides = array<i32>} : memref<128xi32, #tpu.memory_space<vmem>>, vector<16xi32>,
      %swap3A_221 = vector.shape_cast %swap3A_220 : vector<16xi32> to vector<16xi32>
      %swap3A_222 = vector.shape_cast %add3A_218 : vector<16xi32> to vector<16xi32>
      tpu.vector_store %arg11[%swap3A_219], %swap3A_222 {strides = array<i32>} : memref<128xi32, #tpu.memory_space<vmem>>, vector<16xi32>,
      "tpu.region"() ({
        %run_scoped3A = tpu.sem_alloc : memref<!tpu.dma_semaphore, #tpu.memory_space<semaphore_mem>>
        %dma_start3A_397 = arith.constant 0 : i32
        %dma_start3A_398 = arith.constant 0 : i32
        %dma_start3A_399 = tpu.memref_slice %arg15[%dma_start3A_397, %dma_start3A_398] : memref<800x64xf32, #tpu.memory_space<vmem_shared>> -> memref<800x64xf32, #tpu.memory_space<vmem_shared>>
        tpu.enqueue_indirect_dma source(%dma_start3A_399 : memref<800x64xf32, #tpu.memory_space<vmem_shared>>) target(%arg13 : memref<128x64xf32, #tpu.memory_space<vmem>>) offsets(%arg11 : memref<128xi32, #tpu.memory_space<vmem>>) semaphore(%run_scoped3A : memref<!tpu.dma_semaphore, #tpu.memory_space<semaphore_mem>>) {add = true}
        %dma_wait3A_400 = arith.constant 0 : i32
        %dma_wait3A_401 = arith.constant 0 : i32
        %dma_wait3A_402 = tpu.memref_slice %arg15[%dma_wait3A_400, %dma_wait3A_401] : memref<800x64xf32, #tpu.memory_space<vmem_shared>> -> memref<800x64xf32, #tpu.memory_space<vmem_shared>>
        tpu.wait_indirect_dma semaphore(%run_scoped3A : memref<!tpu.dma_semaphore, #tpu.memory_space<semaphore_mem>>) src(%dma_wait3A_402 : memref<800x64xf32, #tpu.memory_space<vmem_shared>>) dst(%arg13 : memref<128x64xf32, #tpu.memory_space<vmem>>)
        tpu.yield
      }) : () -> ()
      %dma_start3A_223 = arith.constant 0 : i32
      %dma_start3A_224 = tpu.memref_slice %arg6[%add3A_81, %dma_start3A_223] : memref<204800x64xf32, #tpu.memory_space<hbm>> -> memref<128x64xf32, #tpu.memory_space<hbm>>
      %dma_start3A_225 = arith.constant 0 : i32
      %dma_start3A_226 = tpu.memref_slice %arg6[%add3A_81, %dma_start3A_225] : memref<204800x64xf32, #tpu.memory_space<hbm>> -> memref<128x64xf32, #tpu.memory_space<hbm>>
      tpu.enqueue_dma source(%arg13 : memref<128x64xf32, #tpu.memory_space<vmem>>) target(%dma_start3A_226 : memref<128x64xf32, #tpu.memory_space<hbm>>) target_semaphore(%arg18 : memref<!tpu.dma_semaphore, #tpu.memory_space<semaphore_mem>>)
      %add3A_227 = arith.constant 2 : i32
      %add3A_228 = arith.addi %mul3A_78, %add3A_227 : i32
      %lt3A_229 = arith.constant 50 : i32
      %lt3A_230 = arith.cmpi slt, %add3A_228, %lt3A_229 : i32
      %convert_element_type3A_231 = arith.extui %lt3A_230 : i1 to i32
      %cond3A_232 = arith.constant 0 : i32
      %cond3A_233 = arith.cmpi ne, %convert_element_type3A_231, %cond3A_232 : i32
      scf.if %cond3A_233 {
        %add3A_397 = arith.constant 2 : i32
        %add3A_398 = arith.addi %mul3A_78, %add3A_397 : i32
        %mul3A_399 = arith.constant 128 : i32
        %mul3A_400 = arith.muli %add3A_398, %mul3A_399 : i32
        %add3A_401 = arith.addi %mul3A_2, %mul3A_400 : i32
        "tpu.region"() ({
          %run_scoped3A = tpu.sem_alloc : memref<!tpu.dma_semaphore, #tpu.memory_space<semaphore_mem>>
          %dma_start3A_402 = tpu.memref_slice %arg2[%add3A_401] : memref<204800xi32, #tpu.memory_space<hbm>> -> memref<128xi32, #tpu.memory_space<hbm>>
          %dma_start3A_403 = tpu.memref_slice %arg2[%add3A_401] : memref<204800xi32, #tpu.memory_space<hbm>> -> memref<128xi32, #tpu.memory_space<hbm>>
          tpu.enqueue_dma source(%dma_start3A_403 : memref<128xi32, #tpu.memory_space<hbm>>) target(%arg7 : memref<128xi32, #tpu.memory_space<vmem>>) target_semaphore(%run_scoped3A : memref<!tpu.dma_semaphore, #tpu.memory_space<semaphore_mem>>)
          %dma_wait3A_404 = tpu.memref_slice %arg2[%add3A_401] : memref<204800xi32, #tpu.memory_space<hbm>> -> memref<128xi32, #tpu.memory_space<hbm>>
          %dma_wait3A_405 = tpu.memref_slice %arg2[%add3A_401] : memref<204800xi32, #tpu.memory_space<hbm>> -> memref<128xi32, #tpu.memory_space<hbm>>
          tpu.wait_dma2 semaphore(%run_scoped3A : memref<!tpu.dma_semaphore, #tpu.memory_space<semaphore_mem>>) src(%dma_wait3A_405 : memref<128xi32, #tpu.memory_space<hbm>>) dst(%arg7 : memref<128xi32, #tpu.memory_space<vmem>>)
          tpu.yield
        }) : () -> ()
        "tpu.region"() ({
          %run_scoped3A = tpu.sem_alloc : memref<!tpu.dma_semaphore, #tpu.memory_space<semaphore_mem>>
          %dma_start3A_402 = tpu.memref_slice %arg3[%add3A_401] : memref<204800xi32, #tpu.memory_space<hbm>> -> memref<128xi32, #tpu.memory_space<hbm>>
          %dma_start3A_403 = tpu.memref_slice %arg3[%add3A_401] : memref<204800xi32, #tpu.memory_space<hbm>> -> memref<128xi32, #tpu.memory_space<hbm>>
          tpu.enqueue_dma source(%dma_start3A_403 : memref<128xi32, #tpu.memory_space<hbm>>) target(%arg9 : memref<128xi32, #tpu.memory_space<vmem>>) target_semaphore(%run_scoped3A : memref<!tpu.dma_semaphore, #tpu.memory_space<semaphore_mem>>)
          %dma_wait3A_404 = tpu.memref_slice %arg3[%add3A_401] : memref<204800xi32, #tpu.memory_space<hbm>> -> memref<128xi32, #tpu.memory_space<hbm>>
          %dma_wait3A_405 = tpu.memref_slice %arg3[%add3A_401] : memref<204800xi32, #tpu.memory_space<hbm>> -> memref<128xi32, #tpu.memory_space<hbm>>
          tpu.wait_dma2 semaphore(%run_scoped3A : memref<!tpu.dma_semaphore, #tpu.memory_space<semaphore_mem>>) src(%dma_wait3A_405 : memref<128xi32, #tpu.memory_space<hbm>>) dst(%arg9 : memref<128xi32, #tpu.memory_space<vmem>>)
          tpu.yield
        }) : () -> ()
      } else {
      }
      %mul3A_234 = arith.constant 2 : i32
      %mul3A_235 = arith.muli %mul3A_234, %scan3A_76 : i32
      %add3A_236 = arith.constant 1 : i32
      %add3A_237 = arith.addi %mul3A_235, %add3A_236 : i32
      %mul3A_238 = arith.constant 128 : i32
      %mul3A_239 = arith.muli %add3A_237, %mul3A_238 : i32
      %add3A_240 = arith.addi %mul3A_2, %mul3A_239 : i32
      %rem3A_241 = arith.constant 200 : i32
      %rem3A_242 = arith.remsi %add3A_240, %rem3A_241 : i32
      %gt3A_243 = arith.constant 0 : i32
      %gt3A_244 = arith.cmpi sgt, %add3A_237, %gt3A_243 : i32
      %convert_element_type3A_245 = arith.extui %gt3A_244 : i1 to i32
      %cond3A_246 = arith.constant 0 : i32
      %cond3A_247 = arith.cmpi ne, %convert_element_type3A_245, %cond3A_246 : i32
      scf.if %cond3A_247 {
        %dma_wait3A_397 = arith.constant 0 : i32
        %dma_wait3A_398 = arith.constant 0 : i32
        %dma_wait3A_399 = tpu.memref_slice %arg6[%dma_wait3A_397, %dma_wait3A_398] : memref<204800x64xf32, #tpu.memory_space<hbm>> -> memref<128x64xf32, #tpu.memory_space<hbm>>
        %dma_wait3A_400 = arith.constant 0 : i32
        %dma_wait3A_401 = arith.constant 0 : i32
        %dma_wait3A_402 = tpu.memref_slice %arg6[%dma_wait3A_400, %dma_wait3A_401] : memref<204800x64xf32, #tpu.memory_space<hbm>> -> memref<128x64xf32, #tpu.memory_space<hbm>>
        tpu.wait_dma2 semaphore(%arg18 : memref<!tpu.dma_semaphore, #tpu.memory_space<semaphore_mem>>) src(%arg13 : memref<128x64xf32, #tpu.memory_space<vmem>>) dst(%dma_wait3A_402 : memref<128x64xf32, #tpu.memory_space<hbm>>)
      } else {
      }
      %add3A_248 = arith.constant 1 : i32
      %add3A_249 = arith.addi %add3A_237, %add3A_248 : i32
      %lt3A_250 = arith.constant 50 : i32
      %lt3A_251 = arith.cmpi slt, %add3A_249, %lt3A_250 : i32
      %convert_element_type3A_252 = arith.extui %lt3A_251 : i1 to i32
      %cond3A_253 = arith.constant 0 : i32
      %cond3A_254 = arith.cmpi ne, %convert_element_type3A_252, %cond3A_253 : i32
      scf.if %cond3A_254 {
        %dma_start3A_397 = arith.constant 0 : i32
        %dma_start3A_398 = arith.constant 0 : i32
        %dma_start3A_399 = tpu.memref_slice %arg4[%dma_start3A_397, %dma_start3A_398] : memref<100000x64xf32, #tpu.memory_space<hbm>> -> memref<100000x64xf32, #tpu.memory_space<hbm>>
        tpu.enqueue_indirect_dma source(%dma_start3A_399 : memref<100000x64xf32, #tpu.memory_space<hbm>>) target(%arg13 : memref<128x64xf32, #tpu.memory_space<vmem>>) offsets(%arg7 : memref<128xi32, #tpu.memory_space<vmem>>) semaphore(%arg16 : memref<!tpu.dma_semaphore, #tpu.memory_space<semaphore_mem>>)
      } else {
      }
      %dma_wait3A_255 = arith.constant 0 : i32
      %dma_wait3A_256 = arith.constant 0 : i32
      %dma_wait3A_257 = tpu.memref_slice %arg4[%dma_wait3A_255, %dma_wait3A_256] : memref<100000x64xf32, #tpu.memory_space<hbm>> -> memref<100000x64xf32, #tpu.memory_space<hbm>>
      tpu.wait_indirect_dma semaphore(%arg17 : memref<!tpu.dma_semaphore, #tpu.memory_space<semaphore_mem>>) src(%dma_wait3A_257 : memref<100000x64xf32, #tpu.memory_space<hbm>>) dst(%arg14 : memref<128x64xf32, #tpu.memory_space<vmem>>)
      %get3A_258 = arith.constant 0 : index
      %get3A_259 = tpu.vector_load %arg10[%get3A_258] {strides = array<i32>} : memref<128xi32, #tpu.memory_space<vmem>>, vector<16xi32>,
      %get3A_260 = vector.shape_cast %get3A_259 : vector<16xi32> to vector<16xi32>
      %mul3A_261 = arith.constant 400 : i32
      %mul3A_262 = vector.broadcast %mul3A_261 : i32 to vector<16xi32>
      %mul3A_263 = arith.muli %get3A_260, %mul3A_262 : vector<16xi32>
      %get3A_264 = arith.constant 0 : index
      %get3A_265 = tpu.vector_load %arg12[%get3A_264] {strides = array<i32>} : memref<128xi32, #tpu.memory_space<vmem>>, vector<16xi32>,
      %get3A_266 = vector.shape_cast %get3A_265 : vector<16xi32> to vector<16xi32>
      %add3A_267 = arith.addi %mul3A_263, %get3A_266 : vector<16xi32>
      %add3A_268 = vector.broadcast %rem3A_242 : i32 to vector<16xi32>
      %add3A_269 = arith.addi %add3A_267, %add3A_268 : vector<16xi32>
      %swap3A_270 = arith.constant 0 : index
      %swap3A_271 = tpu.vector_load %arg11[%swap3A_270] {strides = array<i32>} : memref<128xi32, #tpu.memory_space<vmem>>, vector<16xi32>,
      %swap3A_272 = vector.shape_cast %swap3A_271 : vector<16xi32> to vector<16xi32>
      %swap3A_273 = vector.shape_cast %add3A_269 : vector<16xi32> to vector<16xi32>
      tpu.vector_store %arg11[%swap3A_270], %swap3A_273 {strides = array<i32>} : memref<128xi32, #tpu.memory_space<vmem>>, vector<16xi32>,
      %get3A_274 = arith.constant 16 : index
      %get3A_275 = tpu.vector_load %arg10[%get3A_274] {strides = array<i32>} : memref<128xi32, #tpu.memory_space<vmem>>, vector<16xi32>,
      %get3A_276 = vector.shape_cast %get3A_275 : vector<16xi32> to vector<16xi32>
      %mul3A_277 = arith.constant 400 : i32
      %mul3A_278 = vector.broadcast %mul3A_277 : i32 to vector<16xi32>
      %mul3A_279 = arith.muli %get3A_276, %mul3A_278 : vector<16xi32>
      %get3A_280 = arith.constant 16 : index
      %get3A_281 = tpu.vector_load %arg12[%get3A_280] {strides = array<i32>} : memref<128xi32, #tpu.memory_space<vmem>>, vector<16xi32>,
      %get3A_282 = vector.shape_cast %get3A_281 : vector<16xi32> to vector<16xi32>
      %add3A_283 = arith.addi %mul3A_279, %get3A_282 : vector<16xi32>
      %add3A_284 = vector.broadcast %rem3A_242 : i32 to vector<16xi32>
      %add3A_285 = arith.addi %add3A_283, %add3A_284 : vector<16xi32>
      %swap3A_286 = arith.constant 16 : index
      %swap3A_287 = tpu.vector_load %arg11[%swap3A_286] {strides = array<i32>} : memref<128xi32, #tpu.memory_space<vmem>>, vector<16xi32>,
      %swap3A_288 = vector.shape_cast %swap3A_287 : vector<16xi32> to vector<16xi32>
      %swap3A_289 = vector.shape_cast %add3A_285 : vector<16xi32> to vector<16xi32>
      tpu.vector_store %arg11[%swap3A_286], %swap3A_289 {strides = array<i32>} : memref<128xi32, #tpu.memory_space<vmem>>, vector<16xi32>,
      %get3A_290 = arith.constant 32 : index
      %get3A_291 = tpu.vector_load %arg10[%get3A_290] {strides = array<i32>} : memref<128xi32, #tpu.memory_space<vmem>>, vector<16xi32>,
      %get3A_292 = vector.shape_cast %get3A_291 : vector<16xi32> to vector<16xi32>
      %mul3A_293 = arith.constant 400 : i32
      %mul3A_294 = vector.broadcast %mul3A_293 : i32 to vector<16xi32>
      %mul3A_295 = arith.muli %get3A_292, %mul3A_294 : vector<16xi32>
      %get3A_296 = arith.constant 32 : index
      %get3A_297 = tpu.vector_load %arg12[%get3A_296] {strides = array<i32>} : memref<128xi32, #tpu.memory_space<vmem>>, vector<16xi32>,
      %get3A_298 = vector.shape_cast %get3A_297 : vector<16xi32> to vector<16xi32>
      %add3A_299 = arith.addi %mul3A_295, %get3A_298 : vector<16xi32>
      %add3A_300 = vector.broadcast %rem3A_242 : i32 to vector<16xi32>
      %add3A_301 = arith.addi %add3A_299, %add3A_300 : vector<16xi32>
      %swap3A_302 = arith.constant 32 : index
      %swap3A_303 = tpu.vector_load %arg11[%swap3A_302] {strides = array<i32>} : memref<128xi32, #tpu.memory_space<vmem>>, vector<16xi32>,
      %swap3A_304 = vector.shape_cast %swap3A_303 : vector<16xi32> to vector<16xi32>
      %swap3A_305 = vector.shape_cast %add3A_301 : vector<16xi32> to vector<16xi32>
      tpu.vector_store %arg11[%swap3A_302], %swap3A_305 {strides = array<i32>} : memref<128xi32, #tpu.memory_space<vmem>>, vector<16xi32>,
      %get3A_306 = arith.constant 48 : index
      %get3A_307 = tpu.vector_load %arg10[%get3A_306] {strides = array<i32>} : memref<128xi32, #tpu.memory_space<vmem>>, vector<16xi32>,
      %get3A_308 = vector.shape_cast %get3A_307 : vector<16xi32> to vector<16xi32>
      %mul3A_309 = arith.constant 400 : i32
      %mul3A_310 = vector.broadcast %mul3A_309 : i32 to vector<16xi32>
      %mul3A_311 = arith.muli %get3A_308, %mul3A_310 : vector<16xi32>
      %get3A_312 = arith.constant 48 : index
      %get3A_313 = tpu.vector_load %arg12[%get3A_312] {strides = array<i32>} : memref<128xi32, #tpu.memory_space<vmem>>, vector<16xi32>,
      %get3A_314 = vector.shape_cast %get3A_313 : vector<16xi32> to vector<16xi32>
      %add3A_315 = arith.addi %mul3A_311, %get3A_314 : vector<16xi32>
      %add3A_316 = vector.broadcast %rem3A_242 : i32 to vector<16xi32>
      %add3A_317 = arith.addi %add3A_315, %add3A_316 : vector<16xi32>
      %swap3A_318 = arith.constant 48 : index
      %swap3A_319 = tpu.vector_load %arg11[%swap3A_318] {strides = array<i32>} : memref<128xi32, #tpu.memory_space<vmem>>, vector<16xi32>,
      %swap3A_320 = vector.shape_cast %swap3A_319 : vector<16xi32> to vector<16xi32>
      %swap3A_321 = vector.shape_cast %add3A_317 : vector<16xi32> to vector<16xi32>
      tpu.vector_store %arg11[%swap3A_318], %swap3A_321 {strides = array<i32>} : memref<128xi32, #tpu.memory_space<vmem>>, vector<16xi32>,
      %get3A_322 = arith.constant 64 : index
      %get3A_323 = tpu.vector_load %arg10[%get3A_322] {strides = array<i32>} : memref<128xi32, #tpu.memory_space<vmem>>, vector<16xi32>,
      %get3A_324 = vector.shape_cast %get3A_323 : vector<16xi32> to vector<16xi32>
      %mul3A_325 = arith.constant 400 : i32
      %mul3A_326 = vector.broadcast %mul3A_325 : i32 to vector<16xi32>
      %mul3A_327 = arith.muli %get3A_324, %mul3A_326 : vector<16xi32>
      %get3A_328 = arith.constant 64 : index
      %get3A_329 = tpu.vector_load %arg12[%get3A_328] {strides = array<i32>} : memref<128xi32, #tpu.memory_space<vmem>>, vector<16xi32>,
      %get3A_330 = vector.shape_cast %get3A_329 : vector<16xi32> to vector<16xi32>
      %add3A_331 = arith.addi %mul3A_327, %get3A_330 : vector<16xi32>
      %add3A_332 = vector.broadcast %rem3A_242 : i32 to vector<16xi32>
      %add3A_333 = arith.addi %add3A_331, %add3A_332 : vector<16xi32>
      %swap3A_334 = arith.constant 64 : index
      %swap3A_335 = tpu.vector_load %arg11[%swap3A_334] {strides = array<i32>} : memref<128xi32, #tpu.memory_space<vmem>>, vector<16xi32>,
      %swap3A_336 = vector.shape_cast %swap3A_335 : vector<16xi32> to vector<16xi32>
      %swap3A_337 = vector.shape_cast %add3A_333 : vector<16xi32> to vector<16xi32>
      tpu.vector_store %arg11[%swap3A_334], %swap3A_337 {strides = array<i32>} : memref<128xi32, #tpu.memory_space<vmem>>, vector<16xi32>,
      %get3A_338 = arith.constant 80 : index
      %get3A_339 = tpu.vector_load %arg10[%get3A_338] {strides = array<i32>} : memref<128xi32, #tpu.memory_space<vmem>>, vector<16xi32>,
      %get3A_340 = vector.shape_cast %get3A_339 : vector<16xi32> to vector<16xi32>
      %mul3A_341 = arith.constant 400 : i32
      %mul3A_342 = vector.broadcast %mul3A_341 : i32 to vector<16xi32>
      %mul3A_343 = arith.muli %get3A_340, %mul3A_342 : vector<16xi32>
      %get3A_344 = arith.constant 80 : index
      %get3A_345 = tpu.vector_load %arg12[%get3A_344] {strides = array<i32>} : memref<128xi32, #tpu.memory_space<vmem>>, vector<16xi32>,
      %get3A_346 = vector.shape_cast %get3A_345 : vector<16xi32> to vector<16xi32>
      %add3A_347 = arith.addi %mul3A_343, %get3A_346 : vector<16xi32>
      %add3A_348 = vector.broadcast %rem3A_242 : i32 to vector<16xi32>
      %add3A_349 = arith.addi %add3A_347, %add3A_348 : vector<16xi32>
      %swap3A_350 = arith.constant 80 : index
      %swap3A_351 = tpu.vector_load %arg11[%swap3A_350] {strides = array<i32>} : memref<128xi32, #tpu.memory_space<vmem>>, vector<16xi32>,
      %swap3A_352 = vector.shape_cast %swap3A_351 : vector<16xi32> to vector<16xi32>
      %swap3A_353 = vector.shape_cast %add3A_349 : vector<16xi32> to vector<16xi32>
      tpu.vector_store %arg11[%swap3A_350], %swap3A_353 {strides = array<i32>} : memref<128xi32, #tpu.memory_space<vmem>>, vector<16xi32>,
      %get3A_354 = arith.constant 96 : index
      %get3A_355 = tpu.vector_load %arg10[%get3A_354] {strides = array<i32>} : memref<128xi32, #tpu.memory_space<vmem>>, vector<16xi32>,
      %get3A_356 = vector.shape_cast %get3A_355 : vector<16xi32> to vector<16xi32>
      %mul3A_357 = arith.constant 400 : i32
      %mul3A_358 = vector.broadcast %mul3A_357 : i32 to vector<16xi32>
      %mul3A_359 = arith.muli %get3A_356, %mul3A_358 : vector<16xi32>
      %get3A_360 = arith.constant 96 : index
      %get3A_361 = tpu.vector_load %arg12[%get3A_360] {strides = array<i32>} : memref<128xi32, #tpu.memory_space<vmem>>, vector<16xi32>,
      %get3A_362 = vector.shape_cast %get3A_361 : vector<16xi32> to vector<16xi32>
      %add3A_363 = arith.addi %mul3A_359, %get3A_362 : vector<16xi32>
      %add3A_364 = vector.broadcast %rem3A_242 : i32 to vector<16xi32>
      %add3A_365 = arith.addi %add3A_363, %add3A_364 : vector<16xi32>
      %swap3A_366 = arith.constant 96 : index
      %swap3A_367 = tpu.vector_load %arg11[%swap3A_366] {strides = array<i32>} : memref<128xi32, #tpu.memory_space<vmem>>, vector<16xi32>,
      %swap3A_368 = vector.shape_cast %swap3A_367 : vector<16xi32> to vector<16xi32>
      %swap3A_369 = vector.shape_cast %add3A_365 : vector<16xi32> to vector<16xi32>
      tpu.vector_store %arg11[%swap3A_366], %swap3A_369 {strides = array<i32>} : memref<128xi32, #tpu.memory_space<vmem>>, vector<16xi32>,
      %get3A_370 = arith.constant 112 : index
      %get3A_371 = tpu.vector_load %arg10[%get3A_370] {strides = array<i32>} : memref<128xi32, #tpu.memory_space<vmem>>, vector<16xi32>,
      %get3A_372 = vector.shape_cast %get3A_371 : vector<16xi32> to vector<16xi32>
      %mul3A_373 = arith.constant 400 : i32
      %mul3A_374 = vector.broadcast %mul3A_373 : i32 to vector<16xi32>
      %mul3A_375 = arith.muli %get3A_372, %mul3A_374 : vector<16xi32>
      %get3A_376 = arith.constant 112 : index
      %get3A_377 = tpu.vector_load %arg12[%get3A_376] {strides = array<i32>} : memref<128xi32, #tpu.memory_space<vmem>>, vector<16xi32>,
      %get3A_378 = vector.shape_cast %get3A_377 : vector<16xi32> to vector<16xi32>
      %add3A_379 = arith.addi %mul3A_375, %get3A_378 : vector<16xi32>
      %add3A_380 = vector.broadcast %rem3A_242 : i32 to vector<16xi32>
      %add3A_381 = arith.addi %add3A_379, %add3A_380 : vector<16xi32>
      %swap3A_382 = arith.constant 112 : index
      %swap3A_383 = tpu.vector_load %arg11[%swap3A_382] {strides = array<i32>} : memref<128xi32, #tpu.memory_space<vmem>>, vector<16xi32>,
      %swap3A_384 = vector.shape_cast %swap3A_383 : vector<16xi32> to vector<16xi32>
      %swap3A_385 = vector.shape_cast %add3A_381 : vector<16xi32> to vector<16xi32>
      tpu.vector_store %arg11[%swap3A_382], %swap3A_385 {strides = array<i32>} : memref<128xi32, #tpu.memory_space<vmem>>, vector<16xi32>,
      "tpu.region"() ({
        %run_scoped3A = tpu.sem_alloc : memref<!tpu.dma_semaphore, #tpu.memory_space<semaphore_mem>>
        %dma_start3A_397 = arith.constant 0 : i32
        %dma_start3A_398 = arith.constant 0 : i32
        %dma_start3A_399 = tpu.memref_slice %arg15[%dma_start3A_397, %dma_start3A_398] : memref<800x64xf32, #tpu.memory_space<vmem_shared>> -> memref<800x64xf32, #tpu.memory_space<vmem_shared>>
        tpu.enqueue_indirect_dma source(%dma_start3A_399 : memref<800x64xf32, #tpu.memory_space<vmem_shared>>) target(%arg14 : memref<128x64xf32, #tpu.memory_space<vmem>>) offsets(%arg11 : memref<128xi32, #tpu.memory_space<vmem>>) semaphore(%run_scoped3A : memref<!tpu.dma_semaphore, #tpu.memory_space<semaphore_mem>>) {add = true}
        %dma_wait3A_400 = arith.constant 0 : i32
        %dma_wait3A_401 = arith.constant 0 : i32
        %dma_wait3A_402 = tpu.memref_slice %arg15[%dma_wait3A_400, %dma_wait3A_401] : memref<800x64xf32, #tpu.memory_space<vmem_shared>> -> memref<800x64xf32, #tpu.memory_space<vmem_shared>>
        tpu.wait_indirect_dma semaphore(%run_scoped3A : memref<!tpu.dma_semaphore, #tpu.memory_space<semaphore_mem>>) src(%dma_wait3A_402 : memref<800x64xf32, #tpu.memory_space<vmem_shared>>) dst(%arg14 : memref<128x64xf32, #tpu.memory_space<vmem>>)
        tpu.yield
      }) : () -> ()
      %dma_start3A_386 = arith.constant 0 : i32
      %dma_start3A_387 = tpu.memref_slice %arg6[%add3A_240, %dma_start3A_386] : memref<204800x64xf32, #tpu.memory_space<hbm>> -> memref<128x64xf32, #tpu.memory_space<hbm>>
      %dma_start3A_388 = arith.constant 0 : i32
      %dma_start3A_389 = tpu.memref_slice %arg6[%add3A_240, %dma_start3A_388] : memref<204800x64xf32, #tpu.memory_space<hbm>> -> memref<128x64xf32, #tpu.memory_space<hbm>>
      tpu.enqueue_dma source(%arg14 : memref<128x64xf32, #tpu.memory_space<vmem>>) target(%dma_start3A_389 : memref<128x64xf32, #tpu.memory_space<hbm>>) target_semaphore(%arg19 : memref<!tpu.dma_semaphore, #tpu.memory_space<semaphore_mem>>)
      %add3A_390 = arith.constant 2 : i32
      %add3A_391 = arith.addi %add3A_237, %add3A_390 : i32
      %lt3A_392 = arith.constant 50 : i32
      %lt3A_393 = arith.cmpi slt, %add3A_391, %lt3A_392 : i32
      %convert_element_type3A_394 = arith.extui %lt3A_393 : i1 to i32
      %cond3A_395 = arith.constant 0 : i32
      %cond3A_396 = arith.cmpi ne, %convert_element_type3A_394, %cond3A_395 : i32
      scf.if %cond3A_396 {
        %add3A_397 = arith.constant 2 : i32
        %add3A_398 = arith.addi %add3A_237, %add3A_397 : i32
        %mul3A_399 = arith.constant 128 : i32
        %mul3A_400 = arith.muli %add3A_398, %mul3A_399 : i32
        %add3A_401 = arith.addi %mul3A_2, %mul3A_400 : i32
        "tpu.region"() ({
          %run_scoped3A = tpu.sem_alloc : memref<!tpu.dma_semaphore, #tpu.memory_space<semaphore_mem>>
          %dma_start3A_402 = tpu.memref_slice %arg2[%add3A_401] : memref<204800xi32, #tpu.memory_space<hbm>> -> memref<128xi32, #tpu.memory_space<hbm>>
          %dma_start3A_403 = tpu.memref_slice %arg2[%add3A_401] : memref<204800xi32, #tpu.memory_space<hbm>> -> memref<128xi32, #tpu.memory_space<hbm>>
          tpu.enqueue_dma source(%dma_start3A_403 : memref<128xi32, #tpu.memory_space<hbm>>) target(%arg8 : memref<128xi32, #tpu.memory_space<vmem>>) target_semaphore(%run_scoped3A : memref<!tpu.dma_semaphore, #tpu.memory_space<semaphore_mem>>)
          %dma_wait3A_404 = tpu.memref_slice %arg2[%add3A_401] : memref<204800xi32, #tpu.memory_space<hbm>> -> memref<128xi32, #tpu.memory_space<hbm>>
          %dma_wait3A_405 = tpu.memref_slice %arg2[%add3A_401] : memref<204800xi32, #tpu.memory_space<hbm>> -> memref<128xi32, #tpu.memory_space<hbm>>
          tpu.wait_dma2 semaphore(%run_scoped3A : memref<!tpu.dma_semaphore, #tpu.memory_space<semaphore_mem>>) src(%dma_wait3A_405 : memref<128xi32, #tpu.memory_space<hbm>>) dst(%arg8 : memref<128xi32, #tpu.memory_space<vmem>>)
          tpu.yield
        }) : () -> ()
        "tpu.region"() ({
          %run_scoped3A = tpu.sem_alloc : memref<!tpu.dma_semaphore, #tpu.memory_space<semaphore_mem>>
          %dma_start3A_402 = tpu.memref_slice %arg3[%add3A_401] : memref<204800xi32, #tpu.memory_space<hbm>> -> memref<128xi32, #tpu.memory_space<hbm>>
          %dma_start3A_403 = tpu.memref_slice %arg3[%add3A_401] : memref<204800xi32, #tpu.memory_space<hbm>> -> memref<128xi32, #tpu.memory_space<hbm>>
          tpu.enqueue_dma source(%dma_start3A_403 : memref<128xi32, #tpu.memory_space<hbm>>) target(%arg10 : memref<128xi32, #tpu.memory_space<vmem>>) target_semaphore(%run_scoped3A : memref<!tpu.dma_semaphore, #tpu.memory_space<semaphore_mem>>)
          %dma_wait3A_404 = tpu.memref_slice %arg3[%add3A_401] : memref<204800xi32, #tpu.memory_space<hbm>> -> memref<128xi32, #tpu.memory_space<hbm>>
          %dma_wait3A_405 = tpu.memref_slice %arg3[%add3A_401] : memref<204800xi32, #tpu.memory_space<hbm>> -> memref<128xi32, #tpu.memory_space<hbm>>
          tpu.wait_dma2 semaphore(%run_scoped3A : memref<!tpu.dma_semaphore, #tpu.memory_space<semaphore_mem>>) src(%dma_wait3A_405 : memref<128xi32, #tpu.memory_space<hbm>>) dst(%arg10 : memref<128xi32, #tpu.memory_space<vmem>>)
          tpu.yield
        }) : () -> ()
      } else {
      }
    }
    %scan3A_70 = arith.constant 25 : i32
    %dma_wait3A = arith.constant 0 : i32
    %dma_wait3A_71 = arith.constant 0 : i32
    %dma_wait3A_72 = tpu.memref_slice %arg6[%dma_wait3A, %dma_wait3A_71] : memref<204800x64xf32, #tpu.memory_space<hbm>> -> memref<128x64xf32, #tpu.memory_space<hbm>>
    %dma_wait3A_73 = arith.constant 0 : i32
    %dma_wait3A_74 = arith.constant 0 : i32
    %dma_wait3A_75 = tpu.memref_slice %arg6[%dma_wait3A_73, %dma_wait3A_74] : memref<204800x64xf32, #tpu.memory_space<hbm>> -> memref<128x64xf32, #tpu.memory_space<hbm>>
    tpu.wait_dma2 semaphore(%arg19 : memref<!tpu.dma_semaphore, #tpu.memory_space<semaphore_mem>>) src(%arg14 : memref<128x64xf32, #tpu.memory_space<vmem>>) dst(%dma_wait3A_75 : memref<128x64xf32, #tpu.memory_space<hbm>>)
    return
  }
}

#map = affine_map<(d0, d1) -> (0)>
#map1 = affine_map<(d0, d1) -> (0, 0)>
module attributes {stable_mosaic.version = 14 : i64} {
  func.func @k(%arg0: i32, %arg1: i32, %arg2: memref<204800xi32, #tpu.memory_space<hbm>>, %arg3: memref<204800xi32, #tpu.memory_space<hbm>>, %arg4: memref<100000x64xf32, #tpu.memory_space<hbm>>, %arg5: memref<800x64xf32, #tpu.memory_space<hbm>>, %arg6: memref<204800x64xf32, #tpu.memory_space<hbm>>, %arg7: memref<128xi32, #tpu.memory_space<vmem>>, %arg8: memref<128xi32, #tpu.memory_space<vmem>>, %arg9: memref<128xi32, #tpu.memory_space<vmem>>, %arg10: memref<128xi32, #tpu.memory_space<vmem>>, %arg11: memref<128xi32, #tpu.memory_space<vmem>>, %arg12: memref<128xi32, #tpu.memory_space<vmem>>, %arg13: memref<128x64xf32, #tpu.memory_space<vmem>>, %arg14: memref<128x64xf32, #tpu.memory_space<vmem>>, %arg15: memref<800x64xf32, #tpu.memory_space<vmem_shared>>, %arg16: memref<!tpu.dma_semaphore, #tpu.memory_space<semaphore_mem>>, %arg17: memref<!tpu.dma_semaphore, #tpu.memory_space<semaphore_mem>>, %arg18: memref<!tpu.dma_semaphore, #tpu.memory_space<semaphore_mem>>, %arg19: memref<!tpu.dma_semaphore, #tpu.memory_space<semaphore_mem>>) attributes {dimension_semantics = [#tpu.dimension_semantics<core_parallel>, #tpu.dimension_semantics<subcore_parallel>], iteration_bounds = array<i64: 2, 16>, scalar_prefetch = 0 : i64, scratch_operands = 13 : i64, tpu.core_type = #tpu.core_type<sc_vector_subcore>, window_params = [{transform_indices = #map}, {transform_indices = #map}, {transform_indices = #map1}, {transform_indices = #map1}, {transform_indices = #map1}]} {
    %mul3A = arith.constant 2 : i32
    %mul3A_0 = arith.muli %arg1, %mul3A : i32
    %add3A = arith.addi %mul3A_0, %arg0 : i32
    %mul3A_1 = arith.constant 6400 : i32
    %mul3A_2 = arith.muli %add3A, %mul3A_1 : i32
    %iota3A = tpu.iota {dimensions = array<i32: 0>} : vector<16xi32>
    %add3A_3 = arith.constant 0 : i32
    %add3A_4 = vector.broadcast %add3A_3 : i32 to vector<16xi32>
    %add3A_5 = arith.addi %iota3A, %add3A_4 : vector<16xi32>
    %swap3A = arith.constant 0 : index
    %swap3A_6 = tpu.vector_load %arg12[%swap3A] {strides = array<i32>} : memref<128xi32, #tpu.memory_space<vmem>>, vector<16xi32>,
    %swap3A_7 = vector.shape_cast %swap3A_6 : vector<16xi32> to vector<16xi32>
    %swap3A_8 = vector.shape_cast %add3A_5 : vector<16xi32> to vector<16xi32>
    tpu.vector_store %arg12[%swap3A], %swap3A_8 {strides = array<i32>} : memref<128xi32, #tpu.memory_space<vmem>>, vector<16xi32>,
    %add3A_9 = arith.constant 16 : i32
    %add3A_10 = vector.broadcast %add3A_9 : i32 to vector<16xi32>
    %add3A_11 = arith.addi %iota3A, %add3A_10 : vector<16xi32>
    %swap3A_12 = arith.constant 16 : index
    %swap3A_13 = tpu.vector_load %arg12[%swap3A_12] {strides = array<i32>} : memref<128xi32, #tpu.memory_space<vmem>>, vector<16xi32>,
    %swap3A_14 = vector.shape_cast %swap3A_13 : vector<16xi32> to vector<16xi32>
    %swap3A_15 = vector.shape_cast %add3A_11 : vector<16xi32> to vector<16xi32>
    tpu.vector_store %arg12[%swap3A_12], %swap3A_15 {strides = array<i32>} : memref<128xi32, #tpu.memory_space<vmem>>, vector<16xi32>,
    %add3A_16 = arith.constant 32 : i32
    %add3A_17 = vector.broadcast %add3A_16 : i32 to vector<16xi32>
    %add3A_18 = arith.addi %iota3A, %add3A_17 : vector<16xi32>
    %swap3A_19 = arith.constant 32 : index
    %swap3A_20 = tpu.vector_load %arg12[%swap3A_19] {strides = array<i32>} : memref<128xi32, #tpu.memory_space<vmem>>, vector<16xi32>,
    %swap3A_21 = vector.shape_cast %swap3A_20 : vector<16xi32> to vector<16xi32>
    %swap3A_22 = vector.shape_cast %add3A_18 : vector<16xi32> to vector<16xi32>
    tpu.vector_store %arg12[%swap3A_19], %swap3A_22 {strides = array<i32>} : memref<128xi32, #tpu.memory_space<vmem>>, vector<16xi32>,
    %add3A_23 = arith.constant 48 : i32
    %add3A_24 = vector.broadcast %add3A_23 : i32 to vector<16xi32>
    %add3A_25 = arith.addi %iota3A, %add3A_24 : vector<16xi32>
    %swap3A_26 = arith.constant 48 : index
    %swap3A_27 = tpu.vector_load %arg12[%swap3A_26] {strides = array<i32>} : memref<128xi32, #tpu.memory_space<vmem>>, vector<16xi32>,
    %swap3A_28 = vector.shape_cast %swap3A_27 : vector<16xi32> to vector<16xi32>
    %swap3A_29 = vector.shape_cast %add3A_25 : vector<16xi32> to vector<16xi32>
    tpu.vector_store %arg12[%swap3A_26], %swap3A_29 {strides = array<i32>} : memref<128xi32, #tpu.memory_space<vmem>>, vector<16xi32>,
    %add3A_30 = arith.constant 64 : i32
    %add3A_31 = vector.broadcast %add3A_30 : i32 to vector<16xi32>
    %add3A_32 = arith.addi %iota3A, %add3A_31 : vector<16xi32>
    %swap3A_33 = arith.constant 64 : index
    %swap3A_34 = tpu.vector_load %arg12[%swap3A_33] {strides = array<i32>} : memref<128xi32, #tpu.memory_space<vmem>>, vector<16xi32>,
    %swap3A_35 = vector.shape_cast %swap3A_34 : vector<16xi32> to vector<16xi32>
    %swap3A_36 = vector.shape_cast %add3A_32 : vector<16xi32> to vector<16xi32>
    tpu.vector_store %arg12[%swap3A_33], %swap3A_36 {strides = array<i32>} : memref<128xi32, #tpu.memory_space<vmem>>, vector<16xi32>,
    %add3A_37 = arith.constant 80 : i32
    %add3A_38 = vector.broadcast %add3A_37 : i32 to vector<16xi32>
    %add3A_39 = arith.addi %iota3A, %add3A_38 : vector<16xi32>
    %swap3A_40 = arith.constant 80 : index
    %swap3A_41 = tpu.vector_load %arg12[%swap3A_40] {strides = array<i32>} : memref<128xi32, #tpu.memory_space<vmem>>, vector<16xi32>,
    %swap3A_42 = vector.shape_cast %swap3A_41 : vector<16xi32> to vector<16xi32>
    %swap3A_43 = vector.shape_cast %add3A_39 : vector<16xi32> to vector<16xi32>
    tpu.vector_store %arg12[%swap3A_40], %swap3A_43 {strides = array<i32>} : memref<128xi32, #tpu.memory_space<vmem>>, vector<16xi32>,
    %add3A_44 = arith.constant 96 : i32
    %add3A_45 = vector.broadcast %add3A_44 : i32 to vector<16xi32>
    %add3A_46 = arith.addi %iota3A, %add3A_45 : vector<16xi32>
    %swap3A_47 = arith.constant 96 : index
    %swap3A_48 = tpu.vector_load %arg12[%swap3A_47] {strides = array<i32>} : memref<128xi32, #tpu.memory_space<vmem>>, vector<16xi32>,
    %swap3A_49 = vector.shape_cast %swap3A_48 : vector<16xi32> to vector<16xi32>
    %swap3A_50 = vector.shape_cast %add3A_46 : vector<16xi32> to vector<16xi32>
    tpu.vector_store %arg12[%swap3A_47], %swap3A_50 {strides = array<i32>} : memref<128xi32, #tpu.memory_space<vmem>>, vector<16xi32>,
    %add3A_51 = arith.constant 112 : i32
    %add3A_52 = vector.broadcast %add3A_51 : i32 to vector<16xi32>
    %add3A_53 = arith.addi %iota3A, %add3A_52 : vector<16xi32>
    %swap3A_54 = arith.constant 112 : index
    %swap3A_55 = tpu.vector_load %arg12[%swap3A_54] {strides = array<i32>} : memref<128xi32, #tpu.memory_space<vmem>>, vector<16xi32>,
    %swap3A_56 = vector.shape_cast %swap3A_55 : vector<16xi32> to vector<16xi32>
    %swap3A_57 = vector.shape_cast %add3A_53 : vector<16xi32> to vector<16xi32>
    tpu.vector_store %arg12[%swap3A_54], %swap3A_57 {strides = array<i32>} : memref<128xi32, #tpu.memory_space<vmem>>, vector<16xi32>,
    %eq3A = arith.constant 0 : i32
    %eq3A_58 = arith.cmpi eq, %arg1, %eq3A : i32
    %convert_element_type3A = arith.extui %eq3A_58 : i1 to i32
    %cond3A = arith.constant 0 : i32
    %cond3A_59 = arith.cmpi ne, %convert_element_type3A, %cond3A : i32
    scf.if %cond3A_59 {
      "tpu.region"() ({
        %run_scoped3A = tpu.sem_alloc : memref<!tpu.dma_semaphore, #tpu.memory_space<semaphore_mem>>
        tpu.enqueue_dma source(%arg5 : memref<800x64xf32, #tpu.memory_space<hbm>>) target(%arg15 : memref<800x64xf32, #tpu.memory_space<vmem_shared>>) target_semaphore(%run_scoped3A : memref<!tpu.dma_semaphore, #tpu.memory_space<semaphore_mem>>)
        tpu.wait_dma2 semaphore(%run_scoped3A : memref<!tpu.dma_semaphore, #tpu.memory_space<semaphore_mem>>) src(%arg5 : memref<800x64xf32, #tpu.memory_space<hbm>>) dst(%arg15 : memref<800x64xf32, #tpu.memory_space<vmem_shared>>)
        tpu.yield
      }) : () -> ()
    } else {
    }
    %barrier3A = arith.constant 0 : index
    tpu.barrier barrier_id(%barrier3A)
    %add3A_60 = arith.constant 0 : i32
    %add3A_61 = arith.addi %mul3A_2, %add3A_60 : i32
    "tpu.region"() ({
      %run_scoped3A = tpu.sem_alloc : memref<!tpu.dma_semaphore, #tpu.memory_space<semaphore_mem>>
      %dma_start3A_76 = tpu.memref_slice %arg2[%add3A_61] : memref<204800xi32, #tpu.memory_space<hbm>> -> memref<128xi32, #tpu.memory_space<hbm>>
      %dma_start3A_77 = tpu.memref_slice %arg2[%add3A_61] : memref<204800xi32, #tpu.memory_space<hbm>> -> memref<128xi32, #tpu.memory_space<hbm>>
      tpu.enqueue_dma source(%dma_start3A_77 : memref<128xi32, #tpu.memory_space<hbm>>) target(%arg7 : memref<128xi32, #tpu.memory_space<vmem>>) target_semaphore(%run_scoped3A : memref<!tpu.dma_semaphore, #tpu.memory_space<semaphore_mem>>)
      %dma_wait3A_78 = tpu.memref_slice %arg2[%add3A_61] : memref<204800xi32, #tpu.memory_space<hbm>> -> memref<128xi32, #tpu.memory_space<hbm>>
      %dma_wait3A_79 = tpu.memref_slice %arg2[%add3A_61] : memref<204800xi32, #tpu.memory_space<hbm>> -> memref<128xi32, #tpu.memory_space<hbm>>
      tpu.wait_dma2 semaphore(%run_scoped3A : memref<!tpu.dma_semaphore, #tpu.memory_space<semaphore_mem>>) src(%dma_wait3A_79 : memref<128xi32, #tpu.memory_space<hbm>>) dst(%arg7 : memref<128xi32, #tpu.memory_space<vmem>>)
      tpu.yield
    }) : () -> ()
    "tpu.region"() ({
      %run_scoped3A = tpu.sem_alloc : memref<!tpu.dma_semaphore, #tpu.memory_space<semaphore_mem>>
      %dma_start3A_76 = tpu.memref_slice %arg3[%add3A_61] : memref<204800xi32, #tpu.memory_space<hbm>> -> memref<128xi32, #tpu.memory_space<hbm>>
      %dma_start3A_77 = tpu.memref_slice %arg3[%add3A_61] : memref<204800xi32, #tpu.memory_space<hbm>> -> memref<128xi32, #tpu.memory_space<hbm>>
      tpu.enqueue_dma source(%dma_start3A_77 : memref<128xi32, #tpu.memory_space<hbm>>) target(%arg9 : memref<128xi32, #tpu.memory_space<vmem>>) target_semaphore(%run_scoped3A : memref<!tpu.dma_semaphore, #tpu.memory_space<semaphore_mem>>)
      %dma_wait3A_78 = tpu.memref_slice %arg3[%add3A_61] : memref<204800xi32, #tpu.memory_space<hbm>> -> memref<128xi32, #tpu.memory_space<hbm>>
      %dma_wait3A_79 = tpu.memref_slice %arg3[%add3A_61] : memref<204800xi32, #tpu.memory_space<hbm>> -> memref<128xi32, #tpu.memory_space<hbm>>
      tpu.wait_dma2 semaphore(%run_scoped3A : memref<!tpu.dma_semaphore, #tpu.memory_space<semaphore_mem>>) src(%dma_wait3A_79 : memref<128xi32, #tpu.memory_space<hbm>>) dst(%arg9 : memref<128xi32, #tpu.memory_space<vmem>>)
      tpu.yield
    }) : () -> ()
    %add3A_62 = arith.constant 128 : i32
    %add3A_63 = arith.addi %mul3A_2, %add3A_62 : i32
    "tpu.region"() ({
      %run_scoped3A = tpu.sem_alloc : memref<!tpu.dma_semaphore, #tpu.memory_space<semaphore_mem>>
      %dma_start3A_76 = tpu.memref_slice %arg2[%add3A_63] : memref<204800xi32, #tpu.memory_space<hbm>> -> memref<128xi32, #tpu.memory_space<hbm>>
      %dma_start3A_77 = tpu.memref_slice %arg2[%add3A_63] : memref<204800xi32, #tpu.memory_space<hbm>> -> memref<128xi32, #tpu.memory_space<hbm>>
      tpu.enqueue_dma source(%dma_start3A_77 : memref<128xi32, #tpu.memory_space<hbm>>) target(%arg8 : memref<128xi32, #tpu.memory_space<vmem>>) target_semaphore(%run_scoped3A : memref<!tpu.dma_semaphore, #tpu.memory_space<semaphore_mem>>)
      %dma_wait3A_78 = tpu.memref_slice %arg2[%add3A_63] : memref<204800xi32, #tpu.memory_space<hbm>> -> memref<128xi32, #tpu.memory_space<hbm>>
      %dma_wait3A_79 = tpu.memref_slice %arg2[%add3A_63] : memref<204800xi32, #tpu.memory_space<hbm>> -> memref<128xi32, #tpu.memory_space<hbm>>
      tpu.wait_dma2 semaphore(%run_scoped3A : memref<!tpu.dma_semaphore, #tpu.memory_space<semaphore_mem>>) src(%dma_wait3A_79 : memref<128xi32, #tpu.memory_space<hbm>>) dst(%arg8 : memref<128xi32, #tpu.memory_space<vmem>>)
      tpu.yield
    }) : () -> ()
    "tpu.region"() ({
      %run_scoped3A = tpu.sem_alloc : memref<!tpu.dma_semaphore, #tpu.memory_space<semaphore_mem>>
      %dma_start3A_76 = tpu.memref_slice %arg3[%add3A_63] : memref<204800xi32, #tpu.memory_space<hbm>> -> memref<128xi32, #tpu.memory_space<hbm>>
      %dma_start3A_77 = tpu.memref_slice %arg3[%add3A_63] : memref<204800xi32, #tpu.memory_space<hbm>> -> memref<128xi32, #tpu.memory_space<hbm>>
      tpu.enqueue_dma source(%dma_start3A_77 : memref<128xi32, #tpu.memory_space<hbm>>) target(%arg10 : memref<128xi32, #tpu.memory_space<vmem>>) target_semaphore(%run_scoped3A : memref<!tpu.dma_semaphore, #tpu.memory_space<semaphore_mem>>)
      %dma_wait3A_78 = tpu.memref_slice %arg3[%add3A_63] : memref<204800xi32, #tpu.memory_space<hbm>> -> memref<128xi32, #tpu.memory_space<hbm>>
      %dma_wait3A_79 = tpu.memref_slice %arg3[%add3A_63] : memref<204800xi32, #tpu.memory_space<hbm>> -> memref<128xi32, #tpu.memory_space<hbm>>
      tpu.wait_dma2 semaphore(%run_scoped3A : memref<!tpu.dma_semaphore, #tpu.memory_space<semaphore_mem>>) src(%dma_wait3A_79 : memref<128xi32, #tpu.memory_space<hbm>>) dst(%arg10 : memref<128xi32, #tpu.memory_space<vmem>>)
      tpu.yield
    }) : () -> ()
    %dma_start3A = arith.constant 0 : i32
    %dma_start3A_64 = arith.constant 0 : i32
    %dma_start3A_65 = tpu.memref_slice %arg4[%dma_start3A, %dma_start3A_64] : memref<100000x64xf32, #tpu.memory_space<hbm>> -> memref<100000x64xf32, #tpu.memory_space<hbm>>
    tpu.enqueue_indirect_dma source(%dma_start3A_65 : memref<100000x64xf32, #tpu.memory_space<hbm>>) target(%arg13 : memref<128x64xf32, #tpu.memory_space<vmem>>) offsets(%arg7 : memref<128xi32, #tpu.memory_space<vmem>>) semaphore(%arg16 : memref<!tpu.dma_semaphore, #tpu.memory_space<semaphore_mem>>)
    %scan3A = arith.constant 0 : i32
    %scan3A_66 = arith.constant 0 : i32
    %scan3A_67 = arith.constant 25 : i32
    %scan3A_68 = arith.addi %scan3A_66, %scan3A_67 : i32
    %scan3A_69 = arith.constant 1 : i32
    scf.for %scan3A_76 = %scan3A_66 to %scan3A_68 step %scan3A_69  : i32 {
      %mul3A_77 = arith.constant 2 : i32
      %mul3A_78 = arith.muli %mul3A_77, %scan3A_76 : i32
      %mul3A_79 = arith.constant 128 : i32
      %mul3A_80 = arith.muli %mul3A_78, %mul3A_79 : i32
      %add3A_81 = arith.addi %mul3A_2, %mul3A_80 : i32
      %rem3A = arith.constant 200 : i32
      %rem3A_82 = arith.remsi %add3A_81, %rem3A : i32
      %gt3A = arith.constant 0 : i32
      %gt3A_83 = arith.cmpi sgt, %mul3A_78, %gt3A : i32
      %convert_element_type3A_84 = arith.extui %gt3A_83 : i1 to i32
      %cond3A_85 = arith.constant 0 : i32
      %cond3A_86 = arith.cmpi ne, %convert_element_type3A_84, %cond3A_85 : i32
      scf.if %cond3A_86 {
        %dma_wait3A_397 = arith.constant 0 : i32
        %dma_wait3A_398 = arith.constant 0 : i32
        %dma_wait3A_399 = tpu.memref_slice %arg6[%dma_wait3A_397, %dma_wait3A_398] : memref<204800x64xf32, #tpu.memory_space<hbm>> -> memref<128x64xf32, #tpu.memory_space<hbm>>
        %dma_wait3A_400 = arith.constant 0 : i32
        %dma_wait3A_401 = arith.constant 0 : i32
        %dma_wait3A_402 = tpu.memref_slice %arg6[%dma_wait3A_400, %dma_wait3A_401] : memref<204800x64xf32, #tpu.memory_space<hbm>> -> memref<128x64xf32, #tpu.memory_space<hbm>>
        tpu.wait_dma2 semaphore(%arg19 : memref<!tpu.dma_semaphore, #tpu.memory_space<semaphore_mem>>) src(%arg14 : memref<128x64xf32, #tpu.memory_space<vmem>>) dst(%dma_wait3A_402 : memref<128x64xf32, #tpu.memory_space<hbm>>)
      } else {
      }
      %add3A_87 = arith.constant 1 : i32
      %add3A_88 = arith.addi %mul3A_78, %add3A_87 : i32
      %lt3A = arith.constant 50 : i32
      %lt3A_89 = arith.cmpi slt, %add3A_88, %lt3A : i32
      %convert_element_type3A_90 = arith.extui %lt3A_89 : i1 to i32
      %cond3A_91 = arith.constant 0 : i32
      %cond3A_92 = arith.cmpi ne, %convert_element_type3A_90, %cond3A_91 : i32
      scf.if %cond3A_92 {
        %dma_start3A_397 = arith.constant 0 : i32
        %dma_start3A_398 = arith.constant 0 : i32
        %dma_start3A_399 = tpu.memref_slice %arg4[%dma_start3A_397, %dma_start3A_398] : memref<100000x64xf32, #tpu.memory_space<hbm>> -> memref<100000x64xf32, #tpu.memory_space<hbm>>
        tpu.enqueue_indirect_dma source(%dma_start3A_399 : memref<100000x64xf32, #tpu.memory_space<hbm>>) target(%arg14 : memref<128x64xf32, #tpu.memory_space<vmem>>) offsets(%arg8 : memref<128xi32, #tpu.memory_space<vmem>>) semaphore(%arg17 : memref<!tpu.dma_semaphore, #tpu.memory_space<semaphore_mem>>)
      } else {
      }
      %dma_wait3A_93 = arith.constant 0 : i32
      %dma_wait3A_94 = arith.constant 0 : i32
      %dma_wait3A_95 = tpu.memref_slice %arg4[%dma_wait3A_93, %dma_wait3A_94] : memref<100000x64xf32, #tpu.memory_space<hbm>> -> memref<100000x64xf32, #tpu.memory_space<hbm>>
      tpu.wait_indirect_dma semaphore(%arg16 : memref<!tpu.dma_semaphore, #tpu.memory_space<semaphore_mem>>) src(%dma_wait3A_95 : memref<100000x64xf32, #tpu.memory_space<hbm>>) dst(%arg13 : memref<128x64xf32, #tpu.memory_space<vmem>>)
      %get3A = arith.constant 0 : index
      %get3A_96 = tpu.vector_load %arg9[%get3A] {strides = array<i32>} : memref<128xi32, #tpu.memory_space<vmem>>, vector<16xi32>,
      %get3A_97 = vector.shape_cast %get3A_96 : vector<16xi32> to vector<16xi32>
      %mul3A_98 = arith.constant 400 : i32
      %mul3A_99 = vector.broadcast %mul3A_98 : i32 to vector<16xi32>
      %mul3A_100 = arith.muli %get3A_97, %mul3A_99 : vector<16xi32>
      %get3A_101 = arith.constant 0 : index
      %get3A_102 = tpu.vector_load %arg12[%get3A_101] {strides = array<i32>} : memref<128xi32, #tpu.memory_space<vmem>>, vector<16xi32>,
      %get3A_103 = vector.shape_cast %get3A_102 : vector<16xi32> to vector<16xi32>
      %add3A_104 = arith.addi %mul3A_100, %get3A_103 : vector<16xi32>
      %add3A_105 = vector.broadcast %rem3A_82 : i32 to vector<16xi32>
      %add3A_106 = arith.addi %add3A_104, %add3A_105 : vector<16xi32>
      %swap3A_107 = arith.constant 0 : index
      %swap3A_108 = tpu.vector_load %arg11[%swap3A_107] {strides = array<i32>} : memref<128xi32, #tpu.memory_space<vmem>>, vector<16xi32>,
      %swap3A_109 = vector.shape_cast %swap3A_108 : vector<16xi32> to vector<16xi32>
      %swap3A_110 = vector.shape_cast %add3A_106 : vector<16xi32> to vector<16xi32>
      tpu.vector_store %arg11[%swap3A_107], %swap3A_110 {strides = array<i32>} : memref<128xi32, #tpu.memory_space<vmem>>, vector<16xi32>,
      %get3A_111 = arith.constant 16 : index
      %get3A_112 = tpu.vector_load %arg9[%get3A_111] {strides = array<i32>} : memref<128xi32, #tpu.memory_space<vmem>>, vector<16xi32>,
      %get3A_113 = vector.shape_cast %get3A_112 : vector<16xi32> to vector<16xi32>
      %mul3A_114 = arith.constant 400 : i32
      %mul3A_115 = vector.broadcast %mul3A_114 : i32 to vector<16xi32>
      %mul3A_116 = arith.muli %get3A_113, %mul3A_115 : vector<16xi32>
      %get3A_117 = arith.constant 16 : index
      %get3A_118 = tpu.vector_load %arg12[%get3A_117] {strides = array<i32>} : memref<128xi32, #tpu.memory_space<vmem>>, vector<16xi32>,
      %get3A_119 = vector.shape_cast %get3A_118 : vector<16xi32> to vector<16xi32>
      %add3A_120 = arith.addi %mul3A_116, %get3A_119 : vector<16xi32>
      %add3A_121 = vector.broadcast %rem3A_82 : i32 to vector<16xi32>
      %add3A_122 = arith.addi %add3A_120, %add3A_121 : vector<16xi32>
      %swap3A_123 = arith.constant 16 : index
      %swap3A_124 = tpu.vector_load %arg11[%swap3A_123] {strides = array<i32>} : memref<128xi32, #tpu.memory_space<vmem>>, vector<16xi32>,
      %swap3A_125 = vector.shape_cast %swap3A_124 : vector<16xi32> to vector<16xi32>
      %swap3A_126 = vector.shape_cast %add3A_122 : vector<16xi32> to vector<16xi32>
      tpu.vector_store %arg11[%swap3A_123], %swap3A_126 {strides = array<i32>} : memref<128xi32, #tpu.memory_space<vmem>>, vector<16xi32>,
      %get3A_127 = arith.constant 32 : index
      %get3A_128 = tpu.vector_load %arg9[%get3A_127] {strides = array<i32>} : memref<128xi32, #tpu.memory_space<vmem>>, vector<16xi32>,
      %get3A_129 = vector.shape_cast %get3A_128 : vector<16xi32> to vector<16xi32>
      %mul3A_130 = arith.constant 400 : i32
      %mul3A_131 = vector.broadcast %mul3A_130 : i32 to vector<16xi32>
      %mul3A_132 = arith.muli %get3A_129, %mul3A_131 : vector<16xi32>
      %get3A_133 = arith.constant 32 : index
      %get3A_134 = tpu.vector_load %arg12[%get3A_133] {strides = array<i32>} : memref<128xi32, #tpu.memory_space<vmem>>, vector<16xi32>,
      %get3A_135 = vector.shape_cast %get3A_134 : vector<16xi32> to vector<16xi32>
      %add3A_136 = arith.addi %mul3A_132, %get3A_135 : vector<16xi32>
      %add3A_137 = vector.broadcast %rem3A_82 : i32 to vector<16xi32>
      %add3A_138 = arith.addi %add3A_136, %add3A_137 : vector<16xi32>
      %swap3A_139 = arith.constant 32 : index
      %swap3A_140 = tpu.vector_load %arg11[%swap3A_139] {strides = array<i32>} : memref<128xi32, #tpu.memory_space<vmem>>, vector<16xi32>,
      %swap3A_141 = vector.shape_cast %swap3A_140 : vector<16xi32> to vector<16xi32>
      %swap3A_142 = vector.shape_cast %add3A_138 : vector<16xi32> to vector<16xi32>
      tpu.vector_store %arg11[%swap3A_139], %swap3A_142 {strides = array<i32>} : memref<128xi32, #tpu.memory_space<vmem>>, vector<16xi32>,
      %get3A_143 = arith.constant 48 : index
      %get3A_144 = tpu.vector_load %arg9[%get3A_143] {strides = array<i32>} : memref<128xi32, #tpu.memory_space<vmem>>, vector<16xi32>,
      %get3A_145 = vector.shape_cast %get3A_144 : vector<16xi32> to vector<16xi32>
      %mul3A_146 = arith.constant 400 : i32
      %mul3A_147 = vector.broadcast %mul3A_146 : i32 to vector<16xi32>
      %mul3A_148 = arith.muli %get3A_145, %mul3A_147 : vector<16xi32>
      %get3A_149 = arith.constant 48 : index
      %get3A_150 = tpu.vector_load %arg12[%get3A_149] {strides = array<i32>} : memref<128xi32, #tpu.memory_space<vmem>>, vector<16xi32>,
      %get3A_151 = vector.shape_cast %get3A_150 : vector<16xi32> to vector<16xi32>
      %add3A_152 = arith.addi %mul3A_148, %get3A_151 : vector<16xi32>
      %add3A_153 = vector.broadcast %rem3A_82 : i32 to vector<16xi32>
      %add3A_154 = arith.addi %add3A_152, %add3A_153 : vector<16xi32>
      %swap3A_155 = arith.constant 48 : index
      %swap3A_156 = tpu.vector_load %arg11[%swap3A_155] {strides = array<i32>} : memref<128xi32, #tpu.memory_space<vmem>>, vector<16xi32>,
      %swap3A_157 = vector.shape_cast %swap3A_156 : vector<16xi32> to vector<16xi32>
      %swap3A_158 = vector.shape_cast %add3A_154 : vector<16xi32> to vector<16xi32>
      tpu.vector_store %arg11[%swap3A_155], %swap3A_158 {strides = array<i32>} : memref<128xi32, #tpu.memory_space<vmem>>, vector<16xi32>,
      %get3A_159 = arith.constant 64 : index
      %get3A_160 = tpu.vector_load %arg9[%get3A_159] {strides = array<i32>} : memref<128xi32, #tpu.memory_space<vmem>>, vector<16xi32>,
      %get3A_161 = vector.shape_cast %get3A_160 : vector<16xi32> to vector<16xi32>
      %mul3A_162 = arith.constant 400 : i32
      %mul3A_163 = vector.broadcast %mul3A_162 : i32 to vector<16xi32>
      %mul3A_164 = arith.muli %get3A_161, %mul3A_163 : vector<16xi32>
      %get3A_165 = arith.constant 64 : index
      %get3A_166 = tpu.vector_load %arg12[%get3A_165] {strides = array<i32>} : memref<128xi32, #tpu.memory_space<vmem>>, vector<16xi32>,
      %get3A_167 = vector.shape_cast %get3A_166 : vector<16xi32> to vector<16xi32>
      %add3A_168 = arith.addi %mul3A_164, %get3A_167 : vector<16xi32>
      %add3A_169 = vector.broadcast %rem3A_82 : i32 to vector<16xi32>
      %add3A_170 = arith.addi %add3A_168, %add3A_169 : vector<16xi32>
      %swap3A_171 = arith.constant 64 : index
      %swap3A_172 = tpu.vector_load %arg11[%swap3A_171] {strides = array<i32>} : memref<128xi32, #tpu.memory_space<vmem>>, vector<16xi32>,
      %swap3A_173 = vector.shape_cast %swap3A_172 : vector<16xi32> to vector<16xi32>
      %swap3A_174 = vector.shape_cast %add3A_170 : vector<16xi32> to vector<16xi32>
      tpu.vector_store %arg11[%swap3A_171], %swap3A_174 {strides = array<i32>} : memref<128xi32, #tpu.memory_space<vmem>>, vector<16xi32>,
      %get3A_175 = arith.constant 80 : index
      %get3A_176 = tpu.vector_load %arg9[%get3A_175] {strides = array<i32>} : memref<128xi32, #tpu.memory_space<vmem>>, vector<16xi32>,
      %get3A_177 = vector.shape_cast %get3A_176 : vector<16xi32> to vector<16xi32>
      %mul3A_178 = arith.constant 400 : i32
      %mul3A_179 = vector.broadcast %mul3A_178 : i32 to vector<16xi32>
      %mul3A_180 = arith.muli %get3A_177, %mul3A_179 : vector<16xi32>
      %get3A_181 = arith.constant 80 : index
      %get3A_182 = tpu.vector_load %arg12[%get3A_181] {strides = array<i32>} : memref<128xi32, #tpu.memory_space<vmem>>, vector<16xi32>,
      %get3A_183 = vector.shape_cast %get3A_182 : vector<16xi32> to vector<16xi32>
      %add3A_184 = arith.addi %mul3A_180, %get3A_183 : vector<16xi32>
      %add3A_185 = vector.broadcast %rem3A_82 : i32 to vector<16xi32>
      %add3A_186 = arith.addi %add3A_184, %add3A_185 : vector<16xi32>
      %swap3A_187 = arith.constant 80 : index
      %swap3A_188 = tpu.vector_load %arg11[%swap3A_187] {strides = array<i32>} : memref<128xi32, #tpu.memory_space<vmem>>, vector<16xi32>,
      %swap3A_189 = vector.shape_cast %swap3A_188 : vector<16xi32> to vector<16xi32>
      %swap3A_190 = vector.shape_cast %add3A_186 : vector<16xi32> to vector<16xi32>
      tpu.vector_store %arg11[%swap3A_187], %swap3A_190 {strides = array<i32>} : memref<128xi32, #tpu.memory_space<vmem>>, vector<16xi32>,
      %get3A_191 = arith.constant 96 : index
      %get3A_192 = tpu.vector_load %arg9[%get3A_191] {strides = array<i32>} : memref<128xi32, #tpu.memory_space<vmem>>, vector<16xi32>,
      %get3A_193 = vector.shape_cast %get3A_192 : vector<16xi32> to vector<16xi32>
      %mul3A_194 = arith.constant 400 : i32
      %mul3A_195 = vector.broadcast %mul3A_194 : i32 to vector<16xi32>
      %mul3A_196 = arith.muli %get3A_193, %mul3A_195 : vector<16xi32>
      %get3A_197 = arith.constant 96 : index
      %get3A_198 = tpu.vector_load %arg12[%get3A_197] {strides = array<i32>} : memref<128xi32, #tpu.memory_space<vmem>>, vector<16xi32>,
      %get3A_199 = vector.shape_cast %get3A_198 : vector<16xi32> to vector<16xi32>
      %add3A_200 = arith.addi %mul3A_196, %get3A_199 : vector<16xi32>
      %add3A_201 = vector.broadcast %rem3A_82 : i32 to vector<16xi32>
      %add3A_202 = arith.addi %add3A_200, %add3A_201 : vector<16xi32>
      %swap3A_203 = arith.constant 96 : index
      %swap3A_204 = tpu.vector_load %arg11[%swap3A_203] {strides = array<i32>} : memref<128xi32, #tpu.memory_space<vmem>>, vector<16xi32>,
      %swap3A_205 = vector.shape_cast %swap3A_204 : vector<16xi32> to vector<16xi32>
      %swap3A_206 = vector.shape_cast %add3A_202 : vector<16xi32> to vector<16xi32>
      tpu.vector_store %arg11[%swap3A_203], %swap3A_206 {strides = array<i32>} : memref<128xi32, #tpu.memory_space<vmem>>, vector<16xi32>,
      %get3A_207 = arith.constant 112 : index
      %get3A_208 = tpu.vector_load %arg9[%get3A_207] {strides = array<i32>} : memref<128xi32, #tpu.memory_space<vmem>>, vector<16xi32>,
      %get3A_209 = vector.shape_cast %get3A_208 : vector<16xi32> to vector<16xi32>
      %mul3A_210 = arith.constant 400 : i32
      %mul3A_211 = vector.broadcast %mul3A_210 : i32 to vector<16xi32>
      %mul3A_212 = arith.muli %get3A_209, %mul3A_211 : vector<16xi32>
      %get3A_213 = arith.constant 112 : index
      %get3A_214 = tpu.vector_load %arg12[%get3A_213] {strides = array<i32>} : memref<128xi32, #tpu.memory_space<vmem>>, vector<16xi32>,
      %get3A_215 = vector.shape_cast %get3A_214 : vector<16xi32> to vector<16xi32>
      %add3A_216 = arith.addi %mul3A_212, %get3A_215 : vector<16xi32>
      %add3A_217 = vector.broadcast %rem3A_82 : i32 to vector<16xi32>
      %add3A_218 = arith.addi %add3A_216, %add3A_217 : vector<16xi32>
      %swap3A_219 = arith.constant 112 : index
      %swap3A_220 = tpu.vector_load %arg11[%swap3A_219] {strides = array<i32>} : memref<128xi32, #tpu.memory_space<vmem>>, vector<16xi32>,
      %swap3A_221 = vector.shape_cast %swap3A_220 : vector<16xi32> to vector<16xi32>
      %swap3A_222 = vector.shape_cast %add3A_218 : vector<16xi32> to vector<16xi32>
      tpu.vector_store %arg11[%swap3A_219], %swap3A_222 {strides = array<i32>} : memref<128xi32, #tpu.memory_space<vmem>>, vector<16xi32>,
      "tpu.region"() ({
        %run_scoped3A = tpu.sem_alloc : memref<!tpu.dma_semaphore, #tpu.memory_space<semaphore_mem>>
        %dma_start3A_397 = arith.constant 0 : i32
        %dma_start3A_398 = arith.constant 0 : i32
        %dma_start3A_399 = tpu.memref_slice %arg15[%dma_start3A_397, %dma_start3A_398] : memref<800x64xf32, #tpu.memory_space<vmem_shared>> -> memref<800x64xf32, #tpu.memory_space<vmem_shared>>
        tpu.enqueue_indirect_dma source(%dma_start3A_399 : memref<800x64xf32, #tpu.memory_space<vmem_shared>>) target(%arg13 : memref<128x64xf32, #tpu.memory_space<vmem>>) offsets(%arg11 : memref<128xi32, #tpu.memory_space<vmem>>) semaphore(%run_scoped3A : memref<!tpu.dma_semaphore, #tpu.memory_space<semaphore_mem>>) {add = true}
        %dma_wait3A_400 = arith.constant 0 : i32
        %dma_wait3A_401 = arith.constant 0 : i32
        %dma_wait3A_402 = tpu.memref_slice %arg15[%dma_wait3A_400, %dma_wait3A_401] : memref<800x64xf32, #tpu.memory_space<vmem_shared>> -> memref<800x64xf32, #tpu.memory_space<vmem_shared>>
        tpu.wait_indirect_dma semaphore(%run_scoped3A : memref<!tpu.dma_semaphore, #tpu.memory_space<semaphore_mem>>) src(%dma_wait3A_402 : memref<800x64xf32, #tpu.memory_space<vmem_shared>>) dst(%arg13 : memref<128x64xf32, #tpu.memory_space<vmem>>)
        tpu.yield
      }) : () -> ()
      %dma_start3A_223 = arith.constant 0 : i32
      %dma_start3A_224 = tpu.memref_slice %arg6[%add3A_81, %dma_start3A_223] : memref<204800x64xf32, #tpu.memory_space<hbm>> -> memref<128x64xf32, #tpu.memory_space<hbm>>
      %dma_start3A_225 = arith.constant 0 : i32
      %dma_start3A_226 = tpu.memref_slice %arg6[%add3A_81, %dma_start3A_225] : memref<204800x64xf32, #tpu.memory_space<hbm>> -> memref<128x64xf32, #tpu.memory_space<hbm>>
      tpu.enqueue_dma source(%arg13 : memref<128x64xf32, #tpu.memory_space<vmem>>) target(%dma_start3A_226 : memref<128x64xf32, #tpu.memory_space<hbm>>) target_semaphore(%arg18 : memref<!tpu.dma_semaphore, #tpu.memory_space<semaphore_mem>>)
      %add3A_227 = arith.constant 2 : i32
      %add3A_228 = arith.addi %mul3A_78, %add3A_227 : i32
      %lt3A_229 = arith.constant 50 : i32
      %lt3A_230 = arith.cmpi slt, %add3A_228, %lt3A_229 : i32
      %convert_element_type3A_231 = arith.extui %lt3A_230 : i1 to i32
      %cond3A_232 = arith.constant 0 : i32
      %cond3A_233 = arith.cmpi ne, %convert_element_type3A_231, %cond3A_232 : i32
      scf.if %cond3A_233 {
        %add3A_397 = arith.constant 2 : i32
        %add3A_398 = arith.addi %mul3A_78, %add3A_397 : i32
        %mul3A_399 = arith.constant 128 : i32
        %mul3A_400 = arith.muli %add3A_398, %mul3A_399 : i32
        %add3A_401 = arith.addi %mul3A_2, %mul3A_400 : i32
        "tpu.region"() ({
          %run_scoped3A = tpu.sem_alloc : memref<!tpu.dma_semaphore, #tpu.memory_space<semaphore_mem>>
          %dma_start3A_402 = tpu.memref_slice %arg2[%add3A_401] : memref<204800xi32, #tpu.memory_space<hbm>> -> memref<128xi32, #tpu.memory_space<hbm>>
          %dma_start3A_403 = tpu.memref_slice %arg2[%add3A_401] : memref<204800xi32, #tpu.memory_space<hbm>> -> memref<128xi32, #tpu.memory_space<hbm>>
          tpu.enqueue_dma source(%dma_start3A_403 : memref<128xi32, #tpu.memory_space<hbm>>) target(%arg7 : memref<128xi32, #tpu.memory_space<vmem>>) target_semaphore(%run_scoped3A : memref<!tpu.dma_semaphore, #tpu.memory_space<semaphore_mem>>)
          %dma_wait3A_404 = tpu.memref_slice %arg2[%add3A_401] : memref<204800xi32, #tpu.memory_space<hbm>> -> memref<128xi32, #tpu.memory_space<hbm>>
          %dma_wait3A_405 = tpu.memref_slice %arg2[%add3A_401] : memref<204800xi32, #tpu.memory_space<hbm>> -> memref<128xi32, #tpu.memory_space<hbm>>
          tpu.wait_dma2 semaphore(%run_scoped3A : memref<!tpu.dma_semaphore, #tpu.memory_space<semaphore_mem>>) src(%dma_wait3A_405 : memref<128xi32, #tpu.memory_space<hbm>>) dst(%arg7 : memref<128xi32, #tpu.memory_space<vmem>>)
          tpu.yield
        }) : () -> ()
        "tpu.region"() ({
          %run_scoped3A = tpu.sem_alloc : memref<!tpu.dma_semaphore, #tpu.memory_space<semaphore_mem>>
          %dma_start3A_402 = tpu.memref_slice %arg3[%add3A_401] : memref<204800xi32, #tpu.memory_space<hbm>> -> memref<128xi32, #tpu.memory_space<hbm>>
          %dma_start3A_403 = tpu.memref_slice %arg3[%add3A_401] : memref<204800xi32, #tpu.memory_space<hbm>> -> memref<128xi32, #tpu.memory_space<hbm>>
          tpu.enqueue_dma source(%dma_start3A_403 : memref<128xi32, #tpu.memory_space<hbm>>) target(%arg9 : memref<128xi32, #tpu.memory_space<vmem>>) target_semaphore(%run_scoped3A : memref<!tpu.dma_semaphore, #tpu.memory_space<semaphore_mem>>)
          %dma_wait3A_404 = tpu.memref_slice %arg3[%add3A_401] : memref<204800xi32, #tpu.memory_space<hbm>> -> memref<128xi32, #tpu.memory_space<hbm>>
          %dma_wait3A_405 = tpu.memref_slice %arg3[%add3A_401] : memref<204800xi32, #tpu.memory_space<hbm>> -> memref<128xi32, #tpu.memory_space<hbm>>
          tpu.wait_dma2 semaphore(%run_scoped3A : memref<!tpu.dma_semaphore, #tpu.memory_space<semaphore_mem>>) src(%dma_wait3A_405 : memref<128xi32, #tpu.memory_space<hbm>>) dst(%arg9 : memref<128xi32, #tpu.memory_space<vmem>>)
          tpu.yield
        }) : () -> ()
      } else {
      }
      %mul3A_234 = arith.constant 2 : i32
      %mul3A_235 = arith.muli %mul3A_234, %scan3A_76 : i32
      %add3A_236 = arith.constant 1 : i32
      %add3A_237 = arith.addi %mul3A_235, %add3A_236 : i32
      %mul3A_238 = arith.constant 128 : i32
      %mul3A_239 = arith.muli %add3A_237, %mul3A_238 : i32
      %add3A_240 = arith.addi %mul3A_2, %mul3A_239 : i32
      %rem3A_241 = arith.constant 200 : i32
      %rem3A_242 = arith.remsi %add3A_240, %rem3A_241 : i32
      %gt3A_243 = arith.constant 0 : i32
      %gt3A_244 = arith.cmpi sgt, %add3A_237, %gt3A_243 : i32
      %convert_element_type3A_245 = arith.extui %gt3A_244 : i1 to i32
      %cond3A_246 = arith.constant 0 : i32
      %cond3A_247 = arith.cmpi ne, %convert_element_type3A_245, %cond3A_246 : i32
      scf.if %cond3A_247 {
        %dma_wait3A_397 = arith.constant 0 : i32
        %dma_wait3A_398 = arith.constant 0 : i32
        %dma_wait3A_399 = tpu.memref_slice %arg6[%dma_wait3A_397, %dma_wait3A_398] : memref<204800x64xf32, #tpu.memory_space<hbm>> -> memref<128x64xf32, #tpu.memory_space<hbm>>
        %dma_wait3A_400 = arith.constant 0 : i32
        %dma_wait3A_401 = arith.constant 0 : i32
        %dma_wait3A_402 = tpu.memref_slice %arg6[%dma_wait3A_400, %dma_wait3A_401] : memref<204800x64xf32, #tpu.memory_space<hbm>> -> memref<128x64xf32, #tpu.memory_space<hbm>>
        tpu.wait_dma2 semaphore(%arg18 : memref<!tpu.dma_semaphore, #tpu.memory_space<semaphore_mem>>) src(%arg13 : memref<128x64xf32, #tpu.memory_space<vmem>>) dst(%dma_wait3A_402 : memref<128x64xf32, #tpu.memory_space<hbm>>)
      } else {
      }
      %add3A_248 = arith.constant 1 : i32
      %add3A_249 = arith.addi %add3A_237, %add3A_248 : i32
      %lt3A_250 = arith.constant 50 : i32
      %lt3A_251 = arith.cmpi slt, %add3A_249, %lt3A_250 : i32
      %convert_element_type3A_252 = arith.extui %lt3A_251 : i1 to i32
      %cond3A_253 = arith.constant 0 : i32
      %cond3A_254 = arith.cmpi ne, %convert_element_type3A_252, %cond3A_253 : i32
      scf.if %cond3A_254 {
        %dma_start3A_397 = arith.constant 0 : i32
        %dma_start3A_398 = arith.constant 0 : i32
        %dma_start3A_399 = tpu.memref_slice %arg4[%dma_start3A_397, %dma_start3A_398] : memref<100000x64xf32, #tpu.memory_space<hbm>> -> memref<100000x64xf32, #tpu.memory_space<hbm>>
        tpu.enqueue_indirect_dma source(%dma_start3A_399 : memref<100000x64xf32, #tpu.memory_space<hbm>>) target(%arg13 : memref<128x64xf32, #tpu.memory_space<vmem>>) offsets(%arg7 : memref<128xi32, #tpu.memory_space<vmem>>) semaphore(%arg16 : memref<!tpu.dma_semaphore, #tpu.memory_space<semaphore_mem>>)
      } else {
      }
      %dma_wait3A_255 = arith.constant 0 : i32
      %dma_wait3A_256 = arith.constant 0 : i32
      %dma_wait3A_257 = tpu.memref_slice %arg4[%dma_wait3A_255, %dma_wait3A_256] : memref<100000x64xf32, #tpu.memory_space<hbm>> -> memref<100000x64xf32, #tpu.memory_space<hbm>>
      tpu.wait_indirect_dma semaphore(%arg17 : memref<!tpu.dma_semaphore, #tpu.memory_space<semaphore_mem>>) src(%dma_wait3A_257 : memref<100000x64xf32, #tpu.memory_space<hbm>>) dst(%arg14 : memref<128x64xf32, #tpu.memory_space<vmem>>)
      %get3A_258 = arith.constant 0 : index
      %get3A_259 = tpu.vector_load %arg10[%get3A_258] {strides = array<i32>} : memref<128xi32, #tpu.memory_space<vmem>>, vector<16xi32>,
      %get3A_260 = vector.shape_cast %get3A_259 : vector<16xi32> to vector<16xi32>
      %mul3A_261 = arith.constant 400 : i32
      %mul3A_262 = vector.broadcast %mul3A_261 : i32 to vector<16xi32>
      %mul3A_263 = arith.muli %get3A_260, %mul3A_262 : vector<16xi32>
      %get3A_264 = arith.constant 0 : index
      %get3A_265 = tpu.vector_load %arg12[%get3A_264] {strides = array<i32>} : memref<128xi32, #tpu.memory_space<vmem>>, vector<16xi32>,
      %get3A_266 = vector.shape_cast %get3A_265 : vector<16xi32> to vector<16xi32>
      %add3A_267 = arith.addi %mul3A_263, %get3A_266 : vector<16xi32>
      %add3A_268 = vector.broadcast %rem3A_242 : i32 to vector<16xi32>
      %add3A_269 = arith.addi %add3A_267, %add3A_268 : vector<16xi32>
      %swap3A_270 = arith.constant 0 : index
      %swap3A_271 = tpu.vector_load %arg11[%swap3A_270] {strides = array<i32>} : memref<128xi32, #tpu.memory_space<vmem>>, vector<16xi32>,
      %swap3A_272 = vector.shape_cast %swap3A_271 : vector<16xi32> to vector<16xi32>
      %swap3A_273 = vector.shape_cast %add3A_269 : vector<16xi32> to vector<16xi32>
      tpu.vector_store %arg11[%swap3A_270], %swap3A_273 {strides = array<i32>} : memref<128xi32, #tpu.memory_space<vmem>>, vector<16xi32>,
      %get3A_274 = arith.constant 16 : index
      %get3A_275 = tpu.vector_load %arg10[%get3A_274] {strides = array<i32>} : memref<128xi32, #tpu.memory_space<vmem>>, vector<16xi32>,
      %get3A_276 = vector.shape_cast %get3A_275 : vector<16xi32> to vector<16xi32>
      %mul3A_277 = arith.constant 400 : i32
      %mul3A_278 = vector.broadcast %mul3A_277 : i32 to vector<16xi32>
      %mul3A_279 = arith.muli %get3A_276, %mul3A_278 : vector<16xi32>
      %get3A_280 = arith.constant 16 : index
      %get3A_281 = tpu.vector_load %arg12[%get3A_280] {strides = array<i32>} : memref<128xi32, #tpu.memory_space<vmem>>, vector<16xi32>,
      %get3A_282 = vector.shape_cast %get3A_281 : vector<16xi32> to vector<16xi32>
      %add3A_283 = arith.addi %mul3A_279, %get3A_282 : vector<16xi32>
      %add3A_284 = vector.broadcast %rem3A_242 : i32 to vector<16xi32>
      %add3A_285 = arith.addi %add3A_283, %add3A_284 : vector<16xi32>
      %swap3A_286 = arith.constant 16 : index
      %swap3A_287 = tpu.vector_load %arg11[%swap3A_286] {strides = array<i32>} : memref<128xi32, #tpu.memory_space<vmem>>, vector<16xi32>,
      %swap3A_288 = vector.shape_cast %swap3A_287 : vector<16xi32> to vector<16xi32>
      %swap3A_289 = vector.shape_cast %add3A_285 : vector<16xi32> to vector<16xi32>
      tpu.vector_store %arg11[%swap3A_286], %swap3A_289 {strides = array<i32>} : memref<128xi32, #tpu.memory_space<vmem>>, vector<16xi32>,
      %get3A_290 = arith.constant 32 : index
      %get3A_291 = tpu.vector_load %arg10[%get3A_290] {strides = array<i32>} : memref<128xi32, #tpu.memory_space<vmem>>, vector<16xi32>,
      %get3A_292 = vector.shape_cast %get3A_291 : vector<16xi32> to vector<16xi32>
      %mul3A_293 = arith.constant 400 : i32
      %mul3A_294 = vector.broadcast %mul3A_293 : i32 to vector<16xi32>
      %mul3A_295 = arith.muli %get3A_292, %mul3A_294 : vector<16xi32>
      %get3A_296 = arith.constant 32 : index
      %get3A_297 = tpu.vector_load %arg12[%get3A_296] {strides = array<i32>} : memref<128xi32, #tpu.memory_space<vmem>>, vector<16xi32>,
      %get3A_298 = vector.shape_cast %get3A_297 : vector<16xi32> to vector<16xi32>
      %add3A_299 = arith.addi %mul3A_295, %get3A_298 : vector<16xi32>
      %add3A_300 = vector.broadcast %rem3A_242 : i32 to vector<16xi32>
      %add3A_301 = arith.addi %add3A_299, %add3A_300 : vector<16xi32>
      %swap3A_302 = arith.constant 32 : index
      %swap3A_303 = tpu.vector_load %arg11[%swap3A_302] {strides = array<i32>} : memref<128xi32, #tpu.memory_space<vmem>>, vector<16xi32>,
      %swap3A_304 = vector.shape_cast %swap3A_303 : vector<16xi32> to vector<16xi32>
      %swap3A_305 = vector.shape_cast %add3A_301 : vector<16xi32> to vector<16xi32>
      tpu.vector_store %arg11[%swap3A_302], %swap3A_305 {strides = array<i32>} : memref<128xi32, #tpu.memory_space<vmem>>, vector<16xi32>,
      %get3A_306 = arith.constant 48 : index
      %get3A_307 = tpu.vector_load %arg10[%get3A_306] {strides = array<i32>} : memref<128xi32, #tpu.memory_space<vmem>>, vector<16xi32>,
      %get3A_308 = vector.shape_cast %get3A_307 : vector<16xi32> to vector<16xi32>
      %mul3A_309 = arith.constant 400 : i32
      %mul3A_310 = vector.broadcast %mul3A_309 : i32 to vector<16xi32>
      %mul3A_311 = arith.muli %get3A_308, %mul3A_310 : vector<16xi32>
      %get3A_312 = arith.constant 48 : index
      %get3A_313 = tpu.vector_load %arg12[%get3A_312] {strides = array<i32>} : memref<128xi32, #tpu.memory_space<vmem>>, vector<16xi32>,
      %get3A_314 = vector.shape_cast %get3A_313 : vector<16xi32> to vector<16xi32>
      %add3A_315 = arith.addi %mul3A_311, %get3A_314 : vector<16xi32>
      %add3A_316 = vector.broadcast %rem3A_242 : i32 to vector<16xi32>
      %add3A_317 = arith.addi %add3A_315, %add3A_316 : vector<16xi32>
      %swap3A_318 = arith.constant 48 : index
      %swap3A_319 = tpu.vector_load %arg11[%swap3A_318] {strides = array<i32>} : memref<128xi32, #tpu.memory_space<vmem>>, vector<16xi32>,
      %swap3A_320 = vector.shape_cast %swap3A_319 : vector<16xi32> to vector<16xi32>
      %swap3A_321 = vector.shape_cast %add3A_317 : vector<16xi32> to vector<16xi32>
      tpu.vector_store %arg11[%swap3A_318], %swap3A_321 {strides = array<i32>} : memref<128xi32, #tpu.memory_space<vmem>>, vector<16xi32>,
      %get3A_322 = arith.constant 64 : index
      %get3A_323 = tpu.vector_load %arg10[%get3A_322] {strides = array<i32>} : memref<128xi32, #tpu.memory_space<vmem>>, vector<16xi32>,
      %get3A_324 = vector.shape_cast %get3A_323 : vector<16xi32> to vector<16xi32>
      %mul3A_325 = arith.constant 400 : i32
      %mul3A_326 = vector.broadcast %mul3A_325 : i32 to vector<16xi32>
      %mul3A_327 = arith.muli %get3A_324, %mul3A_326 : vector<16xi32>
      %get3A_328 = arith.constant 64 : index
      %get3A_329 = tpu.vector_load %arg12[%get3A_328] {strides = array<i32>} : memref<128xi32, #tpu.memory_space<vmem>>, vector<16xi32>,
      %get3A_330 = vector.shape_cast %get3A_329 : vector<16xi32> to vector<16xi32>
      %add3A_331 = arith.addi %mul3A_327, %get3A_330 : vector<16xi32>
      %add3A_332 = vector.broadcast %rem3A_242 : i32 to vector<16xi32>
      %add3A_333 = arith.addi %add3A_331, %add3A_332 : vector<16xi32>
      %swap3A_334 = arith.constant 64 : index
      %swap3A_335 = tpu.vector_load %arg11[%swap3A_334] {strides = array<i32>} : memref<128xi32, #tpu.memory_space<vmem>>, vector<16xi32>,
      %swap3A_336 = vector.shape_cast %swap3A_335 : vector<16xi32> to vector<16xi32>
      %swap3A_337 = vector.shape_cast %add3A_333 : vector<16xi32> to vector<16xi32>
      tpu.vector_store %arg11[%swap3A_334], %swap3A_337 {strides = array<i32>} : memref<128xi32, #tpu.memory_space<vmem>>, vector<16xi32>,
      %get3A_338 = arith.constant 80 : index
      %get3A_339 = tpu.vector_load %arg10[%get3A_338] {strides = array<i32>} : memref<128xi32, #tpu.memory_space<vmem>>, vector<16xi32>,
      %get3A_340 = vector.shape_cast %get3A_339 : vector<16xi32> to vector<16xi32>
      %mul3A_341 = arith.constant 400 : i32
      %mul3A_342 = vector.broadcast %mul3A_341 : i32 to vector<16xi32>
      %mul3A_343 = arith.muli %get3A_340, %mul3A_342 : vector<16xi32>
      %get3A_344 = arith.constant 80 : index
      %get3A_345 = tpu.vector_load %arg12[%get3A_344] {strides = array<i32>} : memref<128xi32, #tpu.memory_space<vmem>>, vector<16xi32>,
      %get3A_346 = vector.shape_cast %get3A_345 : vector<16xi32> to vector<16xi32>
      %add3A_347 = arith.addi %mul3A_343, %get3A_346 : vector<16xi32>
      %add3A_348 = vector.broadcast %rem3A_242 : i32 to vector<16xi32>
      %add3A_349 = arith.addi %add3A_347, %add3A_348 : vector<16xi32>
      %swap3A_350 = arith.constant 80 : index
      %swap3A_351 = tpu.vector_load %arg11[%swap3A_350] {strides = array<i32>} : memref<128xi32, #tpu.memory_space<vmem>>, vector<16xi32>,
      %swap3A_352 = vector.shape_cast %swap3A_351 : vector<16xi32> to vector<16xi32>
      %swap3A_353 = vector.shape_cast %add3A_349 : vector<16xi32> to vector<16xi32>
      tpu.vector_store %arg11[%swap3A_350], %swap3A_353 {strides = array<i32>} : memref<128xi32, #tpu.memory_space<vmem>>, vector<16xi32>,
      %get3A_354 = arith.constant 96 : index
      %get3A_355 = tpu.vector_load %arg10[%get3A_354] {strides = array<i32>} : memref<128xi32, #tpu.memory_space<vmem>>, vector<16xi32>,
      %get3A_356 = vector.shape_cast %get3A_355 : vector<16xi32> to vector<16xi32>
      %mul3A_357 = arith.constant 400 : i32
      %mul3A_358 = vector.broadcast %mul3A_357 : i32 to vector<16xi32>
      %mul3A_359 = arith.muli %get3A_356, %mul3A_358 : vector<16xi32>
      %get3A_360 = arith.constant 96 : index
      %get3A_361 = tpu.vector_load %arg12[%get3A_360] {strides = array<i32>} : memref<128xi32, #tpu.memory_space<vmem>>, vector<16xi32>,
      %get3A_362 = vector.shape_cast %get3A_361 : vector<16xi32> to vector<16xi32>
      %add3A_363 = arith.addi %mul3A_359, %get3A_362 : vector<16xi32>
      %add3A_364 = vector.broadcast %rem3A_242 : i32 to vector<16xi32>
      %add3A_365 = arith.addi %add3A_363, %add3A_364 : vector<16xi32>
      %swap3A_366 = arith.constant 96 : index
      %swap3A_367 = tpu.vector_load %arg11[%swap3A_366] {strides = array<i32>} : memref<128xi32, #tpu.memory_space<vmem>>, vector<16xi32>,
      %swap3A_368 = vector.shape_cast %swap3A_367 : vector<16xi32> to vector<16xi32>
      %swap3A_369 = vector.shape_cast %add3A_365 : vector<16xi32> to vector<16xi32>
      tpu.vector_store %arg11[%swap3A_366], %swap3A_369 {strides = array<i32>} : memref<128xi32, #tpu.memory_space<vmem>>, vector<16xi32>,
      %get3A_370 = arith.constant 112 : index
      %get3A_371 = tpu.vector_load %arg10[%get3A_370] {strides = array<i32>} : memref<128xi32, #tpu.memory_space<vmem>>, vector<16xi32>,
      %get3A_372 = vector.shape_cast %get3A_371 : vector<16xi32> to vector<16xi32>
      %mul3A_373 = arith.constant 400 : i32
      %mul3A_374 = vector.broadcast %mul3A_373 : i32 to vector<16xi32>
      %mul3A_375 = arith.muli %get3A_372, %mul3A_374 : vector<16xi32>
      %get3A_376 = arith.constant 112 : index
      %get3A_377 = tpu.vector_load %arg12[%get3A_376] {strides = array<i32>} : memref<128xi32, #tpu.memory_space<vmem>>, vector<16xi32>,
      %get3A_378 = vector.shape_cast %get3A_377 : vector<16xi32> to vector<16xi32>
      %add3A_379 = arith.addi %mul3A_375, %get3A_378 : vector<16xi32>
      %add3A_380 = vector.broadcast %rem3A_242 : i32 to vector<16xi32>
      %add3A_381 = arith.addi %add3A_379, %add3A_380 : vector<16xi32>
      %swap3A_382 = arith.constant 112 : index
      %swap3A_383 = tpu.vector_load %arg11[%swap3A_382] {strides = array<i32>} : memref<128xi32, #tpu.memory_space<vmem>>, vector<16xi32>,
      %swap3A_384 = vector.shape_cast %swap3A_383 : vector<16xi32> to vector<16xi32>
      %swap3A_385 = vector.shape_cast %add3A_381 : vector<16xi32> to vector<16xi32>
      tpu.vector_store %arg11[%swap3A_382], %swap3A_385 {strides = array<i32>} : memref<128xi32, #tpu.memory_space<vmem>>, vector<16xi32>,
      "tpu.region"() ({
        %run_scoped3A = tpu.sem_alloc : memref<!tpu.dma_semaphore, #tpu.memory_space<semaphore_mem>>
        %dma_start3A_397 = arith.constant 0 : i32
        %dma_start3A_398 = arith.constant 0 : i32
        %dma_start3A_399 = tpu.memref_slice %arg15[%dma_start3A_397, %dma_start3A_398] : memref<800x64xf32, #tpu.memory_space<vmem_shared>> -> memref<800x64xf32, #tpu.memory_space<vmem_shared>>
        tpu.enqueue_indirect_dma source(%dma_start3A_399 : memref<800x64xf32, #tpu.memory_space<vmem_shared>>) target(%arg14 : memref<128x64xf32, #tpu.memory_space<vmem>>) offsets(%arg11 : memref<128xi32, #tpu.memory_space<vmem>>) semaphore(%run_scoped3A : memref<!tpu.dma_semaphore, #tpu.memory_space<semaphore_mem>>) {add = true}
        %dma_wait3A_400 = arith.constant 0 : i32
        %dma_wait3A_401 = arith.constant 0 : i32
        %dma_wait3A_402 = tpu.memref_slice %arg15[%dma_wait3A_400, %dma_wait3A_401] : memref<800x64xf32, #tpu.memory_space<vmem_shared>> -> memref<800x64xf32, #tpu.memory_space<vmem_shared>>
        tpu.wait_indirect_dma semaphore(%run_scoped3A : memref<!tpu.dma_semaphore, #tpu.memory_space<semaphore_mem>>) src(%dma_wait3A_402 : memref<800x64xf32, #tpu.memory_space<vmem_shared>>) dst(%arg14 : memref<128x64xf32, #tpu.memory_space<vmem>>)
        tpu.yield
      }) : () -> ()
      %dma_start3A_386 = arith.constant 0 : i32
      %dma_start3A_387 = tpu.memref_slice %arg6[%add3A_240, %dma_start3A_386] : memref<204800x64xf32, #tpu.memory_space<hbm>> -> memref<128x64xf32, #tpu.memory_space<hbm>>
      %dma_start3A_388 = arith.constant 0 : i32
      %dma_start3A_389 = tpu.memref_slice %arg6[%add3A_240, %dma_start3A_388] : memref<204800x64xf32, #tpu.memory_space<hbm>> -> memref<128x64xf32, #tpu.memory_space<hbm>>
      tpu.enqueue_dma source(%arg14 : memref<128x64xf32, #tpu.memory_space<vmem>>) target(%dma_start3A_389 : memref<128x64xf32, #tpu.memory_space<hbm>>) target_semaphore(%arg19 : memref<!tpu.dma_semaphore, #tpu.memory_space<semaphore_mem>>)
      %add3A_390 = arith.constant 2 : i32
      %add3A_391 = arith.addi %add3A_237, %add3A_390 : i32
      %lt3A_392 = arith.constant 50 : i32
      %lt3A_393 = arith.cmpi slt, %add3A_391, %lt3A_392 : i32
      %convert_element_type3A_394 = arith.extui %lt3A_393 : i1 to i32
      %cond3A_395 = arith.constant 0 : i32
      %cond3A_396 = arith.cmpi ne, %convert_element_type3A_394, %cond3A_395 : i32
      scf.if %cond3A_396 {
        %add3A_397 = arith.constant 2 : i32
        %add3A_398 = arith.addi %add3A_237, %add3A_397 : i32
        %mul3A_399 = arith.constant 128 : i32
        %mul3A_400 = arith.muli %add3A_398, %mul3A_399 : i32
        %add3A_401 = arith.addi %mul3A_2, %mul3A_400 : i32
        "tpu.region"() ({
          %run_scoped3A = tpu.sem_alloc : memref<!tpu.dma_semaphore, #tpu.memory_space<semaphore_mem>>
          %dma_start3A_402 = tpu.memref_slice %arg2[%add3A_401] : memref<204800xi32, #tpu.memory_space<hbm>> -> memref<128xi32, #tpu.memory_space<hbm>>
          %dma_start3A_403 = tpu.memref_slice %arg2[%add3A_401] : memref<204800xi32, #tpu.memory_space<hbm>> -> memref<128xi32, #tpu.memory_space<hbm>>
          tpu.enqueue_dma source(%dma_start3A_403 : memref<128xi32, #tpu.memory_space<hbm>>) target(%arg8 : memref<128xi32, #tpu.memory_space<vmem>>) target_semaphore(%run_scoped3A : memref<!tpu.dma_semaphore, #tpu.memory_space<semaphore_mem>>)
          %dma_wait3A_404 = tpu.memref_slice %arg2[%add3A_401] : memref<204800xi32, #tpu.memory_space<hbm>> -> memref<128xi32, #tpu.memory_space<hbm>>
          %dma_wait3A_405 = tpu.memref_slice %arg2[%add3A_401] : memref<204800xi32, #tpu.memory_space<hbm>> -> memref<128xi32, #tpu.memory_space<hbm>>
          tpu.wait_dma2 semaphore(%run_scoped3A : memref<!tpu.dma_semaphore, #tpu.memory_space<semaphore_mem>>) src(%dma_wait3A_405 : memref<128xi32, #tpu.memory_space<hbm>>) dst(%arg8 : memref<128xi32, #tpu.memory_space<vmem>>)
          tpu.yield
        }) : () -> ()
        "tpu.region"() ({
          %run_scoped3A = tpu.sem_alloc : memref<!tpu.dma_semaphore, #tpu.memory_space<semaphore_mem>>
          %dma_start3A_402 = tpu.memref_slice %arg3[%add3A_401] : memref<204800xi32, #tpu.memory_space<hbm>> -> memref<128xi32, #tpu.memory_space<hbm>>
          %dma_start3A_403 = tpu.memref_slice %arg3[%add3A_401] : memref<204800xi32, #tpu.memory_space<hbm>> -> memref<128xi32, #tpu.memory_space<hbm>>
          tpu.enqueue_dma source(%dma_start3A_403 : memref<128xi32, #tpu.memory_space<hbm>>) target(%arg10 : memref<128xi32, #tpu.memory_space<vmem>>) target_semaphore(%run_scoped3A : memref<!tpu.dma_semaphore, #tpu.memory_space<semaphore_mem>>)
          %dma_wait3A_404 = tpu.memref_slice %arg3[%add3A_401] : memref<204800xi32, #tpu.memory_space<hbm>> -> memref<128xi32, #tpu.memory_space<hbm>>
          %dma_wait3A_405 = tpu.memref_slice %arg3[%add3A_401] : memref<204800xi32, #tpu.memory_space<hbm>> -> memref<128xi32, #tpu.memory_space<hbm>>
          tpu.wait_dma2 semaphore(%run_scoped3A : memref<!tpu.dma_semaphore, #tpu.memory_space<semaphore_mem>>) src(%dma_wait3A_405 : memref<128xi32, #tpu.memory_space<hbm>>) dst(%arg10 : memref<128xi32, #tpu.memory_space<vmem>>)
          tpu.yield
        }) : () -> ()
      } else {
      }
    }
    %scan3A_70 = arith.constant 25 : i32
    %dma_wait3A = arith.constant 0 : i32
    %dma_wait3A_71 = arith.constant 0 : i32
    %dma_wait3A_72 = tpu.memref_slice %arg6[%dma_wait3A, %dma_wait3A_71] : memref<204800x64xf32, #tpu.memory_space<hbm>> -> memref<128x64xf32, #tpu.memory_space<hbm>>
    %dma_wait3A_73 = arith.constant 0 : i32
    %dma_wait3A_74 = arith.constant 0 : i32
    %dma_wait3A_75 = tpu.memref_slice %arg6[%dma_wait3A_73, %dma_wait3A_74] : memref<204800x64xf32, #tpu.memory_space<hbm>> -> memref<128x64xf32, #tpu.memory_space<hbm>>
    tpu.wait_dma2 semaphore(%arg19 : memref<!tpu.dma_semaphore, #tpu.memory_space<semaphore_mem>>) src(%arg14 : memref<128x64xf32, #tpu.memory_space<vmem>>) dst(%dma_wait3A_75 : memref<128x64xf32, #tpu.memory_space<hbm>>)
    return
  }
}

#map = affine_map<(d0, d1) -> (0)>
#map1 = affine_map<(d0, d1) -> (0, 0)>
module attributes {stable_mosaic.version = 14 : i64} {
  func.func @k(%arg0: i32, %arg1: i32, %arg2: memref<204800xi32, #tpu.memory_space<hbm>>, %arg3: memref<204800xi32, #tpu.memory_space<hbm>>, %arg4: memref<100000x64xf32, #tpu.memory_space<hbm>>, %arg5: memref<800x64xf32, #tpu.memory_space<hbm>>, %arg6: memref<204800x64xf32, #tpu.memory_space<hbm>>, %arg7: memref<128xi32, #tpu.memory_space<vmem>>, %arg8: memref<128xi32, #tpu.memory_space<vmem>>, %arg9: memref<128xi32, #tpu.memory_space<vmem>>, %arg10: memref<128xi32, #tpu.memory_space<vmem>>, %arg11: memref<128xi32, #tpu.memory_space<vmem>>, %arg12: memref<128xi32, #tpu.memory_space<vmem>>, %arg13: memref<128x64xf32, #tpu.memory_space<vmem>>, %arg14: memref<128x64xf32, #tpu.memory_space<vmem>>, %arg15: memref<800x64xf32, #tpu.memory_space<vmem_shared>>, %arg16: memref<!tpu.dma_semaphore, #tpu.memory_space<semaphore_mem>>, %arg17: memref<!tpu.dma_semaphore, #tpu.memory_space<semaphore_mem>>, %arg18: memref<!tpu.dma_semaphore, #tpu.memory_space<semaphore_mem>>, %arg19: memref<!tpu.dma_semaphore, #tpu.memory_space<semaphore_mem>>) attributes {dimension_semantics = [#tpu.dimension_semantics<core_parallel>, #tpu.dimension_semantics<subcore_parallel>], iteration_bounds = array<i64: 2, 16>, scalar_prefetch = 0 : i64, scratch_operands = 13 : i64, tpu.core_type = #tpu.core_type<sc_vector_subcore>, window_params = [{transform_indices = #map}, {transform_indices = #map}, {transform_indices = #map1}, {transform_indices = #map1}, {transform_indices = #map1}]} {
    %mul3A = arith.constant 2 : i32
    %mul3A_0 = arith.muli %arg1, %mul3A : i32
    %add3A = arith.addi %mul3A_0, %arg0 : i32
    %mul3A_1 = arith.constant 6400 : i32
    %mul3A_2 = arith.muli %add3A, %mul3A_1 : i32
    %iota3A = tpu.iota {dimensions = array<i32: 0>} : vector<16xi32>
    %add3A_3 = arith.constant 0 : i32
    %add3A_4 = vector.broadcast %add3A_3 : i32 to vector<16xi32>
    %add3A_5 = arith.addi %iota3A, %add3A_4 : vector<16xi32>
    %swap3A = arith.constant 0 : index
    %swap3A_6 = tpu.vector_load %arg12[%swap3A] {strides = array<i32>} : memref<128xi32, #tpu.memory_space<vmem>>, vector<16xi32>,
    %swap3A_7 = vector.shape_cast %swap3A_6 : vector<16xi32> to vector<16xi32>
    %swap3A_8 = vector.shape_cast %add3A_5 : vector<16xi32> to vector<16xi32>
    tpu.vector_store %arg12[%swap3A], %swap3A_8 {strides = array<i32>} : memref<128xi32, #tpu.memory_space<vmem>>, vector<16xi32>,
    %add3A_9 = arith.constant 16 : i32
    %add3A_10 = vector.broadcast %add3A_9 : i32 to vector<16xi32>
    %add3A_11 = arith.addi %iota3A, %add3A_10 : vector<16xi32>
    %swap3A_12 = arith.constant 16 : index
    %swap3A_13 = tpu.vector_load %arg12[%swap3A_12] {strides = array<i32>} : memref<128xi32, #tpu.memory_space<vmem>>, vector<16xi32>,
    %swap3A_14 = vector.shape_cast %swap3A_13 : vector<16xi32> to vector<16xi32>
    %swap3A_15 = vector.shape_cast %add3A_11 : vector<16xi32> to vector<16xi32>
    tpu.vector_store %arg12[%swap3A_12], %swap3A_15 {strides = array<i32>} : memref<128xi32, #tpu.memory_space<vmem>>, vector<16xi32>,
    %add3A_16 = arith.constant 32 : i32
    %add3A_17 = vector.broadcast %add3A_16 : i32 to vector<16xi32>
    %add3A_18 = arith.addi %iota3A, %add3A_17 : vector<16xi32>
    %swap3A_19 = arith.constant 32 : index
    %swap3A_20 = tpu.vector_load %arg12[%swap3A_19] {strides = array<i32>} : memref<128xi32, #tpu.memory_space<vmem>>, vector<16xi32>,
    %swap3A_21 = vector.shape_cast %swap3A_20 : vector<16xi32> to vector<16xi32>
    %swap3A_22 = vector.shape_cast %add3A_18 : vector<16xi32> to vector<16xi32>
    tpu.vector_store %arg12[%swap3A_19], %swap3A_22 {strides = array<i32>} : memref<128xi32, #tpu.memory_space<vmem>>, vector<16xi32>,
    %add3A_23 = arith.constant 48 : i32
    %add3A_24 = vector.broadcast %add3A_23 : i32 to vector<16xi32>
    %add3A_25 = arith.addi %iota3A, %add3A_24 : vector<16xi32>
    %swap3A_26 = arith.constant 48 : index
    %swap3A_27 = tpu.vector_load %arg12[%swap3A_26] {strides = array<i32>} : memref<128xi32, #tpu.memory_space<vmem>>, vector<16xi32>,
    %swap3A_28 = vector.shape_cast %swap3A_27 : vector<16xi32> to vector<16xi32>
    %swap3A_29 = vector.shape_cast %add3A_25 : vector<16xi32> to vector<16xi32>
    tpu.vector_store %arg12[%swap3A_26], %swap3A_29 {strides = array<i32>} : memref<128xi32, #tpu.memory_space<vmem>>, vector<16xi32>,
    %add3A_30 = arith.constant 64 : i32
    %add3A_31 = vector.broadcast %add3A_30 : i32 to vector<16xi32>
    %add3A_32 = arith.addi %iota3A, %add3A_31 : vector<16xi32>
    %swap3A_33 = arith.constant 64 : index
    %swap3A_34 = tpu.vector_load %arg12[%swap3A_33] {strides = array<i32>} : memref<128xi32, #tpu.memory_space<vmem>>, vector<16xi32>,
    %swap3A_35 = vector.shape_cast %swap3A_34 : vector<16xi32> to vector<16xi32>
    %swap3A_36 = vector.shape_cast %add3A_32 : vector<16xi32> to vector<16xi32>
    tpu.vector_store %arg12[%swap3A_33], %swap3A_36 {strides = array<i32>} : memref<128xi32, #tpu.memory_space<vmem>>, vector<16xi32>,
    %add3A_37 = arith.constant 80 : i32
    %add3A_38 = vector.broadcast %add3A_37 : i32 to vector<16xi32>
    %add3A_39 = arith.addi %iota3A, %add3A_38 : vector<16xi32>
    %swap3A_40 = arith.constant 80 : index
    %swap3A_41 = tpu.vector_load %arg12[%swap3A_40] {strides = array<i32>} : memref<128xi32, #tpu.memory_space<vmem>>, vector<16xi32>,
    %swap3A_42 = vector.shape_cast %swap3A_41 : vector<16xi32> to vector<16xi32>
    %swap3A_43 = vector.shape_cast %add3A_39 : vector<16xi32> to vector<16xi32>
    tpu.vector_store %arg12[%swap3A_40], %swap3A_43 {strides = array<i32>} : memref<128xi32, #tpu.memory_space<vmem>>, vector<16xi32>,
    %add3A_44 = arith.constant 96 : i32
    %add3A_45 = vector.broadcast %add3A_44 : i32 to vector<16xi32>
    %add3A_46 = arith.addi %iota3A, %add3A_45 : vector<16xi32>
    %swap3A_47 = arith.constant 96 : index
    %swap3A_48 = tpu.vector_load %arg12[%swap3A_47] {strides = array<i32>} : memref<128xi32, #tpu.memory_space<vmem>>, vector<16xi32>,
    %swap3A_49 = vector.shape_cast %swap3A_48 : vector<16xi32> to vector<16xi32>
    %swap3A_50 = vector.shape_cast %add3A_46 : vector<16xi32> to vector<16xi32>
    tpu.vector_store %arg12[%swap3A_47], %swap3A_50 {strides = array<i32>} : memref<128xi32, #tpu.memory_space<vmem>>, vector<16xi32>,
    %add3A_51 = arith.constant 112 : i32
    %add3A_52 = vector.broadcast %add3A_51 : i32 to vector<16xi32>
    %add3A_53 = arith.addi %iota3A, %add3A_52 : vector<16xi32>
    %swap3A_54 = arith.constant 112 : index
    %swap3A_55 = tpu.vector_load %arg12[%swap3A_54] {strides = array<i32>} : memref<128xi32, #tpu.memory_space<vmem>>, vector<16xi32>,
    %swap3A_56 = vector.shape_cast %swap3A_55 : vector<16xi32> to vector<16xi32>
    %swap3A_57 = vector.shape_cast %add3A_53 : vector<16xi32> to vector<16xi32>
    tpu.vector_store %arg12[%swap3A_54], %swap3A_57 {strides = array<i32>} : memref<128xi32, #tpu.memory_space<vmem>>, vector<16xi32>,
    %eq3A = arith.constant 0 : i32
    %eq3A_58 = arith.cmpi eq, %arg1, %eq3A : i32
    %convert_element_type3A = arith.extui %eq3A_58 : i1 to i32
    %cond3A = arith.constant 0 : i32
    %cond3A_59 = arith.cmpi ne, %convert_element_type3A, %cond3A : i32
    scf.if %cond3A_59 {
      "tpu.region"() ({
        %run_scoped3A = tpu.sem_alloc : memref<!tpu.dma_semaphore, #tpu.memory_space<semaphore_mem>>
        tpu.enqueue_dma source(%arg5 : memref<800x64xf32, #tpu.memory_space<hbm>>) target(%arg15 : memref<800x64xf32, #tpu.memory_space<vmem_shared>>) target_semaphore(%run_scoped3A : memref<!tpu.dma_semaphore, #tpu.memory_space<semaphore_mem>>)
        tpu.wait_dma2 semaphore(%run_scoped3A : memref<!tpu.dma_semaphore, #tpu.memory_space<semaphore_mem>>) src(%arg5 : memref<800x64xf32, #tpu.memory_space<hbm>>) dst(%arg15 : memref<800x64xf32, #tpu.memory_space<vmem_shared>>)
        tpu.yield
      }) : () -> ()
    } else {
    }
    %barrier3A = arith.constant 0 : index
    tpu.barrier barrier_id(%barrier3A)
    %add3A_60 = arith.constant 0 : i32
    %add3A_61 = arith.addi %mul3A_2, %add3A_60 : i32
    "tpu.region"() ({
      %run_scoped3A = tpu.sem_alloc : memref<!tpu.dma_semaphore, #tpu.memory_space<semaphore_mem>>
      %dma_start3A_76 = tpu.memref_slice %arg2[%add3A_61] : memref<204800xi32, #tpu.memory_space<hbm>> -> memref<128xi32, #tpu.memory_space<hbm>>
      %dma_start3A_77 = tpu.memref_slice %arg2[%add3A_61] : memref<204800xi32, #tpu.memory_space<hbm>> -> memref<128xi32, #tpu.memory_space<hbm>>
      tpu.enqueue_dma source(%dma_start3A_77 : memref<128xi32, #tpu.memory_space<hbm>>) target(%arg7 : memref<128xi32, #tpu.memory_space<vmem>>) target_semaphore(%run_scoped3A : memref<!tpu.dma_semaphore, #tpu.memory_space<semaphore_mem>>)
      %dma_wait3A_78 = tpu.memref_slice %arg2[%add3A_61] : memref<204800xi32, #tpu.memory_space<hbm>> -> memref<128xi32, #tpu.memory_space<hbm>>
      %dma_wait3A_79 = tpu.memref_slice %arg2[%add3A_61] : memref<204800xi32, #tpu.memory_space<hbm>> -> memref<128xi32, #tpu.memory_space<hbm>>
      tpu.wait_dma2 semaphore(%run_scoped3A : memref<!tpu.dma_semaphore, #tpu.memory_space<semaphore_mem>>) src(%dma_wait3A_79 : memref<128xi32, #tpu.memory_space<hbm>>) dst(%arg7 : memref<128xi32, #tpu.memory_space<vmem>>)
      tpu.yield
    }) : () -> ()
    "tpu.region"() ({
      %run_scoped3A = tpu.sem_alloc : memref<!tpu.dma_semaphore, #tpu.memory_space<semaphore_mem>>
      %dma_start3A_76 = tpu.memref_slice %arg3[%add3A_61] : memref<204800xi32, #tpu.memory_space<hbm>> -> memref<128xi32, #tpu.memory_space<hbm>>
      %dma_start3A_77 = tpu.memref_slice %arg3[%add3A_61] : memref<204800xi32, #tpu.memory_space<hbm>> -> memref<128xi32, #tpu.memory_space<hbm>>
      tpu.enqueue_dma source(%dma_start3A_77 : memref<128xi32, #tpu.memory_space<hbm>>) target(%arg9 : memref<128xi32, #tpu.memory_space<vmem>>) target_semaphore(%run_scoped3A : memref<!tpu.dma_semaphore, #tpu.memory_space<semaphore_mem>>)
      %dma_wait3A_78 = tpu.memref_slice %arg3[%add3A_61] : memref<204800xi32, #tpu.memory_space<hbm>> -> memref<128xi32, #tpu.memory_space<hbm>>
      %dma_wait3A_79 = tpu.memref_slice %arg3[%add3A_61] : memref<204800xi32, #tpu.memory_space<hbm>> -> memref<128xi32, #tpu.memory_space<hbm>>
      tpu.wait_dma2 semaphore(%run_scoped3A : memref<!tpu.dma_semaphore, #tpu.memory_space<semaphore_mem>>) src(%dma_wait3A_79 : memref<128xi32, #tpu.memory_space<hbm>>) dst(%arg9 : memref<128xi32, #tpu.memory_space<vmem>>)
      tpu.yield
    }) : () -> ()
    %add3A_62 = arith.constant 128 : i32
    %add3A_63 = arith.addi %mul3A_2, %add3A_62 : i32
    "tpu.region"() ({
      %run_scoped3A = tpu.sem_alloc : memref<!tpu.dma_semaphore, #tpu.memory_space<semaphore_mem>>
      %dma_start3A_76 = tpu.memref_slice %arg2[%add3A_63] : memref<204800xi32, #tpu.memory_space<hbm>> -> memref<128xi32, #tpu.memory_space<hbm>>
      %dma_start3A_77 = tpu.memref_slice %arg2[%add3A_63] : memref<204800xi32, #tpu.memory_space<hbm>> -> memref<128xi32, #tpu.memory_space<hbm>>
      tpu.enqueue_dma source(%dma_start3A_77 : memref<128xi32, #tpu.memory_space<hbm>>) target(%arg8 : memref<128xi32, #tpu.memory_space<vmem>>) target_semaphore(%run_scoped3A : memref<!tpu.dma_semaphore, #tpu.memory_space<semaphore_mem>>)
      %dma_wait3A_78 = tpu.memref_slice %arg2[%add3A_63] : memref<204800xi32, #tpu.memory_space<hbm>> -> memref<128xi32, #tpu.memory_space<hbm>>
      %dma_wait3A_79 = tpu.memref_slice %arg2[%add3A_63] : memref<204800xi32, #tpu.memory_space<hbm>> -> memref<128xi32, #tpu.memory_space<hbm>>
      tpu.wait_dma2 semaphore(%run_scoped3A : memref<!tpu.dma_semaphore, #tpu.memory_space<semaphore_mem>>) src(%dma_wait3A_79 : memref<128xi32, #tpu.memory_space<hbm>>) dst(%arg8 : memref<128xi32, #tpu.memory_space<vmem>>)
      tpu.yield
    }) : () -> ()
    "tpu.region"() ({
      %run_scoped3A = tpu.sem_alloc : memref<!tpu.dma_semaphore, #tpu.memory_space<semaphore_mem>>
      %dma_start3A_76 = tpu.memref_slice %arg3[%add3A_63] : memref<204800xi32, #tpu.memory_space<hbm>> -> memref<128xi32, #tpu.memory_space<hbm>>
      %dma_start3A_77 = tpu.memref_slice %arg3[%add3A_63] : memref<204800xi32, #tpu.memory_space<hbm>> -> memref<128xi32, #tpu.memory_space<hbm>>
      tpu.enqueue_dma source(%dma_start3A_77 : memref<128xi32, #tpu.memory_space<hbm>>) target(%arg10 : memref<128xi32, #tpu.memory_space<vmem>>) target_semaphore(%run_scoped3A : memref<!tpu.dma_semaphore, #tpu.memory_space<semaphore_mem>>)
      %dma_wait3A_78 = tpu.memref_slice %arg3[%add3A_63] : memref<204800xi32, #tpu.memory_space<hbm>> -> memref<128xi32, #tpu.memory_space<hbm>>
      %dma_wait3A_79 = tpu.memref_slice %arg3[%add3A_63] : memref<204800xi32, #tpu.memory_space<hbm>> -> memref<128xi32, #tpu.memory_space<hbm>>
      tpu.wait_dma2 semaphore(%run_scoped3A : memref<!tpu.dma_semaphore, #tpu.memory_space<semaphore_mem>>) src(%dma_wait3A_79 : memref<128xi32, #tpu.memory_space<hbm>>) dst(%arg10 : memref<128xi32, #tpu.memory_space<vmem>>)
      tpu.yield
    }) : () -> ()
    %dma_start3A = arith.constant 0 : i32
    %dma_start3A_64 = arith.constant 0 : i32
    %dma_start3A_65 = tpu.memref_slice %arg4[%dma_start3A, %dma_start3A_64] : memref<100000x64xf32, #tpu.memory_space<hbm>> -> memref<100000x64xf32, #tpu.memory_space<hbm>>
    tpu.enqueue_indirect_dma source(%dma_start3A_65 : memref<100000x64xf32, #tpu.memory_space<hbm>>) target(%arg13 : memref<128x64xf32, #tpu.memory_space<vmem>>) offsets(%arg7 : memref<128xi32, #tpu.memory_space<vmem>>) semaphore(%arg16 : memref<!tpu.dma_semaphore, #tpu.memory_space<semaphore_mem>>)
    %scan3A = arith.constant 0 : i32
    %scan3A_66 = arith.constant 0 : i32
    %scan3A_67 = arith.constant 25 : i32
    %scan3A_68 = arith.addi %scan3A_66, %scan3A_67 : i32
    %scan3A_69 = arith.constant 1 : i32
    scf.for %scan3A_76 = %scan3A_66 to %scan3A_68 step %scan3A_69  : i32 {
      %mul3A_77 = arith.constant 2 : i32
      %mul3A_78 = arith.muli %mul3A_77, %scan3A_76 : i32
      %mul3A_79 = arith.constant 128 : i32
      %mul3A_80 = arith.muli %mul3A_78, %mul3A_79 : i32
      %add3A_81 = arith.addi %mul3A_2, %mul3A_80 : i32
      %rem3A = arith.constant 200 : i32
      %rem3A_82 = arith.remsi %add3A_81, %rem3A : i32
      %gt3A = arith.constant 0 : i32
      %gt3A_83 = arith.cmpi sgt, %mul3A_78, %gt3A : i32
      %convert_element_type3A_84 = arith.extui %gt3A_83 : i1 to i32
      %cond3A_85 = arith.constant 0 : i32
      %cond3A_86 = arith.cmpi ne, %convert_element_type3A_84, %cond3A_85 : i32
      scf.if %cond3A_86 {
        %dma_wait3A_397 = arith.constant 0 : i32
        %dma_wait3A_398 = arith.constant 0 : i32
        %dma_wait3A_399 = tpu.memref_slice %arg6[%dma_wait3A_397, %dma_wait3A_398] : memref<204800x64xf32, #tpu.memory_space<hbm>> -> memref<128x64xf32, #tpu.memory_space<hbm>>
        %dma_wait3A_400 = arith.constant 0 : i32
        %dma_wait3A_401 = arith.constant 0 : i32
        %dma_wait3A_402 = tpu.memref_slice %arg6[%dma_wait3A_400, %dma_wait3A_401] : memref<204800x64xf32, #tpu.memory_space<hbm>> -> memref<128x64xf32, #tpu.memory_space<hbm>>
        tpu.wait_dma2 semaphore(%arg19 : memref<!tpu.dma_semaphore, #tpu.memory_space<semaphore_mem>>) src(%arg14 : memref<128x64xf32, #tpu.memory_space<vmem>>) dst(%dma_wait3A_402 : memref<128x64xf32, #tpu.memory_space<hbm>>)
      } else {
      }
      %add3A_87 = arith.constant 1 : i32
      %add3A_88 = arith.addi %mul3A_78, %add3A_87 : i32
      %lt3A = arith.constant 50 : i32
      %lt3A_89 = arith.cmpi slt, %add3A_88, %lt3A : i32
      %convert_element_type3A_90 = arith.extui %lt3A_89 : i1 to i32
      %cond3A_91 = arith.constant 0 : i32
      %cond3A_92 = arith.cmpi ne, %convert_element_type3A_90, %cond3A_91 : i32
      scf.if %cond3A_92 {
        %dma_start3A_397 = arith.constant 0 : i32
        %dma_start3A_398 = arith.constant 0 : i32
        %dma_start3A_399 = tpu.memref_slice %arg4[%dma_start3A_397, %dma_start3A_398] : memref<100000x64xf32, #tpu.memory_space<hbm>> -> memref<100000x64xf32, #tpu.memory_space<hbm>>
        tpu.enqueue_indirect_dma source(%dma_start3A_399 : memref<100000x64xf32, #tpu.memory_space<hbm>>) target(%arg14 : memref<128x64xf32, #tpu.memory_space<vmem>>) offsets(%arg8 : memref<128xi32, #tpu.memory_space<vmem>>) semaphore(%arg17 : memref<!tpu.dma_semaphore, #tpu.memory_space<semaphore_mem>>)
      } else {
      }
      %dma_wait3A_93 = arith.constant 0 : i32
      %dma_wait3A_94 = arith.constant 0 : i32
      %dma_wait3A_95 = tpu.memref_slice %arg4[%dma_wait3A_93, %dma_wait3A_94] : memref<100000x64xf32, #tpu.memory_space<hbm>> -> memref<100000x64xf32, #tpu.memory_space<hbm>>
      tpu.wait_indirect_dma semaphore(%arg16 : memref<!tpu.dma_semaphore, #tpu.memory_space<semaphore_mem>>) src(%dma_wait3A_95 : memref<100000x64xf32, #tpu.memory_space<hbm>>) dst(%arg13 : memref<128x64xf32, #tpu.memory_space<vmem>>)
      %get3A = arith.constant 0 : index
      %get3A_96 = tpu.vector_load %arg9[%get3A] {strides = array<i32>} : memref<128xi32, #tpu.memory_space<vmem>>, vector<16xi32>,
      %get3A_97 = vector.shape_cast %get3A_96 : vector<16xi32> to vector<16xi32>
      %mul3A_98 = arith.constant 400 : i32
      %mul3A_99 = vector.broadcast %mul3A_98 : i32 to vector<16xi32>
      %mul3A_100 = arith.muli %get3A_97, %mul3A_99 : vector<16xi32>
      %get3A_101 = arith.constant 0 : index
      %get3A_102 = tpu.vector_load %arg12[%get3A_101] {strides = array<i32>} : memref<128xi32, #tpu.memory_space<vmem>>, vector<16xi32>,
      %get3A_103 = vector.shape_cast %get3A_102 : vector<16xi32> to vector<16xi32>
      %add3A_104 = arith.addi %mul3A_100, %get3A_103 : vector<16xi32>
      %add3A_105 = vector.broadcast %rem3A_82 : i32 to vector<16xi32>
      %add3A_106 = arith.addi %add3A_104, %add3A_105 : vector<16xi32>
      %swap3A_107 = arith.constant 0 : index
      %swap3A_108 = tpu.vector_load %arg11[%swap3A_107] {strides = array<i32>} : memref<128xi32, #tpu.memory_space<vmem>>, vector<16xi32>,
      %swap3A_109 = vector.shape_cast %swap3A_108 : vector<16xi32> to vector<16xi32>
      %swap3A_110 = vector.shape_cast %add3A_106 : vector<16xi32> to vector<16xi32>
      tpu.vector_store %arg11[%swap3A_107], %swap3A_110 {strides = array<i32>} : memref<128xi32, #tpu.memory_space<vmem>>, vector<16xi32>,
      %get3A_111 = arith.constant 16 : index
      %get3A_112 = tpu.vector_load %arg9[%get3A_111] {strides = array<i32>} : memref<128xi32, #tpu.memory_space<vmem>>, vector<16xi32>,
      %get3A_113 = vector.shape_cast %get3A_112 : vector<16xi32> to vector<16xi32>
      %mul3A_114 = arith.constant 400 : i32
      %mul3A_115 = vector.broadcast %mul3A_114 : i32 to vector<16xi32>
      %mul3A_116 = arith.muli %get3A_113, %mul3A_115 : vector<16xi32>
      %get3A_117 = arith.constant 16 : index
      %get3A_118 = tpu.vector_load %arg12[%get3A_117] {strides = array<i32>} : memref<128xi32, #tpu.memory_space<vmem>>, vector<16xi32>,
      %get3A_119 = vector.shape_cast %get3A_118 : vector<16xi32> to vector<16xi32>
      %add3A_120 = arith.addi %mul3A_116, %get3A_119 : vector<16xi32>
      %add3A_121 = vector.broadcast %rem3A_82 : i32 to vector<16xi32>
      %add3A_122 = arith.addi %add3A_120, %add3A_121 : vector<16xi32>
      %swap3A_123 = arith.constant 16 : index
      %swap3A_124 = tpu.vector_load %arg11[%swap3A_123] {strides = array<i32>} : memref<128xi32, #tpu.memory_space<vmem>>, vector<16xi32>,
      %swap3A_125 = vector.shape_cast %swap3A_124 : vector<16xi32> to vector<16xi32>
      %swap3A_126 = vector.shape_cast %add3A_122 : vector<16xi32> to vector<16xi32>
      tpu.vector_store %arg11[%swap3A_123], %swap3A_126 {strides = array<i32>} : memref<128xi32, #tpu.memory_space<vmem>>, vector<16xi32>,
      %get3A_127 = arith.constant 32 : index
      %get3A_128 = tpu.vector_load %arg9[%get3A_127] {strides = array<i32>} : memref<128xi32, #tpu.memory_space<vmem>>, vector<16xi32>,
      %get3A_129 = vector.shape_cast %get3A_128 : vector<16xi32> to vector<16xi32>
      %mul3A_130 = arith.constant 400 : i32
      %mul3A_131 = vector.broadcast %mul3A_130 : i32 to vector<16xi32>
      %mul3A_132 = arith.muli %get3A_129, %mul3A_131 : vector<16xi32>
      %get3A_133 = arith.constant 32 : index
      %get3A_134 = tpu.vector_load %arg12[%get3A_133] {strides = array<i32>} : memref<128xi32, #tpu.memory_space<vmem>>, vector<16xi32>,
      %get3A_135 = vector.shape_cast %get3A_134 : vector<16xi32> to vector<16xi32>
      %add3A_136 = arith.addi %mul3A_132, %get3A_135 : vector<16xi32>
      %add3A_137 = vector.broadcast %rem3A_82 : i32 to vector<16xi32>
      %add3A_138 = arith.addi %add3A_136, %add3A_137 : vector<16xi32>
      %swap3A_139 = arith.constant 32 : index
      %swap3A_140 = tpu.vector_load %arg11[%swap3A_139] {strides = array<i32>} : memref<128xi32, #tpu.memory_space<vmem>>, vector<16xi32>,
      %swap3A_141 = vector.shape_cast %swap3A_140 : vector<16xi32> to vector<16xi32>
      %swap3A_142 = vector.shape_cast %add3A_138 : vector<16xi32> to vector<16xi32>
      tpu.vector_store %arg11[%swap3A_139], %swap3A_142 {strides = array<i32>} : memref<128xi32, #tpu.memory_space<vmem>>, vector<16xi32>,
      %get3A_143 = arith.constant 48 : index
      %get3A_144 = tpu.vector_load %arg9[%get3A_143] {strides = array<i32>} : memref<128xi32, #tpu.memory_space<vmem>>, vector<16xi32>,
      %get3A_145 = vector.shape_cast %get3A_144 : vector<16xi32> to vector<16xi32>
      %mul3A_146 = arith.constant 400 : i32
      %mul3A_147 = vector.broadcast %mul3A_146 : i32 to vector<16xi32>
      %mul3A_148 = arith.muli %get3A_145, %mul3A_147 : vector<16xi32>
      %get3A_149 = arith.constant 48 : index
      %get3A_150 = tpu.vector_load %arg12[%get3A_149] {strides = array<i32>} : memref<128xi32, #tpu.memory_space<vmem>>, vector<16xi32>,
      %get3A_151 = vector.shape_cast %get3A_150 : vector<16xi32> to vector<16xi32>
      %add3A_152 = arith.addi %mul3A_148, %get3A_151 : vector<16xi32>
      %add3A_153 = vector.broadcast %rem3A_82 : i32 to vector<16xi32>
      %add3A_154 = arith.addi %add3A_152, %add3A_153 : vector<16xi32>
      %swap3A_155 = arith.constant 48 : index
      %swap3A_156 = tpu.vector_load %arg11[%swap3A_155] {strides = array<i32>} : memref<128xi32, #tpu.memory_space<vmem>>, vector<16xi32>,
      %swap3A_157 = vector.shape_cast %swap3A_156 : vector<16xi32> to vector<16xi32>
      %swap3A_158 = vector.shape_cast %add3A_154 : vector<16xi32> to vector<16xi32>
      tpu.vector_store %arg11[%swap3A_155], %swap3A_158 {strides = array<i32>} : memref<128xi32, #tpu.memory_space<vmem>>, vector<16xi32>,
      %get3A_159 = arith.constant 64 : index
      %get3A_160 = tpu.vector_load %arg9[%get3A_159] {strides = array<i32>} : memref<128xi32, #tpu.memory_space<vmem>>, vector<16xi32>,
      %get3A_161 = vector.shape_cast %get3A_160 : vector<16xi32> to vector<16xi32>
      %mul3A_162 = arith.constant 400 : i32
      %mul3A_163 = vector.broadcast %mul3A_162 : i32 to vector<16xi32>
      %mul3A_164 = arith.muli %get3A_161, %mul3A_163 : vector<16xi32>
      %get3A_165 = arith.constant 64 : index
      %get3A_166 = tpu.vector_load %arg12[%get3A_165] {strides = array<i32>} : memref<128xi32, #tpu.memory_space<vmem>>, vector<16xi32>,
      %get3A_167 = vector.shape_cast %get3A_166 : vector<16xi32> to vector<16xi32>
      %add3A_168 = arith.addi %mul3A_164, %get3A_167 : vector<16xi32>
      %add3A_169 = vector.broadcast %rem3A_82 : i32 to vector<16xi32>
      %add3A_170 = arith.addi %add3A_168, %add3A_169 : vector<16xi32>
      %swap3A_171 = arith.constant 64 : index
      %swap3A_172 = tpu.vector_load %arg11[%swap3A_171] {strides = array<i32>} : memref<128xi32, #tpu.memory_space<vmem>>, vector<16xi32>,
      %swap3A_173 = vector.shape_cast %swap3A_172 : vector<16xi32> to vector<16xi32>
      %swap3A_174 = vector.shape_cast %add3A_170 : vector<16xi32> to vector<16xi32>
      tpu.vector_store %arg11[%swap3A_171], %swap3A_174 {strides = array<i32>} : memref<128xi32, #tpu.memory_space<vmem>>, vector<16xi32>,
      %get3A_175 = arith.constant 80 : index
      %get3A_176 = tpu.vector_load %arg9[%get3A_175] {strides = array<i32>} : memref<128xi32, #tpu.memory_space<vmem>>, vector<16xi32>,
      %get3A_177 = vector.shape_cast %get3A_176 : vector<16xi32> to vector<16xi32>
      %mul3A_178 = arith.constant 400 : i32
      %mul3A_179 = vector.broadcast %mul3A_178 : i32 to vector<16xi32>
      %mul3A_180 = arith.muli %get3A_177, %mul3A_179 : vector<16xi32>
      %get3A_181 = arith.constant 80 : index
      %get3A_182 = tpu.vector_load %arg12[%get3A_181] {strides = array<i32>} : memref<128xi32, #tpu.memory_space<vmem>>, vector<16xi32>,
      %get3A_183 = vector.shape_cast %get3A_182 : vector<16xi32> to vector<16xi32>
      %add3A_184 = arith.addi %mul3A_180, %get3A_183 : vector<16xi32>
      %add3A_185 = vector.broadcast %rem3A_82 : i32 to vector<16xi32>
      %add3A_186 = arith.addi %add3A_184, %add3A_185 : vector<16xi32>
      %swap3A_187 = arith.constant 80 : index
      %swap3A_188 = tpu.vector_load %arg11[%swap3A_187] {strides = array<i32>} : memref<128xi32, #tpu.memory_space<vmem>>, vector<16xi32>,
      %swap3A_189 = vector.shape_cast %swap3A_188 : vector<16xi32> to vector<16xi32>
      %swap3A_190 = vector.shape_cast %add3A_186 : vector<16xi32> to vector<16xi32>
      tpu.vector_store %arg11[%swap3A_187], %swap3A_190 {strides = array<i32>} : memref<128xi32, #tpu.memory_space<vmem>>, vector<16xi32>,
      %get3A_191 = arith.constant 96 : index
      %get3A_192 = tpu.vector_load %arg9[%get3A_191] {strides = array<i32>} : memref<128xi32, #tpu.memory_space<vmem>>, vector<16xi32>,
      %get3A_193 = vector.shape_cast %get3A_192 : vector<16xi32> to vector<16xi32>
      %mul3A_194 = arith.constant 400 : i32
      %mul3A_195 = vector.broadcast %mul3A_194 : i32 to vector<16xi32>
      %mul3A_196 = arith.muli %get3A_193, %mul3A_195 : vector<16xi32>
      %get3A_197 = arith.constant 96 : index
      %get3A_198 = tpu.vector_load %arg12[%get3A_197] {strides = array<i32>} : memref<128xi32, #tpu.memory_space<vmem>>, vector<16xi32>,
      %get3A_199 = vector.shape_cast %get3A_198 : vector<16xi32> to vector<16xi32>
      %add3A_200 = arith.addi %mul3A_196, %get3A_199 : vector<16xi32>
      %add3A_201 = vector.broadcast %rem3A_82 : i32 to vector<16xi32>
      %add3A_202 = arith.addi %add3A_200, %add3A_201 : vector<16xi32>
      %swap3A_203 = arith.constant 96 : index
      %swap3A_204 = tpu.vector_load %arg11[%swap3A_203] {strides = array<i32>} : memref<128xi32, #tpu.memory_space<vmem>>, vector<16xi32>,
      %swap3A_205 = vector.shape_cast %swap3A_204 : vector<16xi32> to vector<16xi32>
      %swap3A_206 = vector.shape_cast %add3A_202 : vector<16xi32> to vector<16xi32>
      tpu.vector_store %arg11[%swap3A_203], %swap3A_206 {strides = array<i32>} : memref<128xi32, #tpu.memory_space<vmem>>, vector<16xi32>,
      %get3A_207 = arith.constant 112 : index
      %get3A_208 = tpu.vector_load %arg9[%get3A_207] {strides = array<i32>} : memref<128xi32, #tpu.memory_space<vmem>>, vector<16xi32>,
      %get3A_209 = vector.shape_cast %get3A_208 : vector<16xi32> to vector<16xi32>
      %mul3A_210 = arith.constant 400 : i32
      %mul3A_211 = vector.broadcast %mul3A_210 : i32 to vector<16xi32>
      %mul3A_212 = arith.muli %get3A_209, %mul3A_211 : vector<16xi32>
      %get3A_213 = arith.constant 112 : index
      %get3A_214 = tpu.vector_load %arg12[%get3A_213] {strides = array<i32>} : memref<128xi32, #tpu.memory_space<vmem>>, vector<16xi32>,
      %get3A_215 = vector.shape_cast %get3A_214 : vector<16xi32> to vector<16xi32>
      %add3A_216 = arith.addi %mul3A_212, %get3A_215 : vector<16xi32>
      %add3A_217 = vector.broadcast %rem3A_82 : i32 to vector<16xi32>
      %add3A_218 = arith.addi %add3A_216, %add3A_217 : vector<16xi32>
      %swap3A_219 = arith.constant 112 : index
      %swap3A_220 = tpu.vector_load %arg11[%swap3A_219] {strides = array<i32>} : memref<128xi32, #tpu.memory_space<vmem>>, vector<16xi32>,
      %swap3A_221 = vector.shape_cast %swap3A_220 : vector<16xi32> to vector<16xi32>
      %swap3A_222 = vector.shape_cast %add3A_218 : vector<16xi32> to vector<16xi32>
      tpu.vector_store %arg11[%swap3A_219], %swap3A_222 {strides = array<i32>} : memref<128xi32, #tpu.memory_space<vmem>>, vector<16xi32>,
      "tpu.region"() ({
        %run_scoped3A = tpu.sem_alloc : memref<!tpu.dma_semaphore, #tpu.memory_space<semaphore_mem>>
        %dma_start3A_397 = arith.constant 0 : i32
        %dma_start3A_398 = arith.constant 0 : i32
        %dma_start3A_399 = tpu.memref_slice %arg15[%dma_start3A_397, %dma_start3A_398] : memref<800x64xf32, #tpu.memory_space<vmem_shared>> -> memref<800x64xf32, #tpu.memory_space<vmem_shared>>
        tpu.enqueue_indirect_dma source(%dma_start3A_399 : memref<800x64xf32, #tpu.memory_space<vmem_shared>>) target(%arg13 : memref<128x64xf32, #tpu.memory_space<vmem>>) offsets(%arg11 : memref<128xi32, #tpu.memory_space<vmem>>) semaphore(%run_scoped3A : memref<!tpu.dma_semaphore, #tpu.memory_space<semaphore_mem>>) {add = true}
        %dma_wait3A_400 = arith.constant 0 : i32
        %dma_wait3A_401 = arith.constant 0 : i32
        %dma_wait3A_402 = tpu.memref_slice %arg15[%dma_wait3A_400, %dma_wait3A_401] : memref<800x64xf32, #tpu.memory_space<vmem_shared>> -> memref<800x64xf32, #tpu.memory_space<vmem_shared>>
        tpu.wait_indirect_dma semaphore(%run_scoped3A : memref<!tpu.dma_semaphore, #tpu.memory_space<semaphore_mem>>) src(%dma_wait3A_402 : memref<800x64xf32, #tpu.memory_space<vmem_shared>>) dst(%arg13 : memref<128x64xf32, #tpu.memory_space<vmem>>)
        tpu.yield
      }) : () -> ()
      %dma_start3A_223 = arith.constant 0 : i32
      %dma_start3A_224 = tpu.memref_slice %arg6[%add3A_81, %dma_start3A_223] : memref<204800x64xf32, #tpu.memory_space<hbm>> -> memref<128x64xf32, #tpu.memory_space<hbm>>
      %dma_start3A_225 = arith.constant 0 : i32
      %dma_start3A_226 = tpu.memref_slice %arg6[%add3A_81, %dma_start3A_225] : memref<204800x64xf32, #tpu.memory_space<hbm>> -> memref<128x64xf32, #tpu.memory_space<hbm>>
      tpu.enqueue_dma source(%arg13 : memref<128x64xf32, #tpu.memory_space<vmem>>) target(%dma_start3A_226 : memref<128x64xf32, #tpu.memory_space<hbm>>) target_semaphore(%arg18 : memref<!tpu.dma_semaphore, #tpu.memory_space<semaphore_mem>>)
      %add3A_227 = arith.constant 2 : i32
      %add3A_228 = arith.addi %mul3A_78, %add3A_227 : i32
      %lt3A_229 = arith.constant 50 : i32
      %lt3A_230 = arith.cmpi slt, %add3A_228, %lt3A_229 : i32
      %convert_element_type3A_231 = arith.extui %lt3A_230 : i1 to i32
      %cond3A_232 = arith.constant 0 : i32
      %cond3A_233 = arith.cmpi ne, %convert_element_type3A_231, %cond3A_232 : i32
      scf.if %cond3A_233 {
        %add3A_397 = arith.constant 2 : i32
        %add3A_398 = arith.addi %mul3A_78, %add3A_397 : i32
        %mul3A_399 = arith.constant 128 : i32
        %mul3A_400 = arith.muli %add3A_398, %mul3A_399 : i32
        %add3A_401 = arith.addi %mul3A_2, %mul3A_400 : i32
        "tpu.region"() ({
          %run_scoped3A = tpu.sem_alloc : memref<!tpu.dma_semaphore, #tpu.memory_space<semaphore_mem>>
          %dma_start3A_402 = tpu.memref_slice %arg2[%add3A_401] : memref<204800xi32, #tpu.memory_space<hbm>> -> memref<128xi32, #tpu.memory_space<hbm>>
          %dma_start3A_403 = tpu.memref_slice %arg2[%add3A_401] : memref<204800xi32, #tpu.memory_space<hbm>> -> memref<128xi32, #tpu.memory_space<hbm>>
          tpu.enqueue_dma source(%dma_start3A_403 : memref<128xi32, #tpu.memory_space<hbm>>) target(%arg7 : memref<128xi32, #tpu.memory_space<vmem>>) target_semaphore(%run_scoped3A : memref<!tpu.dma_semaphore, #tpu.memory_space<semaphore_mem>>)
          %dma_wait3A_404 = tpu.memref_slice %arg2[%add3A_401] : memref<204800xi32, #tpu.memory_space<hbm>> -> memref<128xi32, #tpu.memory_space<hbm>>
          %dma_wait3A_405 = tpu.memref_slice %arg2[%add3A_401] : memref<204800xi32, #tpu.memory_space<hbm>> -> memref<128xi32, #tpu.memory_space<hbm>>
          tpu.wait_dma2 semaphore(%run_scoped3A : memref<!tpu.dma_semaphore, #tpu.memory_space<semaphore_mem>>) src(%dma_wait3A_405 : memref<128xi32, #tpu.memory_space<hbm>>) dst(%arg7 : memref<128xi32, #tpu.memory_space<vmem>>)
          tpu.yield
        }) : () -> ()
        "tpu.region"() ({
          %run_scoped3A = tpu.sem_alloc : memref<!tpu.dma_semaphore, #tpu.memory_space<semaphore_mem>>
          %dma_start3A_402 = tpu.memref_slice %arg3[%add3A_401] : memref<204800xi32, #tpu.memory_space<hbm>> -> memref<128xi32, #tpu.memory_space<hbm>>
          %dma_start3A_403 = tpu.memref_slice %arg3[%add3A_401] : memref<204800xi32, #tpu.memory_space<hbm>> -> memref<128xi32, #tpu.memory_space<hbm>>
          tpu.enqueue_dma source(%dma_start3A_403 : memref<128xi32, #tpu.memory_space<hbm>>) target(%arg9 : memref<128xi32, #tpu.memory_space<vmem>>) target_semaphore(%run_scoped3A : memref<!tpu.dma_semaphore, #tpu.memory_space<semaphore_mem>>)
          %dma_wait3A_404 = tpu.memref_slice %arg3[%add3A_401] : memref<204800xi32, #tpu.memory_space<hbm>> -> memref<128xi32, #tpu.memory_space<hbm>>
          %dma_wait3A_405 = tpu.memref_slice %arg3[%add3A_401] : memref<204800xi32, #tpu.memory_space<hbm>> -> memref<128xi32, #tpu.memory_space<hbm>>
          tpu.wait_dma2 semaphore(%run_scoped3A : memref<!tpu.dma_semaphore, #tpu.memory_space<semaphore_mem>>) src(%dma_wait3A_405 : memref<128xi32, #tpu.memory_space<hbm>>) dst(%arg9 : memref<128xi32, #tpu.memory_space<vmem>>)
          tpu.yield
        }) : () -> ()
      } else {
      }
      %mul3A_234 = arith.constant 2 : i32
      %mul3A_235 = arith.muli %mul3A_234, %scan3A_76 : i32
      %add3A_236 = arith.constant 1 : i32
      %add3A_237 = arith.addi %mul3A_235, %add3A_236 : i32
      %mul3A_238 = arith.constant 128 : i32
      %mul3A_239 = arith.muli %add3A_237, %mul3A_238 : i32
      %add3A_240 = arith.addi %mul3A_2, %mul3A_239 : i32
      %rem3A_241 = arith.constant 200 : i32
      %rem3A_242 = arith.remsi %add3A_240, %rem3A_241 : i32
      %gt3A_243 = arith.constant 0 : i32
      %gt3A_244 = arith.cmpi sgt, %add3A_237, %gt3A_243 : i32
      %convert_element_type3A_245 = arith.extui %gt3A_244 : i1 to i32
      %cond3A_246 = arith.constant 0 : i32
      %cond3A_247 = arith.cmpi ne, %convert_element_type3A_245, %cond3A_246 : i32
      scf.if %cond3A_247 {
        %dma_wait3A_397 = arith.constant 0 : i32
        %dma_wait3A_398 = arith.constant 0 : i32
        %dma_wait3A_399 = tpu.memref_slice %arg6[%dma_wait3A_397, %dma_wait3A_398] : memref<204800x64xf32, #tpu.memory_space<hbm>> -> memref<128x64xf32, #tpu.memory_space<hbm>>
        %dma_wait3A_400 = arith.constant 0 : i32
        %dma_wait3A_401 = arith.constant 0 : i32
        %dma_wait3A_402 = tpu.memref_slice %arg6[%dma_wait3A_400, %dma_wait3A_401] : memref<204800x64xf32, #tpu.memory_space<hbm>> -> memref<128x64xf32, #tpu.memory_space<hbm>>
        tpu.wait_dma2 semaphore(%arg18 : memref<!tpu.dma_semaphore, #tpu.memory_space<semaphore_mem>>) src(%arg13 : memref<128x64xf32, #tpu.memory_space<vmem>>) dst(%dma_wait3A_402 : memref<128x64xf32, #tpu.memory_space<hbm>>)
      } else {
      }
      %add3A_248 = arith.constant 1 : i32
      %add3A_249 = arith.addi %add3A_237, %add3A_248 : i32
      %lt3A_250 = arith.constant 50 : i32
      %lt3A_251 = arith.cmpi slt, %add3A_249, %lt3A_250 : i32
      %convert_element_type3A_252 = arith.extui %lt3A_251 : i1 to i32
      %cond3A_253 = arith.constant 0 : i32
      %cond3A_254 = arith.cmpi ne, %convert_element_type3A_252, %cond3A_253 : i32
      scf.if %cond3A_254 {
        %dma_start3A_397 = arith.constant 0 : i32
        %dma_start3A_398 = arith.constant 0 : i32
        %dma_start3A_399 = tpu.memref_slice %arg4[%dma_start3A_397, %dma_start3A_398] : memref<100000x64xf32, #tpu.memory_space<hbm>> -> memref<100000x64xf32, #tpu.memory_space<hbm>>
        tpu.enqueue_indirect_dma source(%dma_start3A_399 : memref<100000x64xf32, #tpu.memory_space<hbm>>) target(%arg13 : memref<128x64xf32, #tpu.memory_space<vmem>>) offsets(%arg7 : memref<128xi32, #tpu.memory_space<vmem>>) semaphore(%arg16 : memref<!tpu.dma_semaphore, #tpu.memory_space<semaphore_mem>>)
      } else {
      }
      %dma_wait3A_255 = arith.constant 0 : i32
      %dma_wait3A_256 = arith.constant 0 : i32
      %dma_wait3A_257 = tpu.memref_slice %arg4[%dma_wait3A_255, %dma_wait3A_256] : memref<100000x64xf32, #tpu.memory_space<hbm>> -> memref<100000x64xf32, #tpu.memory_space<hbm>>
      tpu.wait_indirect_dma semaphore(%arg17 : memref<!tpu.dma_semaphore, #tpu.memory_space<semaphore_mem>>) src(%dma_wait3A_257 : memref<100000x64xf32, #tpu.memory_space<hbm>>) dst(%arg14 : memref<128x64xf32, #tpu.memory_space<vmem>>)
      %get3A_258 = arith.constant 0 : index
      %get3A_259 = tpu.vector_load %arg10[%get3A_258] {strides = array<i32>} : memref<128xi32, #tpu.memory_space<vmem>>, vector<16xi32>,
      %get3A_260 = vector.shape_cast %get3A_259 : vector<16xi32> to vector<16xi32>
      %mul3A_261 = arith.constant 400 : i32
      %mul3A_262 = vector.broadcast %mul3A_261 : i32 to vector<16xi32>
      %mul3A_263 = arith.muli %get3A_260, %mul3A_262 : vector<16xi32>
      %get3A_264 = arith.constant 0 : index
      %get3A_265 = tpu.vector_load %arg12[%get3A_264] {strides = array<i32>} : memref<128xi32, #tpu.memory_space<vmem>>, vector<16xi32>,
      %get3A_266 = vector.shape_cast %get3A_265 : vector<16xi32> to vector<16xi32>
      %add3A_267 = arith.addi %mul3A_263, %get3A_266 : vector<16xi32>
      %add3A_268 = vector.broadcast %rem3A_242 : i32 to vector<16xi32>
      %add3A_269 = arith.addi %add3A_267, %add3A_268 : vector<16xi32>
      %swap3A_270 = arith.constant 0 : index
      %swap3A_271 = tpu.vector_load %arg11[%swap3A_270] {strides = array<i32>} : memref<128xi32, #tpu.memory_space<vmem>>, vector<16xi32>,
      %swap3A_272 = vector.shape_cast %swap3A_271 : vector<16xi32> to vector<16xi32>
      %swap3A_273 = vector.shape_cast %add3A_269 : vector<16xi32> to vector<16xi32>
      tpu.vector_store %arg11[%swap3A_270], %swap3A_273 {strides = array<i32>} : memref<128xi32, #tpu.memory_space<vmem>>, vector<16xi32>,
      %get3A_274 = arith.constant 16 : index
      %get3A_275 = tpu.vector_load %arg10[%get3A_274] {strides = array<i32>} : memref<128xi32, #tpu.memory_space<vmem>>, vector<16xi32>,
      %get3A_276 = vector.shape_cast %get3A_275 : vector<16xi32> to vector<16xi32>
      %mul3A_277 = arith.constant 400 : i32
      %mul3A_278 = vector.broadcast %mul3A_277 : i32 to vector<16xi32>
      %mul3A_279 = arith.muli %get3A_276, %mul3A_278 : vector<16xi32>
      %get3A_280 = arith.constant 16 : index
      %get3A_281 = tpu.vector_load %arg12[%get3A_280] {strides = array<i32>} : memref<128xi32, #tpu.memory_space<vmem>>, vector<16xi32>,
      %get3A_282 = vector.shape_cast %get3A_281 : vector<16xi32> to vector<16xi32>
      %add3A_283 = arith.addi %mul3A_279, %get3A_282 : vector<16xi32>
      %add3A_284 = vector.broadcast %rem3A_242 : i32 to vector<16xi32>
      %add3A_285 = arith.addi %add3A_283, %add3A_284 : vector<16xi32>
      %swap3A_286 = arith.constant 16 : index
      %swap3A_287 = tpu.vector_load %arg11[%swap3A_286] {strides = array<i32>} : memref<128xi32, #tpu.memory_space<vmem>>, vector<16xi32>,
      %swap3A_288 = vector.shape_cast %swap3A_287 : vector<16xi32> to vector<16xi32>
      %swap3A_289 = vector.shape_cast %add3A_285 : vector<16xi32> to vector<16xi32>
      tpu.vector_store %arg11[%swap3A_286], %swap3A_289 {strides = array<i32>} : memref<128xi32, #tpu.memory_space<vmem>>, vector<16xi32>,
      %get3A_290 = arith.constant 32 : index
      %get3A_291 = tpu.vector_load %arg10[%get3A_290] {strides = array<i32>} : memref<128xi32, #tpu.memory_space<vmem>>, vector<16xi32>,
      %get3A_292 = vector.shape_cast %get3A_291 : vector<16xi32> to vector<16xi32>
      %mul3A_293 = arith.constant 400 : i32
      %mul3A_294 = vector.broadcast %mul3A_293 : i32 to vector<16xi32>
      %mul3A_295 = arith.muli %get3A_292, %mul3A_294 : vector<16xi32>
      %get3A_296 = arith.constant 32 : index
      %get3A_297 = tpu.vector_load %arg12[%get3A_296] {strides = array<i32>} : memref<128xi32, #tpu.memory_space<vmem>>, vector<16xi32>,
      %get3A_298 = vector.shape_cast %get3A_297 : vector<16xi32> to vector<16xi32>
      %add3A_299 = arith.addi %mul3A_295, %get3A_298 : vector<16xi32>
      %add3A_300 = vector.broadcast %rem3A_242 : i32 to vector<16xi32>
      %add3A_301 = arith.addi %add3A_299, %add3A_300 : vector<16xi32>
      %swap3A_302 = arith.constant 32 : index
      %swap3A_303 = tpu.vector_load %arg11[%swap3A_302] {strides = array<i32>} : memref<128xi32, #tpu.memory_space<vmem>>, vector<16xi32>,
      %swap3A_304 = vector.shape_cast %swap3A_303 : vector<16xi32> to vector<16xi32>
      %swap3A_305 = vector.shape_cast %add3A_301 : vector<16xi32> to vector<16xi32>
      tpu.vector_store %arg11[%swap3A_302], %swap3A_305 {strides = array<i32>} : memref<128xi32, #tpu.memory_space<vmem>>, vector<16xi32>,
      %get3A_306 = arith.constant 48 : index
      %get3A_307 = tpu.vector_load %arg10[%get3A_306] {strides = array<i32>} : memref<128xi32, #tpu.memory_space<vmem>>, vector<16xi32>,
      %get3A_308 = vector.shape_cast %get3A_307 : vector<16xi32> to vector<16xi32>
      %mul3A_309 = arith.constant 400 : i32
      %mul3A_310 = vector.broadcast %mul3A_309 : i32 to vector<16xi32>
      %mul3A_311 = arith.muli %get3A_308, %mul3A_310 : vector<16xi32>
      %get3A_312 = arith.constant 48 : index
      %get3A_313 = tpu.vector_load %arg12[%get3A_312] {strides = array<i32>} : memref<128xi32, #tpu.memory_space<vmem>>, vector<16xi32>,
      %get3A_314 = vector.shape_cast %get3A_313 : vector<16xi32> to vector<16xi32>
      %add3A_315 = arith.addi %mul3A_311, %get3A_314 : vector<16xi32>
      %add3A_316 = vector.broadcast %rem3A_242 : i32 to vector<16xi32>
      %add3A_317 = arith.addi %add3A_315, %add3A_316 : vector<16xi32>
      %swap3A_318 = arith.constant 48 : index
      %swap3A_319 = tpu.vector_load %arg11[%swap3A_318] {strides = array<i32>} : memref<128xi32, #tpu.memory_space<vmem>>, vector<16xi32>,
      %swap3A_320 = vector.shape_cast %swap3A_319 : vector<16xi32> to vector<16xi32>
      %swap3A_321 = vector.shape_cast %add3A_317 : vector<16xi32> to vector<16xi32>
      tpu.vector_store %arg11[%swap3A_318], %swap3A_321 {strides = array<i32>} : memref<128xi32, #tpu.memory_space<vmem>>, vector<16xi32>,
      %get3A_322 = arith.constant 64 : index
      %get3A_323 = tpu.vector_load %arg10[%get3A_322] {strides = array<i32>} : memref<128xi32, #tpu.memory_space<vmem>>, vector<16xi32>,
      %get3A_324 = vector.shape_cast %get3A_323 : vector<16xi32> to vector<16xi32>
      %mul3A_325 = arith.constant 400 : i32
      %mul3A_326 = vector.broadcast %mul3A_325 : i32 to vector<16xi32>
      %mul3A_327 = arith.muli %get3A_324, %mul3A_326 : vector<16xi32>
      %get3A_328 = arith.constant 64 : index
      %get3A_329 = tpu.vector_load %arg12[%get3A_328] {strides = array<i32>} : memref<128xi32, #tpu.memory_space<vmem>>, vector<16xi32>,
      %get3A_330 = vector.shape_cast %get3A_329 : vector<16xi32> to vector<16xi32>
      %add3A_331 = arith.addi %mul3A_327, %get3A_330 : vector<16xi32>
      %add3A_332 = vector.broadcast %rem3A_242 : i32 to vector<16xi32>
      %add3A_333 = arith.addi %add3A_331, %add3A_332 : vector<16xi32>
      %swap3A_334 = arith.constant 64 : index
      %swap3A_335 = tpu.vector_load %arg11[%swap3A_334] {strides = array<i32>} : memref<128xi32, #tpu.memory_space<vmem>>, vector<16xi32>,
      %swap3A_336 = vector.shape_cast %swap3A_335 : vector<16xi32> to vector<16xi32>
      %swap3A_337 = vector.shape_cast %add3A_333 : vector<16xi32> to vector<16xi32>
      tpu.vector_store %arg11[%swap3A_334], %swap3A_337 {strides = array<i32>} : memref<128xi32, #tpu.memory_space<vmem>>, vector<16xi32>,
      %get3A_338 = arith.constant 80 : index
      %get3A_339 = tpu.vector_load %arg10[%get3A_338] {strides = array<i32>} : memref<128xi32, #tpu.memory_space<vmem>>, vector<16xi32>,
      %get3A_340 = vector.shape_cast %get3A_339 : vector<16xi32> to vector<16xi32>
      %mul3A_341 = arith.constant 400 : i32
      %mul3A_342 = vector.broadcast %mul3A_341 : i32 to vector<16xi32>
      %mul3A_343 = arith.muli %get3A_340, %mul3A_342 : vector<16xi32>
      %get3A_344 = arith.constant 80 : index
      %get3A_345 = tpu.vector_load %arg12[%get3A_344] {strides = array<i32>} : memref<128xi32, #tpu.memory_space<vmem>>, vector<16xi32>,
      %get3A_346 = vector.shape_cast %get3A_345 : vector<16xi32> to vector<16xi32>
      %add3A_347 = arith.addi %mul3A_343, %get3A_346 : vector<16xi32>
      %add3A_348 = vector.broadcast %rem3A_242 : i32 to vector<16xi32>
      %add3A_349 = arith.addi %add3A_347, %add3A_348 : vector<16xi32>
      %swap3A_350 = arith.constant 80 : index
      %swap3A_351 = tpu.vector_load %arg11[%swap3A_350] {strides = array<i32>} : memref<128xi32, #tpu.memory_space<vmem>>, vector<16xi32>,
      %swap3A_352 = vector.shape_cast %swap3A_351 : vector<16xi32> to vector<16xi32>
      %swap3A_353 = vector.shape_cast %add3A_349 : vector<16xi32> to vector<16xi32>
      tpu.vector_store %arg11[%swap3A_350], %swap3A_353 {strides = array<i32>} : memref<128xi32, #tpu.memory_space<vmem>>, vector<16xi32>,
      %get3A_354 = arith.constant 96 : index
      %get3A_355 = tpu.vector_load %arg10[%get3A_354] {strides = array<i32>} : memref<128xi32, #tpu.memory_space<vmem>>, vector<16xi32>,
      %get3A_356 = vector.shape_cast %get3A_355 : vector<16xi32> to vector<16xi32>
      %mul3A_357 = arith.constant 400 : i32
      %mul3A_358 = vector.broadcast %mul3A_357 : i32 to vector<16xi32>
      %mul3A_359 = arith.muli %get3A_356, %mul3A_358 : vector<16xi32>
      %get3A_360 = arith.constant 96 : index
      %get3A_361 = tpu.vector_load %arg12[%get3A_360] {strides = array<i32>} : memref<128xi32, #tpu.memory_space<vmem>>, vector<16xi32>,
      %get3A_362 = vector.shape_cast %get3A_361 : vector<16xi32> to vector<16xi32>
      %add3A_363 = arith.addi %mul3A_359, %get3A_362 : vector<16xi32>
      %add3A_364 = vector.broadcast %rem3A_242 : i32 to vector<16xi32>
      %add3A_365 = arith.addi %add3A_363, %add3A_364 : vector<16xi32>
      %swap3A_366 = arith.constant 96 : index
      %swap3A_367 = tpu.vector_load %arg11[%swap3A_366] {strides = array<i32>} : memref<128xi32, #tpu.memory_space<vmem>>, vector<16xi32>,
      %swap3A_368 = vector.shape_cast %swap3A_367 : vector<16xi32> to vector<16xi32>
      %swap3A_369 = vector.shape_cast %add3A_365 : vector<16xi32> to vector<16xi32>
      tpu.vector_store %arg11[%swap3A_366], %swap3A_369 {strides = array<i32>} : memref<128xi32, #tpu.memory_space<vmem>>, vector<16xi32>,
      %get3A_370 = arith.constant 112 : index
      %get3A_371 = tpu.vector_load %arg10[%get3A_370] {strides = array<i32>} : memref<128xi32, #tpu.memory_space<vmem>>, vector<16xi32>,
      %get3A_372 = vector.shape_cast %get3A_371 : vector<16xi32> to vector<16xi32>
      %mul3A_373 = arith.constant 400 : i32
      %mul3A_374 = vector.broadcast %mul3A_373 : i32 to vector<16xi32>
      %mul3A_375 = arith.muli %get3A_372, %mul3A_374 : vector<16xi32>
      %get3A_376 = arith.constant 112 : index
      %get3A_377 = tpu.vector_load %arg12[%get3A_376] {strides = array<i32>} : memref<128xi32, #tpu.memory_space<vmem>>, vector<16xi32>,
      %get3A_378 = vector.shape_cast %get3A_377 : vector<16xi32> to vector<16xi32>
      %add3A_379 = arith.addi %mul3A_375, %get3A_378 : vector<16xi32>
      %add3A_380 = vector.broadcast %rem3A_242 : i32 to vector<16xi32>
      %add3A_381 = arith.addi %add3A_379, %add3A_380 : vector<16xi32>
      %swap3A_382 = arith.constant 112 : index
      %swap3A_383 = tpu.vector_load %arg11[%swap3A_382] {strides = array<i32>} : memref<128xi32, #tpu.memory_space<vmem>>, vector<16xi32>,
      %swap3A_384 = vector.shape_cast %swap3A_383 : vector<16xi32> to vector<16xi32>
      %swap3A_385 = vector.shape_cast %add3A_381 : vector<16xi32> to vector<16xi32>
      tpu.vector_store %arg11[%swap3A_382], %swap3A_385 {strides = array<i32>} : memref<128xi32, #tpu.memory_space<vmem>>, vector<16xi32>,
      "tpu.region"() ({
        %run_scoped3A = tpu.sem_alloc : memref<!tpu.dma_semaphore, #tpu.memory_space<semaphore_mem>>
        %dma_start3A_397 = arith.constant 0 : i32
        %dma_start3A_398 = arith.constant 0 : i32
        %dma_start3A_399 = tpu.memref_slice %arg15[%dma_start3A_397, %dma_start3A_398] : memref<800x64xf32, #tpu.memory_space<vmem_shared>> -> memref<800x64xf32, #tpu.memory_space<vmem_shared>>
        tpu.enqueue_indirect_dma source(%dma_start3A_399 : memref<800x64xf32, #tpu.memory_space<vmem_shared>>) target(%arg14 : memref<128x64xf32, #tpu.memory_space<vmem>>) offsets(%arg11 : memref<128xi32, #tpu.memory_space<vmem>>) semaphore(%run_scoped3A : memref<!tpu.dma_semaphore, #tpu.memory_space<semaphore_mem>>) {add = true}
        %dma_wait3A_400 = arith.constant 0 : i32
        %dma_wait3A_401 = arith.constant 0 : i32
        %dma_wait3A_402 = tpu.memref_slice %arg15[%dma_wait3A_400, %dma_wait3A_401] : memref<800x64xf32, #tpu.memory_space<vmem_shared>> -> memref<800x64xf32, #tpu.memory_space<vmem_shared>>
        tpu.wait_indirect_dma semaphore(%run_scoped3A : memref<!tpu.dma_semaphore, #tpu.memory_space<semaphore_mem>>) src(%dma_wait3A_402 : memref<800x64xf32, #tpu.memory_space<vmem_shared>>) dst(%arg14 : memref<128x64xf32, #tpu.memory_space<vmem>>)
        tpu.yield
      }) : () -> ()
      %dma_start3A_386 = arith.constant 0 : i32
      %dma_start3A_387 = tpu.memref_slice %arg6[%add3A_240, %dma_start3A_386] : memref<204800x64xf32, #tpu.memory_space<hbm>> -> memref<128x64xf32, #tpu.memory_space<hbm>>
      %dma_start3A_388 = arith.constant 0 : i32
      %dma_start3A_389 = tpu.memref_slice %arg6[%add3A_240, %dma_start3A_388] : memref<204800x64xf32, #tpu.memory_space<hbm>> -> memref<128x64xf32, #tpu.memory_space<hbm>>
      tpu.enqueue_dma source(%arg14 : memref<128x64xf32, #tpu.memory_space<vmem>>) target(%dma_start3A_389 : memref<128x64xf32, #tpu.memory_space<hbm>>) target_semaphore(%arg19 : memref<!tpu.dma_semaphore, #tpu.memory_space<semaphore_mem>>)
      %add3A_390 = arith.constant 2 : i32
      %add3A_391 = arith.addi %add3A_237, %add3A_390 : i32
      %lt3A_392 = arith.constant 50 : i32
      %lt3A_393 = arith.cmpi slt, %add3A_391, %lt3A_392 : i32
      %convert_element_type3A_394 = arith.extui %lt3A_393 : i1 to i32
      %cond3A_395 = arith.constant 0 : i32
      %cond3A_396 = arith.cmpi ne, %convert_element_type3A_394, %cond3A_395 : i32
      scf.if %cond3A_396 {
        %add3A_397 = arith.constant 2 : i32
        %add3A_398 = arith.addi %add3A_237, %add3A_397 : i32
        %mul3A_399 = arith.constant 128 : i32
        %mul3A_400 = arith.muli %add3A_398, %mul3A_399 : i32
        %add3A_401 = arith.addi %mul3A_2, %mul3A_400 : i32
        "tpu.region"() ({
          %run_scoped3A = tpu.sem_alloc : memref<!tpu.dma_semaphore, #tpu.memory_space<semaphore_mem>>
          %dma_start3A_402 = tpu.memref_slice %arg2[%add3A_401] : memref<204800xi32, #tpu.memory_space<hbm>> -> memref<128xi32, #tpu.memory_space<hbm>>
          %dma_start3A_403 = tpu.memref_slice %arg2[%add3A_401] : memref<204800xi32, #tpu.memory_space<hbm>> -> memref<128xi32, #tpu.memory_space<hbm>>
          tpu.enqueue_dma source(%dma_start3A_403 : memref<128xi32, #tpu.memory_space<hbm>>) target(%arg8 : memref<128xi32, #tpu.memory_space<vmem>>) target_semaphore(%run_scoped3A : memref<!tpu.dma_semaphore, #tpu.memory_space<semaphore_mem>>)
          %dma_wait3A_404 = tpu.memref_slice %arg2[%add3A_401] : memref<204800xi32, #tpu.memory_space<hbm>> -> memref<128xi32, #tpu.memory_space<hbm>>
          %dma_wait3A_405 = tpu.memref_slice %arg2[%add3A_401] : memref<204800xi32, #tpu.memory_space<hbm>> -> memref<128xi32, #tpu.memory_space<hbm>>
          tpu.wait_dma2 semaphore(%run_scoped3A : memref<!tpu.dma_semaphore, #tpu.memory_space<semaphore_mem>>) src(%dma_wait3A_405 : memref<128xi32, #tpu.memory_space<hbm>>) dst(%arg8 : memref<128xi32, #tpu.memory_space<vmem>>)
          tpu.yield
        }) : () -> ()
        "tpu.region"() ({
          %run_scoped3A = tpu.sem_alloc : memref<!tpu.dma_semaphore, #tpu.memory_space<semaphore_mem>>
          %dma_start3A_402 = tpu.memref_slice %arg3[%add3A_401] : memref<204800xi32, #tpu.memory_space<hbm>> -> memref<128xi32, #tpu.memory_space<hbm>>
          %dma_start3A_403 = tpu.memref_slice %arg3[%add3A_401] : memref<204800xi32, #tpu.memory_space<hbm>> -> memref<128xi32, #tpu.memory_space<hbm>>
          tpu.enqueue_dma source(%dma_start3A_403 : memref<128xi32, #tpu.memory_space<hbm>>) target(%arg10 : memref<128xi32, #tpu.memory_space<vmem>>) target_semaphore(%run_scoped3A : memref<!tpu.dma_semaphore, #tpu.memory_space<semaphore_mem>>)
          %dma_wait3A_404 = tpu.memref_slice %arg3[%add3A_401] : memref<204800xi32, #tpu.memory_space<hbm>> -> memref<128xi32, #tpu.memory_space<hbm>>
          %dma_wait3A_405 = tpu.memref_slice %arg3[%add3A_401] : memref<204800xi32, #tpu.memory_space<hbm>> -> memref<128xi32, #tpu.memory_space<hbm>>
          tpu.wait_dma2 semaphore(%run_scoped3A : memref<!tpu.dma_semaphore, #tpu.memory_space<semaphore_mem>>) src(%dma_wait3A_405 : memref<128xi32, #tpu.memory_space<hbm>>) dst(%arg10 : memref<128xi32, #tpu.memory_space<vmem>>)
          tpu.yield
        }) : () -> ()
      } else {
      }
    }
    %scan3A_70 = arith.constant 25 : i32
    %dma_wait3A = arith.constant 0 : i32
    %dma_wait3A_71 = arith.constant 0 : i32
    %dma_wait3A_72 = tpu.memref_slice %arg6[%dma_wait3A, %dma_wait3A_71] : memref<204800x64xf32, #tpu.memory_space<hbm>> -> memref<128x64xf32, #tpu.memory_space<hbm>>
    %dma_wait3A_73 = arith.constant 0 : i32
    %dma_wait3A_74 = arith.constant 0 : i32
    %dma_wait3A_75 = tpu.memref_slice %arg6[%dma_wait3A_73, %dma_wait3A_74] : memref<204800x64xf32, #tpu.memory_space<hbm>> -> memref<128x64xf32, #tpu.memory_space<hbm>>
    tpu.wait_dma2 semaphore(%arg19 : memref<!tpu.dma_semaphore, #tpu.memory_space<semaphore_mem>>) src(%arg14 : memref<128x64xf32, #tpu.memory_space<vmem>>) dst(%dma_wait3A_75 : memref<128x64xf32, #tpu.memory_space<hbm>>)
    return
  }
}

#map = affine_map<(d0, d1) -> (0)>
#map1 = affine_map<(d0, d1) -> (0, 0)>
module attributes {stable_mosaic.version = 14 : i64} {
  func.func @k(%arg0: i32, %arg1: i32, %arg2: memref<204800xi32, #tpu.memory_space<hbm>>, %arg3: memref<204800xi32, #tpu.memory_space<hbm>>, %arg4: memref<100000x64xf32, #tpu.memory_space<hbm>>, %arg5: memref<800x64xf32, #tpu.memory_space<hbm>>, %arg6: memref<204800x64xf32, #tpu.memory_space<hbm>>, %arg7: memref<128xi32, #tpu.memory_space<vmem>>, %arg8: memref<128xi32, #tpu.memory_space<vmem>>, %arg9: memref<128xi32, #tpu.memory_space<vmem>>, %arg10: memref<128xi32, #tpu.memory_space<vmem>>, %arg11: memref<128xi32, #tpu.memory_space<vmem>>, %arg12: memref<128xi32, #tpu.memory_space<vmem>>, %arg13: memref<128x64xf32, #tpu.memory_space<vmem>>, %arg14: memref<128x64xf32, #tpu.memory_space<vmem>>, %arg15: memref<800x64xf32, #tpu.memory_space<vmem_shared>>, %arg16: memref<!tpu.dma_semaphore, #tpu.memory_space<semaphore_mem>>, %arg17: memref<!tpu.dma_semaphore, #tpu.memory_space<semaphore_mem>>, %arg18: memref<!tpu.dma_semaphore, #tpu.memory_space<semaphore_mem>>, %arg19: memref<!tpu.dma_semaphore, #tpu.memory_space<semaphore_mem>>) attributes {dimension_semantics = [#tpu.dimension_semantics<core_parallel>, #tpu.dimension_semantics<subcore_parallel>], iteration_bounds = array<i64: 2, 16>, scalar_prefetch = 0 : i64, scratch_operands = 13 : i64, tpu.core_type = #tpu.core_type<sc_vector_subcore>, window_params = [{transform_indices = #map}, {transform_indices = #map}, {transform_indices = #map1}, {transform_indices = #map1}, {transform_indices = #map1}]} {
    %mul3A = arith.constant 2 : i32
    %mul3A_0 = arith.muli %arg1, %mul3A : i32
    %add3A = arith.addi %mul3A_0, %arg0 : i32
    %mul3A_1 = arith.constant 6400 : i32
    %mul3A_2 = arith.muli %add3A, %mul3A_1 : i32
    %iota3A = tpu.iota {dimensions = array<i32: 0>} : vector<16xi32>
    %add3A_3 = arith.constant 0 : i32
    %add3A_4 = vector.broadcast %add3A_3 : i32 to vector<16xi32>
    %add3A_5 = arith.addi %iota3A, %add3A_4 : vector<16xi32>
    %swap3A = arith.constant 0 : index
    %swap3A_6 = tpu.vector_load %arg12[%swap3A] {strides = array<i32>} : memref<128xi32, #tpu.memory_space<vmem>>, vector<16xi32>,
    %swap3A_7 = vector.shape_cast %swap3A_6 : vector<16xi32> to vector<16xi32>
    %swap3A_8 = vector.shape_cast %add3A_5 : vector<16xi32> to vector<16xi32>
    tpu.vector_store %arg12[%swap3A], %swap3A_8 {strides = array<i32>} : memref<128xi32, #tpu.memory_space<vmem>>, vector<16xi32>,
    %add3A_9 = arith.constant 16 : i32
    %add3A_10 = vector.broadcast %add3A_9 : i32 to vector<16xi32>
    %add3A_11 = arith.addi %iota3A, %add3A_10 : vector<16xi32>
    %swap3A_12 = arith.constant 16 : index
    %swap3A_13 = tpu.vector_load %arg12[%swap3A_12] {strides = array<i32>} : memref<128xi32, #tpu.memory_space<vmem>>, vector<16xi32>,
    %swap3A_14 = vector.shape_cast %swap3A_13 : vector<16xi32> to vector<16xi32>
    %swap3A_15 = vector.shape_cast %add3A_11 : vector<16xi32> to vector<16xi32>
    tpu.vector_store %arg12[%swap3A_12], %swap3A_15 {strides = array<i32>} : memref<128xi32, #tpu.memory_space<vmem>>, vector<16xi32>,
    %add3A_16 = arith.constant 32 : i32
    %add3A_17 = vector.broadcast %add3A_16 : i32 to vector<16xi32>
    %add3A_18 = arith.addi %iota3A, %add3A_17 : vector<16xi32>
    %swap3A_19 = arith.constant 32 : index
    %swap3A_20 = tpu.vector_load %arg12[%swap3A_19] {strides = array<i32>} : memref<128xi32, #tpu.memory_space<vmem>>, vector<16xi32>,
    %swap3A_21 = vector.shape_cast %swap3A_20 : vector<16xi32> to vector<16xi32>
    %swap3A_22 = vector.shape_cast %add3A_18 : vector<16xi32> to vector<16xi32>
    tpu.vector_store %arg12[%swap3A_19], %swap3A_22 {strides = array<i32>} : memref<128xi32, #tpu.memory_space<vmem>>, vector<16xi32>,
    %add3A_23 = arith.constant 48 : i32
    %add3A_24 = vector.broadcast %add3A_23 : i32 to vector<16xi32>
    %add3A_25 = arith.addi %iota3A, %add3A_24 : vector<16xi32>
    %swap3A_26 = arith.constant 48 : index
    %swap3A_27 = tpu.vector_load %arg12[%swap3A_26] {strides = array<i32>} : memref<128xi32, #tpu.memory_space<vmem>>, vector<16xi32>,
    %swap3A_28 = vector.shape_cast %swap3A_27 : vector<16xi32> to vector<16xi32>
    %swap3A_29 = vector.shape_cast %add3A_25 : vector<16xi32> to vector<16xi32>
    tpu.vector_store %arg12[%swap3A_26], %swap3A_29 {strides = array<i32>} : memref<128xi32, #tpu.memory_space<vmem>>, vector<16xi32>,
    %add3A_30 = arith.constant 64 : i32
    %add3A_31 = vector.broadcast %add3A_30 : i32 to vector<16xi32>
    %add3A_32 = arith.addi %iota3A, %add3A_31 : vector<16xi32>
    %swap3A_33 = arith.constant 64 : index
    %swap3A_34 = tpu.vector_load %arg12[%swap3A_33] {strides = array<i32>} : memref<128xi32, #tpu.memory_space<vmem>>, vector<16xi32>,
    %swap3A_35 = vector.shape_cast %swap3A_34 : vector<16xi32> to vector<16xi32>
    %swap3A_36 = vector.shape_cast %add3A_32 : vector<16xi32> to vector<16xi32>
    tpu.vector_store %arg12[%swap3A_33], %swap3A_36 {strides = array<i32>} : memref<128xi32, #tpu.memory_space<vmem>>, vector<16xi32>,
    %add3A_37 = arith.constant 80 : i32
    %add3A_38 = vector.broadcast %add3A_37 : i32 to vector<16xi32>
    %add3A_39 = arith.addi %iota3A, %add3A_38 : vector<16xi32>
    %swap3A_40 = arith.constant 80 : index
    %swap3A_41 = tpu.vector_load %arg12[%swap3A_40] {strides = array<i32>} : memref<128xi32, #tpu.memory_space<vmem>>, vector<16xi32>,
    %swap3A_42 = vector.shape_cast %swap3A_41 : vector<16xi32> to vector<16xi32>
    %swap3A_43 = vector.shape_cast %add3A_39 : vector<16xi32> to vector<16xi32>
    tpu.vector_store %arg12[%swap3A_40], %swap3A_43 {strides = array<i32>} : memref<128xi32, #tpu.memory_space<vmem>>, vector<16xi32>,
    %add3A_44 = arith.constant 96 : i32
    %add3A_45 = vector.broadcast %add3A_44 : i32 to vector<16xi32>
    %add3A_46 = arith.addi %iota3A, %add3A_45 : vector<16xi32>
    %swap3A_47 = arith.constant 96 : index
    %swap3A_48 = tpu.vector_load %arg12[%swap3A_47] {strides = array<i32>} : memref<128xi32, #tpu.memory_space<vmem>>, vector<16xi32>,
    %swap3A_49 = vector.shape_cast %swap3A_48 : vector<16xi32> to vector<16xi32>
    %swap3A_50 = vector.shape_cast %add3A_46 : vector<16xi32> to vector<16xi32>
    tpu.vector_store %arg12[%swap3A_47], %swap3A_50 {strides = array<i32>} : memref<128xi32, #tpu.memory_space<vmem>>, vector<16xi32>,
    %add3A_51 = arith.constant 112 : i32
    %add3A_52 = vector.broadcast %add3A_51 : i32 to vector<16xi32>
    %add3A_53 = arith.addi %iota3A, %add3A_52 : vector<16xi32>
    %swap3A_54 = arith.constant 112 : index
    %swap3A_55 = tpu.vector_load %arg12[%swap3A_54] {strides = array<i32>} : memref<128xi32, #tpu.memory_space<vmem>>, vector<16xi32>,
    %swap3A_56 = vector.shape_cast %swap3A_55 : vector<16xi32> to vector<16xi32>
    %swap3A_57 = vector.shape_cast %add3A_53 : vector<16xi32> to vector<16xi32>
    tpu.vector_store %arg12[%swap3A_54], %swap3A_57 {strides = array<i32>} : memref<128xi32, #tpu.memory_space<vmem>>, vector<16xi32>,
    %eq3A = arith.constant 0 : i32
    %eq3A_58 = arith.cmpi eq, %arg1, %eq3A : i32
    %convert_element_type3A = arith.extui %eq3A_58 : i1 to i32
    %cond3A = arith.constant 0 : i32
    %cond3A_59 = arith.cmpi ne, %convert_element_type3A, %cond3A : i32
    scf.if %cond3A_59 {
      "tpu.region"() ({
        %run_scoped3A = tpu.sem_alloc : memref<!tpu.dma_semaphore, #tpu.memory_space<semaphore_mem>>
        tpu.enqueue_dma source(%arg5 : memref<800x64xf32, #tpu.memory_space<hbm>>) target(%arg15 : memref<800x64xf32, #tpu.memory_space<vmem_shared>>) target_semaphore(%run_scoped3A : memref<!tpu.dma_semaphore, #tpu.memory_space<semaphore_mem>>)
        tpu.wait_dma2 semaphore(%run_scoped3A : memref<!tpu.dma_semaphore, #tpu.memory_space<semaphore_mem>>) src(%arg5 : memref<800x64xf32, #tpu.memory_space<hbm>>) dst(%arg15 : memref<800x64xf32, #tpu.memory_space<vmem_shared>>)
        tpu.yield
      }) : () -> ()
    } else {
    }
    %barrier3A = arith.constant 0 : index
    tpu.barrier barrier_id(%barrier3A)
    %add3A_60 = arith.constant 0 : i32
    %add3A_61 = arith.addi %mul3A_2, %add3A_60 : i32
    "tpu.region"() ({
      %run_scoped3A = tpu.sem_alloc : memref<!tpu.dma_semaphore, #tpu.memory_space<semaphore_mem>>
      %dma_start3A_76 = tpu.memref_slice %arg2[%add3A_61] : memref<204800xi32, #tpu.memory_space<hbm>> -> memref<128xi32, #tpu.memory_space<hbm>>
      %dma_start3A_77 = tpu.memref_slice %arg2[%add3A_61] : memref<204800xi32, #tpu.memory_space<hbm>> -> memref<128xi32, #tpu.memory_space<hbm>>
      tpu.enqueue_dma source(%dma_start3A_77 : memref<128xi32, #tpu.memory_space<hbm>>) target(%arg7 : memref<128xi32, #tpu.memory_space<vmem>>) target_semaphore(%run_scoped3A : memref<!tpu.dma_semaphore, #tpu.memory_space<semaphore_mem>>)
      %dma_wait3A_78 = tpu.memref_slice %arg2[%add3A_61] : memref<204800xi32, #tpu.memory_space<hbm>> -> memref<128xi32, #tpu.memory_space<hbm>>
      %dma_wait3A_79 = tpu.memref_slice %arg2[%add3A_61] : memref<204800xi32, #tpu.memory_space<hbm>> -> memref<128xi32, #tpu.memory_space<hbm>>
      tpu.wait_dma2 semaphore(%run_scoped3A : memref<!tpu.dma_semaphore, #tpu.memory_space<semaphore_mem>>) src(%dma_wait3A_79 : memref<128xi32, #tpu.memory_space<hbm>>) dst(%arg7 : memref<128xi32, #tpu.memory_space<vmem>>)
      tpu.yield
    }) : () -> ()
    "tpu.region"() ({
      %run_scoped3A = tpu.sem_alloc : memref<!tpu.dma_semaphore, #tpu.memory_space<semaphore_mem>>
      %dma_start3A_76 = tpu.memref_slice %arg3[%add3A_61] : memref<204800xi32, #tpu.memory_space<hbm>> -> memref<128xi32, #tpu.memory_space<hbm>>
      %dma_start3A_77 = tpu.memref_slice %arg3[%add3A_61] : memref<204800xi32, #tpu.memory_space<hbm>> -> memref<128xi32, #tpu.memory_space<hbm>>
      tpu.enqueue_dma source(%dma_start3A_77 : memref<128xi32, #tpu.memory_space<hbm>>) target(%arg9 : memref<128xi32, #tpu.memory_space<vmem>>) target_semaphore(%run_scoped3A : memref<!tpu.dma_semaphore, #tpu.memory_space<semaphore_mem>>)
      %dma_wait3A_78 = tpu.memref_slice %arg3[%add3A_61] : memref<204800xi32, #tpu.memory_space<hbm>> -> memref<128xi32, #tpu.memory_space<hbm>>
      %dma_wait3A_79 = tpu.memref_slice %arg3[%add3A_61] : memref<204800xi32, #tpu.memory_space<hbm>> -> memref<128xi32, #tpu.memory_space<hbm>>
      tpu.wait_dma2 semaphore(%run_scoped3A : memref<!tpu.dma_semaphore, #tpu.memory_space<semaphore_mem>>) src(%dma_wait3A_79 : memref<128xi32, #tpu.memory_space<hbm>>) dst(%arg9 : memref<128xi32, #tpu.memory_space<vmem>>)
      tpu.yield
    }) : () -> ()
    %add3A_62 = arith.constant 128 : i32
    %add3A_63 = arith.addi %mul3A_2, %add3A_62 : i32
    "tpu.region"() ({
      %run_scoped3A = tpu.sem_alloc : memref<!tpu.dma_semaphore, #tpu.memory_space<semaphore_mem>>
      %dma_start3A_76 = tpu.memref_slice %arg2[%add3A_63] : memref<204800xi32, #tpu.memory_space<hbm>> -> memref<128xi32, #tpu.memory_space<hbm>>
      %dma_start3A_77 = tpu.memref_slice %arg2[%add3A_63] : memref<204800xi32, #tpu.memory_space<hbm>> -> memref<128xi32, #tpu.memory_space<hbm>>
      tpu.enqueue_dma source(%dma_start3A_77 : memref<128xi32, #tpu.memory_space<hbm>>) target(%arg8 : memref<128xi32, #tpu.memory_space<vmem>>) target_semaphore(%run_scoped3A : memref<!tpu.dma_semaphore, #tpu.memory_space<semaphore_mem>>)
      %dma_wait3A_78 = tpu.memref_slice %arg2[%add3A_63] : memref<204800xi32, #tpu.memory_space<hbm>> -> memref<128xi32, #tpu.memory_space<hbm>>
      %dma_wait3A_79 = tpu.memref_slice %arg2[%add3A_63] : memref<204800xi32, #tpu.memory_space<hbm>> -> memref<128xi32, #tpu.memory_space<hbm>>
      tpu.wait_dma2 semaphore(%run_scoped3A : memref<!tpu.dma_semaphore, #tpu.memory_space<semaphore_mem>>) src(%dma_wait3A_79 : memref<128xi32, #tpu.memory_space<hbm>>) dst(%arg8 : memref<128xi32, #tpu.memory_space<vmem>>)
      tpu.yield
    }) : () -> ()
    "tpu.region"() ({
      %run_scoped3A = tpu.sem_alloc : memref<!tpu.dma_semaphore, #tpu.memory_space<semaphore_mem>>
      %dma_start3A_76 = tpu.memref_slice %arg3[%add3A_63] : memref<204800xi32, #tpu.memory_space<hbm>> -> memref<128xi32, #tpu.memory_space<hbm>>
      %dma_start3A_77 = tpu.memref_slice %arg3[%add3A_63] : memref<204800xi32, #tpu.memory_space<hbm>> -> memref<128xi32, #tpu.memory_space<hbm>>
      tpu.enqueue_dma source(%dma_start3A_77 : memref<128xi32, #tpu.memory_space<hbm>>) target(%arg10 : memref<128xi32, #tpu.memory_space<vmem>>) target_semaphore(%run_scoped3A : memref<!tpu.dma_semaphore, #tpu.memory_space<semaphore_mem>>)
      %dma_wait3A_78 = tpu.memref_slice %arg3[%add3A_63] : memref<204800xi32, #tpu.memory_space<hbm>> -> memref<128xi32, #tpu.memory_space<hbm>>
      %dma_wait3A_79 = tpu.memref_slice %arg3[%add3A_63] : memref<204800xi32, #tpu.memory_space<hbm>> -> memref<128xi32, #tpu.memory_space<hbm>>
      tpu.wait_dma2 semaphore(%run_scoped3A : memref<!tpu.dma_semaphore, #tpu.memory_space<semaphore_mem>>) src(%dma_wait3A_79 : memref<128xi32, #tpu.memory_space<hbm>>) dst(%arg10 : memref<128xi32, #tpu.memory_space<vmem>>)
      tpu.yield
    }) : () -> ()
    %dma_start3A = arith.constant 0 : i32
    %dma_start3A_64 = arith.constant 0 : i32
    %dma_start3A_65 = tpu.memref_slice %arg4[%dma_start3A, %dma_start3A_64] : memref<100000x64xf32, #tpu.memory_space<hbm>> -> memref<100000x64xf32, #tpu.memory_space<hbm>>
    tpu.enqueue_indirect_dma source(%dma_start3A_65 : memref<100000x64xf32, #tpu.memory_space<hbm>>) target(%arg13 : memref<128x64xf32, #tpu.memory_space<vmem>>) offsets(%arg7 : memref<128xi32, #tpu.memory_space<vmem>>) semaphore(%arg16 : memref<!tpu.dma_semaphore, #tpu.memory_space<semaphore_mem>>)
    %scan3A = arith.constant 0 : i32
    %scan3A_66 = arith.constant 0 : i32
    %scan3A_67 = arith.constant 25 : i32
    %scan3A_68 = arith.addi %scan3A_66, %scan3A_67 : i32
    %scan3A_69 = arith.constant 1 : i32
    scf.for %scan3A_76 = %scan3A_66 to %scan3A_68 step %scan3A_69  : i32 {
      %mul3A_77 = arith.constant 2 : i32
      %mul3A_78 = arith.muli %mul3A_77, %scan3A_76 : i32
      %mul3A_79 = arith.constant 128 : i32
      %mul3A_80 = arith.muli %mul3A_78, %mul3A_79 : i32
      %add3A_81 = arith.addi %mul3A_2, %mul3A_80 : i32
      %rem3A = arith.constant 200 : i32
      %rem3A_82 = arith.remsi %add3A_81, %rem3A : i32
      %gt3A = arith.constant 0 : i32
      %gt3A_83 = arith.cmpi sgt, %mul3A_78, %gt3A : i32
      %convert_element_type3A_84 = arith.extui %gt3A_83 : i1 to i32
      %cond3A_85 = arith.constant 0 : i32
      %cond3A_86 = arith.cmpi ne, %convert_element_type3A_84, %cond3A_85 : i32
      scf.if %cond3A_86 {
        %dma_wait3A_397 = arith.constant 0 : i32
        %dma_wait3A_398 = arith.constant 0 : i32
        %dma_wait3A_399 = tpu.memref_slice %arg6[%dma_wait3A_397, %dma_wait3A_398] : memref<204800x64xf32, #tpu.memory_space<hbm>> -> memref<128x64xf32, #tpu.memory_space<hbm>>
        %dma_wait3A_400 = arith.constant 0 : i32
        %dma_wait3A_401 = arith.constant 0 : i32
        %dma_wait3A_402 = tpu.memref_slice %arg6[%dma_wait3A_400, %dma_wait3A_401] : memref<204800x64xf32, #tpu.memory_space<hbm>> -> memref<128x64xf32, #tpu.memory_space<hbm>>
        tpu.wait_dma2 semaphore(%arg19 : memref<!tpu.dma_semaphore, #tpu.memory_space<semaphore_mem>>) src(%arg14 : memref<128x64xf32, #tpu.memory_space<vmem>>) dst(%dma_wait3A_402 : memref<128x64xf32, #tpu.memory_space<hbm>>)
      } else {
      }
      %add3A_87 = arith.constant 1 : i32
      %add3A_88 = arith.addi %mul3A_78, %add3A_87 : i32
      %lt3A = arith.constant 50 : i32
      %lt3A_89 = arith.cmpi slt, %add3A_88, %lt3A : i32
      %convert_element_type3A_90 = arith.extui %lt3A_89 : i1 to i32
      %cond3A_91 = arith.constant 0 : i32
      %cond3A_92 = arith.cmpi ne, %convert_element_type3A_90, %cond3A_91 : i32
      scf.if %cond3A_92 {
        %dma_start3A_397 = arith.constant 0 : i32
        %dma_start3A_398 = arith.constant 0 : i32
        %dma_start3A_399 = tpu.memref_slice %arg4[%dma_start3A_397, %dma_start3A_398] : memref<100000x64xf32, #tpu.memory_space<hbm>> -> memref<100000x64xf32, #tpu.memory_space<hbm>>
        tpu.enqueue_indirect_dma source(%dma_start3A_399 : memref<100000x64xf32, #tpu.memory_space<hbm>>) target(%arg14 : memref<128x64xf32, #tpu.memory_space<vmem>>) offsets(%arg8 : memref<128xi32, #tpu.memory_space<vmem>>) semaphore(%arg17 : memref<!tpu.dma_semaphore, #tpu.memory_space<semaphore_mem>>)
      } else {
      }
      %dma_wait3A_93 = arith.constant 0 : i32
      %dma_wait3A_94 = arith.constant 0 : i32
      %dma_wait3A_95 = tpu.memref_slice %arg4[%dma_wait3A_93, %dma_wait3A_94] : memref<100000x64xf32, #tpu.memory_space<hbm>> -> memref<100000x64xf32, #tpu.memory_space<hbm>>
      tpu.wait_indirect_dma semaphore(%arg16 : memref<!tpu.dma_semaphore, #tpu.memory_space<semaphore_mem>>) src(%dma_wait3A_95 : memref<100000x64xf32, #tpu.memory_space<hbm>>) dst(%arg13 : memref<128x64xf32, #tpu.memory_space<vmem>>)
      %get3A = arith.constant 0 : index
      %get3A_96 = tpu.vector_load %arg9[%get3A] {strides = array<i32>} : memref<128xi32, #tpu.memory_space<vmem>>, vector<16xi32>,
      %get3A_97 = vector.shape_cast %get3A_96 : vector<16xi32> to vector<16xi32>
      %mul3A_98 = arith.constant 400 : i32
      %mul3A_99 = vector.broadcast %mul3A_98 : i32 to vector<16xi32>
      %mul3A_100 = arith.muli %get3A_97, %mul3A_99 : vector<16xi32>
      %get3A_101 = arith.constant 0 : index
      %get3A_102 = tpu.vector_load %arg12[%get3A_101] {strides = array<i32>} : memref<128xi32, #tpu.memory_space<vmem>>, vector<16xi32>,
      %get3A_103 = vector.shape_cast %get3A_102 : vector<16xi32> to vector<16xi32>
      %add3A_104 = arith.addi %mul3A_100, %get3A_103 : vector<16xi32>
      %add3A_105 = vector.broadcast %rem3A_82 : i32 to vector<16xi32>
      %add3A_106 = arith.addi %add3A_104, %add3A_105 : vector<16xi32>
      %swap3A_107 = arith.constant 0 : index
      %swap3A_108 = tpu.vector_load %arg11[%swap3A_107] {strides = array<i32>} : memref<128xi32, #tpu.memory_space<vmem>>, vector<16xi32>,
      %swap3A_109 = vector.shape_cast %swap3A_108 : vector<16xi32> to vector<16xi32>
      %swap3A_110 = vector.shape_cast %add3A_106 : vector<16xi32> to vector<16xi32>
      tpu.vector_store %arg11[%swap3A_107], %swap3A_110 {strides = array<i32>} : memref<128xi32, #tpu.memory_space<vmem>>, vector<16xi32>,
      %get3A_111 = arith.constant 16 : index
      %get3A_112 = tpu.vector_load %arg9[%get3A_111] {strides = array<i32>} : memref<128xi32, #tpu.memory_space<vmem>>, vector<16xi32>,
      %get3A_113 = vector.shape_cast %get3A_112 : vector<16xi32> to vector<16xi32>
      %mul3A_114 = arith.constant 400 : i32
      %mul3A_115 = vector.broadcast %mul3A_114 : i32 to vector<16xi32>
      %mul3A_116 = arith.muli %get3A_113, %mul3A_115 : vector<16xi32>
      %get3A_117 = arith.constant 16 : index
      %get3A_118 = tpu.vector_load %arg12[%get3A_117] {strides = array<i32>} : memref<128xi32, #tpu.memory_space<vmem>>, vector<16xi32>,
      %get3A_119 = vector.shape_cast %get3A_118 : vector<16xi32> to vector<16xi32>
      %add3A_120 = arith.addi %mul3A_116, %get3A_119 : vector<16xi32>
      %add3A_121 = vector.broadcast %rem3A_82 : i32 to vector<16xi32>
      %add3A_122 = arith.addi %add3A_120, %add3A_121 : vector<16xi32>
      %swap3A_123 = arith.constant 16 : index
      %swap3A_124 = tpu.vector_load %arg11[%swap3A_123] {strides = array<i32>} : memref<128xi32, #tpu.memory_space<vmem>>, vector<16xi32>,
      %swap3A_125 = vector.shape_cast %swap3A_124 : vector<16xi32> to vector<16xi32>
      %swap3A_126 = vector.shape_cast %add3A_122 : vector<16xi32> to vector<16xi32>
      tpu.vector_store %arg11[%swap3A_123], %swap3A_126 {strides = array<i32>} : memref<128xi32, #tpu.memory_space<vmem>>, vector<16xi32>,
      %get3A_127 = arith.constant 32 : index
      %get3A_128 = tpu.vector_load %arg9[%get3A_127] {strides = array<i32>} : memref<128xi32, #tpu.memory_space<vmem>>, vector<16xi32>,
      %get3A_129 = vector.shape_cast %get3A_128 : vector<16xi32> to vector<16xi32>
      %mul3A_130 = arith.constant 400 : i32
      %mul3A_131 = vector.broadcast %mul3A_130 : i32 to vector<16xi32>
      %mul3A_132 = arith.muli %get3A_129, %mul3A_131 : vector<16xi32>
      %get3A_133 = arith.constant 32 : index
      %get3A_134 = tpu.vector_load %arg12[%get3A_133] {strides = array<i32>} : memref<128xi32, #tpu.memory_space<vmem>>, vector<16xi32>,
      %get3A_135 = vector.shape_cast %get3A_134 : vector<16xi32> to vector<16xi32>
      %add3A_136 = arith.addi %mul3A_132, %get3A_135 : vector<16xi32>
      %add3A_137 = vector.broadcast %rem3A_82 : i32 to vector<16xi32>
      %add3A_138 = arith.addi %add3A_136, %add3A_137 : vector<16xi32>
      %swap3A_139 = arith.constant 32 : index
      %swap3A_140 = tpu.vector_load %arg11[%swap3A_139] {strides = array<i32>} : memref<128xi32, #tpu.memory_space<vmem>>, vector<16xi32>,
      %swap3A_141 = vector.shape_cast %swap3A_140 : vector<16xi32> to vector<16xi32>
      %swap3A_142 = vector.shape_cast %add3A_138 : vector<16xi32> to vector<16xi32>
      tpu.vector_store %arg11[%swap3A_139], %swap3A_142 {strides = array<i32>} : memref<128xi32, #tpu.memory_space<vmem>>, vector<16xi32>,
      %get3A_143 = arith.constant 48 : index
      %get3A_144 = tpu.vector_load %arg9[%get3A_143] {strides = array<i32>} : memref<128xi32, #tpu.memory_space<vmem>>, vector<16xi32>,
      %get3A_145 = vector.shape_cast %get3A_144 : vector<16xi32> to vector<16xi32>
      %mul3A_146 = arith.constant 400 : i32
      %mul3A_147 = vector.broadcast %mul3A_146 : i32 to vector<16xi32>
      %mul3A_148 = arith.muli %get3A_145, %mul3A_147 : vector<16xi32>
      %get3A_149 = arith.constant 48 : index
      %get3A_150 = tpu.vector_load %arg12[%get3A_149] {strides = array<i32>} : memref<128xi32, #tpu.memory_space<vmem>>, vector<16xi32>,
      %get3A_151 = vector.shape_cast %get3A_150 : vector<16xi32> to vector<16xi32>
      %add3A_152 = arith.addi %mul3A_148, %get3A_151 : vector<16xi32>
      %add3A_153 = vector.broadcast %rem3A_82 : i32 to vector<16xi32>
      %add3A_154 = arith.addi %add3A_152, %add3A_153 : vector<16xi32>
      %swap3A_155 = arith.constant 48 : index
      %swap3A_156 = tpu.vector_load %arg11[%swap3A_155] {strides = array<i32>} : memref<128xi32, #tpu.memory_space<vmem>>, vector<16xi32>,
      %swap3A_157 = vector.shape_cast %swap3A_156 : vector<16xi32> to vector<16xi32>
      %swap3A_158 = vector.shape_cast %add3A_154 : vector<16xi32> to vector<16xi32>
      tpu.vector_store %arg11[%swap3A_155], %swap3A_158 {strides = array<i32>} : memref<128xi32, #tpu.memory_space<vmem>>, vector<16xi32>,
      %get3A_159 = arith.constant 64 : index
      %get3A_160 = tpu.vector_load %arg9[%get3A_159] {strides = array<i32>} : memref<128xi32, #tpu.memory_space<vmem>>, vector<16xi32>,
      %get3A_161 = vector.shape_cast %get3A_160 : vector<16xi32> to vector<16xi32>
      %mul3A_162 = arith.constant 400 : i32
      %mul3A_163 = vector.broadcast %mul3A_162 : i32 to vector<16xi32>
      %mul3A_164 = arith.muli %get3A_161, %mul3A_163 : vector<16xi32>
      %get3A_165 = arith.constant 64 : index
      %get3A_166 = tpu.vector_load %arg12[%get3A_165] {strides = array<i32>} : memref<128xi32, #tpu.memory_space<vmem>>, vector<16xi32>,
      %get3A_167 = vector.shape_cast %get3A_166 : vector<16xi32> to vector<16xi32>
      %add3A_168 = arith.addi %mul3A_164, %get3A_167 : vector<16xi32>
      %add3A_169 = vector.broadcast %rem3A_82 : i32 to vector<16xi32>
      %add3A_170 = arith.addi %add3A_168, %add3A_169 : vector<16xi32>
      %swap3A_171 = arith.constant 64 : index
      %swap3A_172 = tpu.vector_load %arg11[%swap3A_171] {strides = array<i32>} : memref<128xi32, #tpu.memory_space<vmem>>, vector<16xi32>,
      %swap3A_173 = vector.shape_cast %swap3A_172 : vector<16xi32> to vector<16xi32>
      %swap3A_174 = vector.shape_cast %add3A_170 : vector<16xi32> to vector<16xi32>
      tpu.vector_store %arg11[%swap3A_171], %swap3A_174 {strides = array<i32>} : memref<128xi32, #tpu.memory_space<vmem>>, vector<16xi32>,
      %get3A_175 = arith.constant 80 : index
      %get3A_176 = tpu.vector_load %arg9[%get3A_175] {strides = array<i32>} : memref<128xi32, #tpu.memory_space<vmem>>, vector<16xi32>,
      %get3A_177 = vector.shape_cast %get3A_176 : vector<16xi32> to vector<16xi32>
      %mul3A_178 = arith.constant 400 : i32
      %mul3A_179 = vector.broadcast %mul3A_178 : i32 to vector<16xi32>
      %mul3A_180 = arith.muli %get3A_177, %mul3A_179 : vector<16xi32>
      %get3A_181 = arith.constant 80 : index
      %get3A_182 = tpu.vector_load %arg12[%get3A_181] {strides = array<i32>} : memref<128xi32, #tpu.memory_space<vmem>>, vector<16xi32>,
      %get3A_183 = vector.shape_cast %get3A_182 : vector<16xi32> to vector<16xi32>
      %add3A_184 = arith.addi %mul3A_180, %get3A_183 : vector<16xi32>
      %add3A_185 = vector.broadcast %rem3A_82 : i32 to vector<16xi32>
      %add3A_186 = arith.addi %add3A_184, %add3A_185 : vector<16xi32>
      %swap3A_187 = arith.constant 80 : index
      %swap3A_188 = tpu.vector_load %arg11[%swap3A_187] {strides = array<i32>} : memref<128xi32, #tpu.memory_space<vmem>>, vector<16xi32>,
      %swap3A_189 = vector.shape_cast %swap3A_188 : vector<16xi32> to vector<16xi32>
      %swap3A_190 = vector.shape_cast %add3A_186 : vector<16xi32> to vector<16xi32>
      tpu.vector_store %arg11[%swap3A_187], %swap3A_190 {strides = array<i32>} : memref<128xi32, #tpu.memory_space<vmem>>, vector<16xi32>,
      %get3A_191 = arith.constant 96 : index
      %get3A_192 = tpu.vector_load %arg9[%get3A_191] {strides = array<i32>} : memref<128xi32, #tpu.memory_space<vmem>>, vector<16xi32>,
      %get3A_193 = vector.shape_cast %get3A_192 : vector<16xi32> to vector<16xi32>
      %mul3A_194 = arith.constant 400 : i32
      %mul3A_195 = vector.broadcast %mul3A_194 : i32 to vector<16xi32>
      %mul3A_196 = arith.muli %get3A_193, %mul3A_195 : vector<16xi32>
      %get3A_197 = arith.constant 96 : index
      %get3A_198 = tpu.vector_load %arg12[%get3A_197] {strides = array<i32>} : memref<128xi32, #tpu.memory_space<vmem>>, vector<16xi32>,
      %get3A_199 = vector.shape_cast %get3A_198 : vector<16xi32> to vector<16xi32>
      %add3A_200 = arith.addi %mul3A_196, %get3A_199 : vector<16xi32>
      %add3A_201 = vector.broadcast %rem3A_82 : i32 to vector<16xi32>
      %add3A_202 = arith.addi %add3A_200, %add3A_201 : vector<16xi32>
      %swap3A_203 = arith.constant 96 : index
      %swap3A_204 = tpu.vector_load %arg11[%swap3A_203] {strides = array<i32>} : memref<128xi32, #tpu.memory_space<vmem>>, vector<16xi32>,
      %swap3A_205 = vector.shape_cast %swap3A_204 : vector<16xi32> to vector<16xi32>
      %swap3A_206 = vector.shape_cast %add3A_202 : vector<16xi32> to vector<16xi32>
      tpu.vector_store %arg11[%swap3A_203], %swap3A_206 {strides = array<i32>} : memref<128xi32, #tpu.memory_space<vmem>>, vector<16xi32>,
      %get3A_207 = arith.constant 112 : index
      %get3A_208 = tpu.vector_load %arg9[%get3A_207] {strides = array<i32>} : memref<128xi32, #tpu.memory_space<vmem>>, vector<16xi32>,
      %get3A_209 = vector.shape_cast %get3A_208 : vector<16xi32> to vector<16xi32>
      %mul3A_210 = arith.constant 400 : i32
      %mul3A_211 = vector.broadcast %mul3A_210 : i32 to vector<16xi32>
      %mul3A_212 = arith.muli %get3A_209, %mul3A_211 : vector<16xi32>
      %get3A_213 = arith.constant 112 : index
      %get3A_214 = tpu.vector_load %arg12[%get3A_213] {strides = array<i32>} : memref<128xi32, #tpu.memory_space<vmem>>, vector<16xi32>,
      %get3A_215 = vector.shape_cast %get3A_214 : vector<16xi32> to vector<16xi32>
      %add3A_216 = arith.addi %mul3A_212, %get3A_215 : vector<16xi32>
      %add3A_217 = vector.broadcast %rem3A_82 : i32 to vector<16xi32>
      %add3A_218 = arith.addi %add3A_216, %add3A_217 : vector<16xi32>
      %swap3A_219 = arith.constant 112 : index
      %swap3A_220 = tpu.vector_load %arg11[%swap3A_219] {strides = array<i32>} : memref<128xi32, #tpu.memory_space<vmem>>, vector<16xi32>,
      %swap3A_221 = vector.shape_cast %swap3A_220 : vector<16xi32> to vector<16xi32>
      %swap3A_222 = vector.shape_cast %add3A_218 : vector<16xi32> to vector<16xi32>
      tpu.vector_store %arg11[%swap3A_219], %swap3A_222 {strides = array<i32>} : memref<128xi32, #tpu.memory_space<vmem>>, vector<16xi32>,
      "tpu.region"() ({
        %run_scoped3A = tpu.sem_alloc : memref<!tpu.dma_semaphore, #tpu.memory_space<semaphore_mem>>
        %dma_start3A_397 = arith.constant 0 : i32
        %dma_start3A_398 = arith.constant 0 : i32
        %dma_start3A_399 = tpu.memref_slice %arg15[%dma_start3A_397, %dma_start3A_398] : memref<800x64xf32, #tpu.memory_space<vmem_shared>> -> memref<800x64xf32, #tpu.memory_space<vmem_shared>>
        tpu.enqueue_indirect_dma source(%dma_start3A_399 : memref<800x64xf32, #tpu.memory_space<vmem_shared>>) target(%arg13 : memref<128x64xf32, #tpu.memory_space<vmem>>) offsets(%arg11 : memref<128xi32, #tpu.memory_space<vmem>>) semaphore(%run_scoped3A : memref<!tpu.dma_semaphore, #tpu.memory_space<semaphore_mem>>) {add = true}
        %dma_wait3A_400 = arith.constant 0 : i32
        %dma_wait3A_401 = arith.constant 0 : i32
        %dma_wait3A_402 = tpu.memref_slice %arg15[%dma_wait3A_400, %dma_wait3A_401] : memref<800x64xf32, #tpu.memory_space<vmem_shared>> -> memref<800x64xf32, #tpu.memory_space<vmem_shared>>
        tpu.wait_indirect_dma semaphore(%run_scoped3A : memref<!tpu.dma_semaphore, #tpu.memory_space<semaphore_mem>>) src(%dma_wait3A_402 : memref<800x64xf32, #tpu.memory_space<vmem_shared>>) dst(%arg13 : memref<128x64xf32, #tpu.memory_space<vmem>>)
        tpu.yield
      }) : () -> ()
      %dma_start3A_223 = arith.constant 0 : i32
      %dma_start3A_224 = tpu.memref_slice %arg6[%add3A_81, %dma_start3A_223] : memref<204800x64xf32, #tpu.memory_space<hbm>> -> memref<128x64xf32, #tpu.memory_space<hbm>>
      %dma_start3A_225 = arith.constant 0 : i32
      %dma_start3A_226 = tpu.memref_slice %arg6[%add3A_81, %dma_start3A_225] : memref<204800x64xf32, #tpu.memory_space<hbm>> -> memref<128x64xf32, #tpu.memory_space<hbm>>
      tpu.enqueue_dma source(%arg13 : memref<128x64xf32, #tpu.memory_space<vmem>>) target(%dma_start3A_226 : memref<128x64xf32, #tpu.memory_space<hbm>>) target_semaphore(%arg18 : memref<!tpu.dma_semaphore, #tpu.memory_space<semaphore_mem>>)
      %add3A_227 = arith.constant 2 : i32
      %add3A_228 = arith.addi %mul3A_78, %add3A_227 : i32
      %lt3A_229 = arith.constant 50 : i32
      %lt3A_230 = arith.cmpi slt, %add3A_228, %lt3A_229 : i32
      %convert_element_type3A_231 = arith.extui %lt3A_230 : i1 to i32
      %cond3A_232 = arith.constant 0 : i32
      %cond3A_233 = arith.cmpi ne, %convert_element_type3A_231, %cond3A_232 : i32
      scf.if %cond3A_233 {
        %add3A_397 = arith.constant 2 : i32
        %add3A_398 = arith.addi %mul3A_78, %add3A_397 : i32
        %mul3A_399 = arith.constant 128 : i32
        %mul3A_400 = arith.muli %add3A_398, %mul3A_399 : i32
        %add3A_401 = arith.addi %mul3A_2, %mul3A_400 : i32
        "tpu.region"() ({
          %run_scoped3A = tpu.sem_alloc : memref<!tpu.dma_semaphore, #tpu.memory_space<semaphore_mem>>
          %dma_start3A_402 = tpu.memref_slice %arg2[%add3A_401] : memref<204800xi32, #tpu.memory_space<hbm>> -> memref<128xi32, #tpu.memory_space<hbm>>
          %dma_start3A_403 = tpu.memref_slice %arg2[%add3A_401] : memref<204800xi32, #tpu.memory_space<hbm>> -> memref<128xi32, #tpu.memory_space<hbm>>
          tpu.enqueue_dma source(%dma_start3A_403 : memref<128xi32, #tpu.memory_space<hbm>>) target(%arg7 : memref<128xi32, #tpu.memory_space<vmem>>) target_semaphore(%run_scoped3A : memref<!tpu.dma_semaphore, #tpu.memory_space<semaphore_mem>>)
          %dma_wait3A_404 = tpu.memref_slice %arg2[%add3A_401] : memref<204800xi32, #tpu.memory_space<hbm>> -> memref<128xi32, #tpu.memory_space<hbm>>
          %dma_wait3A_405 = tpu.memref_slice %arg2[%add3A_401] : memref<204800xi32, #tpu.memory_space<hbm>> -> memref<128xi32, #tpu.memory_space<hbm>>
          tpu.wait_dma2 semaphore(%run_scoped3A : memref<!tpu.dma_semaphore, #tpu.memory_space<semaphore_mem>>) src(%dma_wait3A_405 : memref<128xi32, #tpu.memory_space<hbm>>) dst(%arg7 : memref<128xi32, #tpu.memory_space<vmem>>)
          tpu.yield
        }) : () -> ()
        "tpu.region"() ({
          %run_scoped3A = tpu.sem_alloc : memref<!tpu.dma_semaphore, #tpu.memory_space<semaphore_mem>>
          %dma_start3A_402 = tpu.memref_slice %arg3[%add3A_401] : memref<204800xi32, #tpu.memory_space<hbm>> -> memref<128xi32, #tpu.memory_space<hbm>>
          %dma_start3A_403 = tpu.memref_slice %arg3[%add3A_401] : memref<204800xi32, #tpu.memory_space<hbm>> -> memref<128xi32, #tpu.memory_space<hbm>>
          tpu.enqueue_dma source(%dma_start3A_403 : memref<128xi32, #tpu.memory_space<hbm>>) target(%arg9 : memref<128xi32, #tpu.memory_space<vmem>>) target_semaphore(%run_scoped3A : memref<!tpu.dma_semaphore, #tpu.memory_space<semaphore_mem>>)
          %dma_wait3A_404 = tpu.memref_slice %arg3[%add3A_401] : memref<204800xi32, #tpu.memory_space<hbm>> -> memref<128xi32, #tpu.memory_space<hbm>>
          %dma_wait3A_405 = tpu.memref_slice %arg3[%add3A_401] : memref<204800xi32, #tpu.memory_space<hbm>> -> memref<128xi32, #tpu.memory_space<hbm>>
          tpu.wait_dma2 semaphore(%run_scoped3A : memref<!tpu.dma_semaphore, #tpu.memory_space<semaphore_mem>>) src(%dma_wait3A_405 : memref<128xi32, #tpu.memory_space<hbm>>) dst(%arg9 : memref<128xi32, #tpu.memory_space<vmem>>)
          tpu.yield
        }) : () -> ()
      } else {
      }
      %mul3A_234 = arith.constant 2 : i32
      %mul3A_235 = arith.muli %mul3A_234, %scan3A_76 : i32
      %add3A_236 = arith.constant 1 : i32
      %add3A_237 = arith.addi %mul3A_235, %add3A_236 : i32
      %mul3A_238 = arith.constant 128 : i32
      %mul3A_239 = arith.muli %add3A_237, %mul3A_238 : i32
      %add3A_240 = arith.addi %mul3A_2, %mul3A_239 : i32
      %rem3A_241 = arith.constant 200 : i32
      %rem3A_242 = arith.remsi %add3A_240, %rem3A_241 : i32
      %gt3A_243 = arith.constant 0 : i32
      %gt3A_244 = arith.cmpi sgt, %add3A_237, %gt3A_243 : i32
      %convert_element_type3A_245 = arith.extui %gt3A_244 : i1 to i32
      %cond3A_246 = arith.constant 0 : i32
      %cond3A_247 = arith.cmpi ne, %convert_element_type3A_245, %cond3A_246 : i32
      scf.if %cond3A_247 {
        %dma_wait3A_397 = arith.constant 0 : i32
        %dma_wait3A_398 = arith.constant 0 : i32
        %dma_wait3A_399 = tpu.memref_slice %arg6[%dma_wait3A_397, %dma_wait3A_398] : memref<204800x64xf32, #tpu.memory_space<hbm>> -> memref<128x64xf32, #tpu.memory_space<hbm>>
        %dma_wait3A_400 = arith.constant 0 : i32
        %dma_wait3A_401 = arith.constant 0 : i32
        %dma_wait3A_402 = tpu.memref_slice %arg6[%dma_wait3A_400, %dma_wait3A_401] : memref<204800x64xf32, #tpu.memory_space<hbm>> -> memref<128x64xf32, #tpu.memory_space<hbm>>
        tpu.wait_dma2 semaphore(%arg18 : memref<!tpu.dma_semaphore, #tpu.memory_space<semaphore_mem>>) src(%arg13 : memref<128x64xf32, #tpu.memory_space<vmem>>) dst(%dma_wait3A_402 : memref<128x64xf32, #tpu.memory_space<hbm>>)
      } else {
      }
      %add3A_248 = arith.constant 1 : i32
      %add3A_249 = arith.addi %add3A_237, %add3A_248 : i32
      %lt3A_250 = arith.constant 50 : i32
      %lt3A_251 = arith.cmpi slt, %add3A_249, %lt3A_250 : i32
      %convert_element_type3A_252 = arith.extui %lt3A_251 : i1 to i32
      %cond3A_253 = arith.constant 0 : i32
      %cond3A_254 = arith.cmpi ne, %convert_element_type3A_252, %cond3A_253 : i32
      scf.if %cond3A_254 {
        %dma_start3A_397 = arith.constant 0 : i32
        %dma_start3A_398 = arith.constant 0 : i32
        %dma_start3A_399 = tpu.memref_slice %arg4[%dma_start3A_397, %dma_start3A_398] : memref<100000x64xf32, #tpu.memory_space<hbm>> -> memref<100000x64xf32, #tpu.memory_space<hbm>>
        tpu.enqueue_indirect_dma source(%dma_start3A_399 : memref<100000x64xf32, #tpu.memory_space<hbm>>) target(%arg13 : memref<128x64xf32, #tpu.memory_space<vmem>>) offsets(%arg7 : memref<128xi32, #tpu.memory_space<vmem>>) semaphore(%arg16 : memref<!tpu.dma_semaphore, #tpu.memory_space<semaphore_mem>>)
      } else {
      }
      %dma_wait3A_255 = arith.constant 0 : i32
      %dma_wait3A_256 = arith.constant 0 : i32
      %dma_wait3A_257 = tpu.memref_slice %arg4[%dma_wait3A_255, %dma_wait3A_256] : memref<100000x64xf32, #tpu.memory_space<hbm>> -> memref<100000x64xf32, #tpu.memory_space<hbm>>
      tpu.wait_indirect_dma semaphore(%arg17 : memref<!tpu.dma_semaphore, #tpu.memory_space<semaphore_mem>>) src(%dma_wait3A_257 : memref<100000x64xf32, #tpu.memory_space<hbm>>) dst(%arg14 : memref<128x64xf32, #tpu.memory_space<vmem>>)
      %get3A_258 = arith.constant 0 : index
      %get3A_259 = tpu.vector_load %arg10[%get3A_258] {strides = array<i32>} : memref<128xi32, #tpu.memory_space<vmem>>, vector<16xi32>,
      %get3A_260 = vector.shape_cast %get3A_259 : vector<16xi32> to vector<16xi32>
      %mul3A_261 = arith.constant 400 : i32
      %mul3A_262 = vector.broadcast %mul3A_261 : i32 to vector<16xi32>
      %mul3A_263 = arith.muli %get3A_260, %mul3A_262 : vector<16xi32>
      %get3A_264 = arith.constant 0 : index
      %get3A_265 = tpu.vector_load %arg12[%get3A_264] {strides = array<i32>} : memref<128xi32, #tpu.memory_space<vmem>>, vector<16xi32>,
      %get3A_266 = vector.shape_cast %get3A_265 : vector<16xi32> to vector<16xi32>
      %add3A_267 = arith.addi %mul3A_263, %get3A_266 : vector<16xi32>
      %add3A_268 = vector.broadcast %rem3A_242 : i32 to vector<16xi32>
      %add3A_269 = arith.addi %add3A_267, %add3A_268 : vector<16xi32>
      %swap3A_270 = arith.constant 0 : index
      %swap3A_271 = tpu.vector_load %arg11[%swap3A_270] {strides = array<i32>} : memref<128xi32, #tpu.memory_space<vmem>>, vector<16xi32>,
      %swap3A_272 = vector.shape_cast %swap3A_271 : vector<16xi32> to vector<16xi32>
      %swap3A_273 = vector.shape_cast %add3A_269 : vector<16xi32> to vector<16xi32>
      tpu.vector_store %arg11[%swap3A_270], %swap3A_273 {strides = array<i32>} : memref<128xi32, #tpu.memory_space<vmem>>, vector<16xi32>,
      %get3A_274 = arith.constant 16 : index
      %get3A_275 = tpu.vector_load %arg10[%get3A_274] {strides = array<i32>} : memref<128xi32, #tpu.memory_space<vmem>>, vector<16xi32>,
      %get3A_276 = vector.shape_cast %get3A_275 : vector<16xi32> to vector<16xi32>
      %mul3A_277 = arith.constant 400 : i32
      %mul3A_278 = vector.broadcast %mul3A_277 : i32 to vector<16xi32>
      %mul3A_279 = arith.muli %get3A_276, %mul3A_278 : vector<16xi32>
      %get3A_280 = arith.constant 16 : index
      %get3A_281 = tpu.vector_load %arg12[%get3A_280] {strides = array<i32>} : memref<128xi32, #tpu.memory_space<vmem>>, vector<16xi32>,
      %get3A_282 = vector.shape_cast %get3A_281 : vector<16xi32> to vector<16xi32>
      %add3A_283 = arith.addi %mul3A_279, %get3A_282 : vector<16xi32>
      %add3A_284 = vector.broadcast %rem3A_242 : i32 to vector<16xi32>
      %add3A_285 = arith.addi %add3A_283, %add3A_284 : vector<16xi32>
      %swap3A_286 = arith.constant 16 : index
      %swap3A_287 = tpu.vector_load %arg11[%swap3A_286] {strides = array<i32>} : memref<128xi32, #tpu.memory_space<vmem>>, vector<16xi32>,
      %swap3A_288 = vector.shape_cast %swap3A_287 : vector<16xi32> to vector<16xi32>
      %swap3A_289 = vector.shape_cast %add3A_285 : vector<16xi32> to vector<16xi32>
      tpu.vector_store %arg11[%swap3A_286], %swap3A_289 {strides = array<i32>} : memref<128xi32, #tpu.memory_space<vmem>>, vector<16xi32>,
      %get3A_290 = arith.constant 32 : index
      %get3A_291 = tpu.vector_load %arg10[%get3A_290] {strides = array<i32>} : memref<128xi32, #tpu.memory_space<vmem>>, vector<16xi32>,
      %get3A_292 = vector.shape_cast %get3A_291 : vector<16xi32> to vector<16xi32>
      %mul3A_293 = arith.constant 400 : i32
      %mul3A_294 = vector.broadcast %mul3A_293 : i32 to vector<16xi32>
      %mul3A_295 = arith.muli %get3A_292, %mul3A_294 : vector<16xi32>
      %get3A_296 = arith.constant 32 : index
      %get3A_297 = tpu.vector_load %arg12[%get3A_296] {strides = array<i32>} : memref<128xi32, #tpu.memory_space<vmem>>, vector<16xi32>,
      %get3A_298 = vector.shape_cast %get3A_297 : vector<16xi32> to vector<16xi32>
      %add3A_299 = arith.addi %mul3A_295, %get3A_298 : vector<16xi32>
      %add3A_300 = vector.broadcast %rem3A_242 : i32 to vector<16xi32>
      %add3A_301 = arith.addi %add3A_299, %add3A_300 : vector<16xi32>
      %swap3A_302 = arith.constant 32 : index
      %swap3A_303 = tpu.vector_load %arg11[%swap3A_302] {strides = array<i32>} : memref<128xi32, #tpu.memory_space<vmem>>, vector<16xi32>,
      %swap3A_304 = vector.shape_cast %swap3A_303 : vector<16xi32> to vector<16xi32>
      %swap3A_305 = vector.shape_cast %add3A_301 : vector<16xi32> to vector<16xi32>
      tpu.vector_store %arg11[%swap3A_302], %swap3A_305 {strides = array<i32>} : memref<128xi32, #tpu.memory_space<vmem>>, vector<16xi32>,
      %get3A_306 = arith.constant 48 : index
      %get3A_307 = tpu.vector_load %arg10[%get3A_306] {strides = array<i32>} : memref<128xi32, #tpu.memory_space<vmem>>, vector<16xi32>,
      %get3A_308 = vector.shape_cast %get3A_307 : vector<16xi32> to vector<16xi32>
      %mul3A_309 = arith.constant 400 : i32
      %mul3A_310 = vector.broadcast %mul3A_309 : i32 to vector<16xi32>
      %mul3A_311 = arith.muli %get3A_308, %mul3A_310 : vector<16xi32>
      %get3A_312 = arith.constant 48 : index
      %get3A_313 = tpu.vector_load %arg12[%get3A_312] {strides = array<i32>} : memref<128xi32, #tpu.memory_space<vmem>>, vector<16xi32>,
      %get3A_314 = vector.shape_cast %get3A_313 : vector<16xi32> to vector<16xi32>
      %add3A_315 = arith.addi %mul3A_311, %get3A_314 : vector<16xi32>
      %add3A_316 = vector.broadcast %rem3A_242 : i32 to vector<16xi32>
      %add3A_317 = arith.addi %add3A_315, %add3A_316 : vector<16xi32>
      %swap3A_318 = arith.constant 48 : index
      %swap3A_319 = tpu.vector_load %arg11[%swap3A_318] {strides = array<i32>} : memref<128xi32, #tpu.memory_space<vmem>>, vector<16xi32>,
      %swap3A_320 = vector.shape_cast %swap3A_319 : vector<16xi32> to vector<16xi32>
      %swap3A_321 = vector.shape_cast %add3A_317 : vector<16xi32> to vector<16xi32>
      tpu.vector_store %arg11[%swap3A_318], %swap3A_321 {strides = array<i32>} : memref<128xi32, #tpu.memory_space<vmem>>, vector<16xi32>,
      %get3A_322 = arith.constant 64 : index
      %get3A_323 = tpu.vector_load %arg10[%get3A_322] {strides = array<i32>} : memref<128xi32, #tpu.memory_space<vmem>>, vector<16xi32>,
      %get3A_324 = vector.shape_cast %get3A_323 : vector<16xi32> to vector<16xi32>
      %mul3A_325 = arith.constant 400 : i32
      %mul3A_326 = vector.broadcast %mul3A_325 : i32 to vector<16xi32>
      %mul3A_327 = arith.muli %get3A_324, %mul3A_326 : vector<16xi32>
      %get3A_328 = arith.constant 64 : index
      %get3A_329 = tpu.vector_load %arg12[%get3A_328] {strides = array<i32>} : memref<128xi32, #tpu.memory_space<vmem>>, vector<16xi32>,
      %get3A_330 = vector.shape_cast %get3A_329 : vector<16xi32> to vector<16xi32>
      %add3A_331 = arith.addi %mul3A_327, %get3A_330 : vector<16xi32>
      %add3A_332 = vector.broadcast %rem3A_242 : i32 to vector<16xi32>
      %add3A_333 = arith.addi %add3A_331, %add3A_332 : vector<16xi32>
      %swap3A_334 = arith.constant 64 : index
      %swap3A_335 = tpu.vector_load %arg11[%swap3A_334] {strides = array<i32>} : memref<128xi32, #tpu.memory_space<vmem>>, vector<16xi32>,
      %swap3A_336 = vector.shape_cast %swap3A_335 : vector<16xi32> to vector<16xi32>
      %swap3A_337 = vector.shape_cast %add3A_333 : vector<16xi32> to vector<16xi32>
      tpu.vector_store %arg11[%swap3A_334], %swap3A_337 {strides = array<i32>} : memref<128xi32, #tpu.memory_space<vmem>>, vector<16xi32>,
      %get3A_338 = arith.constant 80 : index
      %get3A_339 = tpu.vector_load %arg10[%get3A_338] {strides = array<i32>} : memref<128xi32, #tpu.memory_space<vmem>>, vector<16xi32>,
      %get3A_340 = vector.shape_cast %get3A_339 : vector<16xi32> to vector<16xi32>
      %mul3A_341 = arith.constant 400 : i32
      %mul3A_342 = vector.broadcast %mul3A_341 : i32 to vector<16xi32>
      %mul3A_343 = arith.muli %get3A_340, %mul3A_342 : vector<16xi32>
      %get3A_344 = arith.constant 80 : index
      %get3A_345 = tpu.vector_load %arg12[%get3A_344] {strides = array<i32>} : memref<128xi32, #tpu.memory_space<vmem>>, vector<16xi32>,
      %get3A_346 = vector.shape_cast %get3A_345 : vector<16xi32> to vector<16xi32>
      %add3A_347 = arith.addi %mul3A_343, %get3A_346 : vector<16xi32>
      %add3A_348 = vector.broadcast %rem3A_242 : i32 to vector<16xi32>
      %add3A_349 = arith.addi %add3A_347, %add3A_348 : vector<16xi32>
      %swap3A_350 = arith.constant 80 : index
      %swap3A_351 = tpu.vector_load %arg11[%swap3A_350] {strides = array<i32>} : memref<128xi32, #tpu.memory_space<vmem>>, vector<16xi32>,
      %swap3A_352 = vector.shape_cast %swap3A_351 : vector<16xi32> to vector<16xi32>
      %swap3A_353 = vector.shape_cast %add3A_349 : vector<16xi32> to vector<16xi32>
      tpu.vector_store %arg11[%swap3A_350], %swap3A_353 {strides = array<i32>} : memref<128xi32, #tpu.memory_space<vmem>>, vector<16xi32>,
      %get3A_354 = arith.constant 96 : index
      %get3A_355 = tpu.vector_load %arg10[%get3A_354] {strides = array<i32>} : memref<128xi32, #tpu.memory_space<vmem>>, vector<16xi32>,
      %get3A_356 = vector.shape_cast %get3A_355 : vector<16xi32> to vector<16xi32>
      %mul3A_357 = arith.constant 400 : i32
      %mul3A_358 = vector.broadcast %mul3A_357 : i32 to vector<16xi32>
      %mul3A_359 = arith.muli %get3A_356, %mul3A_358 : vector<16xi32>
      %get3A_360 = arith.constant 96 : index
      %get3A_361 = tpu.vector_load %arg12[%get3A_360] {strides = array<i32>} : memref<128xi32, #tpu.memory_space<vmem>>, vector<16xi32>,
      %get3A_362 = vector.shape_cast %get3A_361 : vector<16xi32> to vector<16xi32>
      %add3A_363 = arith.addi %mul3A_359, %get3A_362 : vector<16xi32>
      %add3A_364 = vector.broadcast %rem3A_242 : i32 to vector<16xi32>
      %add3A_365 = arith.addi %add3A_363, %add3A_364 : vector<16xi32>
      %swap3A_366 = arith.constant 96 : index
      %swap3A_367 = tpu.vector_load %arg11[%swap3A_366] {strides = array<i32>} : memref<128xi32, #tpu.memory_space<vmem>>, vector<16xi32>,
      %swap3A_368 = vector.shape_cast %swap3A_367 : vector<16xi32> to vector<16xi32>
      %swap3A_369 = vector.shape_cast %add3A_365 : vector<16xi32> to vector<16xi32>
      tpu.vector_store %arg11[%swap3A_366], %swap3A_369 {strides = array<i32>} : memref<128xi32, #tpu.memory_space<vmem>>, vector<16xi32>,
      %get3A_370 = arith.constant 112 : index
      %get3A_371 = tpu.vector_load %arg10[%get3A_370] {strides = array<i32>} : memref<128xi32, #tpu.memory_space<vmem>>, vector<16xi32>,
      %get3A_372 = vector.shape_cast %get3A_371 : vector<16xi32> to vector<16xi32>
      %mul3A_373 = arith.constant 400 : i32
      %mul3A_374 = vector.broadcast %mul3A_373 : i32 to vector<16xi32>
      %mul3A_375 = arith.muli %get3A_372, %mul3A_374 : vector<16xi32>
      %get3A_376 = arith.constant 112 : index
      %get3A_377 = tpu.vector_load %arg12[%get3A_376] {strides = array<i32>} : memref<128xi32, #tpu.memory_space<vmem>>, vector<16xi32>,
      %get3A_378 = vector.shape_cast %get3A_377 : vector<16xi32> to vector<16xi32>
      %add3A_379 = arith.addi %mul3A_375, %get3A_378 : vector<16xi32>
      %add3A_380 = vector.broadcast %rem3A_242 : i32 to vector<16xi32>
      %add3A_381 = arith.addi %add3A_379, %add3A_380 : vector<16xi32>
      %swap3A_382 = arith.constant 112 : index
      %swap3A_383 = tpu.vector_load %arg11[%swap3A_382] {strides = array<i32>} : memref<128xi32, #tpu.memory_space<vmem>>, vector<16xi32>,
      %swap3A_384 = vector.shape_cast %swap3A_383 : vector<16xi32> to vector<16xi32>
      %swap3A_385 = vector.shape_cast %add3A_381 : vector<16xi32> to vector<16xi32>
      tpu.vector_store %arg11[%swap3A_382], %swap3A_385 {strides = array<i32>} : memref<128xi32, #tpu.memory_space<vmem>>, vector<16xi32>,
      "tpu.region"() ({
        %run_scoped3A = tpu.sem_alloc : memref<!tpu.dma_semaphore, #tpu.memory_space<semaphore_mem>>
        %dma_start3A_397 = arith.constant 0 : i32
        %dma_start3A_398 = arith.constant 0 : i32
        %dma_start3A_399 = tpu.memref_slice %arg15[%dma_start3A_397, %dma_start3A_398] : memref<800x64xf32, #tpu.memory_space<vmem_shared>> -> memref<800x64xf32, #tpu.memory_space<vmem_shared>>
        tpu.enqueue_indirect_dma source(%dma_start3A_399 : memref<800x64xf32, #tpu.memory_space<vmem_shared>>) target(%arg14 : memref<128x64xf32, #tpu.memory_space<vmem>>) offsets(%arg11 : memref<128xi32, #tpu.memory_space<vmem>>) semaphore(%run_scoped3A : memref<!tpu.dma_semaphore, #tpu.memory_space<semaphore_mem>>) {add = true}
        %dma_wait3A_400 = arith.constant 0 : i32
        %dma_wait3A_401 = arith.constant 0 : i32
        %dma_wait3A_402 = tpu.memref_slice %arg15[%dma_wait3A_400, %dma_wait3A_401] : memref<800x64xf32, #tpu.memory_space<vmem_shared>> -> memref<800x64xf32, #tpu.memory_space<vmem_shared>>
        tpu.wait_indirect_dma semaphore(%run_scoped3A : memref<!tpu.dma_semaphore, #tpu.memory_space<semaphore_mem>>) src(%dma_wait3A_402 : memref<800x64xf32, #tpu.memory_space<vmem_shared>>) dst(%arg14 : memref<128x64xf32, #tpu.memory_space<vmem>>)
        tpu.yield
      }) : () -> ()
      %dma_start3A_386 = arith.constant 0 : i32
      %dma_start3A_387 = tpu.memref_slice %arg6[%add3A_240, %dma_start3A_386] : memref<204800x64xf32, #tpu.memory_space<hbm>> -> memref<128x64xf32, #tpu.memory_space<hbm>>
      %dma_start3A_388 = arith.constant 0 : i32
      %dma_start3A_389 = tpu.memref_slice %arg6[%add3A_240, %dma_start3A_388] : memref<204800x64xf32, #tpu.memory_space<hbm>> -> memref<128x64xf32, #tpu.memory_space<hbm>>
      tpu.enqueue_dma source(%arg14 : memref<128x64xf32, #tpu.memory_space<vmem>>) target(%dma_start3A_389 : memref<128x64xf32, #tpu.memory_space<hbm>>) target_semaphore(%arg19 : memref<!tpu.dma_semaphore, #tpu.memory_space<semaphore_mem>>)
      %add3A_390 = arith.constant 2 : i32
      %add3A_391 = arith.addi %add3A_237, %add3A_390 : i32
      %lt3A_392 = arith.constant 50 : i32
      %lt3A_393 = arith.cmpi slt, %add3A_391, %lt3A_392 : i32
      %convert_element_type3A_394 = arith.extui %lt3A_393 : i1 to i32
      %cond3A_395 = arith.constant 0 : i32
      %cond3A_396 = arith.cmpi ne, %convert_element_type3A_394, %cond3A_395 : i32
      scf.if %cond3A_396 {
        %add3A_397 = arith.constant 2 : i32
        %add3A_398 = arith.addi %add3A_237, %add3A_397 : i32
        %mul3A_399 = arith.constant 128 : i32
        %mul3A_400 = arith.muli %add3A_398, %mul3A_399 : i32
        %add3A_401 = arith.addi %mul3A_2, %mul3A_400 : i32
        "tpu.region"() ({
          %run_scoped3A = tpu.sem_alloc : memref<!tpu.dma_semaphore, #tpu.memory_space<semaphore_mem>>
          %dma_start3A_402 = tpu.memref_slice %arg2[%add3A_401] : memref<204800xi32, #tpu.memory_space<hbm>> -> memref<128xi32, #tpu.memory_space<hbm>>
          %dma_start3A_403 = tpu.memref_slice %arg2[%add3A_401] : memref<204800xi32, #tpu.memory_space<hbm>> -> memref<128xi32, #tpu.memory_space<hbm>>
          tpu.enqueue_dma source(%dma_start3A_403 : memref<128xi32, #tpu.memory_space<hbm>>) target(%arg8 : memref<128xi32, #tpu.memory_space<vmem>>) target_semaphore(%run_scoped3A : memref<!tpu.dma_semaphore, #tpu.memory_space<semaphore_mem>>)
          %dma_wait3A_404 = tpu.memref_slice %arg2[%add3A_401] : memref<204800xi32, #tpu.memory_space<hbm>> -> memref<128xi32, #tpu.memory_space<hbm>>
          %dma_wait3A_405 = tpu.memref_slice %arg2[%add3A_401] : memref<204800xi32, #tpu.memory_space<hbm>> -> memref<128xi32, #tpu.memory_space<hbm>>
          tpu.wait_dma2 semaphore(%run_scoped3A : memref<!tpu.dma_semaphore, #tpu.memory_space<semaphore_mem>>) src(%dma_wait3A_405 : memref<128xi32, #tpu.memory_space<hbm>>) dst(%arg8 : memref<128xi32, #tpu.memory_space<vmem>>)
          tpu.yield
        }) : () -> ()
        "tpu.region"() ({
          %run_scoped3A = tpu.sem_alloc : memref<!tpu.dma_semaphore, #tpu.memory_space<semaphore_mem>>
          %dma_start3A_402 = tpu.memref_slice %arg3[%add3A_401] : memref<204800xi32, #tpu.memory_space<hbm>> -> memref<128xi32, #tpu.memory_space<hbm>>
          %dma_start3A_403 = tpu.memref_slice %arg3[%add3A_401] : memref<204800xi32, #tpu.memory_space<hbm>> -> memref<128xi32, #tpu.memory_space<hbm>>
          tpu.enqueue_dma source(%dma_start3A_403 : memref<128xi32, #tpu.memory_space<hbm>>) target(%arg10 : memref<128xi32, #tpu.memory_space<vmem>>) target_semaphore(%run_scoped3A : memref<!tpu.dma_semaphore, #tpu.memory_space<semaphore_mem>>)
          %dma_wait3A_404 = tpu.memref_slice %arg3[%add3A_401] : memref<204800xi32, #tpu.memory_space<hbm>> -> memref<128xi32, #tpu.memory_space<hbm>>
          %dma_wait3A_405 = tpu.memref_slice %arg3[%add3A_401] : memref<204800xi32, #tpu.memory_space<hbm>> -> memref<128xi32, #tpu.memory_space<hbm>>
          tpu.wait_dma2 semaphore(%run_scoped3A : memref<!tpu.dma_semaphore, #tpu.memory_space<semaphore_mem>>) src(%dma_wait3A_405 : memref<128xi32, #tpu.memory_space<hbm>>) dst(%arg10 : memref<128xi32, #tpu.memory_space<vmem>>)
          tpu.yield
        }) : () -> ()
      } else {
      }
    }
    %scan3A_70 = arith.constant 25 : i32
    %dma_wait3A = arith.constant 0 : i32
    %dma_wait3A_71 = arith.constant 0 : i32
    %dma_wait3A_72 = tpu.memref_slice %arg6[%dma_wait3A, %dma_wait3A_71] : memref<204800x64xf32, #tpu.memory_space<hbm>> -> memref<128x64xf32, #tpu.memory_space<hbm>>
    %dma_wait3A_73 = arith.constant 0 : i32
    %dma_wait3A_74 = arith.constant 0 : i32
    %dma_wait3A_75 = tpu.memref_slice %arg6[%dma_wait3A_73, %dma_wait3A_74] : memref<204800x64xf32, #tpu.memory_space<hbm>> -> memref<128x64xf32, #tpu.memory_space<hbm>>
    tpu.wait_dma2 semaphore(%arg19 : memref<!tpu.dma_semaphore, #tpu.memory_space<semaphore_mem>>) src(%arg14 : memref<128x64xf32, #tpu.memory_space<vmem>>) dst(%dma_wait3A_75 : memref<128x64xf32, #tpu.memory_space<hbm>>)
    return
  }
}

</mosaic_0001>

<sc_bundles>
// kernel: kernel.12.cloned.1.call-start
scs
__scs_entry_jumppad:
0x0: {  	(pc) =	sbr.rel $0x88, $3  }
0x1: {  	(tag) =	ssettag $0x0;
	lr =	simm.s32 $0x1  }
0x2: {  	[smem:$0x3F9C] =	sst lr;
	_ =	strace $0xD0000000  }
0x3: {  	_ = 	snop  }
0x4: {  	_ = 	snop  }
0x5: {  	_ = 	snop  }
0x6: {  	_ = 	snop  }
0x7: {  	_ = 	snop  }
__scs_overlays_trampoline_lowered:
0x8: {  	[smem:$0x3FAB] =	sst s0  }
0x9: {  	[smem:$0x3FAC] =	sst s1  }
0xa: {  	[smem:$0x3FAD] =	sst s2  }
0xb: {  	[smem:$0x3FAE] =	sst s3  }
0xc: {  	[smem:$0x3FAF] =	sst s4  }
0xd: {  	[smem:$0x3FB0] =	sst s5  }
0xe: {  	[smem:$0x3FB1] =	sst s6  }
0xf: {  	[smem:$0x3FB2] =	sst s7  }
0x10: {  	[smem:$0x3FB3] =	sst s8  }
0x11: {  	[smem:$0x3FB4] =	sst s9;
	s0 =	simm.s32 @!p0 $0x0  }
0x12: {  	s1 =	sld [smem:$0x3F9A];
	s0 =	simm.s32 @p0 $0x1  }
0x13: {  	[smem:$0x3FB5] =	sst s0;
	s0 =	simm.s32 @!p1 $0x0  }
0x14: {  	s2 =	sld [smem:$0x3F99];
	s0 =	simm.s32 @p1 $0x1  }
0x15: {  	[smem:$0x3FB6] =	sst s0;
	s0 =	simm.s32 @!p2 $0x0  }
0x16: {  	s3 =	sld [smem:$0x3FDB];
	s0 =	simm.s32 @p2 $0x1  }
0x17: {  	s4 =	simm.s32 $0x1BF5;
	[smem:$0x3FB8] =	sst s0  }
0x18: {  	s0 =	sld [smem:$0x3F9B];
	_ =	swait.ge [sflag:s4], $0x0  }
0x19: {  	s7 =	sld [smem:$0x3F9C]  }
0x1a: {  	s8 =	sadd.s32 $0xFFFFE003, lr  }
0x1b: {  	s9 =	sadd.s32 $0xFFFFFEF7, lr;
	s5 =	simm.s32 $0xFFFFFFFF;
	p2 =	slt.u32 s8, $0xFFFFF086  }
0x1c: {  	p1 =	slt.u32 s9, $0xF7A;
	s5 =	simm.s32 @!p2 $0x0  }
0x1d: {  	s5 =	simm.s32 @p1 $0x1;
	p0 =	seq.s32 s7, s2  }
0x1e: {  	s7 =	smul.u32 @!p0 $0xF7A, s2;
	p2 =	seq.s32 @!p0 s5, $0x0  }
0x1f: {  	s9 =	smul.u32 $0xF7A, s1;
	s8 =	simm.s32 @!p0 $0x1BF5;
	p2 =	por !p2, p0  }
0x20: {  	[sflag:s8] =	ssyncset.s32 @!p0 $0xFFFFF086;
	s6 =	sadd.s32 @!p0 s3, s7;
	s7 =	simm.s32 @!p0 $0x108  }
0x21: {  	s3 =	sadd.s32 s3, s9;
	s6 =	sadd.s32 @!p0 $0x88, s6;
	s7 =	simm.s32 @p2 $0x1082  }
0x22: {  	[simem:s7], [sflag:s8] =	dma.local @!p0 [hbm:s6], $0xF7A  }
0x23: {  	s9 =	sor.u32 $0xD0000000, s2;
	s6 =	simm.s32 $0x108;
	_ =	swait.ge @!p0 [sflag:s8], $0x0  }
0x24: {  	s3 =	sadd.s32 $0x88, s3;
	s6 =	simm.s32 @!p1 $0x1082;
	[sflag:s4] =	ssyncset.s32 $0xFFFFF086  }
0x25: {  	[simem:s6], [sflag:s4] =	dma.local [hbm:s3], $0xF7A  }
0x26: {  	[smem:$0x3F9C] =	sst s1;
	(tag) =	ssettag s2;
	_ =	strace s9  }
0x27: {  	s1 =	sld [smem:$0x3FAC]  }
0x28: {  	s2 =	sld [smem:$0x3FAD]  }
0x29: {  	s4 =	sld [smem:$0x3FAF]  }
0x2a: {  	p0 =	seq.s32 s5, $0x0;
	s5 =	sld [smem:$0x3FB0]  }
0x2b: {  	s6 =	sld [smem:$0x3FB1]  }
0x2c: {  	s7 =	sld [smem:$0x3FB2]  }
0x2d: {  	s3 =	simm.s32 $0x108;
	s8 =	sld [smem:$0x3FB3]  }
0x2e: {  	s3 =	simm.s32 @!p0 $0x1082;
	s9 =	sld [smem:$0x3FB4]  }
0x2f: {  	lr =	sadd.s32 s0, s3;
	s0 =	sld [smem:$0x3FAB]  }
0x30: {  	s3 =	sld [smem:$0x3FAE]  }
0x31: {  	[smem:$0x3FB7] =	sst s10  }
0x32: {  	s10 =	sld [smem:$0x3FB5];
	_ =	sdelay $0x3  }
0x33: {  	p0 =	seq.s32 s10, $0x1;
	s10 =	sld [smem:$0x3FB7];
	_ =	sdelay $0x3  }
0x34: {  	[smem:$0x3FB7] =	sst s10  }
0x35: {  	s10 =	sld [smem:$0x3FB6];
	_ =	sdelay $0x3  }
0x36: {  	p1 =	seq.s32 s10, $0x1;
	s10 =	sld [smem:$0x3FB7];
	_ =	sdelay $0x3  }
0x37: {  	[smem:$0x3FB7] =	sst s10  }
0x38: {  	s10 =	sld [smem:$0x3FB8]  }
0x39: {  	_ = 	snop;
	(pc) =	sbr.ind lr, $3  }
0x3a: {  	_ = 	snop  }
0x3b: {  	_ = 	snop  }
0x3c: {  	p2 =	seq.s32 s10, $0x1;
	s10 =	sld [smem:$0x3FB7]  }
0x3d: {  	_ =	shalt  }
0x3e: {  	_ =	shalt  }
0x3f: {  	_ =	shalt  }
0x40: {  	_ =	shalt  }
0x41: {  	_ =	shalt  }
0x42: {  	_ =	shalt  }
0x43: {  	_ =	shalt  }
0x44: {  	_ =	shalt  }
0x45: {  	_ =	shalt  }
0x46: {  	_ =	shalt  }
0x47: {  	_ =	shalt  }
0x48: {  	_ =	shalt  }
0x49: {  	_ =	shalt  }
0x4a: {  	_ =	shalt  }
0x4b: {  	_ =	shalt  }
0x4c: {  	_ =	shalt  }
0x4d: {  	_ =	shalt  }
0x4e: {  	_ =	shalt  }
0x4f: {  	_ =	shalt  }
0x50: {  	_ =	shalt  }
0x51: {  	_ =	shalt  }
0x52: {  	_ =	shalt  }
0x53: {  	_ =	shalt  }
0x54: {  	_ =	shalt  }
0x55: {  	_ =	shalt  }
0x56: {  	_ =	shalt  }
0x57: {  	_ =	shalt  }
0x58: {  	_ =	shalt  }
0x59: {  	_ =	shalt  }
0x5a: {  	_ =	shalt  }
0x5b: {  	_ =	shalt  }
0x5c: {  	_ =	shalt  }
0x5d: {  	_ =	shalt  }
0x5e: {  	_ =	shalt  }
0x5f: {  	_ =	shalt  }
0x60: {  	_ =	shalt  }
0x61: {  	_ =	shalt  }
0x62: {  	_ =	shalt  }
0x63: {  	_ =	shalt  }
0x64: {  	_ =	shalt  }
0x65: {  	_ =	shalt  }
0x66: {  	_ =	shalt  }
0x67: {  	_ =	shalt  }
0x68: {  	_ =	shalt  }
0x69: {  	_ =	shalt  }
0x6a: {  	_ =	shalt  }
0x6b: {  	_ =	shalt  }
0x6c: {  	_ =	shalt  }
0x6d: {  	_ =	shalt  }
0x6e: {  	_ =	shalt  }
0x6f: {  	_ =	shalt  }
0x70: {  	_ =	shalt  }
0x71: {  	_ =	shalt  }
0x72: {  	_ =	shalt  }
0x73: {  	_ =	shalt  }
0x74: {  	_ =	shalt  }
0x75: {  	_ =	shalt  }
0x76: {  	_ =	shalt  }
0x77: {  	_ =	shalt  }
0x78: {  	_ =	shalt  }
0x79: {  	_ =	shalt  }
0x7a: {  	_ =	shalt  }
0x7b: {  	_ =	shalt  }
0x7c: {  	_ =	shalt  }
0x7d: {  	_ =	shalt  }
0x7e: {  	_ =	shalt  }
0x7f: {  	_ =	shalt  }
0x80: {  	_ =	shalt  }
0x81: {  	_ =	shalt  }
0x82: {  	_ =	shalt  }
0x83: {  	_ =	shalt  }
0x84: {  	_ =	shalt  }
0x85: {  	_ =	shalt  }
0x86: {  	_ =	shalt  }
0x87: {  	_ =	shalt  }
.Lfunc_end0:
.L_simem_size_0:
called_computation.6_lowered:
.L_overlay_start_0:
0x88: {  	s2 =	sld [smem:$0x3FD9]  }
0x89: {  	s3 =	sld [smem:$0x3FFE];
	_ =	sdelay $0x1  }
0x8a: {  	s1 =	srdreg.scid  }
0x8b: {  	s0 =	sand.u32 $0x1, s1  }
0x8c: {  	s17 =	sshll.u32 s0, $0xA;
	s2 =	sadd.s32 s3, s2  }
0x8d: {  	s2 =	sadd.s32 s2, s17  }
0x8e: {  	[smem:$0x3FC3] =	sst s2  }
0x8f: {  	_ = 	snop  }
0x90: {  	(tm) =	ssettm $0x1  }
0x91: {  	s18 =	sld [smem:$0x3FFB];
	_ =	sdelay $0x3  }
0x92: {  	_ =	strace s18  }
0x93: {  	s2 =	sld [smem:$0x3FFC];
	_ =	sdelay $0x3  }
0x94: {  	_ =	strace s2  }
0x95: {  	s2 =	sld [smem:$0x3FFD];
	_ =	sdelay $0x3  }
0x96: {  	_ =	strace s2  }
0x97: {  	_ =	strace $0x8FFFFFFF  }
0x98: {  	s19 =	sld [smem:$0x3FDB];
	_ =	sdelay $0x1  }
0x99: {  	s20 =	simm.s32 $_scs_section_size  }
0x9a: {  	s4 =	simm.s32 $_size__tile_overlayer_lowered;
	s5 =	simm.s32 $_tile_overlayer_lowered  }
0x9b: {  	s6 =	simm.s32 $0x1BFF;
	s21 =	sshll.u32 s5, $0x1;
	s3 =	sadd.s32 s20, s19  }
0x9c: {  	s22 =	simm.s32 $0x0;
	s4 =	sshll.u32 s4, $0x1;
	s5 =	sadd.s32 s21, s3  }
0x9d: {  	[timem:s22], [sflag:s6] =	dma.local [hbm:s5], s4  }
0x9e: {  	_ =	swait.ge [sflag:s6], s4  }
0x9f: {  	s4 =	ssub.s32 $0x0, s4;
	[sflag:s6] =	ssyncset.done $0x0  }
0xa0: {  	[sflag:s6] =	ssyncadd.s32 s4;
	_ =	sdelay $0x1  }
0xa1: {  	s23 =	simm.s32 $0x1B8B  }
0xa2: {  	_ =	swait.ge [sflag:s23], $0x1  }
0xa3: {  	[sflag:s23] =	ssyncset.done $0x0  }
0xa4: {  	[sflag:s23] =	ssyncadd.s32 $0xFFFFFFFF  }
0xa5: {  	s4 =	sld [smem:$0x0]  }
0xa6: {  	s5 =	sand.u32 $0xFFFFFFFE, s1  }
0xa7: {  	p0 =	sne.s32 s1, s5  }
0xa8: {  	s5 =	sshll.u32 @p0 s5, $0xE  }
0xa9: {  	s5 =	sadd.s32 @p0 $0x11B8D, s5;
	s6 =	sshll.u32 @p0 s4, $0x11  }
0xaa: {  	s5 =	sor.u32 @p0 s6, s5  }
0xab: {  	[sflag:s5] =	ssyncadd.remote.s32 @p0 $0x1;
	_ =	sdelay $0x1  }
0xac: {  	s5 =	simm.s32 @p0 $0x1B8D  }
0xad: {  	_ =	swait.eq @p0 [sflag:s5], $0x1  }
0xae: {  	[sflag:s5] =	ssyncadd.s32 @p0 $0xFFFFFFFF  }
0xaf: {  	s6 =	sshll.u32 @!p0 s1, $0xE  }
0xb0: {  	s6 =	sor.u32 @!p0 $0x4000, s6;
	s5 =	simm.s32 @!p0 $0x1B8D  }
0xb1: {  	s4 =	sshll.u32 @!p0 s4, $0x11;
	s6 =	sadd.s32 @!p0 $0x11B8D, s6;
	_ =	swait.eq @!p0 [sflag:s5], $0x1  }
0xb2: {  	s4 =	sor.u32 @!p0 s4, s6;
	[sflag:s5] =	ssyncadd.s32 @!p0 $0xFFFFFFFF  }
0xb3: {  	s25 =	simm.s32 $0x1B8E;
	s24 =	sld [smem:$0x3FFE];
	[sflag:s4] =	ssyncadd.remote.s32 @!p0 $0x1  }
0xb4: {  	s26 =	simm.s32 $execute0_lowered;
	[smem:$0x3FD2] =	sst s25  }
0xb5: {  	s5 =	sshll.u32 s26, $0x1;
	_ =	strace $0x80000049;
	[dreg:$0x1] =	wrdreg $0xFFFFFFFF  }
0xb6: {  	s28 =	simm.s32 $_size_execute0_lowered;
	s3 =	sadd.s32 s3, s5;
	[dreg:$0x0] =	wrdreg $0x0  }
0xb7: {  	s5 =	sshll.u32 s28, $0x1;
	[dreg:$0x2] =	wrdreg s3  }
0xb8: {  	[dreg:$0x3] =	wrdreg s5  }
0xb9: {  	[dreg:$0x4] =	wrdreg $0xC0  }
0xba: {  	_ =	task [dreg:s22], $0x5FFFF  }
0xbb: {  	[dreg:$0x1] =	wrdreg $0xFFFFFFFF  }
0xbc: {  	[dreg:$0x0] =	wrdreg $0x60  }
0xbd: {  	[dreg:$0x2] =	wrdreg s24  }
0xbe: {  	[dreg:$0x3] =	wrdreg $0x43000  }
0xbf: {  	[dreg:$0x4] =	wrdreg $0xB  }
0xc0: {  	_ =	task.clear_ibuf [dreg:s22], $0x5FFFF;
	_ =	strace $0x90000049  }
0xc1: {  	s29 =	simm.s32 $0xB;
	_ =	strace $0x8000004B  }
0xc2: {  	_ =	swait.ge [sflag:s29], $0x1  }
0xc3: {  	[sflag:s29] =	ssyncadd.s32 $0xFFFFFFFF  }
0xc4: {  	_ =	strace $0x9000004B  }
0xc5: {  	_ =	sfence  }
0xc6: {  	s30 =	sld [smem:$0x0];
	_ =	sdelay $0x2  }
0xc7: {  	s31 =	sshll.u32 s1, $0xD;
	s1 =	sshrl.u32 s1, $0x2  }
0xc8: {  	s4 =	sand.u32 $0x4000, s31;
	s1 =	sadd.s32 s1, s30  }
0xc9: {  	s0 =	sor.u32 s4, s0;
	s1 =	sshll.u32 s1, $0x11  }
0xca: {  	s0 =	sor.u32 s1, s0  }
0xcb: {  	s0 =	sadd.s32 $0x8F2B, s0  }
0xcc: {  	[sflag:s0] =	ssyncadd.remote.s32 $0x1  }
0xcd: {  	_ =	sfence.sel $0xFFFF  }
0xce: {  	[dreg:$0x0] =	wrdreg $0xFFFFFFFF;
	(pc) =	sbr.abs _section_cstart, $3  }
0xcf: {  	[dreg:$0x1] =	wrdreg $0xFFFFFFFF  }
0xd0: {  	_ =	task.clear_ibuf [dreg:s22], $0x2FFFF;
	_ =	strace $0x9FFFFFFF  }
0xd1: {  	(tm) =	ssettm $0x7FFFFFFF  }
tec
execute0_lowered:
.L_overlay_start_1:
0x0: {  	(tag) =	ssettag $0x1  }
0x1: {  	s0 =	rddreg [dreg:$0x0]  }
0x2: {  	s1 =	rddreg [dreg:$0x1]  }
0x3: {  	s2 =	simm.s32 $0x0;
	s3 =	srdreg.scid;
	s8 =	stileid.u32  }
0x4: {  	s28 =	simm.s32 $0x6;
	s29 =	simm.s32 $0x3;
	s30 =	simm.s32 $0x2  }
0x5: {  	s31 =	simm.s32 $0x4;
	[smem:$0x7FF] =	sst s2;
	s7 =	sand.u32 $0x1, s3  }
0x6: {  	s16 =	sshll.u32 s8, $0x1;
	s3 =	sadd.s32 $0xB000, s0;
	s10 =	smul.u32 $0x3200, s8  }
0x7: {  	s4 =	sadd.s32 $0x1DC00, s0;
	s11 =	sadd.s32 $0x3200, s0;
	s24 =	smul.u32 $0x19000, s8  }
0x8: {  	p0 =	sne.s32 s8, $0x0;
	s5 =	sor.u32 s7, s16;
	s9 =	ssub.s32 $0x2, s7  }
0x9: {  	_ =	strace $0x8000004A;
	s6 =	smul.u32 $0x1900, s5;
	s17 =	sshrl.u32 s9, $0x1  }
0xa: {  	[dreg:$0x3] =	wrdreg s11;
	s12 =	smul.u32 $0x1900, s7;
	s9 =	ssub.s32 s9, s17  }
0xb: {  	s14 =	smul.u32 $0xC800, s7;
	s18 =	sshrl.u32 s6, $0x3;
	s9 =	smax.u32 s9, $0x1  }
0xc: {  	s5 =	sadd.s32 $0x2A400, s0;
	s6 =	sadd.s32 s3, s18;
	[dreg:$0x8] =	wrdreg s9  }
0xd: {  	s13 =	sor.u32 $0x10, s18;
	s19 =	sadd.s32 s4, s18;
	[dreg:$0x4] =	wrdreg s6  }
0xe: {  	s0 =	sadd.s32 $0x27DA00, s0;
	[dreg:$0x5] =	wrdreg s19;
	s20 =	sadd.s32 s3, s13  }
0xf: {  	s6 =	sadd.s32 s12, s10;
	s22 =	sadd.s32 s4, s13;
	[dreg:$0x6] =	wrdreg s20  }
0x10: {  	s19 =	simm.s32 $0x5;
	s21 =	sadd.s32 $0x180, s6;
	[dreg:$0x7] =	wrdreg s22  }
0x11: {  	s9 =	sor.u32 $0x80, s6;
	s22 =	simm.s32 $0x180;
	s10 =	sshrl.u32 s21, $0x3  }
0x12: {  	s25 =	sshll.u32 s9, $0x3;
	s21 =	simm.s32 $0x80;
	s23 =	sadd.s32 s10, s4  }
.Ltmp0:
0x13: {  	s10 =	sadd.s32 s10, s3;
	[dreg:$0x9] =	wrdreg s23;
	(pc) =	sbr.rel .LBB2_1-.Ltmp0, $4  }
0x14: {  	v0 =	vlaneseq.u32;
	s26 =	sadd.s32 s25, s0;
	s0 =	sadd.s32 s24, s0;
	[dreg:$0xa] =	wrdreg s10  }
0x15: {  	v1 =	vor.u32 $0x10, v0;
	s24 =	simm.s32 $0x2300;
	s25 =	simm.s32 $0x1;
	[dreg:$0xb] =	wrdreg s26  }
0x16: {  	v2 =	vor.u32 $0x20, v0;
	v3 =	vor.u32 $0x30, v0;
	v4 =	vor.u32 $0x40, v0;
	s20 =	sadd.s32 s14, s0;
	s0 =	sshrl.u32 @!p0 s1, $0x3;
	s23 =	simm.s32 $0x300  }
0x17: {  	v5 =	vor.u32 $0x50, v0;
	v6 =	vor.u32 $0x60, v0;
	v7 =	vor.u32 $0x70, v0;
	s26 =	simm.s32 $0x200;
	[dreg:$0xc] =	wrdreg s0;
	s0 =	simm.s32 $0x0  }
.LBB2_4:
0x18: {  	_ =	swait.ge [sflag:s31], $0x2000  }
0x19: {  	s0 =	sadd.s32 $0x1, s0;
	s7 =	rddreg [dreg:$0x8]  }
0x1a: {  	p1 =	sne.s32 s0, s7  }
.Ltmp1:
0x1b: {  	_ = 	snop;
	(pc) =	sbr.rel @!p1 .LBB2_5-.Ltmp1, $3  }
0x1c: {  	_ =	sdelay $0x1  }
0x1d: {  	[sflag:s31] =	ssyncset.done $0x0  }
0x1e: {  	[sflag:s31] =	ssyncadd.s32 $0xFFFFE000  }
.LBB2_1:
0x1f: {  	[tilespmem:$0x280] =	vst v0  }
0x20: {  	[tilespmem:$0x290] =	vst v1  }
0x21: {  	[tilespmem:$0x2A0] =	vst v2  }
0x22: {  	[tilespmem:$0x2B0] =	vst v3  }
0x23: {  	[tilespmem:$0x2C0] =	vst v4  }
0x24: {  	[tilespmem:$0x2D0] =	vst v5  }
0x25: {  	[tilespmem:$0x2E0] =	vst v6;
	s7 =	rddreg [dreg:$0x3]  }
0x26: {  	[tilespmem:$0x2F0] =	vst v7;
	s8 =	simm.s32 @!p0 $0x1C05;
	s10 =	rddreg [dreg:$0xc]  }
0x27: {  	[spmem:s10], [sflag:s8] =	dma.local @!p0 [hbm:s7], $0x1900  }
0x28: {  	s8 =	simm.s32 @!p0 $0x5  }
0x29: {  	_ =	swait.ge @!p0 [sflag:s8], $0x1900  }
0x2a: {  	[sflag:s8] =	ssyncset.done @!p0 $0x0  }
0x2b: {  	[sflag:s8] =	ssyncadd.s32 @!p0 $0xFFFFE700  }
0x2c: {  	[bflag:$0x0] =	sbarrier.arrive $0xFFFF  }
0x2d: {  	s14 =	rddreg [dreg:$0x4]  }
0x2e: {  	[tilespmem:s2], [sflag:$0x5] =	stream.linear.gather [hbm4b:s14+s2], $0x80, $0x38;
	[tilespmem:$0x4F80] =	vst v63  }
0x2f: {  	_ =	swait.ge [sflag:s19], $0x80  }
0x30: {  	[sflag:s19] =	ssyncset.done $0x0  }
0x31: {  	s16 =	simm.s32 $0x100;
	s15 =	rddreg [dreg:$0x5];
	[sflag:s19] =	ssyncadd.s32 $0xFFFFFF80  }
0x32: {  	[tilespmem:s16], [sflag:$0x5] =	stream.linear.gather [hbm4b:s15+s2], $0x80, $0x38;
	[tilespmem:$0x4F80] =	vst v63  }
0x33: {  	_ =	swait.ge [sflag:s19], $0x80  }
0x34: {  	[sflag:s19] =	ssyncset.done $0x0  }
0x35: {  	s17 =	rddreg [dreg:$0x6];
	[sflag:s19] =	ssyncadd.s32 $0xFFFFFF80  }
0x36: {  	[tilespmem:s21], [sflag:$0x5] =	stream.linear.gather [hbm4b:s17+s2], $0x80, $0x38;
	[tilespmem:$0x4F80] =	vst v63  }
0x37: {  	_ =	swait.ge [sflag:s19], $0x80  }
0x38: {  	[sflag:s19] =	ssyncset.done $0x0  }
0x39: {  	s18 =	rddreg [dreg:$0x7];
	[sflag:s19] =	ssyncadd.s32 $0xFFFFFF80  }
0x3a: {  	[tilespmem:s22], [sflag:$0x5] =	stream.linear.gather [hbm4b:s18+s2], $0x80, $0x38;
	[tilespmem:$0x4F80] =	vst v63  }
0x3b: {  	_ =	swait.ge [sflag:s19], $0x80  }
0x3c: {  	s10 =	simm.s32 $0x0;
	s8 =	smov.u32 s6;
	s16 =	rddreg [dreg:$0xb]  }
0x3d: {  	s14 =	smov.u32 s9;
	[sflag:s19] =	ssyncset.done $0x0;
	s15 =	rddreg [dreg:$0xa]  }
0x3e: {  	s17 =	smov.u32 s20;
	s13 =	rddreg [dreg:$0x9];
	[sflag:s19] =	ssyncadd.s32 $0xFFFFFF80  }
0x3f: {  	[tilespmem:s23], [sflag:$0x1] =	stream.indirect.gather [hbm4b:s5+s21], $0x40, s2, s21, $0xb8;
	[tilespmem:$0x4F80] =	vst v63  }
.LBB2_2:
0x40: {  	p1 =	seq.s32 s10, $0x0  }
0x41: {  	s12 =	simm.s32 @!p1 $0x4  }
0x42: {  	_ =	swait.ge @!p1 [sflag:s12], $0x2000  }
0x43: {  	[sflag:s12] =	ssyncset.done @!p1 $0x0  }
0x44: {  	[sflag:s12] =	ssyncadd.s32 @!p1 $0xFFFFE000  }
0x45: {  	[tilespmem:s24], [sflag:$0x2] =	stream.indirect.gather [hbm4b:s5+s21], $0x40, s21, s21, $0xb8;
	[tilespmem:$0x4F80] =	vst v63  }
0x46: {  	_ =	swait.ge [sflag:s25], $0x2000  }
0x47: {  	[sflag:s25] =	ssyncset.done $0x0  }
0x48: {  	[sflag:s25] =	ssyncadd.s32 $0xFFFFE000  }
0x49: {  	v8 =	vld [tilespmem:$0x100]  }
0x4a: {  	v9 =	vld [tilespmem:$0x280]  }
0x4b: {  	v10 =	vld [tilespmem:$0x110]  }
0x4c: {  	v11 =	vld [tilespmem:$0x290]  }
0x4d: {  	v12 =	vld [tilespmem:$0x120]  }
0x4e: {  	v13 =	vld [tilespmem:$0x2A0]  }
0x4f: {  	s11 =	smulhi.u32 $0x51EB851F, s8;
	v14 =	vld [tilespmem:$0x130]  }
0x50: {  	v15 =	vld [tilespmem:$0x2B0]  }
0x51: {  	s12 =	sshrl.u32 s11, $0x6;
	v16 =	vld [tilespmem:$0x140]  }
0x52: {  	s12 =	smul.u32 $0xC8, s12;
	v17 =	vld [tilespmem:$0x2C0]  }
0x53: {  	v18 =	vld [tilespmem:$0x150]  }
0x54: {  	s12 =	ssub.s32 s6, s12;
	v19 =	vld [tilespmem:$0x2D0]  }
0x55: {  	s12 =	sadd.s32 s12, s10;
	v20 =	vld [tilespmem:$0x160];
	v8 =	vmul.u32 $0x190, v8  }
0x56: {  	v21 =	vld [tilespmem:$0x2E0];
	v9 =	vadd.s32 s12, v9;
	v10 =	vmul.u32 $0x190, v10  }
0x57: {  	v23 =	vld [tilespmem:$0x170];
	v63 =	vadd.s32 s12, v11;
	v22 =	vmul.u32 $0x190, v12;
	v8 =	vadd.s32 v8, v9  }
0x58: {  	v26 =	vld [tilespmem:$0x2F0];
	v24 =	vadd.s32 s12, v13;
	v25 =	vmul.u32 $0x190, v14;
	[tilespmem:$0x200] =	vst v8;
	v8 =	vadd.s32 v10, v63  }
0x59: {  	v27 =	vadd.s32 s12, v15;
	v28 =	vmul.u32 $0x190, v16;
	[tilespmem:$0x210] =	vst v8;
	v8 =	vadd.s32 v22, v24  }
0x5a: {  	v29 =	vadd.s32 s12, v17;
	v30 =	vmul.u32 $0x190, v18;
	[tilespmem:$0x220] =	vst v8;
	v8 =	vadd.s32 v25, v27  }
0x5b: {  	v31 =	vadd.s32 s12, v19;
	v32 =	vmul.u32 $0x190, v20;
	[tilespmem:$0x230] =	vst v8;
	v8 =	vadd.s32 v28, v29  }
0x5c: {  	v33 =	vadd.s32 s12, v21;
	v34 =	vmul.u32 $0x190, v23;
	[tilespmem:$0x240] =	vst v8;
	v8 =	vadd.s32 v30, v31  }
0x5d: {  	v35 =	vadd.s32 s12, v26;
	[tilespmem:$0x250] =	vst v8;
	v8 =	vadd.s32 v32, v33  }
0x5e: {  	[tilespmem:$0x260] =	vst v8;
	v8 =	vadd.s32 v34, v35  }
0x5f: {  	p1 =	seq.s32 s10, $0x1800;
	[tilespmem:$0x270] =	vst v8  }
0x60: {  	[tilespmem:s23], [sflag:$0x6] =	stream.indirect.gather.add.f32 [spmem:s1], $0x40, s26, s21, $0xb8;
	[tilespmem:$0x4F80] =	vst v63  }
0x61: {  	s12 =	sadd.s32 @!p1 s10, s6;
	_ =	swait.ge [sflag:s28], $0x2000  }
0x62: {  	s12 =	sadd.s32 @!p1 $0x100, s12;
	[sflag:s28] =	ssyncset.done $0x0  }
0x63: {  	s12 =	sshrl.u32 @!p1 s12, $0x3;
	[sflag:s28] =	ssyncadd.s32 $0xFFFFE000  }
0x64: {  	[hbm4b:s17+s2] =	stream.linear.scatter [tilespmem:s23], [sflag:$0x3], $0x2000, $0x38;
	[tilespmem:$0x4F80] =	vst v63  }
0x65: {  	s7 =	simm.s32 @!p1 $0x0;
	s11 =	sadd.s32 @!p1 s3, s12  }
0x66: {  	[tilespmem:s7], [sflag:$0x6] =	stream.linear.gather @!p1 [hbm4b:s11+s7], $0x80, $0x38;
	[tilespmem:$0x4F80] =	vst v63  }
0x67: {  	s11 =	simm.s32 @!p1 $0x6  }
0x68: {  	_ =	swait.ge @!p1 [sflag:s11], $0x80  }
0x69: {  	[sflag:s11] =	ssyncset.done @!p1 $0x0  }
0x6a: {  	s18 =	simm.s32 @!p1 $0x100;
	s12 =	sadd.s32 @!p1 s4, s12;
	[sflag:s11] =	ssyncadd.s32 @!p1 $0xFFFFFF80  }
0x6b: {  	[tilespmem:s18], [sflag:$0x6] =	stream.linear.gather @!p1 [hbm4b:s12+s7], $0x80, $0x38;
	[tilespmem:$0x4F80] =	vst v63  }
0x6c: {  	_ =	swait.ge @!p1 [sflag:s11], $0x80  }
0x6d: {  	[sflag:s11] =	ssyncset.done @!p1 $0x0  }
0x6e: {  	[sflag:s11] =	ssyncadd.s32 @!p1 $0xFFFFFF80  }
0x6f: {  	_ =	swait.ge [sflag:s29], $0x2000  }
0x70: {  	[sflag:s29] =	ssyncset.done $0x0  }
0x71: {  	s12 =	simm.s32 @!p1 $0x300;
	s11 =	simm.s32 @!p1 $0x80;
	[sflag:s29] =	ssyncadd.s32 $0xFFFFE000  }
0x72: {  	[tilespmem:s12], [sflag:$0x1] =	stream.indirect.gather @!p1 [hbm4b:s5+s11], $0x40, s7, s11, $0xb8;
	[tilespmem:$0x4F80] =	vst v63  }
0x73: {  	_ =	swait.ge [sflag:s30], $0x2000  }
0x74: {  	[sflag:s30] =	ssyncset.done $0x0  }
0x75: {  	[sflag:s30] =	ssyncadd.s32 $0xFFFFE000  }
0x76: {  	v8 =	vld [tilespmem:$0x180]  }
0x77: {  	v36 =	vld [tilespmem:$0x280]  }
0x78: {  	v37 =	vld [tilespmem:$0x190]  }
0x79: {  	v38 =	vld [tilespmem:$0x290]  }
0x7a: {  	v39 =	vld [tilespmem:$0x1A0]  }
0x7b: {  	v40 =	vld [tilespmem:$0x2A0]  }
0x7c: {  	s18 =	smulhi.u32 $0x51EB851F, s14;
	v41 =	vld [tilespmem:$0x1B0]  }
0x7d: {  	v42 =	vld [tilespmem:$0x2B0]  }
0x7e: {  	s7 =	sshrl.u32 s18, $0x6;
	v43 =	vld [tilespmem:$0x1C0]  }
0x7f: {  	s7 =	smul.u32 $0xC8, s7;
	v44 =	vld [tilespmem:$0x2C0]  }
0x80: {  	v45 =	vld [tilespmem:$0x1D0]  }
0x81: {  	s7 =	ssub.s32 s9, s7;
	v46 =	vld [tilespmem:$0x2D0]  }
0x82: {  	s7 =	sadd.s32 s7, s10;
	v47 =	vld [tilespmem:$0x1E0];
	v8 =	vmul.u32 $0x190, v8  }
0x83: {  	v48 =	vld [tilespmem:$0x2E0];
	v9 =	vadd.s32 s7, v36;
	v10 =	vmul.u32 $0x190, v37  }
0x84: {  	v51 =	vld [tilespmem:$0x1F0];
	v49 =	vadd.s32 s7, v38;
	v50 =	vmul.u32 $0x190, v39;
	v8 =	vadd.s32 v8, v9  }
0x85: {  	v54 =	vld [tilespmem:$0x2F0];
	v52 =	vadd.s32 s7, v40;
	v53 =	vmul.u32 $0x190, v41;
	[tilespmem:$0x200] =	vst v8;
	v8 =	vadd.s32 v10, v49  }
0x86: {  	v55 =	vadd.s32 s7, v42;
	v56 =	vmul.u32 $0x190, v43;
	[tilespmem:$0x210] =	vst v8;
	v8 =	vadd.s32 v50, v52  }
0x87: {  	v57 =	vadd.s32 s7, v44;
	v58 =	vmul.u32 $0x190, v45;
	[tilespmem:$0x220] =	vst v8;
	v8 =	vadd.s32 v53, v55  }
0x88: {  	v59 =	vadd.s32 s7, v46;
	v60 =	vmul.u32 $0x190, v47;
	[tilespmem:$0x230] =	vst v8;
	v8 =	vadd.s32 v56, v57  }
0x89: {  	v61 =	vadd.s32 s7, v48;
	v62 =	vmul.u32 $0x190, v51;
	[tilespmem:$0x240] =	vst v8;
	v8 =	vadd.s32 v58, v59  }
0x8a: {  	v63 =	vadd.s32 s7, v54;
	[tilespmem:$0x250] =	vst v8;
	v8 =	vadd.s32 v60, v61  }
0x8b: {  	[tilespmem:$0x260] =	vst v8;
	v8 =	vadd.s32 v62, v63  }
0x8c: {  	[tilespmem:$0x270] =	vst v8  }
0x8d: {  	[tilespmem:s24], [sflag:$0x6] =	stream.indirect.gather.add.f32 [spmem:s1], $0x40, s26, s21, $0xb8;
	[tilespmem:$0x4F80] =	vst v63  }
.Ltmp2:
0x8e: {  	_ = 	snop;
	(pc) =	sbr.rel @p1 .LBB2_4-.Ltmp2, $4  }
0x8f: {  	_ =	swait.ge [sflag:s28], $0x2000  }
0x90: {  	[sflag:s28] =	ssyncset.done $0x0  }
0x91: {  	[sflag:s28] =	ssyncadd.s32 $0xFFFFE000  }
0x92: {  	[hbm4b:s16+s2] =	stream.linear.scatter [tilespmem:s24], [sflag:$0x4], $0x2000, $0x38;
	[tilespmem:$0x4F80] =	vst v63  }
0x93: {  	[tilespmem:s21], [sflag:$0x6] =	stream.linear.gather [hbm4b:s15+s2], $0x80, $0x38;
	[tilespmem:$0x4F80] =	vst v63  }
0x94: {  	_ =	swait.ge [sflag:s28], $0x80  }
0x95: {  	[sflag:s28] =	ssyncset.done $0x0  }
.Ltmp3:
0x96: {  	s15 =	sadd.s32 $0x20, s15;
	[sflag:s28] =	ssyncadd.s32 $0xFFFFFF80;
	(pc) =	sbr.rel .LBB2_2-.Ltmp3, $4  }
0x97: {  	[tilespmem:s22], [sflag:$0x5] =	stream.linear.gather [hbm4b:s13+s2], $0x80, $0x38;
	[tilespmem:$0x4F80] =	vst v63  }
0x98: {  	s10 =	sadd.s32 $0x100, s10;
	s14 =	sadd.s32 $0x100, s14;
	_ =	swait.ge [sflag:s19], $0x80  }
0x99: {  	s16 =	sadd.s32 $0x800, s16;
	s8 =	sadd.s32 $0x100, s8;
	[sflag:s19] =	ssyncset.done $0x0  }
0x9a: {  	s17 =	sadd.s32 $0x800, s17;
	s13 =	sadd.s32 $0x20, s13;
	[sflag:s19] =	ssyncadd.s32 $0xFFFFFF80  }
.LBB2_5:
0x9b: {  	_ =	sfence.sel $0x180000  }
0x9c: {  	[bflag:$0x0] =	sbarrier.arrive $0xFFFF  }
0x9d: {  	_ =	strace $0x9000004A  }
0x9e: {  	[bflag:$0x2] =	sbarrier.arrive $0xFFFF  }
0x9f: {  	s0 =	rddreg [dreg:$0x2]  }
0xa0: {  	s0 =	sadd.s32 @!p0 $0x100000, s0  }
0xa1: {  	[sflag:s0] =	ssyncadd.tile.s32 @!p0 $0x1;
	_ =	shalt  }
.Lfunc_end2:
_tile_overlayer_lowered:
.L_overlay_start_2:
0xa2: {  	(tag) =	ssettag $0x2  }
0xa3: {  	s0 =	rddreg [dreg:$0x0];
	s2 =	stileid.u32  }
0xa4: {  	s1 =	rddreg [dreg:$0x1];
	p0 =	sne.s32 s2, $0x0  }
0xa5: {  	s3 =	rddreg [dreg:$0x2];
	[bflag:$0x3] =	sbarrier.arrive $0xFFFF;
	s2 =	simm.s32 @!p0 $0x1C05  }
0xa6: {  	[timem:s3], [sflag:s2] =	dma.local @!p0 [hbm:s0], s1  }
0xa7: {  	s0 =	simm.s32 @!p0 $0x5  }
0xa8: {  	_ =	swait.ge @!p0 [sflag:s0], s1  }
0xa9: {  	s1 =	ssub.s32 @!p0 $0x0, s1;
	[sflag:s0] =	ssyncset.done @!p0 $0x0  }
0xaa: {  	[sflag:s0] =	ssyncadd.s32 @!p0 s1  }
0xab: {  	[bflag:$0x3] =	sbarrier.arrive $0xFFFF  }
0xac: {  	_ =	shalt  }

// kernel: kernel.15.cloned.1.call-start
scs
__scs_entry_jumppad:
0x0: {  	(pc) =	sbr.rel $0x88, $3  }
0x1: {  	(tag) =	ssettag $0x0;
	lr =	simm.s32 $0x1  }
0x2: {  	[smem:$0x3F9C] =	sst lr;
	_ =	strace $0xD0000000  }
0x3: {  	_ = 	snop  }
0x4: {  	_ = 	snop  }
0x5: {  	_ = 	snop  }
0x6: {  	_ = 	snop  }
0x7: {  	_ = 	snop  }
__scs_overlays_trampoline_lowered:
0x8: {  	[smem:$0x3FAB] =	sst s0  }
0x9: {  	[smem:$0x3FAC] =	sst s1  }
0xa: {  	[smem:$0x3FAD] =	sst s2  }
0xb: {  	[smem:$0x3FAE] =	sst s3  }
0xc: {  	[smem:$0x3FAF] =	sst s4  }
0xd: {  	[smem:$0x3FB0] =	sst s5  }
0xe: {  	[smem:$0x3FB1] =	sst s6  }
0xf: {  	[smem:$0x3FB2] =	sst s7  }
0x10: {  	[smem:$0x3FB3] =	sst s8  }
0x11: {  	[smem:$0x3FB4] =	sst s9;
	s0 =	simm.s32 @!p0 $0x0  }
0x12: {  	s1 =	sld [smem:$0x3F9A];
	s0 =	simm.s32 @p0 $0x1  }
0x13: {  	[smem:$0x3FB5] =	sst s0;
	s0 =	simm.s32 @!p1 $0x0  }
0x14: {  	s2 =	sld [smem:$0x3F99];
	s0 =	simm.s32 @p1 $0x1  }
0x15: {  	[smem:$0x3FB6] =	sst s0;
	s0 =	simm.s32 @!p2 $0x0  }
0x16: {  	s3 =	sld [smem:$0x3FDB];
	s0 =	simm.s32 @p2 $0x1  }
0x17: {  	s4 =	simm.s32 $0x1BF5;
	[smem:$0x3FB8] =	sst s0  }
0x18: {  	s0 =	sld [smem:$0x3F9B];
	_ =	swait.ge [sflag:s4], $0x0  }
0x19: {  	s7 =	sld [smem:$0x3F9C]  }
0x1a: {  	s8 =	sadd.s32 $0xFFFFE003, lr  }
0x1b: {  	s9 =	sadd.s32 $0xFFFFFEF7, lr;
	s5 =	simm.s32 $0xFFFFFFFF;
	p2 =	slt.u32 s8, $0xFFFFF086  }
0x1c: {  	p1 =	slt.u32 s9, $0xF7A;
	s5 =	simm.s32 @!p2 $0x0  }
0x1d: {  	s5 =	simm.s32 @p1 $0x1;
	p0 =	seq.s32 s7, s2  }
0x1e: {  	s7 =	smul.u32 @!p0 $0xF7A, s2;
	p2 =	seq.s32 @!p0 s5, $0x0  }
0x1f: {  	s9 =	smul.u32 $0xF7A, s1;
	s8 =	simm.s32 @!p0 $0x1BF5;
	p2 =	por !p2, p0  }
0x20: {  	[sflag:s8] =	ssyncset.s32 @!p0 $0xFFFFF086;
	s6 =	sadd.s32 @!p0 s3, s7;
	s7 =	simm.s32 @!p0 $0x108  }
0x21: {  	s3 =	sadd.s32 s3, s9;
	s6 =	sadd.s32 @!p0 $0x88, s6;
	s7 =	simm.s32 @p2 $0x1082  }
0x22: {  	[simem:s7], [sflag:s8] =	dma.local @!p0 [hbm:s6], $0xF7A  }
0x23: {  	s9 =	sor.u32 $0xD0000000, s2;
	s6 =	simm.s32 $0x108;
	_ =	swait.ge @!p0 [sflag:s8], $0x0  }
0x24: {  	s3 =	sadd.s32 $0x88, s3;
	s6 =	simm.s32 @!p1 $0x1082;
	[sflag:s4] =	ssyncset.s32 $0xFFFFF086  }
0x25: {  	[simem:s6], [sflag:s4] =	dma.local [hbm:s3], $0xF7A  }
0x26: {  	[smem:$0x3F9C] =	sst s1;
	(tag) =	ssettag s2;
	_ =	strace s9  }
0x27: {  	s1 =	sld [smem:$0x3FAC]  }
0x28: {  	s2 =	sld [smem:$0x3FAD]  }
0x29: {  	s4 =	sld [smem:$0x3FAF]  }
0x2a: {  	p0 =	seq.s32 s5, $0x0;
	s5 =	sld [smem:$0x3FB0]  }
0x2b: {  	s6 =	sld [smem:$0x3FB1]  }
0x2c: {  	s7 =	sld [smem:$0x3FB2]  }
0x2d: {  	s3 =	simm.s32 $0x108;
	s8 =	sld [smem:$0x3FB3]  }
0x2e: {  	s3 =	simm.s32 @!p0 $0x1082;
	s9 =	sld [smem:$0x3FB4]  }
0x2f: {  	lr =	sadd.s32 s0, s3;
	s0 =	sld [smem:$0x3FAB]  }
0x30: {  	s3 =	sld [smem:$0x3FAE]  }
0x31: {  	[smem:$0x3FB7] =	sst s10  }
0x32: {  	s10 =	sld [smem:$0x3FB5];
	_ =	sdelay $0x3  }
0x33: {  	p0 =	seq.s32 s10, $0x1;
	s10 =	sld [smem:$0x3FB7];
	_ =	sdelay $0x3  }
0x34: {  	[smem:$0x3FB7] =	sst s10  }
0x35: {  	s10 =	sld [smem:$0x3FB6];
	_ =	sdelay $0x3  }
0x36: {  	p1 =	seq.s32 s10, $0x1;
	s10 =	sld [smem:$0x3FB7];
	_ =	sdelay $0x3  }
0x37: {  	[smem:$0x3FB7] =	sst s10  }
0x38: {  	s10 =	sld [smem:$0x3FB8]  }
0x39: {  	_ = 	snop;
	(pc) =	sbr.ind lr, $3  }
0x3a: {  	_ = 	snop  }
0x3b: {  	_ = 	snop  }
0x3c: {  	p2 =	seq.s32 s10, $0x1;
	s10 =	sld [smem:$0x3FB7]  }
0x3d: {  	_ =	shalt  }
0x3e: {  	_ =	shalt  }
0x3f: {  	_ =	shalt  }
0x40: {  	_ =	shalt  }
0x41: {  	_ =	shalt  }
0x42: {  	_ =	shalt  }
0x43: {  	_ =	shalt  }
0x44: {  	_ =	shalt  }
0x45: {  	_ =	shalt  }
0x46: {  	_ =	shalt  }
0x47: {  	_ =	shalt  }
0x48: {  	_ =	shalt  }
0x49: {  	_ =	shalt  }
0x4a: {  	_ =	shalt  }
0x4b: {  	_ =	shalt  }
0x4c: {  	_ =	shalt  }
0x4d: {  	_ =	shalt  }
0x4e: {  	_ =	shalt  }
0x4f: {  	_ =	shalt  }
0x50: {  	_ =	shalt  }
0x51: {  	_ =	shalt  }
0x52: {  	_ =	shalt  }
0x53: {  	_ =	shalt  }
0x54: {  	_ =	shalt  }
0x55: {  	_ =	shalt  }
0x56: {  	_ =	shalt  }
0x57: {  	_ =	shalt  }
0x58: {  	_ =	shalt  }
0x59: {  	_ =	shalt  }
0x5a: {  	_ =	shalt  }
0x5b: {  	_ =	shalt  }
0x5c: {  	_ =	shalt  }
0x5d: {  	_ =	shalt  }
0x5e: {  	_ =	shalt  }
0x5f: {  	_ =	shalt  }
0x60: {  	_ =	shalt  }
0x61: {  	_ =	shalt  }
0x62: {  	_ =	shalt  }
0x63: {  	_ =	shalt  }
0x64: {  	_ =	shalt  }
0x65: {  	_ =	shalt  }
0x66: {  	_ =	shalt  }
0x67: {  	_ =	shalt  }
0x68: {  	_ =	shalt  }
0x69: {  	_ =	shalt  }
0x6a: {  	_ =	shalt  }
0x6b: {  	_ =	shalt  }
0x6c: {  	_ =	shalt  }
0x6d: {  	_ =	shalt  }
0x6e: {  	_ =	shalt  }
0x6f: {  	_ =	shalt  }
0x70: {  	_ =	shalt  }
0x71: {  	_ =	shalt  }
0x72: {  	_ =	shalt  }
0x73: {  	_ =	shalt  }
0x74: {  	_ =	shalt  }
0x75: {  	_ =	shalt  }
0x76: {  	_ =	shalt  }
0x77: {  	_ =	shalt  }
0x78: {  	_ =	shalt  }
0x79: {  	_ =	shalt  }
0x7a: {  	_ =	shalt  }
0x7b: {  	_ =	shalt  }
0x7c: {  	_ =	shalt  }
0x7d: {  	_ =	shalt  }
0x7e: {  	_ =	shalt  }
0x7f: {  	_ =	shalt  }
0x80: {  	_ =	shalt  }
0x81: {  	_ =	shalt  }
0x82: {  	_ =	shalt  }
0x83: {  	_ =	shalt  }
0x84: {  	_ =	shalt  }
0x85: {  	_ =	shalt  }
0x86: {  	_ =	shalt  }
0x87: {  	_ =	shalt  }
.Lfunc_end0:
.L_simem_size_0:
called_computation.7_lowered:
.L_overlay_start_0:
0x88: {  	s2 =	sld [smem:$0x3FD9]  }
0x89: {  	s3 =	sld [smem:$0x3FFE];
	_ =	sdelay $0x1  }
0x8a: {  	s1 =	srdreg.scid  }
0x8b: {  	s0 =	sand.u32 $0x1, s1  }
0x8c: {  	s16 =	sshll.u32 s0, $0xA;
	s2 =	sadd.s32 s3, s2  }
0x8d: {  	s2 =	sadd.s32 s2, s16  }
0x8e: {  	[smem:$0x3FC3] =	sst s2  }
0x8f: {  	_ = 	snop  }
0x90: {  	(tm) =	ssettm $0x1  }
0x91: {  	s17 =	sld [smem:$0x3FFB];
	_ =	sdelay $0x3  }
0x92: {  	_ =	strace s17  }
0x93: {  	s2 =	sld [smem:$0x3FFC];
	_ =	sdelay $0x3  }
0x94: {  	_ =	strace s2  }
0x95: {  	s2 =	sld [smem:$0x3FFD];
	_ =	sdelay $0x3  }
0x96: {  	_ =	strace s2  }
0x97: {  	_ =	strace $0x8FFFFFFF  }
0x98: {  	s18 =	sld [smem:$0x3FDB];
	_ =	sdelay $0x1  }
0x99: {  	s19 =	simm.s32 $_scs_section_size  }
0x9a: {  	s4 =	simm.s32 $_size__tile_overlayer_lowered;
	s5 =	simm.s32 $_tile_overlayer_lowered  }
0x9b: {  	s22 =	simm.s32 $0x1BFF;
	s21 =	sshll.u32 s5, $0x1;
	s2 =	sadd.s32 s19, s18  }
0x9c: {  	s6 =	simm.s32 $0x0;
	s20 =	sshll.u32 s4, $0x1;
	s4 =	sadd.s32 s21, s2  }
0x9d: {  	[timem:s6], [sflag:s22] =	dma.local [hbm:s4], s20  }
0x9e: {  	_ =	swait.ge [sflag:s22], s20  }
0x9f: {  	s3 =	ssub.s32 $0x0, s20;
	[sflag:s22] =	ssyncset.done $0x0  }
0xa0: {  	[sflag:s22] =	ssyncadd.s32 s3;
	_ =	sdelay $0x1  }
0xa1: {  	s23 =	simm.s32 $0x1B8B  }
0xa2: {  	_ =	swait.ge [sflag:s23], $0x1  }
0xa3: {  	[sflag:s23] =	ssyncset.done $0x0  }
0xa4: {  	s25 =	simm.s32 $0x1B8E;
	s24 =	sld [smem:$0x3FFE];
	[sflag:s23] =	ssyncadd.s32 $0xFFFFFFFF  }
0xa5: {  	s26 =	simm.s32 $execute0_lowered;
	[smem:$0x3FD2] =	sst s25  }
0xa6: {  	s4 =	sshll.u32 s26, $0x1;
	_ =	strace $0x80000046;
	[dreg:$0x1] =	wrdreg $0xFFFFFFFF  }
0xa7: {  	s28 =	simm.s32 $_size_execute0_lowered;
	s2 =	sadd.s32 s2, s4;
	[dreg:$0x0] =	wrdreg $0x0  }
0xa8: {  	s4 =	sshll.u32 s28, $0x1;
	[dreg:$0x2] =	wrdreg s2  }
0xa9: {  	[dreg:$0x3] =	wrdreg s4  }
0xaa: {  	[dreg:$0x4] =	wrdreg $0xC0  }
0xab: {  	_ =	task [dreg:s6], $0x5FFFF  }
0xac: {  	[dreg:$0x1] =	wrdreg $0xFFFFFFFF  }
0xad: {  	[dreg:$0x0] =	wrdreg $0x60  }
0xae: {  	[dreg:$0x2] =	wrdreg s24  }
0xaf: {  	[dreg:$0x3] =	wrdreg $0x43000  }
0xb0: {  	[dreg:$0x4] =	wrdreg $0x9  }
0xb1: {  	_ =	task.clear_ibuf [dreg:s6], $0x5FFFF;
	_ =	strace $0x90000046  }
0xb2: {  	s29 =	simm.s32 $0x9;
	_ =	strace $0x80000048  }
0xb3: {  	_ =	swait.ge [sflag:s29], $0x1  }
0xb4: {  	[sflag:s29] =	ssyncadd.s32 $0xFFFFFFFF  }
0xb5: {  	_ =	strace $0x90000048  }
0xb6: {  	_ =	sfence  }
0xb7: {  	s30 =	sld [smem:$0x0];
	_ =	sdelay $0x2  }
0xb8: {  	s31 =	sshll.u32 s1, $0xD;
	s1 =	sshrl.u32 s1, $0x2  }
0xb9: {  	s3 =	sand.u32 $0x4000, s31;
	s1 =	sadd.s32 s1, s30  }
0xba: {  	s0 =	sor.u32 s3, s0;
	s1 =	sshll.u32 s1, $0x11  }
0xbb: {  	s0 =	sor.u32 s1, s0  }
0xbc: {  	s0 =	sadd.s32 $0x8F2B, s0  }
0xbd: {  	[sflag:s0] =	ssyncadd.remote.s32 $0x1  }
0xbe: {  	_ =	sfence.sel $0xFFFF  }
0xbf: {  	[dreg:$0x0] =	wrdreg $0xFFFFFFFF;
	(pc) =	sbr.abs _section_cstart, $3  }
0xc0: {  	[dreg:$0x1] =	wrdreg $0xFFFFFFFF  }
0xc1: {  	_ =	task.clear_ibuf [dreg:s6], $0x2FFFF;
	_ =	strace $0x9FFFFFFF  }
0xc2: {  	(tm) =	ssettm $0x7FFFFFFF  }
0xc3: {  	_ =	shalt  }
tec
execute0_lowered:
.L_overlay_start_1:
0x0: {  	(tag) =	ssettag $0x1  }
0x1: {  	s0 =	rddreg [dreg:$0x0]  }
0x2: {  	s1 =	rddreg [dreg:$0x1]  }
0x3: {  	s2 =	simm.s32 $0x0;
	s3 =	srdreg.scid;
	s8 =	stileid.u32  }
0x4: {  	s28 =	simm.s32 $0x6;
	s29 =	simm.s32 $0x3;
	s30 =	simm.s32 $0x2  }
0x5: {  	s31 =	simm.s32 $0x4;
	[smem:$0x7FF] =	sst s2;
	s7 =	sand.u32 $0x1, s3  }
0x6: {  	s16 =	sshll.u32 s8, $0x1;
	s3 =	sadd.s32 $0x4C00, s0;
	s10 =	smul.u32 $0x3200, s8  }
0x7: {  	s4 =	sadd.s32 $0x17800, s0;
	s11 =	sadd.s32 $0x3200, s0;
	s24 =	smul.u32 $0x19000, s8  }
0x8: {  	p0 =	sne.s32 s8, $0x0;
	s5 =	sor.u32 s7, s16;
	s9 =	ssub.s32 $0x2, s7  }
0x9: {  	_ =	strace $0x80000047;
	s6 =	smul.u32 $0x1900, s5;
	s17 =	sshrl.u32 s9, $0x1  }
0xa: {  	[dreg:$0x3] =	wrdreg s11;
	s12 =	smul.u32 $0x1900, s7;
	s9 =	ssub.s32 s9, s17  }
0xb: {  	s14 =	smul.u32 $0xC800, s7;
	s18 =	sshrl.u32 s6, $0x3;
	s9 =	smax.u32 s9, $0x1  }
0xc: {  	s5 =	sadd.s32 $0x2A400, s0;
	s6 =	sadd.s32 s3, s18;
	[dreg:$0x8] =	wrdreg s9  }
0xd: {  	s13 =	sor.u32 $0x10, s18;
	s19 =	sadd.s32 s4, s18;
	[dreg:$0x4] =	wrdreg s6  }
0xe: {  	s0 =	sadd.s32 $0xEDA00, s0;
	[dreg:$0x5] =	wrdreg s19;
	s20 =	sadd.s32 s3, s13  }
0xf: {  	s6 =	sadd.s32 s12, s10;
	s22 =	sadd.s32 s4, s13;
	[dreg:$0x6] =	wrdreg s20  }
0x10: {  	s19 =	simm.s32 $0x5;
	s21 =	sadd.s32 $0x180, s6;
	[dreg:$0x7] =	wrdreg s22  }
0x11: {  	s9 =	sor.u32 $0x80, s6;
	s22 =	simm.s32 $0x180;
	s10 =	sshrl.u32 s21, $0x3  }
0x12: {  	s25 =	sshll.u32 s9, $0x3;
	s21 =	simm.s32 $0x80;
	s23 =	sadd.s32 s10, s4  }
.Ltmp0:
0x13: {  	s10 =	sadd.s32 s10, s3;
	[dreg:$0x9] =	wrdreg s23;
	(pc) =	sbr.rel .LBB2_1-.Ltmp0, $4  }
0x14: {  	v0 =	vlaneseq.u32;
	s26 =	sadd.s32 s25, s0;
	s0 =	sadd.s32 s24, s0;
	[dreg:$0xa] =	wrdreg s10  }
0x15: {  	v1 =	vor.u32 $0x10, v0;
	s24 =	simm.s32 $0x2300;
	s25 =	simm.s32 $0x1;
	[dreg:$0xb] =	wrdreg s26  }
0x16: {  	v2 =	vor.u32 $0x20, v0;
	v3 =	vor.u32 $0x30, v0;
	v4 =	vor.u32 $0x40, v0;
	s20 =	sadd.s32 s14, s0;
	s0 =	sshrl.u32 @!p0 s1, $0x3;
	s23 =	simm.s32 $0x300  }
0x17: {  	v5 =	vor.u32 $0x50, v0;
	v6 =	vor.u32 $0x60, v0;
	v7 =	vor.u32 $0x70, v0;
	s26 =	simm.s32 $0x200;
	[dreg:$0xc] =	wrdreg s0;
	s0 =	simm.s32 $0x0  }
.LBB2_4:
0x18: {  	_ =	swait.ge [sflag:s31], $0x2000  }
0x19: {  	s0 =	sadd.s32 $0x1, s0;
	s7 =	rddreg [dreg:$0x8]  }
0x1a: {  	p1 =	sne.s32 s0, s7  }
.Ltmp1:
0x1b: {  	_ = 	snop;
	(pc) =	sbr.rel @!p1 .LBB2_5-.Ltmp1, $3  }
0x1c: {  	_ =	sdelay $0x1  }
0x1d: {  	[sflag:s31] =	ssyncset.done $0x0  }
0x1e: {  	[sflag:s31] =	ssyncadd.s32 $0xFFFFE000  }
.LBB2_1:
0x1f: {  	[tilespmem:$0x280] =	vst v0  }
0x20: {  	[tilespmem:$0x290] =	vst v1  }
0x21: {  	[tilespmem:$0x2A0] =	vst v2  }
0x22: {  	[tilespmem:$0x2B0] =	vst v3  }
0x23: {  	[tilespmem:$0x2C0] =	vst v4  }
0x24: {  	[tilespmem:$0x2D0] =	vst v5  }
0x25: {  	[tilespmem:$0x2E0] =	vst v6;
	s7 =	rddreg [dreg:$0x3]  }
0x26: {  	[tilespmem:$0x2F0] =	vst v7;
	s8 =	simm.s32 @!p0 $0x1C05;
	s10 =	rddreg [dreg:$0xc]  }
0x27: {  	[spmem:s10], [sflag:s8] =	dma.local @!p0 [hbm:s7], $0x1900  }
0x28: {  	s8 =	simm.s32 @!p0 $0x5  }
0x29: {  	_ =	swait.ge @!p0 [sflag:s8], $0x1900  }
0x2a: {  	[sflag:s8] =	ssyncset.done @!p0 $0x0  }
0x2b: {  	[sflag:s8] =	ssyncadd.s32 @!p0 $0xFFFFE700  }
0x2c: {  	[bflag:$0x0] =	sbarrier.arrive $0xFFFF  }
0x2d: {  	s14 =	rddreg [dreg:$0x4]  }
0x2e: {  	[tilespmem:s2], [sflag:$0x5] =	stream.linear.gather [hbm4b:s14+s2], $0x80, $0x38;
	[tilespmem:$0x4F80] =	vst v63  }
0x2f: {  	_ =	swait.ge [sflag:s19], $0x80  }
0x30: {  	[sflag:s19] =	ssyncset.done $0x0  }
0x31: {  	s16 =	simm.s32 $0x100;
	s15 =	rddreg [dreg:$0x5];
	[sflag:s19] =	ssyncadd.s32 $0xFFFFFF80  }
0x32: {  	[tilespmem:s16], [sflag:$0x5] =	stream.linear.gather [hbm4b:s15+s2], $0x80, $0x38;
	[tilespmem:$0x4F80] =	vst v63  }
0x33: {  	_ =	swait.ge [sflag:s19], $0x80  }
0x34: {  	[sflag:s19] =	ssyncset.done $0x0  }
0x35: {  	s17 =	rddreg [dreg:$0x6];
	[sflag:s19] =	ssyncadd.s32 $0xFFFFFF80  }
0x36: {  	[tilespmem:s21], [sflag:$0x5] =	stream.linear.gather [hbm4b:s17+s2], $0x80, $0x38;
	[tilespmem:$0x4F80] =	vst v63  }
0x37: {  	_ =	swait.ge [sflag:s19], $0x80  }
0x38: {  	[sflag:s19] =	ssyncset.done $0x0  }
0x39: {  	s18 =	rddreg [dreg:$0x7];
	[sflag:s19] =	ssyncadd.s32 $0xFFFFFF80  }
0x3a: {  	[tilespmem:s22], [sflag:$0x5] =	stream.linear.gather [hbm4b:s18+s2], $0x80, $0x38;
	[tilespmem:$0x4F80] =	vst v63  }
0x3b: {  	_ =	swait.ge [sflag:s19], $0x80  }
0x3c: {  	s10 =	simm.s32 $0x0;
	s8 =	smov.u32 s6;
	s16 =	rddreg [dreg:$0xb]  }
0x3d: {  	s14 =	smov.u32 s9;
	[sflag:s19] =	ssyncset.done $0x0;
	s15 =	rddreg [dreg:$0xa]  }
0x3e: {  	s17 =	smov.u32 s20;
	s13 =	rddreg [dreg:$0x9];
	[sflag:s19] =	ssyncadd.s32 $0xFFFFFF80  }
0x3f: {  	[tilespmem:s23], [sflag:$0x1] =	stream.indirect.gather [hbm4b:s5+s21], $0x40, s2, s21, $0xb8;
	[tilespmem:$0x4F80] =	vst v63  }
.LBB2_2:
0x40: {  	p1 =	seq.s32 s10, $0x0  }
0x41: {  	s12 =	simm.s32 @!p1 $0x4  }
0x42: {  	_ =	swait.ge @!p1 [sflag:s12], $0x2000  }
0x43: {  	[sflag:s12] =	ssyncset.done @!p1 $0x0  }
0x44: {  	[sflag:s12] =	ssyncadd.s32 @!p1 $0xFFFFE000  }
0x45: {  	[tilespmem:s24], [sflag:$0x2] =	stream.indirect.gather [hbm4b:s5+s21], $0x40, s21, s21, $0xb8;
	[tilespmem:$0x4F80] =	vst v63  }
0x46: {  	_ =	swait.ge [sflag:s25], $0x2000  }
0x47: {  	[sflag:s25] =	ssyncset.done $0x0  }
0x48: {  	[sflag:s25] =	ssyncadd.s32 $0xFFFFE000  }
0x49: {  	v8 =	vld [tilespmem:$0x100]  }
0x4a: {  	v9 =	vld [tilespmem:$0x280]  }
0x4b: {  	v10 =	vld [tilespmem:$0x110]  }
0x4c: {  	v11 =	vld [tilespmem:$0x290]  }
0x4d: {  	v12 =	vld [tilespmem:$0x120]  }
0x4e: {  	v13 =	vld [tilespmem:$0x2A0]  }
0x4f: {  	s11 =	smulhi.u32 $0x51EB851F, s8;
	v14 =	vld [tilespmem:$0x130]  }
0x50: {  	v15 =	vld [tilespmem:$0x2B0]  }
0x51: {  	s12 =	sshrl.u32 s11, $0x6;
	v16 =	vld [tilespmem:$0x140]  }
0x52: {  	s12 =	smul.u32 $0xC8, s12;
	v17 =	vld [tilespmem:$0x2C0]  }
0x53: {  	v18 =	vld [tilespmem:$0x150]  }
0x54: {  	s12 =	ssub.s32 s6, s12;
	v19 =	vld [tilespmem:$0x2D0]  }
0x55: {  	s12 =	sadd.s32 s12, s10;
	v20 =	vld [tilespmem:$0x160];
	v8 =	vmul.u32 $0x190, v8  }
0x56: {  	v21 =	vld [tilespmem:$0x2E0];
	v9 =	vadd.s32 s12, v9;
	v10 =	vmul.u32 $0x190, v10  }
0x57: {  	v23 =	vld [tilespmem:$0x170];
	v63 =	vadd.s32 s12, v11;
	v22 =	vmul.u32 $0x190, v12;
	v8 =	vadd.s32 v8, v9  }
0x58: {  	v26 =	vld [tilespmem:$0x2F0];
	v24 =	vadd.s32 s12, v13;
	v25 =	vmul.u32 $0x190, v14;
	[tilespmem:$0x200] =	vst v8;
	v8 =	vadd.s32 v10, v63  }
0x59: {  	v27 =	vadd.s32 s12, v15;
	v28 =	vmul.u32 $0x190, v16;
	[tilespmem:$0x210] =	vst v8;
	v8 =	vadd.s32 v22, v24  }
0x5a: {  	v29 =	vadd.s32 s12, v17;
	v30 =	vmul.u32 $0x190, v18;
	[tilespmem:$0x220] =	vst v8;
	v8 =	vadd.s32 v25, v27  }
0x5b: {  	v31 =	vadd.s32 s12, v19;
	v32 =	vmul.u32 $0x190, v20;
	[tilespmem:$0x230] =	vst v8;
	v8 =	vadd.s32 v28, v29  }
0x5c: {  	v33 =	vadd.s32 s12, v21;
	v34 =	vmul.u32 $0x190, v23;
	[tilespmem:$0x240] =	vst v8;
	v8 =	vadd.s32 v30, v31  }
0x5d: {  	v35 =	vadd.s32 s12, v26;
	[tilespmem:$0x250] =	vst v8;
	v8 =	vadd.s32 v32, v33  }
0x5e: {  	[tilespmem:$0x260] =	vst v8;
	v8 =	vadd.s32 v34, v35  }
0x5f: {  	p1 =	seq.s32 s10, $0x1800;
	[tilespmem:$0x270] =	vst v8  }
0x60: {  	[tilespmem:s23], [sflag:$0x6] =	stream.indirect.gather.add.f32 [spmem:s1], $0x40, s26, s21, $0xb8;
	[tilespmem:$0x4F80] =	vst v63  }
0x61: {  	s12 =	sadd.s32 @!p1 s10, s6;
	_ =	swait.ge [sflag:s28], $0x2000  }
0x62: {  	s12 =	sadd.s32 @!p1 $0x100, s12;
	[sflag:s28] =	ssyncset.done $0x0  }
0x63: {  	s12 =	sshrl.u32 @!p1 s12, $0x3;
	[sflag:s28] =	ssyncadd.s32 $0xFFFFE000  }
0x64: {  	[hbm4b:s17+s2] =	stream.linear.scatter [tilespmem:s23], [sflag:$0x3], $0x2000, $0x38;
	[tilespmem:$0x4F80] =	vst v63  }
0x65: {  	s7 =	simm.s32 @!p1 $0x0;
	s11 =	sadd.s32 @!p1 s3, s12  }
0x66: {  	[tilespmem:s7], [sflag:$0x6] =	stream.linear.gather @!p1 [hbm4b:s11+s7], $0x80, $0x38;
	[tilespmem:$0x4F80] =	vst v63  }
0x67: {  	s11 =	simm.s32 @!p1 $0x6  }
0x68: {  	_ =	swait.ge @!p1 [sflag:s11], $0x80  }
0x69: {  	[sflag:s11] =	ssyncset.done @!p1 $0x0  }
0x6a: {  	s18 =	simm.s32 @!p1 $0x100;
	s12 =	sadd.s32 @!p1 s4, s12;
	[sflag:s11] =	ssyncadd.s32 @!p1 $0xFFFFFF80  }
0x6b: {  	[tilespmem:s18], [sflag:$0x6] =	stream.linear.gather @!p1 [hbm4b:s12+s7], $0x80, $0x38;
	[tilespmem:$0x4F80] =	vst v63  }
0x6c: {  	_ =	swait.ge @!p1 [sflag:s11], $0x80  }
0x6d: {  	[sflag:s11] =	ssyncset.done @!p1 $0x0  }
0x6e: {  	[sflag:s11] =	ssyncadd.s32 @!p1 $0xFFFFFF80  }
0x6f: {  	_ =	swait.ge [sflag:s29], $0x2000  }
0x70: {  	[sflag:s29] =	ssyncset.done $0x0  }
0x71: {  	s12 =	simm.s32 @!p1 $0x300;
	s11 =	simm.s32 @!p1 $0x80;
	[sflag:s29] =	ssyncadd.s32 $0xFFFFE000  }
0x72: {  	[tilespmem:s12], [sflag:$0x1] =	stream.indirect.gather @!p1 [hbm4b:s5+s11], $0x40, s7, s11, $0xb8;
	[tilespmem:$0x4F80] =	vst v63  }
0x73: {  	_ =	swait.ge [sflag:s30], $0x2000  }
0x74: {  	[sflag:s30] =	ssyncset.done $0x0  }
0x75: {  	[sflag:s30] =	ssyncadd.s32 $0xFFFFE000  }
0x76: {  	v8 =	vld [tilespmem:$0x180]  }
0x77: {  	v36 =	vld [tilespmem:$0x280]  }
0x78: {  	v37 =	vld [tilespmem:$0x190]  }
0x79: {  	v38 =	vld [tilespmem:$0x290]  }
0x7a: {  	v39 =	vld [tilespmem:$0x1A0]  }
0x7b: {  	v40 =	vld [tilespmem:$0x2A0]  }
0x7c: {  	s18 =	smulhi.u32 $0x51EB851F, s14;
	v41 =	vld [tilespmem:$0x1B0]  }
0x7d: {  	v42 =	vld [tilespmem:$0x2B0]  }
0x7e: {  	s7 =	sshrl.u32 s18, $0x6;
	v43 =	vld [tilespmem:$0x1C0]  }
0x7f: {  	s7 =	smul.u32 $0xC8, s7;
	v44 =	vld [tilespmem:$0x2C0]  }
0x80: {  	v45 =	vld [tilespmem:$0x1D0]  }
0x81: {  	s7 =	ssub.s32 s9, s7;
	v46 =	vld [tilespmem:$0x2D0]  }
0x82: {  	s7 =	sadd.s32 s7, s10;
	v47 =	vld [tilespmem:$0x1E0];
	v8 =	vmul.u32 $0x190, v8  }
0x83: {  	v48 =	vld [tilespmem:$0x2E0];
	v9 =	vadd.s32 s7, v36;
	v10 =	vmul.u32 $0x190, v37  }
0x84: {  	v51 =	vld [tilespmem:$0x1F0];
	v49 =	vadd.s32 s7, v38;
	v50 =	vmul.u32 $0x190, v39;
	v8 =	vadd.s32 v8, v9  }
0x85: {  	v54 =	vld [tilespmem:$0x2F0];
	v52 =	vadd.s32 s7, v40;
	v53 =	vmul.u32 $0x190, v41;
	[tilespmem:$0x200] =	vst v8;
	v8 =	vadd.s32 v10, v49  }
0x86: {  	v55 =	vadd.s32 s7, v42;
	v56 =	vmul.u32 $0x190, v43;
	[tilespmem:$0x210] =	vst v8;
	v8 =	vadd.s32 v50, v52  }
0x87: {  	v57 =	vadd.s32 s7, v44;
	v58 =	vmul.u32 $0x190, v45;
	[tilespmem:$0x220] =	vst v8;
	v8 =	vadd.s32 v53, v55  }
0x88: {  	v59 =	vadd.s32 s7, v46;
	v60 =	vmul.u32 $0x190, v47;
	[tilespmem:$0x230] =	vst v8;
	v8 =	vadd.s32 v56, v57  }
0x89: {  	v61 =	vadd.s32 s7, v48;
	v62 =	vmul.u32 $0x190, v51;
	[tilespmem:$0x240] =	vst v8;
	v8 =	vadd.s32 v58, v59  }
0x8a: {  	v63 =	vadd.s32 s7, v54;
	[tilespmem:$0x250] =	vst v8;
	v8 =	vadd.s32 v60, v61  }
0x8b: {  	[tilespmem:$0x260] =	vst v8;
	v8 =	vadd.s32 v62, v63  }
0x8c: {  	[tilespmem:$0x270] =	vst v8  }
0x8d: {  	[tilespmem:s24], [sflag:$0x6] =	stream.indirect.gather.add.f32 [spmem:s1], $0x40, s26, s21, $0xb8;
	[tilespmem:$0x4F80] =	vst v63  }
.Ltmp2:
0x8e: {  	_ = 	snop;
	(pc) =	sbr.rel @p1 .LBB2_4-.Ltmp2, $4  }
0x8f: {  	_ =	swait.ge [sflag:s28], $0x2000  }
0x90: {  	[sflag:s28] =	ssyncset.done $0x0  }
0x91: {  	[sflag:s28] =	ssyncadd.s32 $0xFFFFE000  }
0x92: {  	[hbm4b:s16+s2] =	stream.linear.scatter [tilespmem:s24], [sflag:$0x4], $0x2000, $0x38;
	[tilespmem:$0x4F80] =	vst v63  }
0x93: {  	[tilespmem:s21], [sflag:$0x6] =	stream.linear.gather [hbm4b:s15+s2], $0x80, $0x38;
	[tilespmem:$0x4F80] =	vst v63  }
0x94: {  	_ =	swait.ge [sflag:s28], $0x80  }
0x95: {  	[sflag:s28] =	ssyncset.done $0x0  }
.Ltmp3:
0x96: {  	s15 =	sadd.s32 $0x20, s15;
	[sflag:s28] =	ssyncadd.s32 $0xFFFFFF80;
	(pc) =	sbr.rel .LBB2_2-.Ltmp3, $4  }
0x97: {  	[tilespmem:s22], [sflag:$0x5] =	stream.linear.gather [hbm4b:s13+s2], $0x80, $0x38;
	[tilespmem:$0x4F80] =	vst v63  }
0x98: {  	s10 =	sadd.s32 $0x100, s10;
	s14 =	sadd.s32 $0x100, s14;
	_ =	swait.ge [sflag:s19], $0x80  }
0x99: {  	s16 =	sadd.s32 $0x800, s16;
	s8 =	sadd.s32 $0x100, s8;
	[sflag:s19] =	ssyncset.done $0x0  }
0x9a: {  	s17 =	sadd.s32 $0x800, s17;
	s13 =	sadd.s32 $0x20, s13;
	[sflag:s19] =	ssyncadd.s32 $0xFFFFFF80  }
.LBB2_5:
0x9b: {  	_ =	sfence.sel $0x180000  }
0x9c: {  	[bflag:$0x0] =	sbarrier.arrive $0xFFFF  }
0x9d: {  	_ =	strace $0x90000047  }
0x9e: {  	[bflag:$0x2] =	sbarrier.arrive $0xFFFF  }
0x9f: {  	s0 =	rddreg [dreg:$0x2]  }
0xa0: {  	s0 =	sadd.s32 @!p0 $0x100000, s0  }
0xa1: {  	[sflag:s0] =	ssyncadd.tile.s32 @!p0 $0x1;
	_ =	shalt  }
.Lfunc_end2:
_tile_overlayer_lowered:
.L_overlay_start_2:
0xa2: {  	(tag) =	ssettag $0x2  }
0xa3: {  	s0 =	rddreg [dreg:$0x0];
	s2 =	stileid.u32  }
0xa4: {  	s1 =	rddreg [dreg:$0x1];
	p0 =	sne.s32 s2, $0x0  }
0xa5: {  	s3 =	rddreg [dreg:$0x2];
	[bflag:$0x3] =	sbarrier.arrive $0xFFFF;
	s2 =	simm.s32 @!p0 $0x1C05  }
0xa6: {  	[timem:s3], [sflag:s2] =	dma.local @!p0 [hbm:s0], s1  }
0xa7: {  	s0 =	simm.s32 @!p0 $0x5  }
0xa8: {  	_ =	swait.ge @!p0 [sflag:s0], s1  }
0xa9: {  	s1 =	ssub.s32 @!p0 $0x0, s1;
	[sflag:s0] =	ssyncset.done @!p0 $0x0  }
0xaa: {  	[sflag:s0] =	ssyncadd.s32 @!p0 s1  }
0xab: {  	[bflag:$0x3] =	sbarrier.arrive $0xFFFF  }
0xac: {  	_ =	shalt  }

// kernel: kernel.6.cloned.1.call-start
scs
__scs_entry_jumppad:
0x0: {  	(pc) =	sbr.rel $0x88, $3  }
0x1: {  	(tag) =	ssettag $0x0;
	lr =	simm.s32 $0x1  }
0x2: {  	[smem:$0x3F9C] =	sst lr;
	_ =	strace $0xD0000000  }
0x3: {  	_ = 	snop  }
0x4: {  	_ = 	snop  }
0x5: {  	_ = 	snop  }
0x6: {  	_ = 	snop  }
0x7: {  	_ = 	snop  }
__scs_overlays_trampoline_lowered:
0x8: {  	[smem:$0x3FAB] =	sst s0  }
0x9: {  	[smem:$0x3FAC] =	sst s1  }
0xa: {  	[smem:$0x3FAD] =	sst s2  }
0xb: {  	[smem:$0x3FAE] =	sst s3  }
0xc: {  	[smem:$0x3FAF] =	sst s4  }
0xd: {  	[smem:$0x3FB0] =	sst s5  }
0xe: {  	[smem:$0x3FB1] =	sst s6  }
0xf: {  	[smem:$0x3FB2] =	sst s7  }
0x10: {  	[smem:$0x3FB3] =	sst s8  }
0x11: {  	[smem:$0x3FB4] =	sst s9;
	s0 =	simm.s32 @!p0 $0x0  }
0x12: {  	s1 =	sld [smem:$0x3F9A];
	s0 =	simm.s32 @p0 $0x1  }
0x13: {  	[smem:$0x3FB5] =	sst s0;
	s0 =	simm.s32 @!p1 $0x0  }
0x14: {  	s2 =	sld [smem:$0x3F99];
	s0 =	simm.s32 @p1 $0x1  }
0x15: {  	[smem:$0x3FB6] =	sst s0;
	s0 =	simm.s32 @!p2 $0x0  }
0x16: {  	s3 =	sld [smem:$0x3FDB];
	s0 =	simm.s32 @p2 $0x1  }
0x17: {  	s4 =	simm.s32 $0x1BF5;
	[smem:$0x3FB8] =	sst s0  }
0x18: {  	s0 =	sld [smem:$0x3F9B];
	_ =	swait.ge [sflag:s4], $0x0  }
0x19: {  	s7 =	sld [smem:$0x3F9C]  }
0x1a: {  	s8 =	sadd.s32 $0xFFFFE003, lr  }
0x1b: {  	s9 =	sadd.s32 $0xFFFFFEF7, lr;
	s5 =	simm.s32 $0xFFFFFFFF;
	p2 =	slt.u32 s8, $0xFFFFF086  }
0x1c: {  	p1 =	slt.u32 s9, $0xF7A;
	s5 =	simm.s32 @!p2 $0x0  }
0x1d: {  	s5 =	simm.s32 @p1 $0x1;
	p0 =	seq.s32 s7, s2  }
0x1e: {  	s7 =	smul.u32 @!p0 $0xF7A, s2;
	p2 =	seq.s32 @!p0 s5, $0x0  }
0x1f: {  	s9 =	smul.u32 $0xF7A, s1;
	s8 =	simm.s32 @!p0 $0x1BF5;
	p2 =	por !p2, p0  }
0x20: {  	[sflag:s8] =	ssyncset.s32 @!p0 $0xFFFFF086;
	s6 =	sadd.s32 @!p0 s3, s7;
	s7 =	simm.s32 @!p0 $0x108  }
0x21: {  	s3 =	sadd.s32 s3, s9;
	s6 =	sadd.s32 @!p0 $0x88, s6;
	s7 =	simm.s32 @p2 $0x1082  }
0x22: {  	[simem:s7], [sflag:s8] =	dma.local @!p0 [hbm:s6], $0xF7A  }
0x23: {  	s9 =	sor.u32 $0xD0000000, s2;
	s6 =	simm.s32 $0x108;
	_ =	swait.ge @!p0 [sflag:s8], $0x0  }
0x24: {  	s3 =	sadd.s32 $0x88, s3;
	s6 =	simm.s32 @!p1 $0x1082;
	[sflag:s4] =	ssyncset.s32 $0xFFFFF086  }
0x25: {  	[simem:s6], [sflag:s4] =	dma.local [hbm:s3], $0xF7A  }
0x26: {  	[smem:$0x3F9C] =	sst s1;
	(tag) =	ssettag s2;
	_ =	strace s9  }
0x27: {  	s1 =	sld [smem:$0x3FAC]  }
0x28: {  	s2 =	sld [smem:$0x3FAD]  }
0x29: {  	s4 =	sld [smem:$0x3FAF]  }
0x2a: {  	p0 =	seq.s32 s5, $0x0;
	s5 =	sld [smem:$0x3FB0]  }
0x2b: {  	s6 =	sld [smem:$0x3FB1]  }
0x2c: {  	s7 =	sld [smem:$0x3FB2]  }
0x2d: {  	s3 =	simm.s32 $0x108;
	s8 =	sld [smem:$0x3FB3]  }
0x2e: {  	s3 =	simm.s32 @!p0 $0x1082;
	s9 =	sld [smem:$0x3FB4]  }
0x2f: {  	lr =	sadd.s32 s0, s3;
	s0 =	sld [smem:$0x3FAB]  }
0x30: {  	s3 =	sld [smem:$0x3FAE]  }
0x31: {  	[smem:$0x3FB7] =	sst s10  }
0x32: {  	s10 =	sld [smem:$0x3FB5];
	_ =	sdelay $0x3  }
0x33: {  	p0 =	seq.s32 s10, $0x1;
	s10 =	sld [smem:$0x3FB7];
	_ =	sdelay $0x3  }
0x34: {  	[smem:$0x3FB7] =	sst s10  }
0x35: {  	s10 =	sld [smem:$0x3FB6];
	_ =	sdelay $0x3  }
0x36: {  	p1 =	seq.s32 s10, $0x1;
	s10 =	sld [smem:$0x3FB7];
	_ =	sdelay $0x3  }
0x37: {  	[smem:$0x3FB7] =	sst s10  }
0x38: {  	s10 =	sld [smem:$0x3FB8]  }
0x39: {  	_ = 	snop;
	(pc) =	sbr.ind lr, $3  }
0x3a: {  	_ = 	snop  }
0x3b: {  	_ = 	snop  }
0x3c: {  	p2 =	seq.s32 s10, $0x1;
	s10 =	sld [smem:$0x3FB7]  }
0x3d: {  	_ =	shalt  }
0x3e: {  	_ =	shalt  }
0x3f: {  	_ =	shalt  }
0x40: {  	_ =	shalt  }
0x41: {  	_ =	shalt  }
0x42: {  	_ =	shalt  }
0x43: {  	_ =	shalt  }
0x44: {  	_ =	shalt  }
0x45: {  	_ =	shalt  }
0x46: {  	_ =	shalt  }
0x47: {  	_ =	shalt  }
0x48: {  	_ =	shalt  }
0x49: {  	_ =	shalt  }
0x4a: {  	_ =	shalt  }
0x4b: {  	_ =	shalt  }
0x4c: {  	_ =	shalt  }
0x4d: {  	_ =	shalt  }
0x4e: {  	_ =	shalt  }
0x4f: {  	_ =	shalt  }
0x50: {  	_ =	shalt  }
0x51: {  	_ =	shalt  }
0x52: {  	_ =	shalt  }
0x53: {  	_ =	shalt  }
0x54: {  	_ =	shalt  }
0x55: {  	_ =	shalt  }
0x56: {  	_ =	shalt  }
0x57: {  	_ =	shalt  }
0x58: {  	_ =	shalt  }
0x59: {  	_ =	shalt  }
0x5a: {  	_ =	shalt  }
0x5b: {  	_ =	shalt  }
0x5c: {  	_ =	shalt  }
0x5d: {  	_ =	shalt  }
0x5e: {  	_ =	shalt  }
0x5f: {  	_ =	shalt  }
0x60: {  	_ =	shalt  }
0x61: {  	_ =	shalt  }
0x62: {  	_ =	shalt  }
0x63: {  	_ =	shalt  }
0x64: {  	_ =	shalt  }
0x65: {  	_ =	shalt  }
0x66: {  	_ =	shalt  }
0x67: {  	_ =	shalt  }
0x68: {  	_ =	shalt  }
0x69: {  	_ =	shalt  }
0x6a: {  	_ =	shalt  }
0x6b: {  	_ =	shalt  }
0x6c: {  	_ =	shalt  }
0x6d: {  	_ =	shalt  }
0x6e: {  	_ =	shalt  }
0x6f: {  	_ =	shalt  }
0x70: {  	_ =	shalt  }
0x71: {  	_ =	shalt  }
0x72: {  	_ =	shalt  }
0x73: {  	_ =	shalt  }
0x74: {  	_ =	shalt  }
0x75: {  	_ =	shalt  }
0x76: {  	_ =	shalt  }
0x77: {  	_ =	shalt  }
0x78: {  	_ =	shalt  }
0x79: {  	_ =	shalt  }
0x7a: {  	_ =	shalt  }
0x7b: {  	_ =	shalt  }
0x7c: {  	_ =	shalt  }
0x7d: {  	_ =	shalt  }
0x7e: {  	_ =	shalt  }
0x7f: {  	_ =	shalt  }
0x80: {  	_ =	shalt  }
0x81: {  	_ =	shalt  }
0x82: {  	_ =	shalt  }
0x83: {  	_ =	shalt  }
0x84: {  	_ =	shalt  }
0x85: {  	_ =	shalt  }
0x86: {  	_ =	shalt  }
0x87: {  	_ =	shalt  }
.Lfunc_end0:
.L_simem_size_0:
called_computation.4_lowered:
.L_overlay_start_0:
0x88: {  	s2 =	sld [smem:$0x3FD9]  }
0x89: {  	s3 =	sld [smem:$0x3FFE];
	_ =	sdelay $0x1  }
0x8a: {  	s1 =	srdreg.scid  }
0x8b: {  	s0 =	sand.u32 $0x1, s1  }
0x8c: {  	s17 =	sshll.u32 s0, $0xA;
	s2 =	sadd.s32 s3, s2  }
0x8d: {  	s2 =	sadd.s32 s2, s17  }
0x8e: {  	[smem:$0x3FC3] =	sst s2  }
0x8f: {  	_ = 	snop  }
0x90: {  	(tm) =	ssettm $0x1  }
0x91: {  	s18 =	sld [smem:$0x3FFB];
	_ =	sdelay $0x3  }
0x92: {  	_ =	strace s18  }
0x93: {  	s2 =	sld [smem:$0x3FFC];
	_ =	sdelay $0x3  }
0x94: {  	_ =	strace s2  }
0x95: {  	s2 =	sld [smem:$0x3FFD];
	_ =	sdelay $0x3  }
0x96: {  	_ =	strace s2  }
0x97: {  	_ =	strace $0x8FFFFFFF  }
0x98: {  	s19 =	sld [smem:$0x3FDB];
	_ =	sdelay $0x1  }
0x99: {  	s20 =	simm.s32 $_scs_section_size  }
0x9a: {  	s4 =	simm.s32 $_size__tile_overlayer_lowered;
	s5 =	simm.s32 $_tile_overlayer_lowered  }
0x9b: {  	s6 =	simm.s32 $0x1BFF;
	s21 =	sshll.u32 s5, $0x1;
	s3 =	sadd.s32 s20, s19  }
0x9c: {  	s22 =	simm.s32 $0x0;
	s4 =	sshll.u32 s4, $0x1;
	s5 =	sadd.s32 s21, s3  }
0x9d: {  	[timem:s22], [sflag:s6] =	dma.local [hbm:s5], s4  }
0x9e: {  	_ =	swait.ge [sflag:s6], s4  }
0x9f: {  	s4 =	ssub.s32 $0x0, s4;
	[sflag:s6] =	ssyncset.done $0x0  }
0xa0: {  	[sflag:s6] =	ssyncadd.s32 s4;
	_ =	sdelay $0x1  }
0xa1: {  	s23 =	simm.s32 $0x1B8B  }
0xa2: {  	_ =	swait.ge [sflag:s23], $0x1  }
0xa3: {  	[sflag:s23] =	ssyncset.done $0x0  }
0xa4: {  	[sflag:s23] =	ssyncadd.s32 $0xFFFFFFFF  }
0xa5: {  	s4 =	sld [smem:$0x0]  }
0xa6: {  	s5 =	sand.u32 $0xFFFFFFFE, s1  }
0xa7: {  	p0 =	sne.s32 s1, s5  }
0xa8: {  	s5 =	sshll.u32 @p0 s5, $0xE  }
0xa9: {  	s5 =	sadd.s32 @p0 $0x11B8D, s5;
	s6 =	sshll.u32 @p0 s4, $0x11  }
0xaa: {  	s5 =	sor.u32 @p0 s6, s5  }
0xab: {  	[sflag:s5] =	ssyncadd.remote.s32 @p0 $0x1;
	_ =	sdelay $0x1  }
0xac: {  	s5 =	simm.s32 @p0 $0x1B8D  }
0xad: {  	_ =	swait.eq @p0 [sflag:s5], $0x1  }
0xae: {  	[sflag:s5] =	ssyncadd.s32 @p0 $0xFFFFFFFF  }
0xaf: {  	s6 =	sshll.u32 @!p0 s1, $0xE  }
0xb0: {  	s6 =	sor.u32 @!p0 $0x4000, s6;
	s5 =	simm.s32 @!p0 $0x1B8D  }
0xb1: {  	s4 =	sshll.u32 @!p0 s4, $0x11;
	s6 =	sadd.s32 @!p0 $0x11B8D, s6;
	_ =	swait.eq @!p0 [sflag:s5], $0x1  }
0xb2: {  	s4 =	sor.u32 @!p0 s4, s6;
	[sflag:s5] =	ssyncadd.s32 @!p0 $0xFFFFFFFF  }
0xb3: {  	s25 =	simm.s32 $0x1B8E;
	s24 =	sld [smem:$0x3FFE];
	[sflag:s4] =	ssyncadd.remote.s32 @!p0 $0x1  }
0xb4: {  	s26 =	simm.s32 $execute0_lowered;
	[smem:$0x3FD2] =	sst s25  }
0xb5: {  	s5 =	sshll.u32 s26, $0x1;
	_ =	strace $0x8000004F;
	[dreg:$0x1] =	wrdreg $0xFFFFFFFF  }
0xb6: {  	s28 =	simm.s32 $_size_execute0_lowered;
	s3 =	sadd.s32 s3, s5;
	[dreg:$0x0] =	wrdreg $0x0  }
0xb7: {  	s5 =	sshll.u32 s28, $0x1;
	[dreg:$0x2] =	wrdreg s3  }
0xb8: {  	[dreg:$0x3] =	wrdreg s5  }
0xb9: {  	[dreg:$0x4] =	wrdreg $0xC0  }
0xba: {  	_ =	task [dreg:s22], $0x5FFFF  }
0xbb: {  	[dreg:$0x1] =	wrdreg $0xFFFFFFFF  }
0xbc: {  	[dreg:$0x0] =	wrdreg $0x60  }
0xbd: {  	[dreg:$0x2] =	wrdreg s24  }
0xbe: {  	[dreg:$0x3] =	wrdreg $0x43000  }
0xbf: {  	[dreg:$0x4] =	wrdreg $0xA  }
0xc0: {  	_ =	task.clear_ibuf [dreg:s22], $0x5FFFF;
	_ =	strace $0x9000004F  }
0xc1: {  	s29 =	simm.s32 $0xA;
	_ =	strace $0x80000051  }
0xc2: {  	_ =	swait.ge [sflag:s29], $0x1  }
0xc3: {  	[sflag:s29] =	ssyncadd.s32 $0xFFFFFFFF  }
0xc4: {  	_ =	strace $0x90000051  }
0xc5: {  	_ =	sfence  }
0xc6: {  	s30 =	sld [smem:$0x0];
	_ =	sdelay $0x2  }
0xc7: {  	s31 =	sshll.u32 s1, $0xD;
	s1 =	sshrl.u32 s1, $0x2  }
0xc8: {  	s4 =	sand.u32 $0x4000, s31;
	s1 =	sadd.s32 s1, s30  }
0xc9: {  	s0 =	sor.u32 s4, s0;
	s1 =	sshll.u32 s1, $0x11  }
0xca: {  	s0 =	sor.u32 s1, s0  }
0xcb: {  	s0 =	sadd.s32 $0x8F2B, s0  }
0xcc: {  	[sflag:s0] =	ssyncadd.remote.s32 $0x1  }
0xcd: {  	_ =	sfence.sel $0xFFFF  }
0xce: {  	[dreg:$0x0] =	wrdreg $0xFFFFFFFF;
	(pc) =	sbr.abs _section_cstart, $3  }
0xcf: {  	[dreg:$0x1] =	wrdreg $0xFFFFFFFF  }
0xd0: {  	_ =	task.clear_ibuf [dreg:s22], $0x2FFFF;
	_ =	strace $0x9FFFFFFF  }
0xd1: {  	(tm) =	ssettm $0x7FFFFFFF  }
tec
execute0_lowered:
.L_overlay_start_1:
0x0: {  	(tag) =	ssettag $0x1  }
0x1: {  	s0 =	rddreg [dreg:$0x0]  }
0x2: {  	s1 =	rddreg [dreg:$0x1]  }
0x3: {  	s2 =	simm.s32 $0x0;
	s3 =	srdreg.scid;
	s8 =	stileid.u32  }
0x4: {  	s28 =	simm.s32 $0x6;
	s29 =	simm.s32 $0x3;
	s30 =	simm.s32 $0x2  }
0x5: {  	s31 =	simm.s32 $0x4;
	[smem:$0x7FF] =	sst s2;
	s7 =	sand.u32 $0x1, s3  }
0x6: {  	s4 =	sshll.u32 s8, $0x1;
	s3 =	sadd.s32 $0x59DA00, s0;
	s10 =	smul.u32 $0x3200, s8  }
0x7: {  	s11 =	sadd.s32 $0x3200, s0;
	s24 =	smul.u32 $0x19000, s8;
	p0 =	sne.s32 s8, $0x0  }
0x8: {  	_ =	strace $0x80000050;
	s5 =	sor.u32 s7, s4;
	s9 =	ssub.s32 $0x2, s7  }
0x9: {  	s4 =	sadd.s32 $0x5A3E00, s0;
	s6 =	smul.u32 $0x1900, s5;
	s17 =	sshrl.u32 s9, $0x1  }
0xa: {  	[dreg:$0x3] =	wrdreg s11;
	s12 =	smul.u32 $0x1900, s7;
	s9 =	ssub.s32 s9, s17  }
0xb: {  	s14 =	smul.u32 $0xC800, s7;
	s18 =	sshrl.u32 s6, $0x3;
	s9 =	smax.u32 s9, $0x1  }
0xc: {  	s5 =	sadd.s32 $0x2A400, s0;
	s6 =	sadd.s32 s3, s18;
	[dreg:$0x8] =	wrdreg s9  }
0xd: {  	s13 =	sor.u32 $0x10, s18;
	s19 =	sadd.s32 s4, s18;
	[dreg:$0x4] =	wrdreg s6  }
0xe: {  	s0 =	sadd.s32 $0x5AA200, s0;
	[dreg:$0x5] =	wrdreg s19;
	s20 =	sadd.s32 s3, s13  }
0xf: {  	s6 =	sadd.s32 s12, s10;
	s22 =	sadd.s32 s4, s13;
	[dreg:$0x6] =	wrdreg s20  }
0x10: {  	s19 =	simm.s32 $0x5;
	s21 =	sadd.s32 $0x180, s6;
	[dreg:$0x7] =	wrdreg s22  }
0x11: {  	s9 =	sor.u32 $0x80, s6;
	s22 =	simm.s32 $0x180;
	s10 =	sshrl.u32 s21, $0x3  }
0x12: {  	s25 =	sshll.u32 s9, $0x3;
	s21 =	simm.s32 $0x80;
	s23 =	sadd.s32 s10, s4  }
.Ltmp0:
0x13: {  	s10 =	sadd.s32 s10, s3;
	[dreg:$0x9] =	wrdreg s23;
	(pc) =	sbr.rel .LBB2_1-.Ltmp0, $4  }
0x14: {  	v0 =	vlaneseq.u32;
	s26 =	sadd.s32 s25, s0;
	s0 =	sadd.s32 s24, s0;
	[dreg:$0xa] =	wrdreg s10  }
0x15: {  	v1 =	vor.u32 $0x10, v0;
	s24 =	simm.s32 $0x2300;
	s25 =	simm.s32 $0x1;
	[dreg:$0xb] =	wrdreg s26  }
0x16: {  	v2 =	vor.u32 $0x20, v0;
	v3 =	vor.u32 $0x30, v0;
	v4 =	vor.u32 $0x40, v0;
	s20 =	sadd.s32 s14, s0;
	s0 =	sshrl.u32 @!p0 s1, $0x3;
	s23 =	simm.s32 $0x300  }
0x17: {  	v5 =	vor.u32 $0x50, v0;
	v6 =	vor.u32 $0x60, v0;
	v7 =	vor.u32 $0x70, v0;
	s26 =	simm.s32 $0x200;
	[dreg:$0xc] =	wrdreg s0;
	s0 =	simm.s32 $0x0  }
.LBB2_4:
0x18: {  	_ =	swait.ge [sflag:s31], $0x2000  }
0x19: {  	s0 =	sadd.s32 $0x1, s0;
	s7 =	rddreg [dreg:$0x8]  }
0x1a: {  	p1 =	sne.s32 s0, s7  }
.Ltmp1:
0x1b: {  	_ = 	snop;
	(pc) =	sbr.rel @!p1 .LBB2_5-.Ltmp1, $3  }
0x1c: {  	_ =	sdelay $0x1  }
0x1d: {  	[sflag:s31] =	ssyncset.done $0x0  }
0x1e: {  	[sflag:s31] =	ssyncadd.s32 $0xFFFFE000  }
.LBB2_1:
0x1f: {  	[tilespmem:$0x280] =	vst v0  }
0x20: {  	[tilespmem:$0x290] =	vst v1  }
0x21: {  	[tilespmem:$0x2A0] =	vst v2  }
0x22: {  	[tilespmem:$0x2B0] =	vst v3  }
0x23: {  	[tilespmem:$0x2C0] =	vst v4  }
0x24: {  	[tilespmem:$0x2D0] =	vst v5  }
0x25: {  	[tilespmem:$0x2E0] =	vst v6;
	s7 =	rddreg [dreg:$0x3]  }
0x26: {  	[tilespmem:$0x2F0] =	vst v7;
	s8 =	simm.s32 @!p0 $0x1C05;
	s10 =	rddreg [dreg:$0xc]  }
0x27: {  	[spmem:s10], [sflag:s8] =	dma.local @!p0 [hbm:s7], $0x1900  }
0x28: {  	s8 =	simm.s32 @!p0 $0x5  }
0x29: {  	_ =	swait.ge @!p0 [sflag:s8], $0x1900  }
0x2a: {  	[sflag:s8] =	ssyncset.done @!p0 $0x0  }
0x2b: {  	[sflag:s8] =	ssyncadd.s32 @!p0 $0xFFFFE700  }
0x2c: {  	[bflag:$0x0] =	sbarrier.arrive $0xFFFF  }
0x2d: {  	s14 =	rddreg [dreg:$0x4]  }
0x2e: {  	[tilespmem:s2], [sflag:$0x5] =	stream.linear.gather [hbm4b:s14+s2], $0x80, $0x38;
	[tilespmem:$0x4F80] =	vst v63  }
0x2f: {  	_ =	swait.ge [sflag:s19], $0x80  }
0x30: {  	[sflag:s19] =	ssyncset.done $0x0  }
0x31: {  	s16 =	simm.s32 $0x100;
	s15 =	rddreg [dreg:$0x5];
	[sflag:s19] =	ssyncadd.s32 $0xFFFFFF80  }
0x32: {  	[tilespmem:s16], [sflag:$0x5] =	stream.linear.gather [hbm4b:s15+s2], $0x80, $0x38;
	[tilespmem:$0x4F80] =	vst v63  }
0x33: {  	_ =	swait.ge [sflag:s19], $0x80  }
0x34: {  	[sflag:s19] =	ssyncset.done $0x0  }
0x35: {  	s17 =	rddreg [dreg:$0x6];
	[sflag:s19] =	ssyncadd.s32 $0xFFFFFF80  }
0x36: {  	[tilespmem:s21], [sflag:$0x5] =	stream.linear.gather [hbm4b:s17+s2], $0x80, $0x38;
	[tilespmem:$0x4F80] =	vst v63  }
0x37: {  	_ =	swait.ge [sflag:s19], $0x80  }
0x38: {  	[sflag:s19] =	ssyncset.done $0x0  }
0x39: {  	s18 =	rddreg [dreg:$0x7];
	[sflag:s19] =	ssyncadd.s32 $0xFFFFFF80  }
0x3a: {  	[tilespmem:s22], [sflag:$0x5] =	stream.linear.gather [hbm4b:s18+s2], $0x80, $0x38;
	[tilespmem:$0x4F80] =	vst v63  }
0x3b: {  	_ =	swait.ge [sflag:s19], $0x80  }
0x3c: {  	s10 =	simm.s32 $0x0;
	s8 =	smov.u32 s6;
	s16 =	rddreg [dreg:$0xb]  }
0x3d: {  	s14 =	smov.u32 s9;
	[sflag:s19] =	ssyncset.done $0x0;
	s15 =	rddreg [dreg:$0xa]  }
0x3e: {  	s17 =	smov.u32 s20;
	s13 =	rddreg [dreg:$0x9];
	[sflag:s19] =	ssyncadd.s32 $0xFFFFFF80  }
0x3f: {  	[tilespmem:s23], [sflag:$0x1] =	stream.indirect.gather [hbm4b:s5+s21], $0x40, s2, s21, $0xb8;
	[tilespmem:$0x4F80] =	vst v63  }
.LBB2_2:
0x40: {  	p1 =	seq.s32 s10, $0x0  }
0x41: {  	s12 =	simm.s32 @!p1 $0x4  }
0x42: {  	_ =	swait.ge @!p1 [sflag:s12], $0x2000  }
0x43: {  	[sflag:s12] =	ssyncset.done @!p1 $0x0  }
0x44: {  	[sflag:s12] =	ssyncadd.s32 @!p1 $0xFFFFE000  }
0x45: {  	[tilespmem:s24], [sflag:$0x2] =	stream.indirect.gather [hbm4b:s5+s21], $0x40, s21, s21, $0xb8;
	[tilespmem:$0x4F80] =	vst v63  }
0x46: {  	_ =	swait.ge [sflag:s25], $0x2000  }
0x47: {  	[sflag:s25] =	ssyncset.done $0x0  }
0x48: {  	[sflag:s25] =	ssyncadd.s32 $0xFFFFE000  }
0x49: {  	v8 =	vld [tilespmem:$0x100]  }
0x4a: {  	v9 =	vld [tilespmem:$0x280]  }
0x4b: {  	v10 =	vld [tilespmem:$0x110]  }
0x4c: {  	v11 =	vld [tilespmem:$0x290]  }
0x4d: {  	v12 =	vld [tilespmem:$0x120]  }
0x4e: {  	v13 =	vld [tilespmem:$0x2A0]  }
0x4f: {  	s11 =	smulhi.u32 $0x51EB851F, s8;
	v14 =	vld [tilespmem:$0x130]  }
0x50: {  	v15 =	vld [tilespmem:$0x2B0]  }
0x51: {  	s12 =	sshrl.u32 s11, $0x6;
	v16 =	vld [tilespmem:$0x140]  }
0x52: {  	s12 =	smul.u32 $0xC8, s12;
	v17 =	vld [tilespmem:$0x2C0]  }
0x53: {  	v18 =	vld [tilespmem:$0x150]  }
0x54: {  	s12 =	ssub.s32 s6, s12;
	v19 =	vld [tilespmem:$0x2D0]  }
0x55: {  	s12 =	sadd.s32 s12, s10;
	v20 =	vld [tilespmem:$0x160];
	v8 =	vmul.u32 $0x190, v8  }
0x56: {  	v21 =	vld [tilespmem:$0x2E0];
	v9 =	vadd.s32 s12, v9;
	v10 =	vmul.u32 $0x190, v10  }
0x57: {  	v23 =	vld [tilespmem:$0x170];
	v63 =	vadd.s32 s12, v11;
	v22 =	vmul.u32 $0x190, v12;
	v8 =	vadd.s32 v8, v9  }
0x58: {  	v26 =	vld [tilespmem:$0x2F0];
	v24 =	vadd.s32 s12, v13;
	v25 =	vmul.u32 $0x190, v14;
	[tilespmem:$0x200] =	vst v8;
	v8 =	vadd.s32 v10, v63  }
0x59: {  	v27 =	vadd.s32 s12, v15;
	v28 =	vmul.u32 $0x190, v16;
	[tilespmem:$0x210] =	vst v8;
	v8 =	vadd.s32 v22, v24  }
0x5a: {  	v29 =	vadd.s32 s12, v17;
	v30 =	vmul.u32 $0x190, v18;
	[tilespmem:$0x220] =	vst v8;
	v8 =	vadd.s32 v25, v27  }
0x5b: {  	v31 =	vadd.s32 s12, v19;
	v32 =	vmul.u32 $0x190, v20;
	[tilespmem:$0x230] =	vst v8;
	v8 =	vadd.s32 v28, v29  }
0x5c: {  	v33 =	vadd.s32 s12, v21;
	v34 =	vmul.u32 $0x190, v23;
	[tilespmem:$0x240] =	vst v8;
	v8 =	vadd.s32 v30, v31  }
0x5d: {  	v35 =	vadd.s32 s12, v26;
	[tilespmem:$0x250] =	vst v8;
	v8 =	vadd.s32 v32, v33  }
0x5e: {  	[tilespmem:$0x260] =	vst v8;
	v8 =	vadd.s32 v34, v35  }
0x5f: {  	p1 =	seq.s32 s10, $0x1800;
	[tilespmem:$0x270] =	vst v8  }
0x60: {  	[tilespmem:s23], [sflag:$0x6] =	stream.indirect.gather.add.f32 [spmem:s1], $0x40, s26, s21, $0xb8;
	[tilespmem:$0x4F80] =	vst v63  }
0x61: {  	s12 =	sadd.s32 @!p1 s10, s6;
	_ =	swait.ge [sflag:s28], $0x2000  }
0x62: {  	s12 =	sadd.s32 @!p1 $0x100, s12;
	[sflag:s28] =	ssyncset.done $0x0  }
0x63: {  	s12 =	sshrl.u32 @!p1 s12, $0x3;
	[sflag:s28] =	ssyncadd.s32 $0xFFFFE000  }
0x64: {  	[hbm4b:s17+s2] =	stream.linear.scatter [tilespmem:s23], [sflag:$0x3], $0x2000, $0x38;
	[tilespmem:$0x4F80] =	vst v63  }
0x65: {  	s7 =	simm.s32 @!p1 $0x0;
	s11 =	sadd.s32 @!p1 s3, s12  }
0x66: {  	[tilespmem:s7], [sflag:$0x6] =	stream.linear.gather @!p1 [hbm4b:s11+s7], $0x80, $0x38;
	[tilespmem:$0x4F80] =	vst v63  }
0x67: {  	s11 =	simm.s32 @!p1 $0x6  }
0x68: {  	_ =	swait.ge @!p1 [sflag:s11], $0x80  }
0x69: {  	[sflag:s11] =	ssyncset.done @!p1 $0x0  }
0x6a: {  	s18 =	simm.s32 @!p1 $0x100;
	s12 =	sadd.s32 @!p1 s4, s12;
	[sflag:s11] =	ssyncadd.s32 @!p1 $0xFFFFFF80  }
0x6b: {  	[tilespmem:s18], [sflag:$0x6] =	stream.linear.gather @!p1 [hbm4b:s12+s7], $0x80, $0x38;
	[tilespmem:$0x4F80] =	vst v63  }
0x6c: {  	_ =	swait.ge @!p1 [sflag:s11], $0x80  }
0x6d: {  	[sflag:s11] =	ssyncset.done @!p1 $0x0  }
0x6e: {  	[sflag:s11] =	ssyncadd.s32 @!p1 $0xFFFFFF80  }
0x6f: {  	_ =	swait.ge [sflag:s29], $0x2000  }
0x70: {  	[sflag:s29] =	ssyncset.done $0x0  }
0x71: {  	s12 =	simm.s32 @!p1 $0x300;
	s11 =	simm.s32 @!p1 $0x80;
	[sflag:s29] =	ssyncadd.s32 $0xFFFFE000  }
0x72: {  	[tilespmem:s12], [sflag:$0x1] =	stream.indirect.gather @!p1 [hbm4b:s5+s11], $0x40, s7, s11, $0xb8;
	[tilespmem:$0x4F80] =	vst v63  }
0x73: {  	_ =	swait.ge [sflag:s30], $0x2000  }
0x74: {  	[sflag:s30] =	ssyncset.done $0x0  }
0x75: {  	[sflag:s30] =	ssyncadd.s32 $0xFFFFE000  }
0x76: {  	v8 =	vld [tilespmem:$0x180]  }
0x77: {  	v36 =	vld [tilespmem:$0x280]  }
0x78: {  	v37 =	vld [tilespmem:$0x190]  }
0x79: {  	v38 =	vld [tilespmem:$0x290]  }
0x7a: {  	v39 =	vld [tilespmem:$0x1A0]  }
0x7b: {  	v40 =	vld [tilespmem:$0x2A0]  }
0x7c: {  	s18 =	smulhi.u32 $0x51EB851F, s14;
	v41 =	vld [tilespmem:$0x1B0]  }
0x7d: {  	v42 =	vld [tilespmem:$0x2B0]  }
0x7e: {  	s7 =	sshrl.u32 s18, $0x6;
	v43 =	vld [tilespmem:$0x1C0]  }
0x7f: {  	s7 =	smul.u32 $0xC8, s7;
	v44 =	vld [tilespmem:$0x2C0]  }
0x80: {  	v45 =	vld [tilespmem:$0x1D0]  }
0x81: {  	s7 =	ssub.s32 s9, s7;
	v46 =	vld [tilespmem:$0x2D0]  }
0x82: {  	s7 =	sadd.s32 s7, s10;
	v47 =	vld [tilespmem:$0x1E0];
	v8 =	vmul.u32 $0x190, v8  }
0x83: {  	v48 =	vld [tilespmem:$0x2E0];
	v9 =	vadd.s32 s7, v36;
	v10 =	vmul.u32 $0x190, v37  }
0x84: {  	v51 =	vld [tilespmem:$0x1F0];
	v49 =	vadd.s32 s7, v38;
	v50 =	vmul.u32 $0x190, v39;
	v8 =	vadd.s32 v8, v9  }
0x85: {  	v54 =	vld [tilespmem:$0x2F0];
	v52 =	vadd.s32 s7, v40;
	v53 =	vmul.u32 $0x190, v41;
	[tilespmem:$0x200] =	vst v8;
	v8 =	vadd.s32 v10, v49  }
0x86: {  	v55 =	vadd.s32 s7, v42;
	v56 =	vmul.u32 $0x190, v43;
	[tilespmem:$0x210] =	vst v8;
	v8 =	vadd.s32 v50, v52  }
0x87: {  	v57 =	vadd.s32 s7, v44;
	v58 =	vmul.u32 $0x190, v45;
	[tilespmem:$0x220] =	vst v8;
	v8 =	vadd.s32 v53, v55  }
0x88: {  	v59 =	vadd.s32 s7, v46;
	v60 =	vmul.u32 $0x190, v47;
	[tilespmem:$0x230] =	vst v8;
	v8 =	vadd.s32 v56, v57  }
0x89: {  	v61 =	vadd.s32 s7, v48;
	v62 =	vmul.u32 $0x190, v51;
	[tilespmem:$0x240] =	vst v8;
	v8 =	vadd.s32 v58, v59  }
0x8a: {  	v63 =	vadd.s32 s7, v54;
	[tilespmem:$0x250] =	vst v8;
	v8 =	vadd.s32 v60, v61  }
0x8b: {  	[tilespmem:$0x260] =	vst v8;
	v8 =	vadd.s32 v62, v63  }
0x8c: {  	[tilespmem:$0x270] =	vst v8  }
0x8d: {  	[tilespmem:s24], [sflag:$0x6] =	stream.indirect.gather.add.f32 [spmem:s1], $0x40, s26, s21, $0xb8;
	[tilespmem:$0x4F80] =	vst v63  }
.Ltmp2:
0x8e: {  	_ = 	snop;
	(pc) =	sbr.rel @p1 .LBB2_4-.Ltmp2, $4  }
0x8f: {  	_ =	swait.ge [sflag:s28], $0x2000  }
0x90: {  	[sflag:s28] =	ssyncset.done $0x0  }
0x91: {  	[sflag:s28] =	ssyncadd.s32 $0xFFFFE000  }
0x92: {  	[hbm4b:s16+s2] =	stream.linear.scatter [tilespmem:s24], [sflag:$0x4], $0x2000, $0x38;
	[tilespmem:$0x4F80] =	vst v63  }
0x93: {  	[tilespmem:s21], [sflag:$0x6] =	stream.linear.gather [hbm4b:s15+s2], $0x80, $0x38;
	[tilespmem:$0x4F80] =	vst v63  }
0x94: {  	_ =	swait.ge [sflag:s28], $0x80  }
0x95: {  	[sflag:s28] =	ssyncset.done $0x0  }
.Ltmp3:
0x96: {  	s15 =	sadd.s32 $0x20, s15;
	[sflag:s28] =	ssyncadd.s32 $0xFFFFFF80;
	(pc) =	sbr.rel .LBB2_2-.Ltmp3, $4  }
0x97: {  	[tilespmem:s22], [sflag:$0x5] =	stream.linear.gather [hbm4b:s13+s2], $0x80, $0x38;
	[tilespmem:$0x4F80] =	vst v63  }
0x98: {  	s10 =	sadd.s32 $0x100, s10;
	s14 =	sadd.s32 $0x100, s14;
	_ =	swait.ge [sflag:s19], $0x80  }
0x99: {  	s16 =	sadd.s32 $0x800, s16;
	s8 =	sadd.s32 $0x100, s8;
	[sflag:s19] =	ssyncset.done $0x0  }
0x9a: {  	s17 =	sadd.s32 $0x800, s17;
	s13 =	sadd.s32 $0x20, s13;
	[sflag:s19] =	ssyncadd.s32 $0xFFFFFF80  }
.LBB2_5:
0x9b: {  	_ =	sfence.sel $0x180000  }
0x9c: {  	[bflag:$0x0] =	sbarrier.arrive $0xFFFF  }
0x9d: {  	_ =	strace $0x90000050  }
0x9e: {  	[bflag:$0x2] =	sbarrier.arrive $0xFFFF  }
0x9f: {  	s0 =	rddreg [dreg:$0x2]  }
0xa0: {  	s0 =	sadd.s32 @!p0 $0x100000, s0  }
0xa1: {  	[sflag:s0] =	ssyncadd.tile.s32 @!p0 $0x1;
	_ =	shalt  }
.Lfunc_end2:
_tile_overlayer_lowered:
.L_overlay_start_2:
0xa2: {  	(tag) =	ssettag $0x2  }
0xa3: {  	s0 =	rddreg [dreg:$0x0];
	s2 =	stileid.u32  }
0xa4: {  	s1 =	rddreg [dreg:$0x1];
	p0 =	sne.s32 s2, $0x0  }
0xa5: {  	s3 =	rddreg [dreg:$0x2];
	[bflag:$0x3] =	sbarrier.arrive $0xFFFF;
	s2 =	simm.s32 @!p0 $0x1C05  }
0xa6: {  	[timem:s3], [sflag:s2] =	dma.local @!p0 [hbm:s0], s1  }
0xa7: {  	s0 =	simm.s32 @!p0 $0x5  }
0xa8: {  	_ =	swait.ge @!p0 [sflag:s0], s1  }
0xa9: {  	s1 =	ssub.s32 @!p0 $0x0, s1;
	[sflag:s0] =	ssyncset.done @!p0 $0x0  }
0xaa: {  	[sflag:s0] =	ssyncadd.s32 @!p0 s1  }
0xab: {  	[bflag:$0x3] =	sbarrier.arrive $0xFFFF  }
0xac: {  	_ =	shalt  }

// kernel: kernel.9.cloned.1.call-start
scs
__scs_entry_jumppad:
0x0: {  	(pc) =	sbr.rel $0x88, $3  }
0x1: {  	(tag) =	ssettag $0x0;
	lr =	simm.s32 $0x1  }
0x2: {  	[smem:$0x3F9C] =	sst lr;
	_ =	strace $0xD0000000  }
0x3: {  	_ = 	snop  }
0x4: {  	_ = 	snop  }
0x5: {  	_ = 	snop  }
0x6: {  	_ = 	snop  }
0x7: {  	_ = 	snop  }
__scs_overlays_trampoline_lowered:
0x8: {  	[smem:$0x3FAB] =	sst s0  }
0x9: {  	[smem:$0x3FAC] =	sst s1  }
0xa: {  	[smem:$0x3FAD] =	sst s2  }
0xb: {  	[smem:$0x3FAE] =	sst s3  }
0xc: {  	[smem:$0x3FAF] =	sst s4  }
0xd: {  	[smem:$0x3FB0] =	sst s5  }
0xe: {  	[smem:$0x3FB1] =	sst s6  }
0xf: {  	[smem:$0x3FB2] =	sst s7  }
0x10: {  	[smem:$0x3FB3] =	sst s8  }
0x11: {  	[smem:$0x3FB4] =	sst s9;
	s0 =	simm.s32 @!p0 $0x0  }
0x12: {  	s1 =	sld [smem:$0x3F9A];
	s0 =	simm.s32 @p0 $0x1  }
0x13: {  	[smem:$0x3FB5] =	sst s0;
	s0 =	simm.s32 @!p1 $0x0  }
0x14: {  	s2 =	sld [smem:$0x3F99];
	s0 =	simm.s32 @p1 $0x1  }
0x15: {  	[smem:$0x3FB6] =	sst s0;
	s0 =	simm.s32 @!p2 $0x0  }
0x16: {  	s3 =	sld [smem:$0x3FDB];
	s0 =	simm.s32 @p2 $0x1  }
0x17: {  	s4 =	simm.s32 $0x1BF5;
	[smem:$0x3FB8] =	sst s0  }
0x18: {  	s0 =	sld [smem:$0x3F9B];
	_ =	swait.ge [sflag:s4], $0x0  }
0x19: {  	s7 =	sld [smem:$0x3F9C]  }
0x1a: {  	s8 =	sadd.s32 $0xFFFFE003, lr  }
0x1b: {  	s9 =	sadd.s32 $0xFFFFFEF7, lr;
	s5 =	simm.s32 $0xFFFFFFFF;
	p2 =	slt.u32 s8, $0xFFFFF086  }
0x1c: {  	p1 =	slt.u32 s9, $0xF7A;
	s5 =	simm.s32 @!p2 $0x0  }
0x1d: {  	s5 =	simm.s32 @p1 $0x1;
	p0 =	seq.s32 s7, s2  }
0x1e: {  	s7 =	smul.u32 @!p0 $0xF7A, s2;
	p2 =	seq.s32 @!p0 s5, $0x0  }
0x1f: {  	s9 =	smul.u32 $0xF7A, s1;
	s8 =	simm.s32 @!p0 $0x1BF5;
	p2 =	por !p2, p0  }
0x20: {  	[sflag:s8] =	ssyncset.s32 @!p0 $0xFFFFF086;
	s6 =	sadd.s32 @!p0 s3, s7;
	s7 =	simm.s32 @!p0 $0x108  }
0x21: {  	s3 =	sadd.s32 s3, s9;
	s6 =	sadd.s32 @!p0 $0x88, s6;
	s7 =	simm.s32 @p2 $0x1082  }
0x22: {  	[simem:s7], [sflag:s8] =	dma.local @!p0 [hbm:s6], $0xF7A  }
0x23: {  	s9 =	sor.u32 $0xD0000000, s2;
	s6 =	simm.s32 $0x108;
	_ =	swait.ge @!p0 [sflag:s8], $0x0  }
0x24: {  	s3 =	sadd.s32 $0x88, s3;
	s6 =	simm.s32 @!p1 $0x1082;
	[sflag:s4] =	ssyncset.s32 $0xFFFFF086  }
0x25: {  	[simem:s6], [sflag:s4] =	dma.local [hbm:s3], $0xF7A  }
0x26: {  	[smem:$0x3F9C] =	sst s1;
	(tag) =	ssettag s2;
	_ =	strace s9  }
0x27: {  	s1 =	sld [smem:$0x3FAC]  }
0x28: {  	s2 =	sld [smem:$0x3FAD]  }
0x29: {  	s4 =	sld [smem:$0x3FAF]  }
0x2a: {  	p0 =	seq.s32 s5, $0x0;
	s5 =	sld [smem:$0x3FB0]  }
0x2b: {  	s6 =	sld [smem:$0x3FB1]  }
0x2c: {  	s7 =	sld [smem:$0x3FB2]  }
0x2d: {  	s3 =	simm.s32 $0x108;
	s8 =	sld [smem:$0x3FB3]  }
0x2e: {  	s3 =	simm.s32 @!p0 $0x1082;
	s9 =	sld [smem:$0x3FB4]  }
0x2f: {  	lr =	sadd.s32 s0, s3;
	s0 =	sld [smem:$0x3FAB]  }
0x30: {  	s3 =	sld [smem:$0x3FAE]  }
0x31: {  	[smem:$0x3FB7] =	sst s10  }
0x32: {  	s10 =	sld [smem:$0x3FB5];
	_ =	sdelay $0x3  }
0x33: {  	p0 =	seq.s32 s10, $0x1;
	s10 =	sld [smem:$0x3FB7];
	_ =	sdelay $0x3  }
0x34: {  	[smem:$0x3FB7] =	sst s10  }
0x35: {  	s10 =	sld [smem:$0x3FB6];
	_ =	sdelay $0x3  }
0x36: {  	p1 =	seq.s32 s10, $0x1;
	s10 =	sld [smem:$0x3FB7];
	_ =	sdelay $0x3  }
0x37: {  	[smem:$0x3FB7] =	sst s10  }
0x38: {  	s10 =	sld [smem:$0x3FB8]  }
0x39: {  	_ = 	snop;
	(pc) =	sbr.ind lr, $3  }
0x3a: {  	_ = 	snop  }
0x3b: {  	_ = 	snop  }
0x3c: {  	p2 =	seq.s32 s10, $0x1;
	s10 =	sld [smem:$0x3FB7]  }
0x3d: {  	_ =	shalt  }
0x3e: {  	_ =	shalt  }
0x3f: {  	_ =	shalt  }
0x40: {  	_ =	shalt  }
0x41: {  	_ =	shalt  }
0x42: {  	_ =	shalt  }
0x43: {  	_ =	shalt  }
0x44: {  	_ =	shalt  }
0x45: {  	_ =	shalt  }
0x46: {  	_ =	shalt  }
0x47: {  	_ =	shalt  }
0x48: {  	_ =	shalt  }
0x49: {  	_ =	shalt  }
0x4a: {  	_ =	shalt  }
0x4b: {  	_ =	shalt  }
0x4c: {  	_ =	shalt  }
0x4d: {  	_ =	shalt  }
0x4e: {  	_ =	shalt  }
0x4f: {  	_ =	shalt  }
0x50: {  	_ =	shalt  }
0x51: {  	_ =	shalt  }
0x52: {  	_ =	shalt  }
0x53: {  	_ =	shalt  }
0x54: {  	_ =	shalt  }
0x55: {  	_ =	shalt  }
0x56: {  	_ =	shalt  }
0x57: {  	_ =	shalt  }
0x58: {  	_ =	shalt  }
0x59: {  	_ =	shalt  }
0x5a: {  	_ =	shalt  }
0x5b: {  	_ =	shalt  }
0x5c: {  	_ =	shalt  }
0x5d: {  	_ =	shalt  }
0x5e: {  	_ =	shalt  }
0x5f: {  	_ =	shalt  }
0x60: {  	_ =	shalt  }
0x61: {  	_ =	shalt  }
0x62: {  	_ =	shalt  }
0x63: {  	_ =	shalt  }
0x64: {  	_ =	shalt  }
0x65: {  	_ =	shalt  }
0x66: {  	_ =	shalt  }
0x67: {  	_ =	shalt  }
0x68: {  	_ =	shalt  }
0x69: {  	_ =	shalt  }
0x6a: {  	_ =	shalt  }
0x6b: {  	_ =	shalt  }
0x6c: {  	_ =	shalt  }
0x6d: {  	_ =	shalt  }
0x6e: {  	_ =	shalt  }
0x6f: {  	_ =	shalt  }
0x70: {  	_ =	shalt  }
0x71: {  	_ =	shalt  }
0x72: {  	_ =	shalt  }
0x73: {  	_ =	shalt  }
0x74: {  	_ =	shalt  }
0x75: {  	_ =	shalt  }
0x76: {  	_ =	shalt  }
0x77: {  	_ =	shalt  }
0x78: {  	_ =	shalt  }
0x79: {  	_ =	shalt  }
0x7a: {  	_ =	shalt  }
0x7b: {  	_ =	shalt  }
0x7c: {  	_ =	shalt  }
0x7d: {  	_ =	shalt  }
0x7e: {  	_ =	shalt  }
0x7f: {  	_ =	shalt  }
0x80: {  	_ =	shalt  }
0x81: {  	_ =	shalt  }
0x82: {  	_ =	shalt  }
0x83: {  	_ =	shalt  }
0x84: {  	_ =	shalt  }
0x85: {  	_ =	shalt  }
0x86: {  	_ =	shalt  }
0x87: {  	_ =	shalt  }
.Lfunc_end0:
.L_simem_size_0:
called_computation.5_lowered:
.L_overlay_start_0:
0x88: {  	s2 =	sld [smem:$0x3FD9]  }
0x89: {  	s3 =	sld [smem:$0x3FFE];
	_ =	sdelay $0x1  }
0x8a: {  	s1 =	srdreg.scid  }
0x8b: {  	s0 =	sand.u32 $0x1, s1  }
0x8c: {  	s17 =	sshll.u32 s0, $0xA;
	s2 =	sadd.s32 s3, s2  }
0x8d: {  	s2 =	sadd.s32 s2, s17  }
0x8e: {  	[smem:$0x3FC3] =	sst s2  }
0x8f: {  	_ = 	snop  }
0x90: {  	(tm) =	ssettm $0x1  }
0x91: {  	s18 =	sld [smem:$0x3FFB];
	_ =	sdelay $0x3  }
0x92: {  	_ =	strace s18  }
0x93: {  	s2 =	sld [smem:$0x3FFC];
	_ =	sdelay $0x3  }
0x94: {  	_ =	strace s2  }
0x95: {  	s2 =	sld [smem:$0x3FFD];
	_ =	sdelay $0x3  }
0x96: {  	_ =	strace s2  }
0x97: {  	_ =	strace $0x8FFFFFFF  }
0x98: {  	s19 =	sld [smem:$0x3FDB];
	_ =	sdelay $0x1  }
0x99: {  	s20 =	simm.s32 $_scs_section_size  }
0x9a: {  	s4 =	simm.s32 $_size__tile_overlayer_lowered;
	s5 =	simm.s32 $_tile_overlayer_lowered  }
0x9b: {  	s6 =	simm.s32 $0x1BFF;
	s21 =	sshll.u32 s5, $0x1;
	s3 =	sadd.s32 s20, s19  }
0x9c: {  	s22 =	simm.s32 $0x0;
	s4 =	sshll.u32 s4, $0x1;
	s5 =	sadd.s32 s21, s3  }
0x9d: {  	[timem:s22], [sflag:s6] =	dma.local [hbm:s5], s4  }
0x9e: {  	_ =	swait.ge [sflag:s6], s4  }
0x9f: {  	s4 =	ssub.s32 $0x0, s4;
	[sflag:s6] =	ssyncset.done $0x0  }
0xa0: {  	[sflag:s6] =	ssyncadd.s32 s4;
	_ =	sdelay $0x1  }
0xa1: {  	s23 =	simm.s32 $0x1B8B  }
0xa2: {  	_ =	swait.ge [sflag:s23], $0x1  }
0xa3: {  	[sflag:s23] =	ssyncset.done $0x0  }
0xa4: {  	[sflag:s23] =	ssyncadd.s32 $0xFFFFFFFF  }
0xa5: {  	s4 =	sld [smem:$0x0]  }
0xa6: {  	s5 =	sand.u32 $0xFFFFFFFE, s1  }
0xa7: {  	p0 =	sne.s32 s1, s5  }
0xa8: {  	s5 =	sshll.u32 @p0 s5, $0xE  }
0xa9: {  	s5 =	sadd.s32 @p0 $0x11B8D, s5;
	s6 =	sshll.u32 @p0 s4, $0x11  }
0xaa: {  	s5 =	sor.u32 @p0 s6, s5  }
0xab: {  	[sflag:s5] =	ssyncadd.remote.s32 @p0 $0x1;
	_ =	sdelay $0x1  }
0xac: {  	s5 =	simm.s32 @p0 $0x1B8D  }
0xad: {  	_ =	swait.eq @p0 [sflag:s5], $0x1  }
0xae: {  	[sflag:s5] =	ssyncadd.s32 @p0 $0xFFFFFFFF  }
0xaf: {  	s6 =	sshll.u32 @!p0 s1, $0xE  }
0xb0: {  	s6 =	sor.u32 @!p0 $0x4000, s6;
	s5 =	simm.s32 @!p0 $0x1B8D  }
0xb1: {  	s4 =	sshll.u32 @!p0 s4, $0x11;
	s6 =	sadd.s32 @!p0 $0x11B8D, s6;
	_ =	swait.eq @!p0 [sflag:s5], $0x1  }
0xb2: {  	s4 =	sor.u32 @!p0 s4, s6;
	[sflag:s5] =	ssyncadd.s32 @!p0 $0xFFFFFFFF  }
0xb3: {  	s25 =	simm.s32 $0x1B8E;
	s24 =	sld [smem:$0x3FFE];
	[sflag:s4] =	ssyncadd.remote.s32 @!p0 $0x1  }
0xb4: {  	s26 =	simm.s32 $execute0_lowered;
	[smem:$0x3FD2] =	sst s25  }
0xb5: {  	s5 =	sshll.u32 s26, $0x1;
	_ =	strace $0x8000004C;
	[dreg:$0x1] =	wrdreg $0xFFFFFFFF  }
0xb6: {  	s28 =	simm.s32 $_size_execute0_lowered;
	s3 =	sadd.s32 s3, s5;
	[dreg:$0x0] =	wrdreg $0x0  }
0xb7: {  	s5 =	sshll.u32 s28, $0x1;
	[dreg:$0x2] =	wrdreg s3  }
0xb8: {  	[dreg:$0x3] =	wrdreg s5  }
0xb9: {  	[dreg:$0x4] =	wrdreg $0xC0  }
0xba: {  	_ =	task [dreg:s22], $0x5FFFF  }
0xbb: {  	[dreg:$0x1] =	wrdreg $0xFFFFFFFF  }
0xbc: {  	[dreg:$0x0] =	wrdreg $0x60  }
0xbd: {  	[dreg:$0x2] =	wrdreg s24  }
0xbe: {  	[dreg:$0x3] =	wrdreg $0x43000  }
0xbf: {  	[dreg:$0x4] =	wrdreg $0xC  }
0xc0: {  	_ =	task.clear_ibuf [dreg:s22], $0x5FFFF;
	_ =	strace $0x9000004C  }
0xc1: {  	s29 =	simm.s32 $0xC;
	_ =	strace $0x8000004E  }
0xc2: {  	_ =	swait.ge [sflag:s29], $0x1  }
0xc3: {  	[sflag:s29] =	ssyncadd.s32 $0xFFFFFFFF  }
0xc4: {  	_ =	strace $0x9000004E  }
0xc5: {  	_ =	sfence  }
0xc6: {  	s30 =	sld [smem:$0x0];
	_ =	sdelay $0x2  }
0xc7: {  	s31 =	sshll.u32 s1, $0xD;
	s1 =	sshrl.u32 s1, $0x2  }
0xc8: {  	s4 =	sand.u32 $0x4000, s31;
	s1 =	sadd.s32 s1, s30  }
0xc9: {  	s0 =	sor.u32 s4, s0;
	s1 =	sshll.u32 s1, $0x11  }
0xca: {  	s0 =	sor.u32 s1, s0  }
0xcb: {  	s0 =	sadd.s32 $0x8F2B, s0  }
0xcc: {  	[sflag:s0] =	ssyncadd.remote.s32 $0x1  }
0xcd: {  	_ =	sfence.sel $0xFFFF  }
0xce: {  	[dreg:$0x0] =	wrdreg $0xFFFFFFFF;
	(pc) =	sbr.abs _section_cstart, $3  }
0xcf: {  	[dreg:$0x1] =	wrdreg $0xFFFFFFFF  }
0xd0: {  	_ =	task.clear_ibuf [dreg:s22], $0x2FFFF;
	_ =	strace $0x9FFFFFFF  }
0xd1: {  	(tm) =	ssettm $0x7FFFFFFF  }
tec
execute0_lowered:
.L_overlay_start_1:
0x0: {  	(tag) =	ssettag $0x1  }
0x1: {  	s0 =	rddreg [dreg:$0x0]  }
0x2: {  	s1 =	rddreg [dreg:$0x1]  }
0x3: {  	s2 =	simm.s32 $0x0;
	s3 =	srdreg.scid;
	s8 =	stileid.u32  }
0x4: {  	s28 =	simm.s32 $0x6;
	s29 =	simm.s32 $0x3;
	s30 =	simm.s32 $0x2  }
0x5: {  	s31 =	simm.s32 $0x4;
	[smem:$0x7FF] =	sst s2;
	s7 =	sand.u32 $0x1, s3  }
0x6: {  	s16 =	sshll.u32 s8, $0x1;
	s3 =	sadd.s32 $0x11400, s0;
	s10 =	smul.u32 $0x3200, s8  }
0x7: {  	s4 =	sadd.s32 $0x24000, s0;
	s11 =	sadd.s32 $0x3200, s0;
	s24 =	smul.u32 $0x19000, s8  }
0x8: {  	p0 =	sne.s32 s8, $0x0;
	s5 =	sor.u32 s7, s16;
	s9 =	ssub.s32 $0x2, s7  }
0x9: {  	_ =	strace $0x8000004D;
	s6 =	smul.u32 $0x1900, s5;
	s17 =	sshrl.u32 s9, $0x1  }
0xa: {  	[dreg:$0x3] =	wrdreg s11;
	s12 =	smul.u32 $0x1900, s7;
	s9 =	ssub.s32 s9, s17  }
0xb: {  	s14 =	smul.u32 $0xC800, s7;
	s18 =	sshrl.u32 s6, $0x3;
	s9 =	smax.u32 s9, $0x1  }
0xc: {  	s5 =	sadd.s32 $0x2A400, s0;
	s6 =	sadd.s32 s3, s18;
	[dreg:$0x8] =	wrdreg s9  }
0xd: {  	s13 =	sor.u32 $0x10, s18;
	s19 =	sadd.s32 s4, s18;
	[dreg:$0x4] =	wrdreg s6  }
0xe: {  	s0 =	sadd.s32 $0x40DA00, s0;
	[dreg:$0x5] =	wrdreg s19;
	s20 =	sadd.s32 s3, s13  }
0xf: {  	s6 =	sadd.s32 s12, s10;
	s22 =	sadd.s32 s4, s13;
	[dreg:$0x6] =	wrdreg s20  }
0x10: {  	s19 =	simm.s32 $0x5;
	s21 =	sadd.s32 $0x180, s6;
	[dreg:$0x7] =	wrdreg s22  }
0x11: {  	s9 =	sor.u32 $0x80, s6;
	s22 =	simm.s32 $0x180;
	s10 =	sshrl.u32 s21, $0x3  }
0x12: {  	s25 =	sshll.u32 s9, $0x3;
	s21 =	simm.s32 $0x80;
	s23 =	sadd.s32 s10, s4  }
.Ltmp0:
0x13: {  	s10 =	sadd.s32 s10, s3;
	[dreg:$0x9] =	wrdreg s23;
	(pc) =	sbr.rel .LBB2_1-.Ltmp0, $4  }
0x14: {  	v0 =	vlaneseq.u32;
	s26 =	sadd.s32 s25, s0;
	s0 =	sadd.s32 s24, s0;
	[dreg:$0xa] =	wrdreg s10  }
0x15: {  	v1 =	vor.u32 $0x10, v0;
	s24 =	simm.s32 $0x2300;
	s25 =	simm.s32 $0x1;
	[dreg:$0xb] =	wrdreg s26  }
0x16: {  	v2 =	vor.u32 $0x20, v0;
	v3 =	vor.u32 $0x30, v0;
	v4 =	vor.u32 $0x40, v0;
	s20 =	sadd.s32 s14, s0;
	s0 =	sshrl.u32 @!p0 s1, $0x3;
	s23 =	simm.s32 $0x300  }
0x17: {  	v5 =	vor.u32 $0x50, v0;
	v6 =	vor.u32 $0x60, v0;
	v7 =	vor.u32 $0x70, v0;
	s26 =	simm.s32 $0x200;
	[dreg:$0xc] =	wrdreg s0;
	s0 =	simm.s32 $0x0  }
.LBB2_4:
0x18: {  	_ =	swait.ge [sflag:s31], $0x2000  }
0x19: {  	s0 =	sadd.s32 $0x1, s0;
	s7 =	rddreg [dreg:$0x8]  }
0x1a: {  	p1 =	sne.s32 s0, s7  }
.Ltmp1:
0x1b: {  	_ = 	snop;
	(pc) =	sbr.rel @!p1 .LBB2_5-.Ltmp1, $3  }
0x1c: {  	_ =	sdelay $0x1  }
0x1d: {  	[sflag:s31] =	ssyncset.done $0x0  }
0x1e: {  	[sflag:s31] =	ssyncadd.s32 $0xFFFFE000  }
.LBB2_1:
0x1f: {  	[tilespmem:$0x280] =	vst v0  }
0x20: {  	[tilespmem:$0x290] =	vst v1  }
0x21: {  	[tilespmem:$0x2A0] =	vst v2  }
0x22: {  	[tilespmem:$0x2B0] =	vst v3  }
0x23: {  	[tilespmem:$0x2C0] =	vst v4  }
0x24: {  	[tilespmem:$0x2D0] =	vst v5  }
0x25: {  	[tilespmem:$0x2E0] =	vst v6;
	s7 =	rddreg [dreg:$0x3]  }
0x26: {  	[tilespmem:$0x2F0] =	vst v7;
	s8 =	simm.s32 @!p0 $0x1C05;
	s10 =	rddreg [dreg:$0xc]  }
0x27: {  	[spmem:s10], [sflag:s8] =	dma.local @!p0 [hbm:s7], $0x1900  }
0x28: {  	s8 =	simm.s32 @!p0 $0x5  }
0x29: {  	_ =	swait.ge @!p0 [sflag:s8], $0x1900  }
0x2a: {  	[sflag:s8] =	ssyncset.done @!p0 $0x0  }
0x2b: {  	[sflag:s8] =	ssyncadd.s32 @!p0 $0xFFFFE700  }
0x2c: {  	[bflag:$0x0] =	sbarrier.arrive $0xFFFF  }
0x2d: {  	s14 =	rddreg [dreg:$0x4]  }
0x2e: {  	[tilespmem:s2], [sflag:$0x5] =	stream.linear.gather [hbm4b:s14+s2], $0x80, $0x38;
	[tilespmem:$0x4F80] =	vst v63  }
0x2f: {  	_ =	swait.ge [sflag:s19], $0x80  }
0x30: {  	[sflag:s19] =	ssyncset.done $0x0  }
0x31: {  	s16 =	simm.s32 $0x100;
	s15 =	rddreg [dreg:$0x5];
	[sflag:s19] =	ssyncadd.s32 $0xFFFFFF80  }
0x32: {  	[tilespmem:s16], [sflag:$0x5] =	stream.linear.gather [hbm4b:s15+s2], $0x80, $0x38;
	[tilespmem:$0x4F80] =	vst v63  }
0x33: {  	_ =	swait.ge [sflag:s19], $0x80  }
0x34: {  	[sflag:s19] =	ssyncset.done $0x0  }
0x35: {  	s17 =	rddreg [dreg:$0x6];
	[sflag:s19] =	ssyncadd.s32 $0xFFFFFF80  }
0x36: {  	[tilespmem:s21], [sflag:$0x5] =	stream.linear.gather [hbm4b:s17+s2], $0x80, $0x38;
	[tilespmem:$0x4F80] =	vst v63  }
0x37: {  	_ =	swait.ge [sflag:s19], $0x80  }
0x38: {  	[sflag:s19] =	ssyncset.done $0x0  }
0x39: {  	s18 =	rddreg [dreg:$0x7];
	[sflag:s19] =	ssyncadd.s32 $0xFFFFFF80  }
0x3a: {  	[tilespmem:s22], [sflag:$0x5] =	stream.linear.gather [hbm4b:s18+s2], $0x80, $0x38;
	[tilespmem:$0x4F80] =	vst v63  }
0x3b: {  	_ =	swait.ge [sflag:s19], $0x80  }
0x3c: {  	s10 =	simm.s32 $0x0;
	s8 =	smov.u32 s6;
	s16 =	rddreg [dreg:$0xb]  }
0x3d: {  	s14 =	smov.u32 s9;
	[sflag:s19] =	ssyncset.done $0x0;
	s15 =	rddreg [dreg:$0xa]  }
0x3e: {  	s17 =	smov.u32 s20;
	s13 =	rddreg [dreg:$0x9];
	[sflag:s19] =	ssyncadd.s32 $0xFFFFFF80  }
0x3f: {  	[tilespmem:s23], [sflag:$0x1] =	stream.indirect.gather [hbm4b:s5+s21], $0x40, s2, s21, $0xb8;
	[tilespmem:$0x4F80] =	vst v63  }
.LBB2_2:
0x40: {  	p1 =	seq.s32 s10, $0x0  }
0x41: {  	s12 =	simm.s32 @!p1 $0x4  }
0x42: {  	_ =	swait.ge @!p1 [sflag:s12], $0x2000  }
0x43: {  	[sflag:s12] =	ssyncset.done @!p1 $0x0  }
0x44: {  	[sflag:s12] =	ssyncadd.s32 @!p1 $0xFFFFE000  }
0x45: {  	[tilespmem:s24], [sflag:$0x2] =	stream.indirect.gather [hbm4b:s5+s21], $0x40, s21, s21, $0xb8;
	[tilespmem:$0x4F80] =	vst v63  }
0x46: {  	_ =	swait.ge [sflag:s25], $0x2000  }
0x47: {  	[sflag:s25] =	ssyncset.done $0x0  }
0x48: {  	[sflag:s25] =	ssyncadd.s32 $0xFFFFE000  }
0x49: {  	v8 =	vld [tilespmem:$0x100]  }
0x4a: {  	v9 =	vld [tilespmem:$0x280]  }
0x4b: {  	v10 =	vld [tilespmem:$0x110]  }
0x4c: {  	v11 =	vld [tilespmem:$0x290]  }
0x4d: {  	v12 =	vld [tilespmem:$0x120]  }
0x4e: {  	v13 =	vld [tilespmem:$0x2A0]  }
0x4f: {  	s11 =	smulhi.u32 $0x51EB851F, s8;
	v14 =	vld [tilespmem:$0x130]  }
0x50: {  	v15 =	vld [tilespmem:$0x2B0]  }
0x51: {  	s12 =	sshrl.u32 s11, $0x6;
	v16 =	vld [tilespmem:$0x140]  }
0x52: {  	s12 =	smul.u32 $0xC8, s12;
	v17 =	vld [tilespmem:$0x2C0]  }
0x53: {  	v18 =	vld [tilespmem:$0x150]  }
0x54: {  	s12 =	ssub.s32 s6, s12;
	v19 =	vld [tilespmem:$0x2D0]  }
0x55: {  	s12 =	sadd.s32 s12, s10;
	v20 =	vld [tilespmem:$0x160];
	v8 =	vmul.u32 $0x190, v8  }
0x56: {  	v21 =	vld [tilespmem:$0x2E0];
	v9 =	vadd.s32 s12, v9;
	v10 =	vmul.u32 $0x190, v10  }
0x57: {  	v23 =	vld [tilespmem:$0x170];
	v63 =	vadd.s32 s12, v11;
	v22 =	vmul.u32 $0x190, v12;
	v8 =	vadd.s32 v8, v9  }
0x58: {  	v26 =	vld [tilespmem:$0x2F0];
	v24 =	vadd.s32 s12, v13;
	v25 =	vmul.u32 $0x190, v14;
	[tilespmem:$0x200] =	vst v8;
	v8 =	vadd.s32 v10, v63  }
0x59: {  	v27 =	vadd.s32 s12, v15;
	v28 =	vmul.u32 $0x190, v16;
	[tilespmem:$0x210] =	vst v8;
	v8 =	vadd.s32 v22, v24  }
0x5a: {  	v29 =	vadd.s32 s12, v17;
	v30 =	vmul.u32 $0x190, v18;
	[tilespmem:$0x220] =	vst v8;
	v8 =	vadd.s32 v25, v27  }
0x5b: {  	v31 =	vadd.s32 s12, v19;
	v32 =	vmul.u32 $0x190, v20;
	[tilespmem:$0x230] =	vst v8;
	v8 =	vadd.s32 v28, v29  }
0x5c: {  	v33 =	vadd.s32 s12, v21;
	v34 =	vmul.u32 $0x190, v23;
	[tilespmem:$0x240] =	vst v8;
	v8 =	vadd.s32 v30, v31  }
0x5d: {  	v35 =	vadd.s32 s12, v26;
	[tilespmem:$0x250] =	vst v8;
	v8 =	vadd.s32 v32, v33  }
0x5e: {  	[tilespmem:$0x260] =	vst v8;
	v8 =	vadd.s32 v34, v35  }
0x5f: {  	p1 =	seq.s32 s10, $0x1800;
	[tilespmem:$0x270] =	vst v8  }
0x60: {  	[tilespmem:s23], [sflag:$0x6] =	stream.indirect.gather.add.f32 [spmem:s1], $0x40, s26, s21, $0xb8;
	[tilespmem:$0x4F80] =	vst v63  }
0x61: {  	s12 =	sadd.s32 @!p1 s10, s6;
	_ =	swait.ge [sflag:s28], $0x2000  }
0x62: {  	s12 =	sadd.s32 @!p1 $0x100, s12;
	[sflag:s28] =	ssyncset.done $0x0  }
0x63: {  	s12 =	sshrl.u32 @!p1 s12, $0x3;
	[sflag:s28] =	ssyncadd.s32 $0xFFFFE000  }
0x64: {  	[hbm4b:s17+s2] =	stream.linear.scatter [tilespmem:s23], [sflag:$0x3], $0x2000, $0x38;
	[tilespmem:$0x4F80] =	vst v63  }
0x65: {  	s7 =	simm.s32 @!p1 $0x0;
	s11 =	sadd.s32 @!p1 s3, s12  }
0x66: {  	[tilespmem:s7], [sflag:$0x6] =	stream.linear.gather @!p1 [hbm4b:s11+s7], $0x80, $0x38;
	[tilespmem:$0x4F80] =	vst v63  }
0x67: {  	s11 =	simm.s32 @!p1 $0x6  }
0x68: {  	_ =	swait.ge @!p1 [sflag:s11], $0x80  }
0x69: {  	[sflag:s11] =	ssyncset.done @!p1 $0x0  }
0x6a: {  	s18 =	simm.s32 @!p1 $0x100;
	s12 =	sadd.s32 @!p1 s4, s12;
	[sflag:s11] =	ssyncadd.s32 @!p1 $0xFFFFFF80  }
0x6b: {  	[tilespmem:s18], [sflag:$0x6] =	stream.linear.gather @!p1 [hbm4b:s12+s7], $0x80, $0x38;
	[tilespmem:$0x4F80] =	vst v63  }
0x6c: {  	_ =	swait.ge @!p1 [sflag:s11], $0x80  }
0x6d: {  	[sflag:s11] =	ssyncset.done @!p1 $0x0  }
0x6e: {  	[sflag:s11] =	ssyncadd.s32 @!p1 $0xFFFFFF80  }
0x6f: {  	_ =	swait.ge [sflag:s29], $0x2000  }
0x70: {  	[sflag:s29] =	ssyncset.done $0x0  }
0x71: {  	s12 =	simm.s32 @!p1 $0x300;
	s11 =	simm.s32 @!p1 $0x80;
	[sflag:s29] =	ssyncadd.s32 $0xFFFFE000  }
0x72: {  	[tilespmem:s12], [sflag:$0x1] =	stream.indirect.gather @!p1 [hbm4b:s5+s11], $0x40, s7, s11, $0xb8;
	[tilespmem:$0x4F80] =	vst v63  }
0x73: {  	_ =	swait.ge [sflag:s30], $0x2000  }
0x74: {  	[sflag:s30] =	ssyncset.done $0x0  }
0x75: {  	[sflag:s30] =	ssyncadd.s32 $0xFFFFE000  }
0x76: {  	v8 =	vld [tilespmem:$0x180]  }
0x77: {  	v36 =	vld [tilespmem:$0x280]  }
0x78: {  	v37 =	vld [tilespmem:$0x190]  }
0x79: {  	v38 =	vld [tilespmem:$0x290]  }
0x7a: {  	v39 =	vld [tilespmem:$0x1A0]  }
0x7b: {  	v40 =	vld [tilespmem:$0x2A0]  }
0x7c: {  	s18 =	smulhi.u32 $0x51EB851F, s14;
	v41 =	vld [tilespmem:$0x1B0]  }
0x7d: {  	v42 =	vld [tilespmem:$0x2B0]  }
0x7e: {  	s7 =	sshrl.u32 s18, $0x6;
	v43 =	vld [tilespmem:$0x1C0]  }
0x7f: {  	s7 =	smul.u32 $0xC8, s7;
	v44 =	vld [tilespmem:$0x2C0]  }
0x80: {  	v45 =	vld [tilespmem:$0x1D0]  }
0x81: {  	s7 =	ssub.s32 s9, s7;
	v46 =	vld [tilespmem:$0x2D0]  }
0x82: {  	s7 =	sadd.s32 s7, s10;
	v47 =	vld [tilespmem:$0x1E0];
	v8 =	vmul.u32 $0x190, v8  }
0x83: {  	v48 =	vld [tilespmem:$0x2E0];
	v9 =	vadd.s32 s7, v36;
	v10 =	vmul.u32 $0x190, v37  }
0x84: {  	v51 =	vld [tilespmem:$0x1F0];
	v49 =	vadd.s32 s7, v38;
	v50 =	vmul.u32 $0x190, v39;
	v8 =	vadd.s32 v8, v9  }
0x85: {  	v54 =	vld [tilespmem:$0x2F0];
	v52 =	vadd.s32 s7, v40;
	v53 =	vmul.u32 $0x190, v41;
	[tilespmem:$0x200] =	vst v8;
	v8 =	vadd.s32 v10, v49  }
0x86: {  	v55 =	vadd.s32 s7, v42;
	v56 =	vmul.u32 $0x190, v43;
	[tilespmem:$0x210] =	vst v8;
	v8 =	vadd.s32 v50, v52  }
0x87: {  	v57 =	vadd.s32 s7, v44;
	v58 =	vmul.u32 $0x190, v45;
	[tilespmem:$0x220] =	vst v8;
	v8 =	vadd.s32 v53, v55  }
0x88: {  	v59 =	vadd.s32 s7, v46;
	v60 =	vmul.u32 $0x190, v47;
	[tilespmem:$0x230] =	vst v8;
	v8 =	vadd.s32 v56, v57  }
0x89: {  	v61 =	vadd.s32 s7, v48;
	v62 =	vmul.u32 $0x190, v51;
	[tilespmem:$0x240] =	vst v8;
	v8 =	vadd.s32 v58, v59  }
0x8a: {  	v63 =	vadd.s32 s7, v54;
	[tilespmem:$0x250] =	vst v8;
	v8 =	vadd.s32 v60, v61  }
0x8b: {  	[tilespmem:$0x260] =	vst v8;
	v8 =	vadd.s32 v62, v63  }
0x8c: {  	[tilespmem:$0x270] =	vst v8  }
0x8d: {  	[tilespmem:s24], [sflag:$0x6] =	stream.indirect.gather.add.f32 [spmem:s1], $0x40, s26, s21, $0xb8;
	[tilespmem:$0x4F80] =	vst v63  }
.Ltmp2:
0x8e: {  	_ = 	snop;
	(pc) =	sbr.rel @p1 .LBB2_4-.Ltmp2, $4  }
0x8f: {  	_ =	swait.ge [sflag:s28], $0x2000  }
0x90: {  	[sflag:s28] =	ssyncset.done $0x0  }
0x91: {  	[sflag:s28] =	ssyncadd.s32 $0xFFFFE000  }
0x92: {  	[hbm4b:s16+s2] =	stream.linear.scatter [tilespmem:s24], [sflag:$0x4], $0x2000, $0x38;
	[tilespmem:$0x4F80] =	vst v63  }
0x93: {  	[tilespmem:s21], [sflag:$0x6] =	stream.linear.gather [hbm4b:s15+s2], $0x80, $0x38;
	[tilespmem:$0x4F80] =	vst v63  }
0x94: {  	_ =	swait.ge [sflag:s28], $0x80  }
0x95: {  	[sflag:s28] =	ssyncset.done $0x0  }
.Ltmp3:
0x96: {  	s15 =	sadd.s32 $0x20, s15;
	[sflag:s28] =	ssyncadd.s32 $0xFFFFFF80;
	(pc) =	sbr.rel .LBB2_2-.Ltmp3, $4  }
0x97: {  	[tilespmem:s22], [sflag:$0x5] =	stream.linear.gather [hbm4b:s13+s2], $0x80, $0x38;
	[tilespmem:$0x4F80] =	vst v63  }
0x98: {  	s10 =	sadd.s32 $0x100, s10;
	s14 =	sadd.s32 $0x100, s14;
	_ =	swait.ge [sflag:s19], $0x80  }
0x99: {  	s16 =	sadd.s32 $0x800, s16;
	s8 =	sadd.s32 $0x100, s8;
	[sflag:s19] =	ssyncset.done $0x0  }
0x9a: {  	s17 =	sadd.s32 $0x800, s17;
	s13 =	sadd.s32 $0x20, s13;
	[sflag:s19] =	ssyncadd.s32 $0xFFFFFF80  }
.LBB2_5:
0x9b: {  	_ =	sfence.sel $0x180000  }
0x9c: {  	[bflag:$0x0] =	sbarrier.arrive $0xFFFF  }
0x9d: {  	_ =	strace $0x9000004D  }
0x9e: {  	[bflag:$0x2] =	sbarrier.arrive $0xFFFF  }
0x9f: {  	s0 =	rddreg [dreg:$0x2]  }
0xa0: {  	s0 =	sadd.s32 @!p0 $0x100000, s0  }
0xa1: {  	[sflag:s0] =	ssyncadd.tile.s32 @!p0 $0x1;
	_ =	shalt  }
.Lfunc_end2:
_tile_overlayer_lowered:
.L_overlay_start_2:
0xa2: {  	(tag) =	ssettag $0x2  }
0xa3: {  	s0 =	rddreg [dreg:$0x0];
	s2 =	stileid.u32  }
0xa4: {  	s1 =	rddreg [dreg:$0x1];
	p0 =	sne.s32 s2, $0x0  }
0xa5: {  	s3 =	rddreg [dreg:$0x2];
	[bflag:$0x3] =	sbarrier.arrive $0xFFFF;
	s2 =	simm.s32 @!p0 $0x1C05  }
0xa6: {  	[timem:s3], [sflag:s2] =	dma.local @!p0 [hbm:s0], s1  }
0xa7: {  	s0 =	simm.s32 @!p0 $0x5  }
0xa8: {  	_ =	swait.ge @!p0 [sflag:s0], s1  }
0xa9: {  	s1 =	ssub.s32 @!p0 $0x0, s1;
	[sflag:s0] =	ssyncset.done @!p0 $0x0  }
0xaa: {  	[sflag:s0] =	ssyncadd.s32 @!p0 s1  }
0xab: {  	[bflag:$0x3] =	sbarrier.arrive $0xFFFF  }
0xac: {  	_ =	shalt  }

// kernel: sparse-core-data-format-call.1.cloned.1.call-start
scs
called_computation.1_lowered:
.L_overlay_start_0:
0x0: {  	s2 =	sld [smem:$0x3FD9]  }
0x1: {  	s3 =	sld [smem:$0x3FFE];
	_ =	sdelay $0x1  }
0x2: {  	s1 =	srdreg.scid  }
0x3: {  	s0 =	sand.u32 $0x1, s1  }
0x4: {  	s18 =	sshll.u32 s0, $0xA;
	s2 =	sadd.s32 s3, s2  }
0x5: {  	s2 =	sadd.s32 s2, s18  }
0x6: {  	[smem:$0x3FC3] =	sst s2  }
0x7: {  	_ = 	snop  }
0x8: {  	(tm) =	ssettm $0x1  }
0x9: {  	s19 =	sld [smem:$0x3FFB];
	_ =	sdelay $0x3  }
0xa: {  	_ =	strace s19  }
0xb: {  	s2 =	sld [smem:$0x3FFC];
	_ =	sdelay $0x3  }
0xc: {  	_ =	strace s2  }
0xd: {  	s2 =	sld [smem:$0x3FFD];
	_ =	sdelay $0x3  }
0xe: {  	_ =	strace s2  }
0xf: {  	_ =	strace $0x8FFFFFFF  }
0x10: {  	s20 =	sld [smem:$0x3FDB];
	_ =	sdelay $0x1  }
0x11: {  	s21 =	simm.s32 $_scs_section_size  }
0x12: {  	s4 =	simm.s32 $_size__tile_overlayer_lowered;
	s5 =	simm.s32 $_tile_overlayer_lowered  }
0x13: {  	s6 =	simm.s32 $0x1BFF;
	s22 =	sshll.u32 s5, $0x1;
	s3 =	sadd.s32 s21, s20  }
0x14: {  	s23 =	simm.s32 $0x0;
	s4 =	sshll.u32 s4, $0x1;
	s5 =	sadd.s32 s22, s3  }
0x15: {  	[timem:s23], [sflag:s6] =	dma.local [hbm:s5], s4  }
0x16: {  	_ =	swait.ge [sflag:s6], s4  }
0x17: {  	s4 =	ssub.s32 $0x0, s4;
	[sflag:s6] =	ssyncset.done $0x0  }
0x18: {  	[sflag:s6] =	ssyncadd.s32 s4;
	_ =	sdelay $0x1  }
0x19: {  	s24 =	simm.s32 $0x1B8B  }
0x1a: {  	_ =	swait.ge [sflag:s24], $0x1  }
0x1b: {  	[sflag:s24] =	ssyncset.done $0x0  }
0x1c: {  	[sflag:s24] =	ssyncadd.s32 $0xFFFFFFFF  }
0x1d: {  	s4 =	sld [smem:$0x0]  }
0x1e: {  	s5 =	sand.u32 $0xFFFFFFFE, s1  }
0x1f: {  	p0 =	sne.s32 s1, s5  }
0x20: {  	s5 =	sshll.u32 @p0 s5, $0xE  }
0x21: {  	s5 =	sadd.s32 @p0 $0x11B8D, s5;
	s6 =	sshll.u32 @p0 s4, $0x11  }
0x22: {  	s5 =	sor.u32 @p0 s6, s5  }
0x23: {  	[sflag:s5] =	ssyncadd.remote.s32 @p0 $0x1;
	_ =	sdelay $0x1  }
0x24: {  	s5 =	simm.s32 @p0 $0x1B8D  }
0x25: {  	_ =	swait.eq @p0 [sflag:s5], $0x1  }
0x26: {  	[sflag:s5] =	ssyncadd.s32 @p0 $0xFFFFFFFF  }
0x27: {  	s6 =	sshll.u32 @!p0 s1, $0xE  }
0x28: {  	s6 =	sor.u32 @!p0 $0x4000, s6;
	s5 =	simm.s32 @!p0 $0x1B8D  }
0x29: {  	s4 =	sshll.u32 @!p0 s4, $0x11;
	s6 =	sadd.s32 @!p0 $0x11B8D, s6;
	_ =	swait.eq @!p0 [sflag:s5], $0x1  }
0x2a: {  	s4 =	sor.u32 @!p0 s4, s6;
	[sflag:s5] =	ssyncadd.s32 @!p0 $0xFFFFFFFF  }
0x2b: {  	s26 =	simm.s32 $0x1B8E;
	s25 =	sld [smem:$0x3FFE];
	[sflag:s4] =	ssyncadd.remote.s32 @!p0 $0x1  }
0x2c: {  	s27 =	simm.s32 $execute0_lowered;
	[smem:$0x3FD2] =	sst s26  }
0x2d: {  	s5 =	sshll.u32 s27, $0x1;
	_ =	strace $0x80000058;
	[dreg:$0x1] =	wrdreg $0xFFFFFFFF  }
0x2e: {  	s28 =	simm.s32 $_size_execute0_lowered;
	s3 =	sadd.s32 s3, s5;
	[dreg:$0x0] =	wrdreg $0x0  }
0x2f: {  	s5 =	sshll.u32 s28, $0x1;
	[dreg:$0x2] =	wrdreg s3  }
0x30: {  	[dreg:$0x3] =	wrdreg s5  }
0x31: {  	[dreg:$0x4] =	wrdreg $0xC0  }
0x32: {  	_ =	task [dreg:s23], $0x5FFFF  }
0x33: {  	[dreg:$0x1] =	wrdreg $0xFFFFFFFF  }
0x34: {  	[dreg:$0x0] =	wrdreg $0x60  }
0x35: {  	[dreg:$0x2] =	wrdreg s25  }
0x36: {  	[dreg:$0x3] =	wrdreg $0xC  }
0x37: {  	_ =	task.clear_ibuf [dreg:s23], $0x4FFFF;
	_ =	strace $0x90000058  }
0x38: {  	s29 =	simm.s32 $0xC;
	_ =	strace $0x8000005A  }
0x39: {  	_ =	swait.ge [sflag:s29], $0x1  }
0x3a: {  	[sflag:s29] =	ssyncadd.s32 $0xFFFFFFFF  }
0x3b: {  	_ =	strace $0x9000005A  }
0x3c: {  	_ =	sfence  }
0x3d: {  	s30 =	sld [smem:$0x0];
	_ =	sdelay $0x2  }
0x3e: {  	s31 =	sshll.u32 s1, $0xD;
	s1 =	sshrl.u32 s1, $0x2  }
0x3f: {  	s4 =	sand.u32 $0x4000, s31;
	s1 =	sadd.s32 s1, s30  }
0x40: {  	s0 =	sor.u32 s4, s0;
	s1 =	sshll.u32 s1, $0x11  }
0x41: {  	s0 =	sor.u32 s1, s0  }
0x42: {  	s0 =	sadd.s32 $0x8F2B, s0  }
0x43: {  	[sflag:s0] =	ssyncadd.remote.s32 $0x1  }
0x44: {  	_ =	sfence.sel $0xFFFF  }
0x45: {  	[dreg:$0x0] =	wrdreg $0xFFFFFFFF;
	(pc) =	sbr.abs _section_cstart, $3  }
0x46: {  	[dreg:$0x1] =	wrdreg $0xFFFFFFFF  }
0x47: {  	_ =	task.clear_ibuf [dreg:s23], $0x2FFFF;
	_ =	strace $0x9FFFFFFF  }
0x48: {  	(tm) =	ssettm $0x7FFFFFFF  }
0x49: {  	_ =	shalt  }
tec
execute0_lowered:
.L_overlay_start_1:
0x0: {  	(tag) =	ssettag $0x1  }
0x1: {  	s6 =	rddreg [dreg:$0x0]  }
0x2: {  	s0 =	stileid.u32;
	s1 =	rddreg [dreg:$0x1];
	_ =	strace $0x80000059  }
0x3: {  	s5 =	srdreg.scid;
	s31 =	simm.s32 $0x2;
	s2 =	sshll.u32 s0, $0x7  }
0x4: {  	s13 =	simm.s32 $0x0;
	s14 =	simm.s32 $0x0;
	s2 =	sand.u32 $0x380, s2  }
0x5: {  	s12 =	simm.s32 $0x0;
	s3 =	sadd.s32 $0xA5A200, s6;
	s4 =	ssub.s32 $0x400, s2  }
0x6: {  	s5 =	sshll.u32 s5, $0x4;
	s6 =	sadd.s32 $0x40DA00, s6;
	s7 =	sand.u32 $0x380, s4  }
0x7: {  	s5 =	sand.u32 $0x10, s5;
	p0 =	sne.s32 s7, $0x0;
	s7 =	simm.s32 $0x1  }
.Ltmp0:
0x8: {  	s8 =	sshrl.u32 s4, $0xA;
	s7 =	simm.s32 @!p0 $0x0;
	(pc) =	sbr.rel .LBB1_1-.Ltmp0, $4  }
0x9: {  	s9 =	sor.u32 s0, s5;
	s4 =	simm.s32 $0x1;
	s30 =	sadd.s32 s7, s8  }
0xa: {  	s11 =	smov.u32 s2;
	[sflag:s4] =	ssyncpa.u1 $0x0;
	s5 =	smul.u32 $0x32, s30  }
0xb: {  	[sflag:s31] =	ssyncpa.u1 $0x0;
	p0 =	por $0x0, $0x0;
	s7 =	sshrl.u32 s9, $0x3  }
0xc: {  	s9 =	simm.s32 $0x2000;
	s10 =	smov.u32 s7;
	s8 =	sor.u32 $0x1, s5  }
.LBB1_4:
0xd: {  	s17 =	sand.u32 $0x1F80, s14;
	s13 =	sshll.u32 s13, $0xD  }
0xe: {  	[tilespmem:s16+$0x810 ss:$0x81] =	vst.msk $0xffff, v2;
	s18 =	sshrl.u32 s14, $0x3;
	s31 =	sand.u32 $0x7, s14;
	s17 =	sadd.s32 s6, s17  }
0xf: {  	[tilespmem:s16+$0x1020 ss:$0x81] =	vst.msk $0xffff, v0;
	s18 =	sand.u32 $0xF, s18;
	s14 =	sshll.u32 s31, $0x12;
	s13 =	sadd.s32 s13, s17  }
0x10: {  	[tilespmem:s16+$0x0 ss:$0x81] =	vst.msk $0xffff, v1;
	s14 =	sor.u32 $0x400, s14;
	s13 =	sadd.s32 s18, s13  }
0x11: {  	[hbm4b:s13+s14] =	stream.strided.scatter [tilespmem:s15], [sflag:$0x2], $0x2000, s9, s14, $0x20;
	[tilespmem:$0x8080] =	vst v63  }
.LBB1_5:
0x12: {  	s15 =	sadd.s32 $0x4, s10  }
0x13: {  	s13 =	sadd.s32 $0x400, s11;
	s17 =	smov.u32 s11;
	p2 =	sgt.s32 s15, $0xC7  }
0x14: {  	s17 =	smov.u32 @p2 s13  }
0x15: {  	s15 =	smov.u32 @p2 s7;
	p2 =	sgt.s32 s17, $0x3FF  }
0x16: {  	s17 =	smov.u32 @p2 s2;
	p2 =	sne.s32 s12, s8  }
.Ltmp1:
0x17: {  	p1 =	slt.u32 s12, $0x2;
	(pc) =	sbr.rel @!p2 .LBB1_6-.Ltmp1, $4  }
0x18: {  	s16 =	simm.s32 @!p1 $0x2  }
0x19: {  	s14 =	smov.u32 s11;
	p0 =	por !p0, !p0;
	_ =	swait.ge @!p1 [sflag:s16], $0x2000  }
0x1a: {  	s13 =	smov.u32 s10;
	[sflag:s16] =	ssyncset.done @!p1 $0x0;
	s10 =	smov.u32 s15  }
0x1b: {  	s12 =	sadd.s32 $0x1, s12;
	[sflag:s16] =	ssyncadd.s32 @!p1 $0xFFFFE000;
	s11 =	smov.u32 s17  }
.LBB1_1:
0x1c: {  	p1 =	sge.u32 s12, s5  }
0x1d: {  	s15 =	sand.u32 @!p1 $0x1FFFFFF, s10  }
0x1e: {  	s16 =	smulhi.u32 @!p1 $0x147AE15, s15;
	_ =	sdelay $0x1  }
0x1f: {  	s16 =	smul.u32 @!p1 $0xC8, s16  }
0x20: {  	s17 =	sxor.u32 @!p1 $0xFFFFFFFF, s12;
	s18 =	smul.u32 @!p1 $0xC80, s11  }
0x21: {  	s31 =	sadd.s32 $0xFFFFFFFF, s12;
	s17 =	sshll.u32 @!p1 s17, $0xD;
	s15 =	ssub.s32 @!p1 s15, s16  }
0x22: {  	s16 =	sand.u32 @!p1 $0x2000, s17;
	s17 =	sadd.s32 @!p1 s3, s18;
	s15 =	sshll.u32 @!p1 s15, $0x4  }
0x23: {  	s18 =	simm.s32 @!p1 $0x6400;
	s15 =	sadd.s32 @!p1 s15, s17;
	s17 =	simm.s32 @!p1 $0x40  }
0x24: {  	[tilespmem:s16], [sflag:$0x1] =	stream.strided.gather @!p1 [hbm4b:s15+s17], $0x2000, s18, s17, $0x38;
	[tilespmem:$0x8080] =	vst v63  }
0x25: {  	p1 =	sge.u32 s31, s5  }
.Ltmp2:
0x26: {  	_ = 	snop;
	(pc) =	sbr.rel @p1 .LBB1_5-.Ltmp2, $1  }
0x27: {  	_ =	sdelay $0x3  }
0x28: {  	s15 =	simm.s32 $0x1  }
0x29: {  	_ =	swait.ge [sflag:s4], $0x2000;
	s15 =	simm.s32 @!p0 $0x0  }
0x2a: {  	[sflag:s4] =	ssyncset.done $0x0;
	s16 =	sshll.u32 s15, $0xD  }
0x2b: {  	[sflag:s4] =	ssyncadd.s32 $0xFFFFE000;
	s19 =	sor.u32 $0x20, s16  }
0x2c: {  	s15 =	smul.u32 $0x8100, s15;
	v3 =	vld [tilespmem:s19+$0x10]  }
0x2d: {  	s30 =	sand.u32 $0x1, s12;
	v2 =	vld [tilespmem:s19+$0xFFFFFFF0]  }
0x2e: {  	s16 =	smul.u32 $0x8100, s30;
	s15 =	sshrl.u32 s15, $0x2;
	v0 =	vld [tilespmem:s19+$0x0]  }
0x2f: {  	v1 =	vld [tilespmem:s19+$0xFFFFFFE0];
	s17 =	sor.u32 $0x4000, s15  }
0x30: {  	s31 =	sshrl.u32 s16, $0x2;
	s16 =	sadd.s32 $0x0, s17  }
0x31: {  	s18 =	simm.s32 $0x4;
	s19 =	sadd.s32 $0x40, s19;
	s15 =	sor.u32 $0x4000, s31;
	[tilespmem:s16+$0x1830 ss:$0x81] =	vst.msk $0xffff, v3  }
.LBB1_3:
0x32: {  	v3 =	vld [tilespmem:s19+$0x10];
	p1 =	sne.s32 s18, $0x1FC;
	[tilespmem:s16+$0x810 ss:$0x81] =	vst.msk $0xffff, v2;
	s20 =	smov.u32 s18;
	s18 =	sadd.s32 $0x4, s18  }
.Ltmp3:
0x33: {  	v2 =	vld [tilespmem:s19+$0xFFFFFFF0];
	[tilespmem:s16+$0x1020 ss:$0x81] =	vst.msk $0xffff, v0;
	(pc) =	sbr.rel @p1 .LBB1_3-.Ltmp3, $4  }
0x34: {  	v0 =	vld [tilespmem:s19+$0x0];
	[tilespmem:s16+$0x0 ss:$0x81] =	vst.msk $0xffff, v1  }
0x35: {  	s16 =	sshra.s32 s20, $0x2;
	v1 =	vld [tilespmem:s19+$0xFFFFFFE0]  }
0x36: {  	s16 =	sadd.s32 s16, s17  }
0x37: {  	s19 =	sadd.s32 $0x40, s19;
	[tilespmem:s16+$0x1830 ss:$0x81] =	vst.msk $0xffff, v3  }
.Ltmp4:
0x38: {  	_ = 	snop;
	(pc) =	sbr.rel .LBB1_4-.Ltmp4, $1  }
0x39: {  	_ =	sdelay $0x3  }
.LBB1_6:
0x3a: {  	_ =	sfence.sel $0x180000  }
0x3b: {  	s2 =	simm.s32 $0x1;
	[bflag:$0x0] =	sbarrier.arrive $0xFFFF  }
0x3c: {  	s31 =	simm.s32 $0x2;
	[sflag:s2] =	ssyncpa.u1 $0x1  }
0x3d: {  	[sflag:s31] =	ssyncpa.u1 $0x1  }
0x3e: {  	p0 =	sne.s32 s0, $0x0;
	_ =	strace $0x90000059  }
0x3f: {  	s0 =	sadd.s32 @!p0 $0x100000, s1;
	[bflag:$0x2] =	sbarrier.arrive $0xFFFF  }
0x40: {  	[sflag:s0] =	ssyncadd.tile.s32 @!p0 $0x1;
	_ =	shalt  }
.Lfunc_end1:
_tile_overlayer_lowered:
.L_overlay_start_2:
0x41: {  	(tag) =	ssettag $0x2  }
0x42: {  	s0 =	rddreg [dreg:$0x0];
	s2 =	stileid.u32  }
0x43: {  	s1 =	rddreg [dreg:$0x1];
	p0 =	sne.s32 s2, $0x0  }
0x44: {  	s3 =	rddreg [dreg:$0x2];
	[bflag:$0x3] =	sbarrier.arrive $0xFFFF;
	s2 =	simm.s32 @!p0 $0x1C01  }
0x45: {  	[timem:s3], [sflag:s2] =	dma.local @!p0 [hbm:s0], s1  }
0x46: {  	s0 =	simm.s32 @!p0 $0x1  }
0x47: {  	_ =	swait.ge @!p0 [sflag:s0], s1  }
0x48: {  	s1 =	ssub.s32 @!p0 $0x0, s1;
	[sflag:s0] =	ssyncset.done @!p0 $0x0  }
0x49: {  	[sflag:s0] =	ssyncadd.s32 @!p0 s1  }
0x4a: {  	[bflag:$0x3] =	sbarrier.arrive $0xFFFF  }
0x4b: {  	_ =	shalt  }

// kernel: sparse-core-data-format-call.2.cloned.1.call-start
scs
called_computation.2_lowered:
.L_overlay_start_0:
0x0: {  	s2 =	sld [smem:$0x3FD9]  }
0x1: {  	s3 =	sld [smem:$0x3FFE];
	_ =	sdelay $0x1  }
0x2: {  	s1 =	srdreg.scid  }
0x3: {  	s0 =	sand.u32 $0x1, s1  }
0x4: {  	s18 =	sshll.u32 s0, $0xA;
	s2 =	sadd.s32 s3, s2  }
0x5: {  	s2 =	sadd.s32 s2, s18  }
0x6: {  	[smem:$0x3FC3] =	sst s2  }
0x7: {  	_ = 	snop  }
0x8: {  	(tm) =	ssettm $0x1  }
0x9: {  	s19 =	sld [smem:$0x3FFB];
	_ =	sdelay $0x3  }
0xa: {  	_ =	strace s19  }
0xb: {  	s2 =	sld [smem:$0x3FFC];
	_ =	sdelay $0x3  }
0xc: {  	_ =	strace s2  }
0xd: {  	s2 =	sld [smem:$0x3FFD];
	_ =	sdelay $0x3  }
0xe: {  	_ =	strace s2  }
0xf: {  	_ =	strace $0x8FFFFFFF  }
0x10: {  	s20 =	sld [smem:$0x3FDB];
	_ =	sdelay $0x1  }
0x11: {  	s21 =	simm.s32 $_scs_section_size  }
0x12: {  	s4 =	simm.s32 $_size__tile_overlayer_lowered;
	s5 =	simm.s32 $_tile_overlayer_lowered  }
0x13: {  	s6 =	simm.s32 $0x1BFF;
	s22 =	sshll.u32 s5, $0x1;
	s3 =	sadd.s32 s21, s20  }
0x14: {  	s23 =	simm.s32 $0x0;
	s4 =	sshll.u32 s4, $0x1;
	s5 =	sadd.s32 s22, s3  }
0x15: {  	[timem:s23], [sflag:s6] =	dma.local [hbm:s5], s4  }
0x16: {  	_ =	swait.ge [sflag:s6], s4  }
0x17: {  	s4 =	ssub.s32 $0x0, s4;
	[sflag:s6] =	ssyncset.done $0x0  }
0x18: {  	[sflag:s6] =	ssyncadd.s32 s4;
	_ =	sdelay $0x1  }
0x19: {  	s24 =	simm.s32 $0x1B8B  }
0x1a: {  	_ =	swait.ge [sflag:s24], $0x1  }
0x1b: {  	[sflag:s24] =	ssyncset.done $0x0  }
0x1c: {  	[sflag:s24] =	ssyncadd.s32 $0xFFFFFFFF  }
0x1d: {  	s4 =	sld [smem:$0x0]  }
0x1e: {  	s5 =	sand.u32 $0xFFFFFFFE, s1  }
0x1f: {  	p0 =	sne.s32 s1, s5  }
0x20: {  	s5 =	sshll.u32 @p0 s5, $0xE  }
0x21: {  	s5 =	sadd.s32 @p0 $0x11B8D, s5;
	s6 =	sshll.u32 @p0 s4, $0x11  }
0x22: {  	s5 =	sor.u32 @p0 s6, s5  }
0x23: {  	[sflag:s5] =	ssyncadd.remote.s32 @p0 $0x1;
	_ =	sdelay $0x1  }
0x24: {  	s5 =	simm.s32 @p0 $0x1B8D  }
0x25: {  	_ =	swait.eq @p0 [sflag:s5], $0x1  }
0x26: {  	[sflag:s5] =	ssyncadd.s32 @p0 $0xFFFFFFFF  }
0x27: {  	s6 =	sshll.u32 @!p0 s1, $0xE  }
0x28: {  	s6 =	sor.u32 @!p0 $0x4000, s6;
	s5 =	simm.s32 @!p0 $0x1B8D  }
0x29: {  	s4 =	sshll.u32 @!p0 s4, $0x11;
	s6 =	sadd.s32 @!p0 $0x11B8D, s6;
	_ =	swait.eq @!p0 [sflag:s5], $0x1  }
0x2a: {  	s4 =	sor.u32 @!p0 s4, s6;
	[sflag:s5] =	ssyncadd.s32 @!p0 $0xFFFFFFFF  }
0x2b: {  	s26 =	simm.s32 $0x1B8E;
	s25 =	sld [smem:$0x3FFE];
	[sflag:s4] =	ssyncadd.remote.s32 @!p0 $0x1  }
0x2c: {  	s27 =	simm.s32 $execute0_lowered;
	[smem:$0x3FD2] =	sst s26  }
0x2d: {  	s5 =	sshll.u32 s27, $0x1;
	_ =	strace $0x80000055;
	[dreg:$0x1] =	wrdreg $0xFFFFFFFF  }
0x2e: {  	s28 =	simm.s32 $_size_execute0_lowered;
	s3 =	sadd.s32 s3, s5;
	[dreg:$0x0] =	wrdreg $0x0  }
0x2f: {  	s5 =	sshll.u32 s28, $0x1;
	[dreg:$0x2] =	wrdreg s3  }
0x30: {  	[dreg:$0x3] =	wrdreg s5  }
0x31: {  	[dreg:$0x4] =	wrdreg $0xC0  }
0x32: {  	_ =	task [dreg:s23], $0x5FFFF  }
0x33: {  	[dreg:$0x1] =	wrdreg $0xFFFFFFFF  }
0x34: {  	[dreg:$0x0] =	wrdreg $0x60  }
0x35: {  	[dreg:$0x2] =	wrdreg s25  }
0x36: {  	[dreg:$0x3] =	wrdreg $0xB  }
0x37: {  	_ =	task.clear_ibuf [dreg:s23], $0x4FFFF;
	_ =	strace $0x90000055  }
0x38: {  	s29 =	simm.s32 $0xB;
	_ =	strace $0x80000057  }
0x39: {  	_ =	swait.ge [sflag:s29], $0x1  }
0x3a: {  	[sflag:s29] =	ssyncadd.s32 $0xFFFFFFFF  }
0x3b: {  	_ =	strace $0x90000057  }
0x3c: {  	_ =	sfence  }
0x3d: {  	s30 =	sld [smem:$0x0];
	_ =	sdelay $0x2  }
0x3e: {  	s31 =	sshll.u32 s1, $0xD;
	s1 =	sshrl.u32 s1, $0x2  }
0x3f: {  	s4 =	sand.u32 $0x4000, s31;
	s1 =	sadd.s32 s1, s30  }
0x40: {  	s0 =	sor.u32 s4, s0;
	s1 =	sshll.u32 s1, $0x11  }
0x41: {  	s0 =	sor.u32 s1, s0  }
0x42: {  	s0 =	sadd.s32 $0x8F2B, s0  }
0x43: {  	[sflag:s0] =	ssyncadd.remote.s32 $0x1  }
0x44: {  	_ =	sfence.sel $0xFFFF  }
0x45: {  	[dreg:$0x0] =	wrdreg $0xFFFFFFFF;
	(pc) =	sbr.abs _section_cstart, $3  }
0x46: {  	[dreg:$0x1] =	wrdreg $0xFFFFFFFF  }
0x47: {  	_ =	task.clear_ibuf [dreg:s23], $0x2FFFF;
	_ =	strace $0x9FFFFFFF  }
0x48: {  	(tm) =	ssettm $0x7FFFFFFF  }
0x49: {  	_ =	shalt  }
tec
execute0_lowered:
.L_overlay_start_1:
0x0: {  	(tag) =	ssettag $0x1  }
0x1: {  	s6 =	rddreg [dreg:$0x0]  }
0x2: {  	s0 =	stileid.u32;
	s1 =	rddreg [dreg:$0x1];
	_ =	strace $0x80000056  }
0x3: {  	s5 =	srdreg.scid;
	s31 =	simm.s32 $0x2;
	s2 =	sshll.u32 s0, $0x7  }
0x4: {  	s13 =	simm.s32 $0x0;
	s14 =	simm.s32 $0x0;
	s2 =	sand.u32 $0x380, s2  }
0x5: {  	s12 =	simm.s32 $0x0;
	s3 =	sadd.s32 $0x73A200, s6;
	s4 =	ssub.s32 $0x400, s2  }
0x6: {  	s5 =	sshll.u32 s5, $0x4;
	s6 =	sadd.s32 $0x27DA00, s6;
	s7 =	sand.u32 $0x380, s4  }
0x7: {  	s5 =	sand.u32 $0x10, s5;
	p0 =	sne.s32 s7, $0x0;
	s7 =	simm.s32 $0x1  }
.Ltmp0:
0x8: {  	s8 =	sshrl.u32 s4, $0xA;
	s7 =	simm.s32 @!p0 $0x0;
	(pc) =	sbr.rel .LBB1_1-.Ltmp0, $4  }
0x9: {  	s9 =	sor.u32 s0, s5;
	s4 =	simm.s32 $0x1;
	s30 =	sadd.s32 s7, s8  }
0xa: {  	s11 =	smov.u32 s2;
	[sflag:s4] =	ssyncpa.u1 $0x0;
	s5 =	smul.u32 $0x32, s30  }
0xb: {  	[sflag:s31] =	ssyncpa.u1 $0x0;
	p0 =	por $0x0, $0x0;
	s7 =	sshrl.u32 s9, $0x3  }
0xc: {  	s9 =	simm.s32 $0x2000;
	s10 =	smov.u32 s7;
	s8 =	sor.u32 $0x1, s5  }
.LBB1_4:
0xd: {  	s17 =	sand.u32 $0x1F80, s14;
	s13 =	sshll.u32 s13, $0xD  }
0xe: {  	[tilespmem:s16+$0x810 ss:$0x81] =	vst.msk $0xffff, v2;
	s18 =	sshrl.u32 s14, $0x3;
	s31 =	sand.u32 $0x7, s14;
	s17 =	sadd.s32 s6, s17  }
0xf: {  	[tilespmem:s16+$0x1020 ss:$0x81] =	vst.msk $0xffff, v0;
	s18 =	sand.u32 $0xF, s18;
	s14 =	sshll.u32 s31, $0x12;
	s13 =	sadd.s32 s13, s17  }
0x10: {  	[tilespmem:s16+$0x0 ss:$0x81] =	vst.msk $0xffff, v1;
	s14 =	sor.u32 $0x400, s14;
	s13 =	sadd.s32 s18, s13  }
0x11: {  	[hbm4b:s13+s14] =	stream.strided.scatter [tilespmem:s15], [sflag:$0x2], $0x2000, s9, s14, $0x20;
	[tilespmem:$0x8080] =	vst v63  }
.LBB1_5:
0x12: {  	s15 =	sadd.s32 $0x4, s10  }
0x13: {  	s13 =	sadd.s32 $0x400, s11;
	s17 =	smov.u32 s11;
	p2 =	sgt.s32 s15, $0xC7  }
0x14: {  	s17 =	smov.u32 @p2 s13  }
0x15: {  	s15 =	smov.u32 @p2 s7;
	p2 =	sgt.s32 s17, $0x3FF  }
0x16: {  	s17 =	smov.u32 @p2 s2;
	p2 =	sne.s32 s12, s8  }
.Ltmp1:
0x17: {  	p1 =	slt.u32 s12, $0x2;
	(pc) =	sbr.rel @!p2 .LBB1_6-.Ltmp1, $4  }
0x18: {  	s16 =	simm.s32 @!p1 $0x2  }
0x19: {  	s14 =	smov.u32 s11;
	p0 =	por !p0, !p0;
	_ =	swait.ge @!p1 [sflag:s16], $0x2000  }
0x1a: {  	s13 =	smov.u32 s10;
	[sflag:s16] =	ssyncset.done @!p1 $0x0;
	s10 =	smov.u32 s15  }
0x1b: {  	s12 =	sadd.s32 $0x1, s12;
	[sflag:s16] =	ssyncadd.s32 @!p1 $0xFFFFE000;
	s11 =	smov.u32 s17  }
.LBB1_1:
0x1c: {  	p1 =	sge.u32 s12, s5  }
0x1d: {  	s15 =	sand.u32 @!p1 $0x1FFFFFF, s10  }
0x1e: {  	s16 =	smulhi.u32 @!p1 $0x147AE15, s15;
	_ =	sdelay $0x1  }
0x1f: {  	s16 =	smul.u32 @!p1 $0xC8, s16  }
0x20: {  	s17 =	sxor.u32 @!p1 $0xFFFFFFFF, s12;
	s18 =	smul.u32 @!p1 $0xC80, s11  }
0x21: {  	s31 =	sadd.s32 $0xFFFFFFFF, s12;
	s17 =	sshll.u32 @!p1 s17, $0xD;
	s15 =	ssub.s32 @!p1 s15, s16  }
0x22: {  	s16 =	sand.u32 @!p1 $0x2000, s17;
	s17 =	sadd.s32 @!p1 s3, s18;
	s15 =	sshll.u32 @!p1 s15, $0x4  }
0x23: {  	s18 =	simm.s32 @!p1 $0x6400;
	s15 =	sadd.s32 @!p1 s15, s17;
	s17 =	simm.s32 @!p1 $0x40  }
0x24: {  	[tilespmem:s16], [sflag:$0x1] =	stream.strided.gather @!p1 [hbm4b:s15+s17], $0x2000, s18, s17, $0x38;
	[tilespmem:$0x8080] =	vst v63  }
0x25: {  	p1 =	sge.u32 s31, s5  }
.Ltmp2:
0x26: {  	_ = 	snop;
	(pc) =	sbr.rel @p1 .LBB1_5-.Ltmp2, $1  }
0x27: {  	_ =	sdelay $0x3  }
0x28: {  	s15 =	simm.s32 $0x1  }
0x29: {  	_ =	swait.ge [sflag:s4], $0x2000;
	s15 =	simm.s32 @!p0 $0x0  }
0x2a: {  	[sflag:s4] =	ssyncset.done $0x0;
	s16 =	sshll.u32 s15, $0xD  }
0x2b: {  	[sflag:s4] =	ssyncadd.s32 $0xFFFFE000;
	s19 =	sor.u32 $0x20, s16  }
0x2c: {  	s15 =	smul.u32 $0x8100, s15;
	v3 =	vld [tilespmem:s19+$0x10]  }
0x2d: {  	s30 =	sand.u32 $0x1, s12;
	v2 =	vld [tilespmem:s19+$0xFFFFFFF0]  }
0x2e: {  	s16 =	smul.u32 $0x8100, s30;
	s15 =	sshrl.u32 s15, $0x2;
	v0 =	vld [tilespmem:s19+$0x0]  }
0x2f: {  	v1 =	vld [tilespmem:s19+$0xFFFFFFE0];
	s17 =	sor.u32 $0x4000, s15  }
0x30: {  	s31 =	sshrl.u32 s16, $0x2;
	s16 =	sadd.s32 $0x0, s17  }
0x31: {  	s18 =	simm.s32 $0x4;
	s19 =	sadd.s32 $0x40, s19;
	s15 =	sor.u32 $0x4000, s31;
	[tilespmem:s16+$0x1830 ss:$0x81] =	vst.msk $0xffff, v3  }
.LBB1_3:
0x32: {  	v3 =	vld [tilespmem:s19+$0x10];
	p1 =	sne.s32 s18, $0x1FC;
	[tilespmem:s16+$0x810 ss:$0x81] =	vst.msk $0xffff, v2;
	s20 =	smov.u32 s18;
	s18 =	sadd.s32 $0x4, s18  }
.Ltmp3:
0x33: {  	v2 =	vld [tilespmem:s19+$0xFFFFFFF0];
	[tilespmem:s16+$0x1020 ss:$0x81] =	vst.msk $0xffff, v0;
	(pc) =	sbr.rel @p1 .LBB1_3-.Ltmp3, $4  }
0x34: {  	v0 =	vld [tilespmem:s19+$0x0];
	[tilespmem:s16+$0x0 ss:$0x81] =	vst.msk $0xffff, v1  }
0x35: {  	s16 =	sshra.s32 s20, $0x2;
	v1 =	vld [tilespmem:s19+$0xFFFFFFE0]  }
0x36: {  	s16 =	sadd.s32 s16, s17  }
0x37: {  	s19 =	sadd.s32 $0x40, s19;
	[tilespmem:s16+$0x1830 ss:$0x81] =	vst.msk $0xffff, v3  }
.Ltmp4:
0x38: {  	_ = 	snop;
	(pc) =	sbr.rel .LBB1_4-.Ltmp4, $1  }
0x39: {  	_ =	sdelay $0x3  }
.LBB1_6:
0x3a: {  	_ =	sfence.sel $0x180000  }
0x3b: {  	s2 =	simm.s32 $0x1;
	[bflag:$0x0] =	sbarrier.arrive $0xFFFF  }
0x3c: {  	s31 =	simm.s32 $0x2;
	[sflag:s2] =	ssyncpa.u1 $0x1  }
0x3d: {  	[sflag:s31] =	ssyncpa.u1 $0x1  }
0x3e: {  	p0 =	sne.s32 s0, $0x0;
	_ =	strace $0x90000056  }
0x3f: {  	s0 =	sadd.s32 @!p0 $0x100000, s1;
	[bflag:$0x2] =	sbarrier.arrive $0xFFFF  }
0x40: {  	[sflag:s0] =	ssyncadd.tile.s32 @!p0 $0x1;
	_ =	shalt  }
.Lfunc_end1:
_tile_overlayer_lowered:
.L_overlay_start_2:
0x41: {  	(tag) =	ssettag $0x2  }
0x42: {  	s0 =	rddreg [dreg:$0x0];
	s2 =	stileid.u32  }
0x43: {  	s1 =	rddreg [dreg:$0x1];
	p0 =	sne.s32 s2, $0x0  }
0x44: {  	s3 =	rddreg [dreg:$0x2];
	[bflag:$0x3] =	sbarrier.arrive $0xFFFF;
	s2 =	simm.s32 @!p0 $0x1C01  }
0x45: {  	[timem:s3], [sflag:s2] =	dma.local @!p0 [hbm:s0], s1  }
0x46: {  	s0 =	simm.s32 @!p0 $0x1  }
0x47: {  	_ =	swait.ge @!p0 [sflag:s0], s1  }
0x48: {  	s1 =	ssub.s32 @!p0 $0x0, s1;
	[sflag:s0] =	ssyncset.done @!p0 $0x0  }
0x49: {  	[sflag:s0] =	ssyncadd.s32 @!p0 s1  }
0x4a: {  	[bflag:$0x3] =	sbarrier.arrive $0xFFFF  }
0x4b: {  	_ =	shalt  }

// kernel: sparse-core-data-format-call.3.cloned.1.call-start
scs
called_computation.3_lowered:
.L_overlay_start_0:
0x0: {  	s2 =	sld [smem:$0x3FD9]  }
0x1: {  	s3 =	sld [smem:$0x3FFE];
	_ =	sdelay $0x1  }
0x2: {  	s1 =	srdreg.scid  }
0x3: {  	s0 =	sand.u32 $0x1, s1  }
0x4: {  	s18 =	sshll.u32 s0, $0xA;
	s2 =	sadd.s32 s3, s2  }
0x5: {  	s2 =	sadd.s32 s2, s18  }
0x6: {  	[smem:$0x3FC3] =	sst s2  }
0x7: {  	_ = 	snop  }
0x8: {  	s19 =	sld [smem:$0x3FD0];
	(tm) =	ssettm $0x1  }
0x9: {  	s20 =	sld [smem:$0x3FFB];
	_ =	sdelay $0x3  }
0xa: {  	_ =	strace s20  }
0xb: {  	s2 =	sld [smem:$0x3FFC];
	_ =	sdelay $0x3  }
0xc: {  	_ =	strace s2  }
0xd: {  	s2 =	sld [smem:$0x3FFD];
	_ =	sdelay $0x3  }
0xe: {  	_ =	strace s2  }
0xf: {  	_ =	strace $0x8FFFFFFF  }
0x10: {  	s21 =	sld [smem:$0x3FDB];
	_ =	sdelay $0x1  }
0x11: {  	s4 =	simm.s32 $_scs_section_size  }
0x12: {  	s5 =	simm.s32 $_size__tile_overlayer_lowered;
	s6 =	simm.s32 $_tile_overlayer_lowered  }
0x13: {  	s7 =	simm.s32 $0x1BFF;
	s22 =	sshll.u32 s6, $0x1;
	s4 =	sadd.s32 s4, s21  }
0x14: {  	s23 =	simm.s32 $0x0;
	s5 =	sshll.u32 s5, $0x1;
	s6 =	sadd.s32 s22, s4  }
0x15: {  	[timem:s23], [sflag:s7] =	dma.local [hbm:s6], s5  }
0x16: {  	_ =	swait.ge [sflag:s7], s5  }
0x17: {  	s5 =	ssub.s32 $0x0, s5;
	[sflag:s7] =	ssyncset.done $0x0  }
0x18: {  	[sflag:s7] =	ssyncadd.s32 s5;
	_ =	sdelay $0x1  }
0x19: {  	s24 =	simm.s32 $0x1B8B  }
0x1a: {  	_ =	swait.ge [sflag:s24], $0x1  }
0x1b: {  	[sflag:s24] =	ssyncset.done $0x0  }
0x1c: {  	[sflag:s24] =	ssyncadd.s32 $0xFFFFFFFF  }
0x1d: {  	s5 =	sld [smem:$0x0]  }
0x1e: {  	s6 =	sand.u32 $0xFFFFFFFE, s1  }
0x1f: {  	p0 =	sne.s32 s1, s6  }
0x20: {  	s6 =	sshll.u32 @p0 s6, $0xE  }
0x21: {  	s6 =	sadd.s32 @p0 $0x11B8D, s6;
	s7 =	sshll.u32 @p0 s5, $0x11  }
0x22: {  	s6 =	sor.u32 @p0 s7, s6  }
0x23: {  	[sflag:s6] =	ssyncadd.remote.s32 @p0 $0x1;
	_ =	sdelay $0x1  }
0x24: {  	s6 =	simm.s32 @p0 $0x1B8D  }
0x25: {  	_ =	swait.eq @p0 [sflag:s6], $0x1  }
0x26: {  	[sflag:s6] =	ssyncadd.s32 @p0 $0xFFFFFFFF  }
0x27: {  	s7 =	sshll.u32 @!p0 s1, $0xE  }
0x28: {  	s7 =	sor.u32 @!p0 $0x4000, s7;
	s6 =	simm.s32 @!p0 $0x1B8D  }
0x29: {  	s5 =	sshll.u32 @!p0 s5, $0x11;
	s7 =	sadd.s32 @!p0 $0x11B8D, s7;
	_ =	swait.eq @!p0 [sflag:s6], $0x1  }
0x2a: {  	s5 =	sor.u32 @!p0 s5, s7;
	[sflag:s6] =	ssyncadd.s32 @!p0 $0xFFFFFFFF  }
0x2b: {  	s26 =	simm.s32 $0x1B8E;
	s25 =	sld [smem:$0x3FFE];
	[sflag:s5] =	ssyncadd.remote.s32 @!p0 $0x1  }
0x2c: {  	s27 =	simm.s32 $execute0_lowered;
	[smem:$0x3FD2] =	sst s26  }
0x2d: {  	s6 =	sshll.u32 s27, $0x1;
	_ =	strace $0x80000052;
	[dreg:$0x1] =	wrdreg $0xFFFFFFFF  }
0x2e: {  	s28 =	simm.s32 $_size_execute0_lowered;
	s4 =	sadd.s32 s4, s6;
	[dreg:$0x0] =	wrdreg $0x0  }
0x2f: {  	s6 =	sshll.u32 s28, $0x1;
	[dreg:$0x2] =	wrdreg s4  }
0x30: {  	[dreg:$0x3] =	wrdreg s6  }
0x31: {  	[dreg:$0x4] =	wrdreg $0xC0  }
0x32: {  	_ =	task [dreg:s23], $0x5FFFF  }
0x33: {  	[dreg:$0x1] =	wrdreg $0xFFFFFFFF  }
0x34: {  	[dreg:$0x0] =	wrdreg $0x60  }
0x35: {  	[dreg:$0x2] =	wrdreg s19  }
0x36: {  	[dreg:$0x3] =	wrdreg s25  }
0x37: {  	[dreg:$0x4] =	wrdreg $0x9  }
0x38: {  	_ =	task.clear_ibuf [dreg:s23], $0x5FFFF;
	_ =	strace $0x90000052  }
0x39: {  	s29 =	simm.s32 $0x9;
	_ =	strace $0x80000054  }
0x3a: {  	_ =	swait.ge [sflag:s29], $0x1  }
0x3b: {  	[sflag:s29] =	ssyncadd.s32 $0xFFFFFFFF  }
0x3c: {  	_ =	strace $0x90000054  }
0x3d: {  	_ =	sfence  }
0x3e: {  	s30 =	sld [smem:$0x0];
	_ =	sdelay $0x2  }
0x3f: {  	s31 =	sshll.u32 s1, $0xD;
	s1 =	sshrl.u32 s1, $0x2  }
0x40: {  	s4 =	sand.u32 $0x4000, s31;
	s1 =	sadd.s32 s1, s30  }
0x41: {  	s0 =	sor.u32 s4, s0;
	s1 =	sshll.u32 s1, $0x11  }
0x42: {  	s0 =	sor.u32 s1, s0  }
0x43: {  	s0 =	sadd.s32 $0x8F2B, s0  }
0x44: {  	[sflag:s0] =	ssyncadd.remote.s32 $0x1  }
0x45: {  	_ =	sfence.sel $0xFFFF  }
0x46: {  	[dreg:$0x0] =	wrdreg $0xFFFFFFFF;
	(pc) =	sbr.abs _section_cstart, $3  }
0x47: {  	[dreg:$0x1] =	wrdreg $0xFFFFFFFF  }
0x48: {  	_ =	task.clear_ibuf [dreg:s23], $0x2FFFF;
	_ =	strace $0x9FFFFFFF  }
0x49: {  	(tm) =	ssettm $0x7FFFFFFF  }
tec
execute0_lowered:
.L_overlay_start_1:
0x0: {  	(tag) =	ssettag $0x1  }
0x1: {  	s0 =	stileid.u32;
	s2 =	rddreg [dreg:$0x0]  }
0x2: {  	s6 =	rddreg [dreg:$0x1];
	s5 =	srdreg.scid  }
0x3: {  	s31 =	simm.s32 $0x2;
	s13 =	simm.s32 $0x0;
	s1 =	sshll.u32 s0, $0x7  }
0x4: {  	s14 =	simm.s32 $0x0;
	s12 =	simm.s32 $0x0;
	s3 =	sand.u32 $0x380, s1  }
0x5: {  	s5 =	sshll.u32 s5, $0x4;
	s6 =	sadd.s32 $0xEDA00, s6;
	s4 =	ssub.s32 $0x400, s3  }
0x6: {  	s1 =	rddreg [dreg:$0x2];
	_ =	strace $0x80000053;
	s7 =	sand.u32 $0x380, s4  }
0x7: {  	s5 =	sand.u32 $0x10, s5;
	p0 =	sne.s32 s7, $0x0;
	s7 =	simm.s32 $0x1  }
.Ltmp0:
0x8: {  	s8 =	sshrl.u32 s4, $0xA;
	s7 =	simm.s32 @!p0 $0x0;
	(pc) =	sbr.rel .LBB1_1-.Ltmp0, $4  }
0x9: {  	s9 =	sor.u32 s0, s5;
	s4 =	simm.s32 $0x1;
	s30 =	sadd.s32 s7, s8  }
0xa: {  	s11 =	smov.u32 s3;
	[sflag:s4] =	ssyncpa.u1 $0x0;
	s5 =	smul.u32 $0x32, s30  }
0xb: {  	[sflag:s31] =	ssyncpa.u1 $0x0;
	p0 =	por $0x0, $0x0;
	s7 =	sshrl.u32 s9, $0x3  }
0xc: {  	s9 =	simm.s32 $0x2000;
	s10 =	smov.u32 s7;
	s8 =	sor.u32 $0x1, s5  }
.LBB1_4:
0xd: {  	s17 =	sand.u32 $0x1F80, s14;
	s13 =	sshll.u32 s13, $0xD  }
0xe: {  	[tilespmem:s16+$0x810 ss:$0x81] =	vst.msk $0xffff, v2;
	s18 =	sshrl.u32 s14, $0x3;
	s31 =	sand.u32 $0x7, s14;
	s17 =	sadd.s32 s6, s17  }
0xf: {  	[tilespmem:s16+$0x1020 ss:$0x81] =	vst.msk $0xffff, v0;
	s18 =	sand.u32 $0xF, s18;
	s14 =	sshll.u32 s31, $0x12;
	s13 =	sadd.s32 s13, s17  }
0x10: {  	[tilespmem:s16+$0x0 ss:$0x81] =	vst.msk $0xffff, v1;
	s14 =	sor.u32 $0x400, s14;
	s13 =	sadd.s32 s18, s13  }
0x11: {  	[hbm4b:s13+s14] =	stream.strided.scatter [tilespmem:s15], [sflag:$0x2], $0x2000, s9, s14, $0x20;
	[tilespmem:$0x8080] =	vst v63  }
.LBB1_5:
0x12: {  	s15 =	sadd.s32 $0x4, s10  }
0x13: {  	s13 =	sadd.s32 $0x400, s11;
	s17 =	smov.u32 s11;
	p2 =	sgt.s32 s15, $0xC7  }
0x14: {  	s17 =	smov.u32 @p2 s13  }
0x15: {  	s15 =	smov.u32 @p2 s7;
	p2 =	sgt.s32 s17, $0x3FF  }
0x16: {  	s17 =	smov.u32 @p2 s3;
	p2 =	sne.s32 s12, s8  }
.Ltmp1:
0x17: {  	p1 =	slt.u32 s12, $0x2;
	(pc) =	sbr.rel @!p2 .LBB1_6-.Ltmp1, $4  }
0x18: {  	s16 =	simm.s32 @!p1 $0x2  }
0x19: {  	s14 =	smov.u32 s11;
	p0 =	por !p0, !p0;
	_ =	swait.ge @!p1 [sflag:s16], $0x2000  }
0x1a: {  	s13 =	smov.u32 s10;
	[sflag:s16] =	ssyncset.done @!p1 $0x0;
	s10 =	smov.u32 s15  }
0x1b: {  	s12 =	sadd.s32 $0x1, s12;
	[sflag:s16] =	ssyncadd.s32 @!p1 $0xFFFFE000;
	s11 =	smov.u32 s17  }
.LBB1_1:
0x1c: {  	p1 =	sge.u32 s12, s5  }
0x1d: {  	s15 =	sand.u32 @!p1 $0x1FFFFFF, s10  }
0x1e: {  	s16 =	smulhi.u32 @!p1 $0x147AE15, s15;
	_ =	sdelay $0x1  }
0x1f: {  	s16 =	smul.u32 @!p1 $0xC8, s16  }
0x20: {  	s17 =	sxor.u32 @!p1 $0xFFFFFFFF, s12;
	s18 =	smul.u32 @!p1 $0xC80, s11  }
0x21: {  	s31 =	sadd.s32 $0xFFFFFFFF, s12;
	s17 =	sshll.u32 @!p1 s17, $0xD;
	s15 =	ssub.s32 @!p1 s15, s16  }
0x22: {  	s16 =	sand.u32 @!p1 $0x2000, s17;
	s17 =	sadd.s32 @!p1 s2, s18;
	s15 =	sshll.u32 @!p1 s15, $0x4  }
0x23: {  	s18 =	simm.s32 @!p1 $0x6400;
	s15 =	sadd.s32 @!p1 s15, s17;
	s17 =	simm.s32 @!p1 $0x40  }
0x24: {  	[tilespmem:s16], [sflag:$0x1] =	stream.strided.gather @!p1 [hbm4b:s15+s17], $0x2000, s18, s17, $0x38;
	[tilespmem:$0x8080] =	vst v63  }
0x25: {  	p1 =	sge.u32 s31, s5  }
.Ltmp2:
0x26: {  	_ = 	snop;
	(pc) =	sbr.rel @p1 .LBB1_5-.Ltmp2, $1  }
0x27: {  	_ =	sdelay $0x3  }
0x28: {  	s15 =	simm.s32 $0x1  }
0x29: {  	_ =	swait.ge [sflag:s4], $0x2000;
	s15 =	simm.s32 @!p0 $0x0  }
0x2a: {  	[sflag:s4] =	ssyncset.done $0x0;
	s16 =	sshll.u32 s15, $0xD  }
0x2b: {  	[sflag:s4] =	ssyncadd.s32 $0xFFFFE000;
	s19 =	sor.u32 $0x20, s16  }
0x2c: {  	s15 =	smul.u32 $0x8100, s15;
	v3 =	vld [tilespmem:s19+$0x10]  }
0x2d: {  	s30 =	sand.u32 $0x1, s12;
	v2 =	vld [tilespmem:s19+$0xFFFFFFF0]  }
0x2e: {  	s16 =	smul.u32 $0x8100, s30;
	s15 =	sshrl.u32 s15, $0x2;
	v0 =	vld [tilespmem:s19+$0x0]  }
0x2f: {  	v1 =	vld [tilespmem:s19+$0xFFFFFFE0];
	s17 =	sor.u32 $0x4000, s15  }
0x30: {  	s31 =	sshrl.u32 s16, $0x2;
	s16 =	sadd.s32 $0x0, s17  }
0x31: {  	s18 =	simm.s32 $0x4;
	s19 =	sadd.s32 $0x40, s19;
	s15 =	sor.u32 $0x4000, s31;
	[tilespmem:s16+$0x1830 ss:$0x81] =	vst.msk $0xffff, v3  }
.LBB1_3:
0x32: {  	v3 =	vld [tilespmem:s19+$0x10];
	p1 =	sne.s32 s18, $0x1FC;
	[tilespmem:s16+$0x810 ss:$0x81] =	vst.msk $0xffff, v2;
	s20 =	smov.u32 s18;
	s18 =	sadd.s32 $0x4, s18  }
.Ltmp3:
0x33: {  	v2 =	vld [tilespmem:s19+$0xFFFFFFF0];
	[tilespmem:s16+$0x1020 ss:$0x81] =	vst.msk $0xffff, v0;
	(pc) =	sbr.rel @p1 .LBB1_3-.Ltmp3, $4  }
0x34: {  	v0 =	vld [tilespmem:s19+$0x0];
	[tilespmem:s16+$0x0 ss:$0x81] =	vst.msk $0xffff, v1  }
0x35: {  	s16 =	sshra.s32 s20, $0x2;
	v1 =	vld [tilespmem:s19+$0xFFFFFFE0]  }
0x36: {  	s16 =	sadd.s32 s16, s17  }
0x37: {  	s19 =	sadd.s32 $0x40, s19;
	[tilespmem:s16+$0x1830 ss:$0x81] =	vst.msk $0xffff, v3  }
.Ltmp4:
0x38: {  	_ = 	snop;
	(pc) =	sbr.rel .LBB1_4-.Ltmp4, $1  }
0x39: {  	_ =	sdelay $0x3  }
.LBB1_6:
0x3a: {  	_ =	sfence.sel $0x180000  }
0x3b: {  	s2 =	simm.s32 $0x1;
	[bflag:$0x0] =	sbarrier.arrive $0xFFFF  }
0x3c: {  	s31 =	simm.s32 $0x2;
	[sflag:s2] =	ssyncpa.u1 $0x1  }
0x3d: {  	[sflag:s31] =	ssyncpa.u1 $0x1  }
0x3e: {  	p0 =	sne.s32 s0, $0x0;
	_ =	strace $0x90000053  }
0x3f: {  	s0 =	sadd.s32 @!p0 $0x100000, s1;
	[bflag:$0x2] =	sbarrier.arrive $0xFFFF  }
0x40: {  	[sflag:s0] =	ssyncadd.tile.s32 @!p0 $0x1;
	_ =	shalt  }
.Lfunc_end1:
_tile_overlayer_lowered:
.L_overlay_start_2:
0x41: {  	(tag) =	ssettag $0x2  }
0x42: {  	s0 =	rddreg [dreg:$0x0];
	s2 =	stileid.u32  }
0x43: {  	s1 =	rddreg [dreg:$0x1];
	p0 =	sne.s32 s2, $0x0  }
0x44: {  	s3 =	rddreg [dreg:$0x2];
	[bflag:$0x3] =	sbarrier.arrive $0xFFFF;
	s2 =	simm.s32 @!p0 $0x1C01  }
0x45: {  	[timem:s3], [sflag:s2] =	dma.local @!p0 [hbm:s0], s1  }
0x46: {  	s0 =	simm.s32 @!p0 $0x1  }
0x47: {  	_ =	swait.ge @!p0 [sflag:s0], s1  }
0x48: {  	s1 =	ssub.s32 @!p0 $0x0, s1;
	[sflag:s0] =	ssyncset.done @!p0 $0x0  }
0x49: {  	[sflag:s0] =	ssyncadd.s32 @!p0 s1  }
0x4a: {  	[bflag:$0x3] =	sbarrier.arrive $0xFFFF  }
0x4b: {  	_ =	shalt  }

// kernel: sparse-core-data-format-call.cloned.1.call-start
scs
called_computation_lowered:
.L_overlay_start_0:
0x0: {  	s2 =	sld [smem:$0x3FD9]  }
0x1: {  	s3 =	sld [smem:$0x3FFE];
	_ =	sdelay $0x1  }
0x2: {  	s1 =	srdreg.scid  }
0x3: {  	s0 =	sand.u32 $0x1, s1  }
0x4: {  	s18 =	sshll.u32 s0, $0xA;
	s2 =	sadd.s32 s3, s2  }
0x5: {  	s2 =	sadd.s32 s2, s18  }
0x6: {  	[smem:$0x3FC3] =	sst s2  }
0x7: {  	_ = 	snop  }
0x8: {  	(tm) =	ssettm $0x1  }
0x9: {  	s19 =	sld [smem:$0x3FFB];
	_ =	sdelay $0x3  }
0xa: {  	_ =	strace s19  }
0xb: {  	s2 =	sld [smem:$0x3FFC];
	_ =	sdelay $0x3  }
0xc: {  	_ =	strace s2  }
0xd: {  	s2 =	sld [smem:$0x3FFD];
	_ =	sdelay $0x3  }
0xe: {  	_ =	strace s2  }
0xf: {  	_ =	strace $0x8FFFFFFF  }
0x10: {  	s20 =	sld [smem:$0x3FDB];
	_ =	sdelay $0x1  }
0x11: {  	s21 =	simm.s32 $_scs_section_size  }
0x12: {  	s4 =	simm.s32 $_size__tile_overlayer_lowered;
	s5 =	simm.s32 $_tile_overlayer_lowered  }
0x13: {  	s6 =	simm.s32 $0x1BFF;
	s22 =	sshll.u32 s5, $0x1;
	s3 =	sadd.s32 s21, s20  }
0x14: {  	s23 =	simm.s32 $0x0;
	s4 =	sshll.u32 s4, $0x1;
	s5 =	sadd.s32 s22, s3  }
0x15: {  	[timem:s23], [sflag:s6] =	dma.local [hbm:s5], s4  }
0x16: {  	_ =	swait.ge [sflag:s6], s4  }
0x17: {  	s4 =	ssub.s32 $0x0, s4;
	[sflag:s6] =	ssyncset.done $0x0  }
0x18: {  	[sflag:s6] =	ssyncadd.s32 s4;
	_ =	sdelay $0x1  }
0x19: {  	s24 =	simm.s32 $0x1B8B  }
0x1a: {  	_ =	swait.ge [sflag:s24], $0x1  }
0x1b: {  	[sflag:s24] =	ssyncset.done $0x0  }
0x1c: {  	[sflag:s24] =	ssyncadd.s32 $0xFFFFFFFF  }
0x1d: {  	s4 =	sld [smem:$0x0]  }
0x1e: {  	s5 =	sand.u32 $0xFFFFFFFE, s1  }
0x1f: {  	p0 =	sne.s32 s1, s5  }
0x20: {  	s5 =	sshll.u32 @p0 s5, $0xE  }
0x21: {  	s5 =	sadd.s32 @p0 $0x11B8D, s5;
	s6 =	sshll.u32 @p0 s4, $0x11  }
0x22: {  	s5 =	sor.u32 @p0 s6, s5  }
0x23: {  	[sflag:s5] =	ssyncadd.remote.s32 @p0 $0x1;
	_ =	sdelay $0x1  }
0x24: {  	s5 =	simm.s32 @p0 $0x1B8D  }
0x25: {  	_ =	swait.eq @p0 [sflag:s5], $0x1  }
0x26: {  	[sflag:s5] =	ssyncadd.s32 @p0 $0xFFFFFFFF  }
0x27: {  	s6 =	sshll.u32 @!p0 s1, $0xE  }
0x28: {  	s6 =	sor.u32 @!p0 $0x4000, s6;
	s5 =	simm.s32 @!p0 $0x1B8D  }
0x29: {  	s4 =	sshll.u32 @!p0 s4, $0x11;
	s6 =	sadd.s32 @!p0 $0x11B8D, s6;
	_ =	swait.eq @!p0 [sflag:s5], $0x1  }
0x2a: {  	s4 =	sor.u32 @!p0 s4, s6;
	[sflag:s5] =	ssyncadd.s32 @!p0 $0xFFFFFFFF  }
0x2b: {  	s26 =	simm.s32 $0x1B8E;
	s25 =	sld [smem:$0x3FFE];
	[sflag:s4] =	ssyncadd.remote.s32 @!p0 $0x1  }
0x2c: {  	s27 =	simm.s32 $execute0_lowered;
	[smem:$0x3FD2] =	sst s26  }
0x2d: {  	s5 =	sshll.u32 s27, $0x1;
	_ =	strace $0x8000005B;
	[dreg:$0x1] =	wrdreg $0xFFFFFFFF  }
0x2e: {  	s28 =	simm.s32 $_size_execute0_lowered;
	s3 =	sadd.s32 s3, s5;
	[dreg:$0x0] =	wrdreg $0x0  }
0x2f: {  	s5 =	sshll.u32 s28, $0x1;
	[dreg:$0x2] =	wrdreg s3  }
0x30: {  	[dreg:$0x3] =	wrdreg s5  }
0x31: {  	[dreg:$0x4] =	wrdreg $0xC0  }
0x32: {  	_ =	task [dreg:s23], $0x5FFFF  }
0x33: {  	[dreg:$0x1] =	wrdreg $0xFFFFFFFF  }
0x34: {  	[dreg:$0x0] =	wrdreg $0x60  }
0x35: {  	[dreg:$0x2] =	wrdreg s25  }
0x36: {  	[dreg:$0x3] =	wrdreg $0xA  }
0x37: {  	_ =	task.clear_ibuf [dreg:s23], $0x4FFFF;
	_ =	strace $0x9000005B  }
0x38: {  	s29 =	simm.s32 $0xA;
	_ =	strace $0x8000005D  }
0x39: {  	_ =	swait.ge [sflag:s29], $0x1  }
0x3a: {  	[sflag:s29] =	ssyncadd.s32 $0xFFFFFFFF  }
0x3b: {  	_ =	strace $0x9000005D  }
0x3c: {  	_ =	sfence  }
0x3d: {  	s30 =	sld [smem:$0x0];
	_ =	sdelay $0x2  }
0x3e: {  	s31 =	sshll.u32 s1, $0xD;
	s1 =	sshrl.u32 s1, $0x2  }
0x3f: {  	s4 =	sand.u32 $0x4000, s31;
	s1 =	sadd.s32 s1, s30  }
0x40: {  	s0 =	sor.u32 s4, s0;
	s1 =	sshll.u32 s1, $0x11  }
0x41: {  	s0 =	sor.u32 s1, s0  }
0x42: {  	s0 =	sadd.s32 $0x8F2B, s0  }
0x43: {  	[sflag:s0] =	ssyncadd.remote.s32 $0x1  }
0x44: {  	_ =	sfence.sel $0xFFFF  }
0x45: {  	[dreg:$0x0] =	wrdreg $0xFFFFFFFF;
	(pc) =	sbr.abs _section_cstart, $3  }
0x46: {  	[dreg:$0x1] =	wrdreg $0xFFFFFFFF  }
0x47: {  	_ =	task.clear_ibuf [dreg:s23], $0x2FFFF;
	_ =	strace $0x9FFFFFFF  }
0x48: {  	(tm) =	ssettm $0x7FFFFFFF  }
0x49: {  	_ =	shalt  }
tec
execute0_lowered:
.L_overlay_start_1:
0x0: {  	(tag) =	ssettag $0x1  }
0x1: {  	s6 =	rddreg [dreg:$0x0]  }
0x2: {  	s0 =	stileid.u32;
	s1 =	rddreg [dreg:$0x1];
	_ =	strace $0x8000005C  }
0x3: {  	s5 =	srdreg.scid;
	s31 =	simm.s32 $0x2;
	s2 =	sshll.u32 s0, $0x7  }
0x4: {  	s13 =	simm.s32 $0x0;
	s14 =	simm.s32 $0x0;
	s2 =	sand.u32 $0x380, s2  }
0x5: {  	s12 =	simm.s32 $0x0;
	s3 =	sadd.s32 $0xD7A200, s6;
	s4 =	ssub.s32 $0x400, s2  }
0x6: {  	s5 =	sshll.u32 s5, $0x4;
	s6 =	sadd.s32 $0x59DA00, s6;
	s7 =	sand.u32 $0x380, s4  }
0x7: {  	s5 =	sand.u32 $0x10, s5;
	p0 =	sne.s32 s7, $0x0;
	s7 =	simm.s32 $0x1  }
.Ltmp0:
0x8: {  	s8 =	sshrl.u32 s4, $0xA;
	s7 =	simm.s32 @!p0 $0x0;
	(pc) =	sbr.rel .LBB1_1-.Ltmp0, $4  }
0x9: {  	s9 =	sor.u32 s0, s5;
	s4 =	simm.s32 $0x1;
	s30 =	sadd.s32 s7, s8  }
0xa: {  	s11 =	smov.u32 s2;
	[sflag:s4] =	ssyncpa.u1 $0x0;
	s5 =	smul.u32 $0x32, s30  }
0xb: {  	[sflag:s31] =	ssyncpa.u1 $0x0;
	p0 =	por $0x0, $0x0;
	s7 =	sshrl.u32 s9, $0x3  }
0xc: {  	s9 =	simm.s32 $0x2000;
	s10 =	smov.u32 s7;
	s8 =	sor.u32 $0x1, s5  }
.LBB1_4:
0xd: {  	s17 =	sand.u32 $0x1F80, s14;
	s13 =	sshll.u32 s13, $0xD  }
0xe: {  	[tilespmem:s16+$0x810 ss:$0x81] =	vst.msk $0xffff, v2;
	s18 =	sshrl.u32 s14, $0x3;
	s31 =	sand.u32 $0x7, s14;
	s17 =	sadd.s32 s6, s17  }
0xf: {  	[tilespmem:s16+$0x1020 ss:$0x81] =	vst.msk $0xffff, v0;
	s18 =	sand.u32 $0xF, s18;
	s14 =	sshll.u32 s31, $0x12;
	s13 =	sadd.s32 s13, s17  }
0x10: {  	[tilespmem:s16+$0x0 ss:$0x81] =	vst.msk $0xffff, v1;
	s14 =	sor.u32 $0x400, s14;
	s13 =	sadd.s32 s18, s13  }
0x11: {  	[hbm4b:s13+s14] =	stream.strided.scatter [tilespmem:s15], [sflag:$0x2], $0x2000, s9, s14, $0x20;
	[tilespmem:$0x8080] =	vst v63  }
.LBB1_5:
0x12: {  	s15 =	sadd.s32 $0x4, s10  }
0x13: {  	s13 =	sadd.s32 $0x400, s11;
	s17 =	smov.u32 s11;
	p2 =	sgt.s32 s15, $0xC7  }
0x14: {  	s17 =	smov.u32 @p2 s13  }
0x15: {  	s15 =	smov.u32 @p2 s7;
	p2 =	sgt.s32 s17, $0x3FF  }
0x16: {  	s17 =	smov.u32 @p2 s2;
	p2 =	sne.s32 s12, s8  }
.Ltmp1:
0x17: {  	p1 =	slt.u32 s12, $0x2;
	(pc) =	sbr.rel @!p2 .LBB1_6-.Ltmp1, $4  }
0x18: {  	s16 =	simm.s32 @!p1 $0x2  }
0x19: {  	s14 =	smov.u32 s11;
	p0 =	por !p0, !p0;
	_ =	swait.ge @!p1 [sflag:s16], $0x2000  }
0x1a: {  	s13 =	smov.u32 s10;
	[sflag:s16] =	ssyncset.done @!p1 $0x0;
	s10 =	smov.u32 s15  }
0x1b: {  	s12 =	sadd.s32 $0x1, s12;
	[sflag:s16] =	ssyncadd.s32 @!p1 $0xFFFFE000;
	s11 =	smov.u32 s17  }
.LBB1_1:
0x1c: {  	p1 =	sge.u32 s12, s5  }
0x1d: {  	s15 =	sand.u32 @!p1 $0x1FFFFFF, s10  }
0x1e: {  	s16 =	smulhi.u32 @!p1 $0x147AE15, s15;
	_ =	sdelay $0x1  }
0x1f: {  	s16 =	smul.u32 @!p1 $0xC8, s16  }
0x20: {  	s17 =	sxor.u32 @!p1 $0xFFFFFFFF, s12;
	s18 =	smul.u32 @!p1 $0xC80, s11  }
0x21: {  	s31 =	sadd.s32 $0xFFFFFFFF, s12;
	s17 =	sshll.u32 @!p1 s17, $0xD;
	s15 =	ssub.s32 @!p1 s15, s16  }
0x22: {  	s16 =	sand.u32 @!p1 $0x2000, s17;
	s17 =	sadd.s32 @!p1 s3, s18;
	s15 =	sshll.u32 @!p1 s15, $0x4  }
0x23: {  	s18 =	simm.s32 @!p1 $0x6400;
	s15 =	sadd.s32 @!p1 s15, s17;
	s17 =	simm.s32 @!p1 $0x40  }
0x24: {  	[tilespmem:s16], [sflag:$0x1] =	stream.strided.gather @!p1 [hbm4b:s15+s17], $0x2000, s18, s17, $0x38;
	[tilespmem:$0x8080] =	vst v63  }
0x25: {  	p1 =	sge.u32 s31, s5  }
.Ltmp2:
0x26: {  	_ = 	snop;
	(pc) =	sbr.rel @p1 .LBB1_5-.Ltmp2, $1  }
0x27: {  	_ =	sdelay $0x3  }
0x28: {  	s15 =	simm.s32 $0x1  }
0x29: {  	_ =	swait.ge [sflag:s4], $0x2000;
	s15 =	simm.s32 @!p0 $0x0  }
0x2a: {  	[sflag:s4] =	ssyncset.done $0x0;
	s16 =	sshll.u32 s15, $0xD  }
0x2b: {  	[sflag:s4] =	ssyncadd.s32 $0xFFFFE000;
	s19 =	sor.u32 $0x20, s16  }
0x2c: {  	s15 =	smul.u32 $0x8100, s15;
	v3 =	vld [tilespmem:s19+$0x10]  }
0x2d: {  	s30 =	sand.u32 $0x1, s12;
	v2 =	vld [tilespmem:s19+$0xFFFFFFF0]  }
0x2e: {  	s16 =	smul.u32 $0x8100, s30;
	s15 =	sshrl.u32 s15, $0x2;
	v0 =	vld [tilespmem:s19+$0x0]  }
0x2f: {  	v1 =	vld [tilespmem:s19+$0xFFFFFFE0];
	s17 =	sor.u32 $0x4000, s15  }
0x30: {  	s31 =	sshrl.u32 s16, $0x2;
	s16 =	sadd.s32 $0x0, s17  }
0x31: {  	s18 =	simm.s32 $0x4;
	s19 =	sadd.s32 $0x40, s19;
	s15 =	sor.u32 $0x4000, s31;
	[tilespmem:s16+$0x1830 ss:$0x81] =	vst.msk $0xffff, v3  }
.LBB1_3:
0x32: {  	v3 =	vld [tilespmem:s19+$0x10];
	p1 =	sne.s32 s18, $0x1FC;
	[tilespmem:s16+$0x810 ss:$0x81] =	vst.msk $0xffff, v2;
	s20 =	smov.u32 s18;
	s18 =	sadd.s32 $0x4, s18  }
.Ltmp3:
0x33: {  	v2 =	vld [tilespmem:s19+$0xFFFFFFF0];
	[tilespmem:s16+$0x1020 ss:$0x81] =	vst.msk $0xffff, v0;
	(pc) =	sbr.rel @p1 .LBB1_3-.Ltmp3, $4  }
0x34: {  	v0 =	vld [tilespmem:s19+$0x0];
	[tilespmem:s16+$0x0 ss:$0x81] =	vst.msk $0xffff, v1  }
0x35: {  	s16 =	sshra.s32 s20, $0x2;
	v1 =	vld [tilespmem:s19+$0xFFFFFFE0]  }
0x36: {  	s16 =	sadd.s32 s16, s17  }
0x37: {  	s19 =	sadd.s32 $0x40, s19;
	[tilespmem:s16+$0x1830 ss:$0x81] =	vst.msk $0xffff, v3  }
.Ltmp4:
0x38: {  	_ = 	snop;
	(pc) =	sbr.rel .LBB1_4-.Ltmp4, $1  }
0x39: {  	_ =	sdelay $0x3  }
.LBB1_6:
0x3a: {  	_ =	sfence.sel $0x180000  }
0x3b: {  	s2 =	simm.s32 $0x1;
	[bflag:$0x0] =	sbarrier.arrive $0xFFFF  }
0x3c: {  	s31 =	simm.s32 $0x2;
	[sflag:s2] =	ssyncpa.u1 $0x1  }
0x3d: {  	[sflag:s31] =	ssyncpa.u1 $0x1  }
0x3e: {  	p0 =	sne.s32 s0, $0x0;
	_ =	strace $0x9000005C  }
0x3f: {  	s0 =	sadd.s32 @!p0 $0x100000, s1;
	[bflag:$0x2] =	sbarrier.arrive $0xFFFF  }
0x40: {  	[sflag:s0] =	ssyncadd.tile.s32 @!p0 $0x1;
	_ =	shalt  }
.Lfunc_end1:
_tile_overlayer_lowered:
.L_overlay_start_2:
0x41: {  	(tag) =	ssettag $0x2  }
0x42: {  	s0 =	rddreg [dreg:$0x0];
	s2 =	stileid.u32  }
0x43: {  	s1 =	rddreg [dreg:$0x1];
	p0 =	sne.s32 s2, $0x0  }
0x44: {  	s3 =	rddreg [dreg:$0x2];
	[bflag:$0x3] =	sbarrier.arrive $0xFFFF;
	s2 =	simm.s32 @!p0 $0x1C01  }
0x45: {  	[timem:s3], [sflag:s2] =	dma.local @!p0 [hbm:s0], s1  }
0x46: {  	s0 =	simm.s32 @!p0 $0x1  }
0x47: {  	_ =	swait.ge @!p0 [sflag:s0], s1  }
0x48: {  	s1 =	ssub.s32 @!p0 $0x0, s1;
	[sflag:s0] =	ssyncset.done @!p0 $0x0  }
0x49: {  	[sflag:s0] =	ssyncadd.s32 @!p0 s1  }
0x4a: {  	[bflag:$0x3] =	sbarrier.arrive $0xFFFF  }
0x4b: {  	_ =	shalt  }

</sc_bundles>
